<compile_context>
chip_gen: v7x
topology: tpu7x:2x2x1
jax: 0.10.2.dev20260603
libtpu: 0.0.44.dev20260713+nightly
codegen_flags: <defaults>
</compile_context>

<pallas_src>
import functools

import jax
import jax.numpy as jnp
from jax import lax
from jax.experimental import pallas as pl
from jax.experimental.pallas import tpu as pltpu
from jax.experimental.pallas import tpu_sc as plsc

N = 10000
E = 320000
F = 128

NC = 2
NS = 16
NW = NC * NS
C = 100
K = E // (NW * C)
RPT = N // NS
ZR = 125

_f32 = jnp.float32
_bf16 = jnp.bfloat16
_mesh = plsc.VectorSubcoreMesh(core_axis_name="c", subcore_axis_name="s")
_sc_params = pltpu.CompilerParams(use_tc_tiling_on_sc=False)


def _wid(c, s):
    return c * NS + s


def _deg_body(edge_hbm, ones_hbm, z_hbm, out_hbm,
              src_v, dst_v, ones_v, degs_sh, degd_sh, sem):
    c = lax.axis_index("c")
    s = lax.axis_index("s")
    w = _wid(c, s)
    rz = N // NS

    pltpu.sync_copy(edge_hbm.at[0, w], src_v)
    pltpu.sync_copy(edge_hbm.at[1, w], dst_v)
    pltpu.sync_copy(ones_hbm, ones_v)
    pltpu.sync_copy(z_hbm, degs_sh.at[pl.ds(s * rz, rz)])
    pltpu.sync_copy(z_hbm, degd_sh.at[pl.ds(s * rz, rz)])
    plsc.subcore_barrier()

    def body(j, carry):
        pltpu.async_copy(ones_v, degs_sh.at[src_v.at[j]], sem, add=True)
        pltpu.async_copy(ones_v, degd_sh.at[dst_v.at[j]], sem, add=True)
        return carry

    lax.fori_loop(0, K, body, 0)

    def drain(j, carry):
        pltpu.make_async_copy(ones_v, degs_sh.at[src_v.at[0]], sem).wait()
        pltpu.make_async_copy(ones_v, degd_sh.at[dst_v.at[0]], sem).wait()
        return carry

    lax.fori_loop(0, K, drain, 0)
    plsc.subcore_barrier()

    pltpu.sync_copy(degs_sh.at[pl.ds(s * rz, rz)],
                    out_hbm.at[c, 0, pl.ds(s * rz, rz)])
    pltpu.sync_copy(degd_sh.at[pl.ds(s * rz, rz)],
                    out_hbm.at[c, 1, pl.ds(s * rz, rz)])


_deg_call = pl.kernel(
    _deg_body,
    out_type=jax.ShapeDtypeStruct((2, 2, N, 16), _f32),
    mesh=_mesh,
    scratch_types=[
        pltpu.VMEM((K, C), jnp.int32),
        pltpu.VMEM((K, C), jnp.int32),
        pltpu.VMEM((C, 16), _f32),
        pltpu.VMEM_SHARED((N, 16), _f32),
        pltpu.VMEM_SHARED((N, 16), _f32),
        pltpu.SemaphoreType.DMA,
    ],
    compiler_params=_sc_params,
)


HF = F // 2
CA = 125
K2 = E // (NS * CA)
NBUF = 5
HALF = NBUF // 2


def _agg_body(hs_hbm, edge_hbm, z_hbm, out_hbm,
              src_v, dst_v, rows, gsem, ssem, acc_sh):
    c = lax.axis_index("c")
    s = lax.axis_index("s")
    hsc = hs_hbm.at[c]

    rz = N // NS
    pltpu.sync_copy(edge_hbm.at[0, s], src_v)
    pltpu.sync_copy(edge_hbm.at[1, s], dst_v)
    pltpu.sync_copy(z_hbm, acc_sh.at[pl.ds(s * rz, rz)])

    for b in range(NBUF):
        pltpu.async_copy(hsc.at[src_v.at[b]], rows.at[b], gsem[b])
    plsc.subcore_barrier()

    def chunk(j, b):
        pltpu.make_async_copy(hsc.at[src_v.at[j]], rows.at[b], gsem[b]).wait()
        pltpu.async_copy(rows.at[b], acc_sh.at[dst_v.at[j]], ssem[b],
                         add=True)
        bq = (b - HALF) % NBUF

        @pl.when(jnp.logical_and(j >= HALF, j - HALF + NBUF < K2))
        def _():
            pltpu.make_async_copy(rows.at[bq], acc_sh.at[dst_v.at[0]],
                                  ssem[bq]).wait()
            pltpu.async_copy(hsc.at[src_v.at[j - HALF + NBUF]], rows.at[bq],
                             gsem[bq])

    def body(t, carry):
        j = t * NBUF
        for b in range(NBUF):
            chunk(j + b, b)
        return carry

    lax.fori_loop(0, K2 // NBUF, body, 0)
    for b in range(NBUF):
        pltpu.make_async_copy(rows.at[b], acc_sh.at[dst_v.at[0]],
                              ssem[b]).wait()
    plsc.subcore_barrier()
    pltpu.sync_copy(acc_sh.at[pl.ds(s * rz, rz)],
                    out_hbm.at[c, pl.ds(s * rz, rz)])


_agg_call = pl.kernel(
    _agg_body,
    out_type=jax.ShapeDtypeStruct((2, N, HF), _bf16),
    mesh=_mesh,
    scratch_types=[
        pltpu.VMEM((K2, CA), jnp.int32),
        pltpu.VMEM((K2, CA), jnp.int32),
        pltpu.VMEM((NBUF, CA, HF), _bf16),
        [pltpu.SemaphoreType.DMA] * NBUF,
        [pltpu.SemaphoreType.DMA] * NBUF,
        pltpu.VMEM_SHARED((N, HF), _bf16),
    ],
    compiler_params=_sc_params,
)


BN = 1000
GRID = N // BN


def _split_store(hs_ref, v):
    v = v.astype(_bf16)
    hs_ref[0, :, :] = v[:, :HF]
    hs_ref[1, :, :] = v[:, HF:]


def _embed_body(x_ref, d_ref, w_ref, b_ref, hs_ref, io_ref, ii_ref):
    d = d_ref[...]
    do = d[0, :, 0:1] + d[2, :, 0:1]
    di = d[1, :, 0:1] + d[3, :, 0:1]
    io = jnp.where(do > 0, lax.rsqrt(do), 0.0)
    ii = jnp.where(di > 0, lax.rsqrt(di), 0.0)
    h = jnp.dot(x_ref[...], w_ref[...], preferred_element_type=_f32) \
        + b_ref[...]
    _split_store(hs_ref, h * io)
    io_ref[...] = io
    ii_ref[...] = ii


def _embed_scale(x, deg, W, b):
    return pl.pallas_call(
        _embed_body,
        grid=(GRID,),
        in_specs=[
            pl.BlockSpec((BN, F), lambda i: (i, 0)),
            pl.BlockSpec((4, BN, 16), lambda i: (0, i, 0)),
            pl.BlockSpec((F, F), lambda i: (0, 0)),
            pl.BlockSpec((1, F), lambda i: (0, 0)),
        ],
        out_specs=[
            pl.BlockSpec((2, BN, HF), lambda i: (0, i, 0)),
            pl.BlockSpec((BN, 1), lambda i: (i, 0)),
            pl.BlockSpec((BN, 1), lambda i: (i, 0)),
        ],
        out_shape=[
            jax.ShapeDtypeStruct((2, N, HF), _bf16),
            jax.ShapeDtypeStruct((N, 1), _f32),
            jax.ShapeDtypeStruct((N, 1), _f32),
        ],
    )(x, deg, W, b.reshape(1, F))


def _layer_body(p_ref, ii_ref, sc_ref, w_ref, b_ref, o_ref):
    p = p_ref[...].astype(_f32)
    m = jnp.concatenate([p[0], p[1]], axis=1) * ii_ref[...]
    h = jnp.maximum(jnp.dot(m, w_ref[...], preferred_element_type=_f32)
                    + b_ref[...], 0.0)
    _split_store(o_ref, h * sc_ref[...])


def _layer(p, ii, scale, W, b):
    return pl.pallas_call(
        _layer_body,
        grid=(GRID,),
        in_specs=[
            pl.BlockSpec((2, BN, HF), lambda i: (0, i, 0)),
            pl.BlockSpec((BN, 1), lambda i: (i, 0)),
            pl.BlockSpec((BN, 1), lambda i: (i, 0)),
            pl.BlockSpec((F, F), lambda i: (0, 0)),
            pl.BlockSpec((1, F), lambda i: (0, 0)),
        ],
        out_specs=pl.BlockSpec((2, BN, HF), lambda i: (0, i, 0)),
        out_shape=jax.ShapeDtypeStruct((2, N, HF), _bf16),
    )(p, ii, scale, W, b.reshape(1, F))


def _last_body(p_ref, ii_ref, w_ref, b_ref, w1_ref, b1_ref, w2_ref, b2_ref,
               w3_ref, b3_ref, o_ref, acc_ref):
    i = pl.program_id(0)
    p = p_ref[...].astype(_f32)
    m = jnp.concatenate([p[0], p[1]], axis=1) * ii_ref[...]
    h = jnp.maximum(jnp.dot(m, w_ref[...], preferred_element_type=_f32)
                    + b_ref[...], 0.0)
    s = jnp.sum(h, axis=0, keepdims=True)

    @pl.when(i == 0)
    def _():
        acc_ref[...] = s

    @pl.when(i > 0)
    def _():
        acc_ref[...] = acc_ref[...] + s

    @pl.when(i == GRID - 1)
    def _():
        g = acc_ref[...] * (1.0 / N)
        o = jnp.maximum(jnp.dot(g, w1_ref[...],
                                preferred_element_type=_f32) + b1_ref[...], 0.0)
        o = jnp.maximum(jnp.dot(o, w2_ref[...],
                                preferred_element_type=_f32) + b2_ref[...], 0.0)
        o_ref[...] = jnp.dot(o, w3_ref[...],
                             preferred_element_type=_f32) + b3_ref[...]


def _last_layer_head(p, ii, W, b, Wo1, bo1, Wo2, bo2, Wo3, bo3):
    H2, H4 = F // 2, F // 4
    return pl.pallas_call(
        _last_body,
        grid=(GRID,),
        in_specs=[
            pl.BlockSpec((2, BN, HF), lambda i: (0, i, 0)),
            pl.BlockSpec((BN, 1), lambda i: (i, 0)),
            pl.BlockSpec((F, F), lambda i: (0, 0)),
            pl.BlockSpec((1, F), lambda i: (0, 0)),
            pl.BlockSpec((F, H2), lambda i: (0, 0)),
            pl.BlockSpec((1, H2), lambda i: (0, 0)),
            pl.BlockSpec((H2, H4), lambda i: (0, 0)),
            pl.BlockSpec((1, H4), lambda i: (0, 0)),
            pl.BlockSpec((H4, 1), lambda i: (0, 0)),
            pl.BlockSpec((1, 1), lambda i: (0, 0)),
        ],
        out_specs=pl.BlockSpec((1, 1), lambda i: (0, 0)),
        out_shape=jax.ShapeDtypeStruct((1, 1), _f32),
        scratch_shapes=[pltpu.VMEM((1, F), _f32)],
    )(p, ii, W, b.reshape(1, F), Wo1, bo1.reshape(1, H2),
      Wo2, bo2.reshape(1, H4), Wo3, bo3.reshape(1, 1))


def kernel(x, edge_index, W_atom, b_atom, W1, b1, W2, b2, W3, b3,
           Wo1, bo1, Wo2, bo2, Wo3, bo3):
    ei = edge_index.astype(jnp.int32)
    e3d = ei.reshape(2, NW, K, C)
    e3a = ei.reshape(2, NS, K2, CA)
    ones16 = jnp.ones((C, 16), _f32)
    z16 = jnp.zeros((N // NS, 16), _f32)
    zrow = jnp.zeros((N // NS, HF), _bf16)

    deg = _deg_call(e3d, ones16, z16).reshape(4, N, 16)
    hs, io, ii = _embed_scale(x, deg, W_atom, b_atom)

    for W, b in ((W1, b1), (W2, b2)):
        p = _agg_call(hs, e3a, zrow)
        hs = _layer(p, ii, io, W, b)

    p = _agg_call(hs, e3a, zrow)
    out = _last_layer_head(p, ii, W3, b3, Wo1, bo1, Wo2, bo2, Wo3, bo3)
    return out.reshape(1)

# --- scband reference (transcript-rebuilt; emitter-appended) ---
"""Pipeline reference for scband-true-gnnmodel-79594333929727 (READ-ONLY COPY).

The authoritative reference and input builder live on the scoring server;
editing this copy changes nothing except your own understanding.
"""

import jax, jax.numpy as jnp
import numpy as np

N_NODES = 10000
N_EDGES = 320000
ATOM_FEAT = 128
HIDDEN = 128


def _lin_params(key, fan_in, fan_out):
    k1, k2 = jax.random.split(key)
    s = 1.0 / np.sqrt(fan_in)
    W = jax.random.uniform(k1, (fan_in, fan_out), jnp.float32, -s, s)
    b = jax.random.uniform(k2, (fan_out,), jnp.float32, -s, s)
    return W, b


def setup_inputs(seed: int = 0) -> dict:
    key = jax.random.key(seed)
    ks = jax.random.split(key, 12)
    x = jax.random.normal(ks[0], (N_NODES, ATOM_FEAT), jnp.float32)
    edge_index = jax.random.randint(ks[1], (2, N_EDGES), 0, N_NODES, dtype=jnp.int64)
    W_atom, b_atom = _lin_params(ks[2], ATOM_FEAT, HIDDEN)
    W1, b1 = _lin_params(ks[3], HIDDEN, HIDDEN)
    W2, b2 = _lin_params(ks[4], HIDDEN, HIDDEN)
    W3, b3 = _lin_params(ks[5], HIDDEN, HIDDEN)
    Wo1, bo1 = _lin_params(ks[6], HIDDEN, HIDDEN // 2)
    Wo2, bo2 = _lin_params(ks[7], HIDDEN // 2, HIDDEN // 4)
    Wo3, bo3 = _lin_params(ks[8], HIDDEN // 4, 1)
    return {"x": x, "edge_index": edge_index,
            "W_atom": W_atom, "b_atom": b_atom,
            "W1": W1, "b1": b1, "W2": W2, "b2": b2, "W3": W3, "b3": b3,
            "Wo1": Wo1, "bo1": bo1, "Wo2": Wo2, "bo2": bo2, "Wo3": Wo3, "bo3": bo3}


def reference(x, edge_index, W_atom, b_atom, W1, b1, W2, b2, W3, b3,
              Wo1, bo1, Wo2, bo2, Wo3, bo3):
    N = x.shape[0]
    src = edge_index[0]
    dst = edge_index[1]
    ones = jnp.ones((src.shape[0],), x.dtype)
    deg_out = jax.ops.segment_sum(ones, src, num_segments=N)
    deg_in = jax.ops.segment_sum(ones, dst, num_segments=N)
    inv_out = jnp.where(deg_out > 0, deg_out ** -0.5, 0.0)
    inv_in = jnp.where(deg_in > 0, deg_in ** -0.5, 0.0)
    # atom embedding
    h = x @ W_atom + b_atom
    # GraphConv layers (DGL norm='both' symmetric normalization)
    for W, b in ((W1, b1), (W2, b2), (W3, b3)):
        hs = h * inv_out[:, None]
        m = jax.ops.segment_sum(hs[src], dst, num_segments=N)
        m = m * inv_in[:, None]
        h = jax.nn.relu(m @ W + b)
    # global mean pooling (single graph)
    g = jnp.mean(h, axis=0)
    # output MLP (dropout is identity in eval)
    o = jax.nn.relu(g @ Wo1 + bo1)
    o = jax.nn.relu(o @ Wo2 + bo2)
    o = o @ Wo3 + bo3
    return o

if __name__ == "__main__":
    import jax
    _d = setup_inputs()
    print(jax.jit(kernel)(*tuple(_d.values())))

</pallas_src>

<mosaic_0001>
#map = affine_map<(d0, d1) -> (0, 0, 0, 0)>
#map1 = affine_map<(d0, d1) -> (0, 0)>
module attributes {stable_mosaic.version = 14 : i64} {
  func.func @_deg_body(%arg0: i32, %arg1: i32, %arg2: memref<2x32x100x100xi32, #tpu.memory_space<hbm>>, %arg3: memref<100x16xf32, #tpu.memory_space<hbm>>, %arg4: memref<625x16xf32, #tpu.memory_space<hbm>>, %arg5: memref<2x2x10000x16xf32, #tpu.memory_space<hbm>>, %arg6: memref<100x100xi32, #tpu.memory_space<vmem>>, %arg7: memref<100x100xi32, #tpu.memory_space<vmem>>, %arg8: memref<100x16xf32, #tpu.memory_space<vmem>>, %arg9: memref<10000x16xf32, #tpu.memory_space<vmem_shared>>, %arg10: memref<10000x16xf32, #tpu.memory_space<vmem_shared>>, %arg11: memref<!tpu.dma_semaphore, #tpu.memory_space<semaphore_mem>>) attributes {dimension_semantics = [#tpu.dimension_semantics<core_parallel>, #tpu.dimension_semantics<subcore_parallel>], iteration_bounds = array<i64: 2, 16>, scalar_prefetch = 0 : i64, scratch_operands = 6 : i64, tpu.core_type = #tpu.core_type<sc_vector_subcore>, window_params = [{transform_indices = #map}, {transform_indices = #map1}, {transform_indices = #map1}, {transform_indices = #map}]} {
    %mul3A = arith.constant 16 : i32
    %mul3A_0 = arith.muli %arg0, %mul3A : i32
    %add3A = arith.addi %mul3A_0, %arg1 : i32
    %run_scoped3A = arith.constant 0 : i32
    "tpu.region"() ({
      %run_scoped3A_28 = tpu.sem_alloc : memref<!tpu.dma_semaphore, #tpu.memory_space<semaphore_mem>>
      %dma_start3A = arith.constant 0 : i32
      %dma_start3A_29 = arith.constant 0 : i32
      %dma_start3A_30 = tpu.memref_slice %arg2[%run_scoped3A, %add3A, %dma_start3A, %dma_start3A_29] : memref<2x32x100x100xi32, #tpu.memory_space<hbm>> -> memref<1x1x100x100xi32, #tpu.memory_space<hbm>>
      %dma_start3A_31 = tpu.memref_squeeze %dma_start3A_30 : memref<1x1x100x100xi32, #tpu.memory_space<hbm>> -> memref<100x100xi32, #tpu.memory_space<hbm>>
      %dma_start3A_32 = arith.constant 0 : i32
      %dma_start3A_33 = arith.constant 0 : i32
      %dma_start3A_34 = tpu.memref_slice %arg2[%run_scoped3A, %add3A, %dma_start3A_32, %dma_start3A_33] : memref<2x32x100x100xi32, #tpu.memory_space<hbm>> -> memref<1x1x100x100xi32, #tpu.memory_space<hbm>>
      %dma_start3A_35 = tpu.memref_squeeze %dma_start3A_34 : memref<1x1x100x100xi32, #tpu.memory_space<hbm>> -> memref<100x100xi32, #tpu.memory_space<hbm>>
      tpu.enqueue_dma source(%dma_start3A_35 : memref<100x100xi32, #tpu.memory_space<hbm>>) target(%arg6 : memref<100x100xi32, #tpu.memory_space<vmem>>) target_semaphore(%run_scoped3A_28 : memref<!tpu.dma_semaphore, #tpu.memory_space<semaphore_mem>>)
      %dma_wait3A = arith.constant 0 : i32
      %dma_wait3A_36 = arith.constant 0 : i32
      %dma_wait3A_37 = tpu.memref_slice %arg2[%run_scoped3A, %add3A, %dma_wait3A, %dma_wait3A_36] : memref<2x32x100x100xi32, #tpu.memory_space<hbm>> -> memref<1x1x100x100xi32, #tpu.memory_space<hbm>>
      %dma_wait3A_38 = tpu.memref_squeeze %dma_wait3A_37 : memref<1x1x100x100xi32, #tpu.memory_space<hbm>> -> memref<100x100xi32, #tpu.memory_space<hbm>>
      %dma_wait3A_39 = arith.constant 0 : i32
      %dma_wait3A_40 = arith.constant 0 : i32
      %dma_wait3A_41 = tpu.memref_slice %arg2[%run_scoped3A, %add3A, %dma_wait3A_39, %dma_wait3A_40] : memref<2x32x100x100xi32, #tpu.memory_space<hbm>> -> memref<1x1x100x100xi32, #tpu.memory_space<hbm>>
      %dma_wait3A_42 = tpu.memref_squeeze %dma_wait3A_41 : memref<1x1x100x100xi32, #tpu.memory_space<hbm>> -> memref<100x100xi32, #tpu.memory_space<hbm>>
      tpu.wait_dma2 semaphore(%run_scoped3A_28 : memref<!tpu.dma_semaphore, #tpu.memory_space<semaphore_mem>>) src(%dma_wait3A_42 : memref<100x100xi32, #tpu.memory_space<hbm>>) dst(%arg6 : memref<100x100xi32, #tpu.memory_space<vmem>>)
      tpu.yield
    }) : () -> ()
    %run_scoped3A_1 = arith.constant 1 : i32
    "tpu.region"() ({
      %run_scoped3A_28 = tpu.sem_alloc : memref<!tpu.dma_semaphore, #tpu.memory_space<semaphore_mem>>
      %dma_start3A = arith.constant 0 : i32
      %dma_start3A_29 = arith.constant 0 : i32
      %dma_start3A_30 = tpu.memref_slice %arg2[%run_scoped3A_1, %add3A, %dma_start3A, %dma_start3A_29] : memref<2x32x100x100xi32, #tpu.memory_space<hbm>> -> memref<1x1x100x100xi32, #tpu.memory_space<hbm>>
      %dma_start3A_31 = tpu.memref_squeeze %dma_start3A_30 : memref<1x1x100x100xi32, #tpu.memory_space<hbm>> -> memref<100x100xi32, #tpu.memory_space<hbm>>
      %dma_start3A_32 = arith.constant 0 : i32
      %dma_start3A_33 = arith.constant 0 : i32
      %dma_start3A_34 = tpu.memref_slice %arg2[%run_scoped3A_1, %add3A, %dma_start3A_32, %dma_start3A_33] : memref<2x32x100x100xi32, #tpu.memory_space<hbm>> -> memref<1x1x100x100xi32, #tpu.memory_space<hbm>>
      %dma_start3A_35 = tpu.memref_squeeze %dma_start3A_34 : memref<1x1x100x100xi32, #tpu.memory_space<hbm>> -> memref<100x100xi32, #tpu.memory_space<hbm>>
      tpu.enqueue_dma source(%dma_start3A_35 : memref<100x100xi32, #tpu.memory_space<hbm>>) target(%arg7 : memref<100x100xi32, #tpu.memory_space<vmem>>) target_semaphore(%run_scoped3A_28 : memref<!tpu.dma_semaphore, #tpu.memory_space<semaphore_mem>>)
      %dma_wait3A = arith.constant 0 : i32
      %dma_wait3A_36 = arith.constant 0 : i32
      %dma_wait3A_37 = tpu.memref_slice %arg2[%run_scoped3A_1, %add3A, %dma_wait3A, %dma_wait3A_36] : memref<2x32x100x100xi32, #tpu.memory_space<hbm>> -> memref<1x1x100x100xi32, #tpu.memory_space<hbm>>
      %dma_wait3A_38 = tpu.memref_squeeze %dma_wait3A_37 : memref<1x1x100x100xi32, #tpu.memory_space<hbm>> -> memref<100x100xi32, #tpu.memory_space<hbm>>
      %dma_wait3A_39 = arith.constant 0 : i32
      %dma_wait3A_40 = arith.constant 0 : i32
      %dma_wait3A_41 = tpu.memref_slice %arg2[%run_scoped3A_1, %add3A, %dma_wait3A_39, %dma_wait3A_40] : memref<2x32x100x100xi32, #tpu.memory_space<hbm>> -> memref<1x1x100x100xi32, #tpu.memory_space<hbm>>
      %dma_wait3A_42 = tpu.memref_squeeze %dma_wait3A_41 : memref<1x1x100x100xi32, #tpu.memory_space<hbm>> -> memref<100x100xi32, #tpu.memory_space<hbm>>
      tpu.wait_dma2 semaphore(%run_scoped3A_28 : memref<!tpu.dma_semaphore, #tpu.memory_space<semaphore_mem>>) src(%dma_wait3A_42 : memref<100x100xi32, #tpu.memory_space<hbm>>) dst(%arg7 : memref<100x100xi32, #tpu.memory_space<vmem>>)
      tpu.yield
    }) : () -> ()
    "tpu.region"() ({
      %run_scoped3A_28 = tpu.sem_alloc : memref<!tpu.dma_semaphore, #tpu.memory_space<semaphore_mem>>
      tpu.enqueue_dma source(%arg3 : memref<100x16xf32, #tpu.memory_space<hbm>>) target(%arg8 : memref<100x16xf32, #tpu.memory_space<vmem>>) target_semaphore(%run_scoped3A_28 : memref<!tpu.dma_semaphore, #tpu.memory_space<semaphore_mem>>)
      tpu.wait_dma2 semaphore(%run_scoped3A_28 : memref<!tpu.dma_semaphore, #tpu.memory_space<semaphore_mem>>) src(%arg3 : memref<100x16xf32, #tpu.memory_space<hbm>>) dst(%arg8 : memref<100x16xf32, #tpu.memory_space<vmem>>)
      tpu.yield
    }) : () -> ()
    %mul3A_2 = arith.constant 625 : i32
    %mul3A_3 = arith.muli %arg1, %mul3A_2 : i32
    "tpu.region"() ({
      %run_scoped3A_28 = tpu.sem_alloc : memref<!tpu.dma_semaphore, #tpu.memory_space<semaphore_mem>>
      %dma_start3A = arith.constant 0 : i32
      %dma_start3A_29 = tpu.memref_slice %arg9[%mul3A_3, %dma_start3A] : memref<10000x16xf32, #tpu.memory_space<vmem_shared>> -> memref<625x16xf32, #tpu.memory_space<vmem_shared>>
      tpu.enqueue_dma source(%arg4 : memref<625x16xf32, #tpu.memory_space<hbm>>) target(%dma_start3A_29 : memref<625x16xf32, #tpu.memory_space<vmem_shared>>) target_semaphore(%run_scoped3A_28 : memref<!tpu.dma_semaphore, #tpu.memory_space<semaphore_mem>>)
      %dma_wait3A = arith.constant 0 : i32
      %dma_wait3A_30 = tpu.memref_slice %arg9[%mul3A_3, %dma_wait3A] : memref<10000x16xf32, #tpu.memory_space<vmem_shared>> -> memref<625x16xf32, #tpu.memory_space<vmem_shared>>
      tpu.wait_dma2 semaphore(%run_scoped3A_28 : memref<!tpu.dma_semaphore, #tpu.memory_space<semaphore_mem>>) src(%arg4 : memref<625x16xf32, #tpu.memory_space<hbm>>) dst(%dma_wait3A_30 : memref<625x16xf32, #tpu.memory_space<vmem_shared>>)
      tpu.yield
    }) : () -> ()
    %mul3A_4 = arith.constant 625 : i32
    %mul3A_5 = arith.muli %arg1, %mul3A_4 : i32
    "tpu.region"() ({
      %run_scoped3A_28 = tpu.sem_alloc : memref<!tpu.dma_semaphore, #tpu.memory_space<semaphore_mem>>
      %dma_start3A = arith.constant 0 : i32
      %dma_start3A_29 = tpu.memref_slice %arg10[%mul3A_5, %dma_start3A] : memref<10000x16xf32, #tpu.memory_space<vmem_shared>> -> memref<625x16xf32, #tpu.memory_space<vmem_shared>>
      tpu.enqueue_dma source(%arg4 : memref<625x16xf32, #tpu.memory_space<hbm>>) target(%dma_start3A_29 : memref<625x16xf32, #tpu.memory_space<vmem_shared>>) target_semaphore(%run_scoped3A_28 : memref<!tpu.dma_semaphore, #tpu.memory_space<semaphore_mem>>)
      %dma_wait3A = arith.constant 0 : i32
      %dma_wait3A_30 = tpu.memref_slice %arg10[%mul3A_5, %dma_wait3A] : memref<10000x16xf32, #tpu.memory_space<vmem_shared>> -> memref<625x16xf32, #tpu.memory_space<vmem_shared>>
      tpu.wait_dma2 semaphore(%run_scoped3A_28 : memref<!tpu.dma_semaphore, #tpu.memory_space<semaphore_mem>>) src(%arg4 : memref<625x16xf32, #tpu.memory_space<hbm>>) dst(%dma_wait3A_30 : memref<625x16xf32, #tpu.memory_space<vmem_shared>>)
      tpu.yield
    }) : () -> ()
    %barrier3A = arith.constant 0 : index
    tpu.barrier barrier_id(%barrier3A)
    %scan3A = arith.constant 0 : i32
    %scan3A_6 = arith.constant 0 : i32
    %scan3A_7 = arith.constant 100 : i32
    %scan3A_8 = arith.addi %scan3A_6, %scan3A_7 : i32
    %scan3A_9 = arith.constant 1 : i32
    scf.for %scan3A_28 = %scan3A_6 to %scan3A_8 step %scan3A_9  : i32 {
      %dma_start3A = arith.constant 0 : i32
      %dma_start3A_29 = tpu.memref_slice %arg6[%scan3A_28, %dma_start3A] : memref<100x100xi32, #tpu.memory_space<vmem>> -> memref<1x100xi32, #tpu.memory_space<vmem>>
      %dma_start3A_30 = tpu.memref_squeeze %dma_start3A_29 : memref<1x100xi32, #tpu.memory_space<vmem>> -> memref<100xi32, #tpu.memory_space<vmem>>
      %dma_start3A_31 = arith.constant 0 : i32
      %dma_start3A_32 = arith.constant 0 : i32
      %dma_start3A_33 = tpu.memref_slice %arg9[%dma_start3A_31, %dma_start3A_32] : memref<10000x16xf32, #tpu.memory_space<vmem_shared>> -> memref<10000x16xf32, #tpu.memory_space<vmem_shared>>
      tpu.enqueue_indirect_dma source(%arg8 : memref<100x16xf32, #tpu.memory_space<vmem>>) target(%dma_start3A_33 : memref<10000x16xf32, #tpu.memory_space<vmem_shared>>) offsets(%dma_start3A_30 : memref<100xi32, #tpu.memory_space<vmem>>) semaphore(%arg11 : memref<!tpu.dma_semaphore, #tpu.memory_space<semaphore_mem>>) {add = true}
      %dma_start3A_34 = arith.constant 0 : i32
      %dma_start3A_35 = tpu.memref_slice %arg7[%scan3A_28, %dma_start3A_34] : memref<100x100xi32, #tpu.memory_space<vmem>> -> memref<1x100xi32, #tpu.memory_space<vmem>>
      %dma_start3A_36 = tpu.memref_squeeze %dma_start3A_35 : memref<1x100xi32, #tpu.memory_space<vmem>> -> memref<100xi32, #tpu.memory_space<vmem>>
      %dma_start3A_37 = arith.constant 0 : i32
      %dma_start3A_38 = arith.constant 0 : i32
      %dma_start3A_39 = tpu.memref_slice %arg10[%dma_start3A_37, %dma_start3A_38] : memref<10000x16xf32, #tpu.memory_space<vmem_shared>> -> memref<10000x16xf32, #tpu.memory_space<vmem_shared>>
      tpu.enqueue_indirect_dma source(%arg8 : memref<100x16xf32, #tpu.memory_space<vmem>>) target(%dma_start3A_39 : memref<10000x16xf32, #tpu.memory_space<vmem_shared>>) offsets(%dma_start3A_36 : memref<100xi32, #tpu.memory_space<vmem>>) semaphore(%arg11 : memref<!tpu.dma_semaphore, #tpu.memory_space<semaphore_mem>>) {add = true}
    }
    %scan3A_10 = arith.constant 100 : i32
    %scan3A_11 = arith.constant 0 : i32
    %scan3A_12 = arith.constant 0 : i32
    %scan3A_13 = arith.constant 100 : i32
    %scan3A_14 = arith.addi %scan3A_12, %scan3A_13 : i32
    %scan3A_15 = arith.constant 1 : i32
    scf.for %scan3A_28 = %scan3A_12 to %scan3A_14 step %scan3A_15  : i32 {
      %dma_wait3A = arith.constant 0 : i32
      %dma_wait3A_29 = arith.constant 0 : i32
      %dma_wait3A_30 = tpu.memref_slice %arg6[%dma_wait3A, %dma_wait3A_29] : memref<100x100xi32, #tpu.memory_space<vmem>> -> memref<1x100xi32, #tpu.memory_space<vmem>>
      %dma_wait3A_31 = tpu.memref_squeeze %dma_wait3A_30 : memref<1x100xi32, #tpu.memory_space<vmem>> -> memref<100xi32, #tpu.memory_space<vmem>>
      %dma_wait3A_32 = arith.constant 0 : i32
      %dma_wait3A_33 = arith.constant 0 : i32
      %dma_wait3A_34 = tpu.memref_slice %arg9[%dma_wait3A_32, %dma_wait3A_33] : memref<10000x16xf32, #tpu.memory_space<vmem_shared>> -> memref<10000x16xf32, #tpu.memory_space<vmem_shared>>
      tpu.wait_indirect_dma semaphore(%arg11 : memref<!tpu.dma_semaphore, #tpu.memory_space<semaphore_mem>>) src(%arg8 : memref<100x16xf32, #tpu.memory_space<vmem>>) dst(%dma_wait3A_34 : memref<10000x16xf32, #tpu.memory_space<vmem_shared>>)
      %dma_wait3A_35 = arith.constant 0 : i32
      %dma_wait3A_36 = arith.constant 0 : i32
      %dma_wait3A_37 = tpu.memref_slice %arg7[%dma_wait3A_35, %dma_wait3A_36] : memref<100x100xi32, #tpu.memory_space<vmem>> -> memref<1x100xi32, #tpu.memory_space<vmem>>
      %dma_wait3A_38 = tpu.memref_squeeze %dma_wait3A_37 : memref<1x100xi32, #tpu.memory_space<vmem>> -> memref<100xi32, #tpu.memory_space<vmem>>
      %dma_wait3A_39 = arith.constant 0 : i32
      %dma_wait3A_40 = arith.constant 0 : i32
      %dma_wait3A_41 = tpu.memref_slice %arg10[%dma_wait3A_39, %dma_wait3A_40] : memref<10000x16xf32, #tpu.memory_space<vmem_shared>> -> memref<10000x16xf32, #tpu.memory_space<vmem_shared>>
      tpu.wait_indirect_dma semaphore(%arg11 : memref<!tpu.dma_semaphore, #tpu.memory_space<semaphore_mem>>) src(%arg8 : memref<100x16xf32, #tpu.memory_space<vmem>>) dst(%dma_wait3A_41 : memref<10000x16xf32, #tpu.memory_space<vmem_shared>>)
    }
    %scan3A_16 = arith.constant 100 : i32
    %barrier3A_17 = arith.constant 0 : index
    tpu.barrier barrier_id(%barrier3A_17)
    %mul3A_18 = arith.constant 625 : i32
    %mul3A_19 = arith.muli %arg1, %mul3A_18 : i32
    %mul3A_20 = arith.constant 625 : i32
    %mul3A_21 = arith.muli %arg1, %mul3A_20 : i32
    %run_scoped3A_22 = arith.constant 0 : i32
    "tpu.region"() ({
      %run_scoped3A_28 = tpu.sem_alloc : memref<!tpu.dma_semaphore, #tpu.memory_space<semaphore_mem>>
      %dma_start3A = arith.constant 0 : i32
      %dma_start3A_29 = tpu.memref_slice %arg5[%arg0, %run_scoped3A_22, %mul3A_21, %dma_start3A] : memref<2x2x10000x16xf32, #tpu.memory_space<hbm>> -> memref<1x1x625x16xf32, #tpu.memory_space<hbm>>
      %dma_start3A_30 = tpu.memref_squeeze %dma_start3A_29 : memref<1x1x625x16xf32, #tpu.memory_space<hbm>> -> memref<625x16xf32, #tpu.memory_space<hbm>>
      %dma_start3A_31 = arith.constant 0 : i32
      %dma_start3A_32 = tpu.memref_slice %arg9[%mul3A_19, %dma_start3A_31] : memref<10000x16xf32, #tpu.memory_space<vmem_shared>> -> memref<625x16xf32, #tpu.memory_space<vmem_shared>>
      tpu.enqueue_dma source(%dma_start3A_32 : memref<625x16xf32, #tpu.memory_space<vmem_shared>>) target(%dma_start3A_30 : memref<625x16xf32, #tpu.memory_space<hbm>>) target_semaphore(%run_scoped3A_28 : memref<!tpu.dma_semaphore, #tpu.memory_space<semaphore_mem>>)
      %dma_wait3A = arith.constant 0 : i32
      %dma_wait3A_33 = tpu.memref_slice %arg5[%arg0, %run_scoped3A_22, %mul3A_21, %dma_wait3A] : memref<2x2x10000x16xf32, #tpu.memory_space<hbm>> -> memref<1x1x625x16xf32, #tpu.memory_space<hbm>>
      %dma_wait3A_34 = tpu.memref_squeeze %dma_wait3A_33 : memref<1x1x625x16xf32, #tpu.memory_space<hbm>> -> memref<625x16xf32, #tpu.memory_space<hbm>>
      %dma_wait3A_35 = arith.constant 0 : i32
      %dma_wait3A_36 = tpu.memref_slice %arg9[%mul3A_19, %dma_wait3A_35] : memref<10000x16xf32, #tpu.memory_space<vmem_shared>> -> memref<625x16xf32, #tpu.memory_space<vmem_shared>>
      tpu.wait_dma2 semaphore(%run_scoped3A_28 : memref<!tpu.dma_semaphore, #tpu.memory_space<semaphore_mem>>) src(%dma_wait3A_36 : memref<625x16xf32, #tpu.memory_space<vmem_shared>>) dst(%dma_wait3A_34 : memref<625x16xf32, #tpu.memory_space<hbm>>)
      tpu.yield
    }) : () -> ()
    %mul3A_23 = arith.constant 625 : i32
    %mul3A_24 = arith.muli %arg1, %mul3A_23 : i32
    %mul3A_25 = arith.constant 625 : i32
    %mul3A_26 = arith.muli %arg1, %mul3A_25 : i32
    %run_scoped3A_27 = arith.constant 1 : i32
    "tpu.region"() ({
      %run_scoped3A_28 = tpu.sem_alloc : memref<!tpu.dma_semaphore, #tpu.memory_space<semaphore_mem>>
      %dma_start3A = arith.constant 0 : i32
      %dma_start3A_29 = tpu.memref_slice %arg5[%arg0, %run_scoped3A_27, %mul3A_26, %dma_start3A] : memref<2x2x10000x16xf32, #tpu.memory_space<hbm>> -> memref<1x1x625x16xf32, #tpu.memory_space<hbm>>
      %dma_start3A_30 = tpu.memref_squeeze %dma_start3A_29 : memref<1x1x625x16xf32, #tpu.memory_space<hbm>> -> memref<625x16xf32, #tpu.memory_space<hbm>>
      %dma_start3A_31 = arith.constant 0 : i32
      %dma_start3A_32 = tpu.memref_slice %arg10[%mul3A_24, %dma_start3A_31] : memref<10000x16xf32, #tpu.memory_space<vmem_shared>> -> memref<625x16xf32, #tpu.memory_space<vmem_shared>>
      tpu.enqueue_dma source(%dma_start3A_32 : memref<625x16xf32, #tpu.memory_space<vmem_shared>>) target(%dma_start3A_30 : memref<625x16xf32, #tpu.memory_space<hbm>>) target_semaphore(%run_scoped3A_28 : memref<!tpu.dma_semaphore, #tpu.memory_space<semaphore_mem>>)
      %dma_wait3A = arith.constant 0 : i32
      %dma_wait3A_33 = tpu.memref_slice %arg5[%arg0, %run_scoped3A_27, %mul3A_26, %dma_wait3A] : memref<2x2x10000x16xf32, #tpu.memory_space<hbm>> -> memref<1x1x625x16xf32, #tpu.memory_space<hbm>>
      %dma_wait3A_34 = tpu.memref_squeeze %dma_wait3A_33 : memref<1x1x625x16xf32, #tpu.memory_space<hbm>> -> memref<625x16xf32, #tpu.memory_space<hbm>>
      %dma_wait3A_35 = arith.constant 0 : i32
      %dma_wait3A_36 = tpu.memref_slice %arg10[%mul3A_24, %dma_wait3A_35] : memref<10000x16xf32, #tpu.memory_space<vmem_shared>> -> memref<625x16xf32, #tpu.memory_space<vmem_shared>>
      tpu.wait_dma2 semaphore(%run_scoped3A_28 : memref<!tpu.dma_semaphore, #tpu.memory_space<semaphore_mem>>) src(%dma_wait3A_36 : memref<625x16xf32, #tpu.memory_space<vmem_shared>>) dst(%dma_wait3A_34 : memref<625x16xf32, #tpu.memory_space<hbm>>)
      tpu.yield
    }) : () -> ()
    return
  }
}

#map = affine_map<(d0, d1) -> (0, 0, 0)>
#map1 = affine_map<(d0, d1) -> (0, 0, 0, 0)>
#map2 = affine_map<(d0, d1) -> (0, 0)>
module attributes {stable_mosaic.version = 14 : i64} {
  func.func @_agg_body(%arg0: i32, %arg1: i32, %arg2: memref<2x10000x64xbf16, #tpu.memory_space<hbm>>, %arg3: memref<2x16x160x125xi32, #tpu.memory_space<hbm>>, %arg4: memref<625x64xbf16, #tpu.memory_space<hbm>>, %arg5: memref<2x10000x64xbf16, #tpu.memory_space<hbm>>, %arg6: memref<160x125xi32, #tpu.memory_space<vmem>>, %arg7: memref<160x125xi32, #tpu.memory_space<vmem>>, %arg8: memref<5x125x64xbf16, #tpu.memory_space<vmem>>, %arg9: memref<!tpu.dma_semaphore, #tpu.memory_space<semaphore_mem>>, %arg10: memref<!tpu.dma_semaphore, #tpu.memory_space<semaphore_mem>>, %arg11: memref<!tpu.dma_semaphore, #tpu.memory_space<semaphore_mem>>, %arg12: memref<!tpu.dma_semaphore, #tpu.memory_space<semaphore_mem>>, %arg13: memref<!tpu.dma_semaphore, #tpu.memory_space<semaphore_mem>>, %arg14: memref<!tpu.dma_semaphore, #tpu.memory_space<semaphore_mem>>, %arg15: memref<!tpu.dma_semaphore, #tpu.memory_space<semaphore_mem>>, %arg16: memref<!tpu.dma_semaphore, #tpu.memory_space<semaphore_mem>>, %arg17: memref<!tpu.dma_semaphore, #tpu.memory_space<semaphore_mem>>, %arg18: memref<!tpu.dma_semaphore, #tpu.memory_space<semaphore_mem>>, %arg19: memref<10000x64xbf16, #tpu.memory_space<vmem_shared>>) attributes {dimension_semantics = [#tpu.dimension_semantics<core_parallel>, #tpu.dimension_semantics<subcore_parallel>], iteration_bounds = array<i64: 2, 16>, scalar_prefetch = 0 : i64, scratch_operands = 14 : i64, tpu.core_type = #tpu.core_type<sc_vector_subcore>, window_params = [{transform_indices = #map}, {transform_indices = #map1}, {transform_indices = #map2}, {transform_indices = #map}]} {
    %run_scoped3A = arith.constant 0 : i32
    "tpu.region"() ({
      %run_scoped3A_150 = tpu.sem_alloc : memref<!tpu.dma_semaphore, #tpu.memory_space<semaphore_mem>>
      %dma_start3A_151 = arith.constant 0 : i32
      %dma_start3A_152 = arith.constant 0 : i32
      %dma_start3A_153 = tpu.memref_slice %arg3[%run_scoped3A, %arg1, %dma_start3A_151, %dma_start3A_152] : memref<2x16x160x125xi32, #tpu.memory_space<hbm>> -> memref<1x1x160x125xi32, #tpu.memory_space<hbm>>
      %dma_start3A_154 = tpu.memref_squeeze %dma_start3A_153 : memref<1x1x160x125xi32, #tpu.memory_space<hbm>> -> memref<160x125xi32, #tpu.memory_space<hbm>>
      %dma_start3A_155 = arith.constant 0 : i32
      %dma_start3A_156 = arith.constant 0 : i32
      %dma_start3A_157 = tpu.memref_slice %arg3[%run_scoped3A, %arg1, %dma_start3A_155, %dma_start3A_156] : memref<2x16x160x125xi32, #tpu.memory_space<hbm>> -> memref<1x1x160x125xi32, #tpu.memory_space<hbm>>
      %dma_start3A_158 = tpu.memref_squeeze %dma_start3A_157 : memref<1x1x160x125xi32, #tpu.memory_space<hbm>> -> memref<160x125xi32, #tpu.memory_space<hbm>>
      tpu.enqueue_dma source(%dma_start3A_158 : memref<160x125xi32, #tpu.memory_space<hbm>>) target(%arg6 : memref<160x125xi32, #tpu.memory_space<vmem>>) target_semaphore(%run_scoped3A_150 : memref<!tpu.dma_semaphore, #tpu.memory_space<semaphore_mem>>)
      %dma_wait3A_159 = arith.constant 0 : i32
      %dma_wait3A_160 = arith.constant 0 : i32
      %dma_wait3A_161 = tpu.memref_slice %arg3[%run_scoped3A, %arg1, %dma_wait3A_159, %dma_wait3A_160] : memref<2x16x160x125xi32, #tpu.memory_space<hbm>> -> memref<1x1x160x125xi32, #tpu.memory_space<hbm>>
      %dma_wait3A_162 = tpu.memref_squeeze %dma_wait3A_161 : memref<1x1x160x125xi32, #tpu.memory_space<hbm>> -> memref<160x125xi32, #tpu.memory_space<hbm>>
      %dma_wait3A_163 = arith.constant 0 : i32
      %dma_wait3A_164 = arith.constant 0 : i32
      %dma_wait3A_165 = tpu.memref_slice %arg3[%run_scoped3A, %arg1, %dma_wait3A_163, %dma_wait3A_164] : memref<2x16x160x125xi32, #tpu.memory_space<hbm>> -> memref<1x1x160x125xi32, #tpu.memory_space<hbm>>
      %dma_wait3A_166 = tpu.memref_squeeze %dma_wait3A_165 : memref<1x1x160x125xi32, #tpu.memory_space<hbm>> -> memref<160x125xi32, #tpu.memory_space<hbm>>
      tpu.wait_dma2 semaphore(%run_scoped3A_150 : memref<!tpu.dma_semaphore, #tpu.memory_space<semaphore_mem>>) src(%dma_wait3A_166 : memref<160x125xi32, #tpu.memory_space<hbm>>) dst(%arg6 : memref<160x125xi32, #tpu.memory_space<vmem>>)
      tpu.yield
    }) : () -> ()
    %run_scoped3A_0 = arith.constant 1 : i32
    "tpu.region"() ({
      %run_scoped3A_150 = tpu.sem_alloc : memref<!tpu.dma_semaphore, #tpu.memory_space<semaphore_mem>>
      %dma_start3A_151 = arith.constant 0 : i32
      %dma_start3A_152 = arith.constant 0 : i32
      %dma_start3A_153 = tpu.memref_slice %arg3[%run_scoped3A_0, %arg1, %dma_start3A_151, %dma_start3A_152] : memref<2x16x160x125xi32, #tpu.memory_space<hbm>> -> memref<1x1x160x125xi32, #tpu.memory_space<hbm>>
      %dma_start3A_154 = tpu.memref_squeeze %dma_start3A_153 : memref<1x1x160x125xi32, #tpu.memory_space<hbm>> -> memref<160x125xi32, #tpu.memory_space<hbm>>
      %dma_start3A_155 = arith.constant 0 : i32
      %dma_start3A_156 = arith.constant 0 : i32
      %dma_start3A_157 = tpu.memref_slice %arg3[%run_scoped3A_0, %arg1, %dma_start3A_155, %dma_start3A_156] : memref<2x16x160x125xi32, #tpu.memory_space<hbm>> -> memref<1x1x160x125xi32, #tpu.memory_space<hbm>>
      %dma_start3A_158 = tpu.memref_squeeze %dma_start3A_157 : memref<1x1x160x125xi32, #tpu.memory_space<hbm>> -> memref<160x125xi32, #tpu.memory_space<hbm>>
      tpu.enqueue_dma source(%dma_start3A_158 : memref<160x125xi32, #tpu.memory_space<hbm>>) target(%arg7 : memref<160x125xi32, #tpu.memory_space<vmem>>) target_semaphore(%run_scoped3A_150 : memref<!tpu.dma_semaphore, #tpu.memory_space<semaphore_mem>>)
      %dma_wait3A_159 = arith.constant 0 : i32
      %dma_wait3A_160 = arith.constant 0 : i32
      %dma_wait3A_161 = tpu.memref_slice %arg3[%run_scoped3A_0, %arg1, %dma_wait3A_159, %dma_wait3A_160] : memref<2x16x160x125xi32, #tpu.memory_space<hbm>> -> memref<1x1x160x125xi32, #tpu.memory_space<hbm>>
      %dma_wait3A_162 = tpu.memref_squeeze %dma_wait3A_161 : memref<1x1x160x125xi32, #tpu.memory_space<hbm>> -> memref<160x125xi32, #tpu.memory_space<hbm>>
      %dma_wait3A_163 = arith.constant 0 : i32
      %dma_wait3A_164 = arith.constant 0 : i32
      %dma_wait3A_165 = tpu.memref_slice %arg3[%run_scoped3A_0, %arg1, %dma_wait3A_163, %dma_wait3A_164] : memref<2x16x160x125xi32, #tpu.memory_space<hbm>> -> memref<1x1x160x125xi32, #tpu.memory_space<hbm>>
      %dma_wait3A_166 = tpu.memref_squeeze %dma_wait3A_165 : memref<1x1x160x125xi32, #tpu.memory_space<hbm>> -> memref<160x125xi32, #tpu.memory_space<hbm>>
      tpu.wait_dma2 semaphore(%run_scoped3A_150 : memref<!tpu.dma_semaphore, #tpu.memory_space<semaphore_mem>>) src(%dma_wait3A_166 : memref<160x125xi32, #tpu.memory_space<hbm>>) dst(%arg7 : memref<160x125xi32, #tpu.memory_space<vmem>>)
      tpu.yield
    }) : () -> ()
    %mul3A = arith.constant 625 : i32
    %mul3A_1 = arith.muli %arg1, %mul3A : i32
    "tpu.region"() ({
      %run_scoped3A_150 = tpu.sem_alloc : memref<!tpu.dma_semaphore, #tpu.memory_space<semaphore_mem>>
      %dma_start3A_151 = arith.constant 0 : i32
      %dma_start3A_152 = tpu.memref_slice %arg19[%mul3A_1, %dma_start3A_151] : memref<10000x64xbf16, #tpu.memory_space<vmem_shared>> -> memref<625x64xbf16, #tpu.memory_space<vmem_shared>>
      tpu.enqueue_dma source(%arg4 : memref<625x64xbf16, #tpu.memory_space<hbm>>) target(%dma_start3A_152 : memref<625x64xbf16, #tpu.memory_space<vmem_shared>>) target_semaphore(%run_scoped3A_150 : memref<!tpu.dma_semaphore, #tpu.memory_space<semaphore_mem>>)
      %dma_wait3A_153 = arith.constant 0 : i32
      %dma_wait3A_154 = tpu.memref_slice %arg19[%mul3A_1, %dma_wait3A_153] : memref<10000x64xbf16, #tpu.memory_space<vmem_shared>> -> memref<625x64xbf16, #tpu.memory_space<vmem_shared>>
      tpu.wait_dma2 semaphore(%run_scoped3A_150 : memref<!tpu.dma_semaphore, #tpu.memory_space<semaphore_mem>>) src(%arg4 : memref<625x64xbf16, #tpu.memory_space<hbm>>) dst(%dma_wait3A_154 : memref<625x64xbf16, #tpu.memory_space<vmem_shared>>)
      tpu.yield
    }) : () -> ()
    %dma_start3A = arith.constant 0 : i32
    %dma_start3A_2 = arith.constant 0 : i32
    %dma_start3A_3 = arith.constant 0 : i32
    %dma_start3A_4 = arith.constant 0 : i32
    %dma_start3A_5 = tpu.memref_slice %arg8[%dma_start3A_2, %dma_start3A_3, %dma_start3A_4] : memref<5x125x64xbf16, #tpu.memory_space<vmem>> -> memref<1x125x64xbf16, #tpu.memory_space<vmem>>
    %dma_start3A_6 = tpu.memref_squeeze %dma_start3A_5 : memref<1x125x64xbf16, #tpu.memory_space<vmem>> -> memref<125x64xbf16, #tpu.memory_space<vmem>>
    %dma_start3A_7 = arith.constant 0 : i32
    %dma_start3A_8 = tpu.memref_slice %arg6[%dma_start3A, %dma_start3A_7] : memref<160x125xi32, #tpu.memory_space<vmem>> -> memref<1x125xi32, #tpu.memory_space<vmem>>
    %dma_start3A_9 = tpu.memref_squeeze %dma_start3A_8 : memref<1x125xi32, #tpu.memory_space<vmem>> -> memref<125xi32, #tpu.memory_space<vmem>>
    %dma_start3A_10 = arith.constant 0 : i32
    %dma_start3A_11 = arith.constant 0 : i32
    %dma_start3A_12 = tpu.memref_slice %arg2[%arg0, %dma_start3A_10, %dma_start3A_11] : memref<2x10000x64xbf16, #tpu.memory_space<hbm>> -> memref<1x10000x64xbf16, #tpu.memory_space<hbm>>
    %dma_start3A_13 = tpu.memref_squeeze %dma_start3A_12 : memref<1x10000x64xbf16, #tpu.memory_space<hbm>> -> memref<10000x64xbf16, #tpu.memory_space<hbm>>
    %dma_start3A_14 = arith.constant 0 : i32
    %dma_start3A_15 = arith.constant 0 : i32
    %dma_start3A_16 = tpu.memref_slice %dma_start3A_13[%dma_start3A_14, %dma_start3A_15] : memref<10000x64xbf16, #tpu.memory_space<hbm>> -> memref<10000x64xbf16, #tpu.memory_space<hbm>>
    tpu.enqueue_indirect_dma source(%dma_start3A_16 : memref<10000x64xbf16, #tpu.memory_space<hbm>>) target(%dma_start3A_6 : memref<125x64xbf16, #tpu.memory_space<vmem>>) offsets(%dma_start3A_9 : memref<125xi32, #tpu.memory_space<vmem>>) semaphore(%arg9 : memref<!tpu.dma_semaphore, #tpu.memory_space<semaphore_mem>>)
    %dma_start3A_17 = arith.constant 1 : i32
    %dma_start3A_18 = arith.constant 1 : i32
    %dma_start3A_19 = arith.constant 0 : i32
    %dma_start3A_20 = arith.constant 0 : i32
    %dma_start3A_21 = tpu.memref_slice %arg8[%dma_start3A_18, %dma_start3A_19, %dma_start3A_20] : memref<5x125x64xbf16, #tpu.memory_space<vmem>> -> memref<1x125x64xbf16, #tpu.memory_space<vmem>>
    %dma_start3A_22 = tpu.memref_squeeze %dma_start3A_21 : memref<1x125x64xbf16, #tpu.memory_space<vmem>> -> memref<125x64xbf16, #tpu.memory_space<vmem>>
    %dma_start3A_23 = arith.constant 0 : i32
    %dma_start3A_24 = tpu.memref_slice %arg6[%dma_start3A_17, %dma_start3A_23] : memref<160x125xi32, #tpu.memory_space<vmem>> -> memref<1x125xi32, #tpu.memory_space<vmem>>
    %dma_start3A_25 = tpu.memref_squeeze %dma_start3A_24 : memref<1x125xi32, #tpu.memory_space<vmem>> -> memref<125xi32, #tpu.memory_space<vmem>>
    %dma_start3A_26 = arith.constant 0 : i32
    %dma_start3A_27 = arith.constant 0 : i32
    %dma_start3A_28 = tpu.memref_slice %arg2[%arg0, %dma_start3A_26, %dma_start3A_27] : memref<2x10000x64xbf16, #tpu.memory_space<hbm>> -> memref<1x10000x64xbf16, #tpu.memory_space<hbm>>
    %dma_start3A_29 = tpu.memref_squeeze %dma_start3A_28 : memref<1x10000x64xbf16, #tpu.memory_space<hbm>> -> memref<10000x64xbf16, #tpu.memory_space<hbm>>
    %dma_start3A_30 = arith.constant 0 : i32
    %dma_start3A_31 = arith.constant 0 : i32
    %dma_start3A_32 = tpu.memref_slice %dma_start3A_29[%dma_start3A_30, %dma_start3A_31] : memref<10000x64xbf16, #tpu.memory_space<hbm>> -> memref<10000x64xbf16, #tpu.memory_space<hbm>>
    tpu.enqueue_indirect_dma source(%dma_start3A_32 : memref<10000x64xbf16, #tpu.memory_space<hbm>>) target(%dma_start3A_22 : memref<125x64xbf16, #tpu.memory_space<vmem>>) offsets(%dma_start3A_25 : memref<125xi32, #tpu.memory_space<vmem>>) semaphore(%arg10 : memref<!tpu.dma_semaphore, #tpu.memory_space<semaphore_mem>>)
    %dma_start3A_33 = arith.constant 2 : i32
    %dma_start3A_34 = arith.constant 2 : i32
    %dma_start3A_35 = arith.constant 0 : i32
    %dma_start3A_36 = arith.constant 0 : i32
    %dma_start3A_37 = tpu.memref_slice %arg8[%dma_start3A_34, %dma_start3A_35, %dma_start3A_36] : memref<5x125x64xbf16, #tpu.memory_space<vmem>> -> memref<1x125x64xbf16, #tpu.memory_space<vmem>>
    %dma_start3A_38 = tpu.memref_squeeze %dma_start3A_37 : memref<1x125x64xbf16, #tpu.memory_space<vmem>> -> memref<125x64xbf16, #tpu.memory_space<vmem>>
    %dma_start3A_39 = arith.constant 0 : i32
    %dma_start3A_40 = tpu.memref_slice %arg6[%dma_start3A_33, %dma_start3A_39] : memref<160x125xi32, #tpu.memory_space<vmem>> -> memref<1x125xi32, #tpu.memory_space<vmem>>
    %dma_start3A_41 = tpu.memref_squeeze %dma_start3A_40 : memref<1x125xi32, #tpu.memory_space<vmem>> -> memref<125xi32, #tpu.memory_space<vmem>>
    %dma_start3A_42 = arith.constant 0 : i32
    %dma_start3A_43 = arith.constant 0 : i32
    %dma_start3A_44 = tpu.memref_slice %arg2[%arg0, %dma_start3A_42, %dma_start3A_43] : memref<2x10000x64xbf16, #tpu.memory_space<hbm>> -> memref<1x10000x64xbf16, #tpu.memory_space<hbm>>
    %dma_start3A_45 = tpu.memref_squeeze %dma_start3A_44 : memref<1x10000x64xbf16, #tpu.memory_space<hbm>> -> memref<10000x64xbf16, #tpu.memory_space<hbm>>
    %dma_start3A_46 = arith.constant 0 : i32
    %dma_start3A_47 = arith.constant 0 : i32
    %dma_start3A_48 = tpu.memref_slice %dma_start3A_45[%dma_start3A_46, %dma_start3A_47] : memref<10000x64xbf16, #tpu.memory_space<hbm>> -> memref<10000x64xbf16, #tpu.memory_space<hbm>>
    tpu.enqueue_indirect_dma source(%dma_start3A_48 : memref<10000x64xbf16, #tpu.memory_space<hbm>>) target(%dma_start3A_38 : memref<125x64xbf16, #tpu.memory_space<vmem>>) offsets(%dma_start3A_41 : memref<125xi32, #tpu.memory_space<vmem>>) semaphore(%arg11 : memref<!tpu.dma_semaphore, #tpu.memory_space<semaphore_mem>>)
    %dma_start3A_49 = arith.constant 3 : i32
    %dma_start3A_50 = arith.constant 3 : i32
    %dma_start3A_51 = arith.constant 0 : i32
    %dma_start3A_52 = arith.constant 0 : i32
    %dma_start3A_53 = tpu.memref_slice %arg8[%dma_start3A_50, %dma_start3A_51, %dma_start3A_52] : memref<5x125x64xbf16, #tpu.memory_space<vmem>> -> memref<1x125x64xbf16, #tpu.memory_space<vmem>>
    %dma_start3A_54 = tpu.memref_squeeze %dma_start3A_53 : memref<1x125x64xbf16, #tpu.memory_space<vmem>> -> memref<125x64xbf16, #tpu.memory_space<vmem>>
    %dma_start3A_55 = arith.constant 0 : i32
    %dma_start3A_56 = tpu.memref_slice %arg6[%dma_start3A_49, %dma_start3A_55] : memref<160x125xi32, #tpu.memory_space<vmem>> -> memref<1x125xi32, #tpu.memory_space<vmem>>
    %dma_start3A_57 = tpu.memref_squeeze %dma_start3A_56 : memref<1x125xi32, #tpu.memory_space<vmem>> -> memref<125xi32, #tpu.memory_space<vmem>>
    %dma_start3A_58 = arith.constant 0 : i32
    %dma_start3A_59 = arith.constant 0 : i32
    %dma_start3A_60 = tpu.memref_slice %arg2[%arg0, %dma_start3A_58, %dma_start3A_59] : memref<2x10000x64xbf16, #tpu.memory_space<hbm>> -> memref<1x10000x64xbf16, #tpu.memory_space<hbm>>
    %dma_start3A_61 = tpu.memref_squeeze %dma_start3A_60 : memref<1x10000x64xbf16, #tpu.memory_space<hbm>> -> memref<10000x64xbf16, #tpu.memory_space<hbm>>
    %dma_start3A_62 = arith.constant 0 : i32
    %dma_start3A_63 = arith.constant 0 : i32
    %dma_start3A_64 = tpu.memref_slice %dma_start3A_61[%dma_start3A_62, %dma_start3A_63] : memref<10000x64xbf16, #tpu.memory_space<hbm>> -> memref<10000x64xbf16, #tpu.memory_space<hbm>>
    tpu.enqueue_indirect_dma source(%dma_start3A_64 : memref<10000x64xbf16, #tpu.memory_space<hbm>>) target(%dma_start3A_54 : memref<125x64xbf16, #tpu.memory_space<vmem>>) offsets(%dma_start3A_57 : memref<125xi32, #tpu.memory_space<vmem>>) semaphore(%arg12 : memref<!tpu.dma_semaphore, #tpu.memory_space<semaphore_mem>>)
    %dma_start3A_65 = arith.constant 4 : i32
    %dma_start3A_66 = arith.constant 4 : i32
    %dma_start3A_67 = arith.constant 0 : i32
    %dma_start3A_68 = arith.constant 0 : i32
    %dma_start3A_69 = tpu.memref_slice %arg8[%dma_start3A_66, %dma_start3A_67, %dma_start3A_68] : memref<5x125x64xbf16, #tpu.memory_space<vmem>> -> memref<1x125x64xbf16, #tpu.memory_space<vmem>>
    %dma_start3A_70 = tpu.memref_squeeze %dma_start3A_69 : memref<1x125x64xbf16, #tpu.memory_space<vmem>> -> memref<125x64xbf16, #tpu.memory_space<vmem>>
    %dma_start3A_71 = arith.constant 0 : i32
    %dma_start3A_72 = tpu.memref_slice %arg6[%dma_start3A_65, %dma_start3A_71] : memref<160x125xi32, #tpu.memory_space<vmem>> -> memref<1x125xi32, #tpu.memory_space<vmem>>
    %dma_start3A_73 = tpu.memref_squeeze %dma_start3A_72 : memref<1x125xi32, #tpu.memory_space<vmem>> -> memref<125xi32, #tpu.memory_space<vmem>>
    %dma_start3A_74 = arith.constant 0 : i32
    %dma_start3A_75 = arith.constant 0 : i32
    %dma_start3A_76 = tpu.memref_slice %arg2[%arg0, %dma_start3A_74, %dma_start3A_75] : memref<2x10000x64xbf16, #tpu.memory_space<hbm>> -> memref<1x10000x64xbf16, #tpu.memory_space<hbm>>
    %dma_start3A_77 = tpu.memref_squeeze %dma_start3A_76 : memref<1x10000x64xbf16, #tpu.memory_space<hbm>> -> memref<10000x64xbf16, #tpu.memory_space<hbm>>
    %dma_start3A_78 = arith.constant 0 : i32
    %dma_start3A_79 = arith.constant 0 : i32
    %dma_start3A_80 = tpu.memref_slice %dma_start3A_77[%dma_start3A_78, %dma_start3A_79] : memref<10000x64xbf16, #tpu.memory_space<hbm>> -> memref<10000x64xbf16, #tpu.memory_space<hbm>>
    tpu.enqueue_indirect_dma source(%dma_start3A_80 : memref<10000x64xbf16, #tpu.memory_space<hbm>>) target(%dma_start3A_70 : memref<125x64xbf16, #tpu.memory_space<vmem>>) offsets(%dma_start3A_73 : memref<125xi32, #tpu.memory_space<vmem>>) semaphore(%arg13 : memref<!tpu.dma_semaphore, #tpu.memory_space<semaphore_mem>>)
    %barrier3A = arith.constant 0 : index
    tpu.barrier barrier_id(%barrier3A)
    %scan3A = arith.constant 0 : i32
    %scan3A_81 = arith.constant 0 : i32
    %scan3A_82 = arith.constant 32 : i32
    %scan3A_83 = arith.addi %scan3A_81, %scan3A_82 : i32
    %scan3A_84 = arith.constant 1 : i32
    scf.for %scan3A_150 = %scan3A_81 to %scan3A_83 step %scan3A_84  : i32 {
      %mul3A_151 = arith.constant 5 : i32
      %mul3A_152 = arith.muli %scan3A_150, %mul3A_151 : i32
      %add3A = arith.constant 0 : i32
      %add3A_153 = arith.addi %mul3A_152, %add3A : i32
      %dma_wait3A_154 = arith.constant 0 : i32
      %dma_wait3A_155 = arith.constant 0 : i32
      %dma_wait3A_156 = arith.constant 0 : i32
      %dma_wait3A_157 = tpu.memref_slice %arg8[%dma_wait3A_154, %dma_wait3A_155, %dma_wait3A_156] : memref<5x125x64xbf16, #tpu.memory_space<vmem>> -> memref<1x125x64xbf16, #tpu.memory_space<vmem>>
      %dma_wait3A_158 = tpu.memref_squeeze %dma_wait3A_157 : memref<1x125x64xbf16, #tpu.memory_space<vmem>> -> memref<125x64xbf16, #tpu.memory_space<vmem>>
      %dma_wait3A_159 = arith.constant 0 : i32
      %dma_wait3A_160 = tpu.memref_slice %arg6[%add3A_153, %dma_wait3A_159] : memref<160x125xi32, #tpu.memory_space<vmem>> -> memref<1x125xi32, #tpu.memory_space<vmem>>
      %dma_wait3A_161 = tpu.memref_squeeze %dma_wait3A_160 : memref<1x125xi32, #tpu.memory_space<vmem>> -> memref<125xi32, #tpu.memory_space<vmem>>
      %dma_wait3A_162 = arith.constant 0 : i32
      %dma_wait3A_163 = arith.constant 0 : i32
      %dma_wait3A_164 = tpu.memref_slice %arg2[%arg0, %dma_wait3A_162, %dma_wait3A_163] : memref<2x10000x64xbf16, #tpu.memory_space<hbm>> -> memref<1x10000x64xbf16, #tpu.memory_space<hbm>>
      %dma_wait3A_165 = tpu.memref_squeeze %dma_wait3A_164 : memref<1x10000x64xbf16, #tpu.memory_space<hbm>> -> memref<10000x64xbf16, #tpu.memory_space<hbm>>
      %dma_wait3A_166 = arith.constant 0 : i32
      %dma_wait3A_167 = arith.constant 0 : i32
      %dma_wait3A_168 = tpu.memref_slice %dma_wait3A_165[%dma_wait3A_166, %dma_wait3A_167] : memref<10000x64xbf16, #tpu.memory_space<hbm>> -> memref<10000x64xbf16, #tpu.memory_space<hbm>>
      tpu.wait_indirect_dma semaphore(%arg9 : memref<!tpu.dma_semaphore, #tpu.memory_space<semaphore_mem>>) src(%dma_wait3A_168 : memref<10000x64xbf16, #tpu.memory_space<hbm>>) dst(%dma_wait3A_158 : memref<125x64xbf16, #tpu.memory_space<vmem>>)
      %dma_start3A_169 = arith.constant 0 : i32
      %dma_start3A_170 = arith.constant 0 : i32
      %dma_start3A_171 = arith.constant 0 : i32
      %dma_start3A_172 = tpu.memref_slice %arg8[%dma_start3A_169, %dma_start3A_170, %dma_start3A_171] : memref<5x125x64xbf16, #tpu.memory_space<vmem>> -> memref<1x125x64xbf16, #tpu.memory_space<vmem>>
      %dma_start3A_173 = tpu.memref_squeeze %dma_start3A_172 : memref<1x125x64xbf16, #tpu.memory_space<vmem>> -> memref<125x64xbf16, #tpu.memory_space<vmem>>
      %dma_start3A_174 = arith.constant 0 : i32
      %dma_start3A_175 = tpu.memref_slice %arg7[%add3A_153, %dma_start3A_174] : memref<160x125xi32, #tpu.memory_space<vmem>> -> memref<1x125xi32, #tpu.memory_space<vmem>>
      %dma_start3A_176 = tpu.memref_squeeze %dma_start3A_175 : memref<1x125xi32, #tpu.memory_space<vmem>> -> memref<125xi32, #tpu.memory_space<vmem>>
      %dma_start3A_177 = arith.constant 0 : i32
      %dma_start3A_178 = arith.constant 0 : i32
      %dma_start3A_179 = tpu.memref_slice %arg19[%dma_start3A_177, %dma_start3A_178] : memref<10000x64xbf16, #tpu.memory_space<vmem_shared>> -> memref<10000x64xbf16, #tpu.memory_space<vmem_shared>>
      tpu.enqueue_indirect_dma source(%dma_start3A_173 : memref<125x64xbf16, #tpu.memory_space<vmem>>) target(%dma_start3A_179 : memref<10000x64xbf16, #tpu.memory_space<vmem_shared>>) offsets(%dma_start3A_176 : memref<125xi32, #tpu.memory_space<vmem>>) semaphore(%arg14 : memref<!tpu.dma_semaphore, #tpu.memory_space<semaphore_mem>>) {add = true}
      %ge3A = arith.constant 2 : i32
      %ge3A_180 = arith.cmpi sge, %add3A_153, %ge3A : i32
      %sub3A = arith.constant 2 : i32
      %sub3A_181 = arith.subi %add3A_153, %sub3A : i32
      %add3A_182 = arith.constant 5 : i32
      %add3A_183 = arith.addi %sub3A_181, %add3A_182 : i32
      %lt3A = arith.constant 160 : i32
      %lt3A_184 = arith.cmpi slt, %add3A_183, %lt3A : i32
      %and3A = arith.andi %ge3A_180, %lt3A_184 : i1
      %convert_element_type3A = arith.extui %and3A : i1 to i32
      %cond3A = arith.constant 0 : i32
      %cond3A_185 = arith.cmpi ne, %convert_element_type3A, %cond3A : i32
      scf.if %cond3A_185 {
        %dma_wait3A_346 = arith.constant 3 : i32
        %dma_wait3A_347 = arith.constant 0 : i32
        %dma_wait3A_348 = arith.constant 0 : i32
        %dma_wait3A_349 = arith.constant 0 : i32
        %dma_wait3A_350 = tpu.memref_slice %arg8[%dma_wait3A_346, %dma_wait3A_348, %dma_wait3A_349] : memref<5x125x64xbf16, #tpu.memory_space<vmem>> -> memref<1x125x64xbf16, #tpu.memory_space<vmem>>
        %dma_wait3A_351 = tpu.memref_squeeze %dma_wait3A_350 : memref<1x125x64xbf16, #tpu.memory_space<vmem>> -> memref<125x64xbf16, #tpu.memory_space<vmem>>
        %dma_wait3A_352 = arith.constant 0 : i32
        %dma_wait3A_353 = tpu.memref_slice %arg7[%dma_wait3A_347, %dma_wait3A_352] : memref<160x125xi32, #tpu.memory_space<vmem>> -> memref<1x125xi32, #tpu.memory_space<vmem>>
        %dma_wait3A_354 = tpu.memref_squeeze %dma_wait3A_353 : memref<1x125xi32, #tpu.memory_space<vmem>> -> memref<125xi32, #tpu.memory_space<vmem>>
        %dma_wait3A_355 = arith.constant 0 : i32
        %dma_wait3A_356 = arith.constant 0 : i32
        %dma_wait3A_357 = tpu.memref_slice %arg19[%dma_wait3A_355, %dma_wait3A_356] : memref<10000x64xbf16, #tpu.memory_space<vmem_shared>> -> memref<10000x64xbf16, #tpu.memory_space<vmem_shared>>
        tpu.wait_indirect_dma semaphore(%arg17 : memref<!tpu.dma_semaphore, #tpu.memory_space<semaphore_mem>>) src(%dma_wait3A_351 : memref<125x64xbf16, #tpu.memory_space<vmem>>) dst(%dma_wait3A_357 : memref<10000x64xbf16, #tpu.memory_space<vmem_shared>>)
        %sub3A_358 = arith.constant 2 : i32
        %sub3A_359 = arith.subi %add3A_153, %sub3A_358 : i32
        %add3A_360 = arith.constant 5 : i32
        %add3A_361 = arith.addi %sub3A_359, %add3A_360 : i32
        %dma_start3A_362 = arith.constant 3 : i32
        %dma_start3A_363 = arith.constant 0 : i32
        %dma_start3A_364 = arith.constant 0 : i32
        %dma_start3A_365 = tpu.memref_slice %arg8[%dma_start3A_362, %dma_start3A_363, %dma_start3A_364] : memref<5x125x64xbf16, #tpu.memory_space<vmem>> -> memref<1x125x64xbf16, #tpu.memory_space<vmem>>
        %dma_start3A_366 = tpu.memref_squeeze %dma_start3A_365 : memref<1x125x64xbf16, #tpu.memory_space<vmem>> -> memref<125x64xbf16, #tpu.memory_space<vmem>>
        %dma_start3A_367 = arith.constant 0 : i32
        %dma_start3A_368 = tpu.memref_slice %arg6[%add3A_361, %dma_start3A_367] : memref<160x125xi32, #tpu.memory_space<vmem>> -> memref<1x125xi32, #tpu.memory_space<vmem>>
        %dma_start3A_369 = tpu.memref_squeeze %dma_start3A_368 : memref<1x125xi32, #tpu.memory_space<vmem>> -> memref<125xi32, #tpu.memory_space<vmem>>
        %dma_start3A_370 = arith.constant 0 : i32
        %dma_start3A_371 = arith.constant 0 : i32
        %dma_start3A_372 = tpu.memref_slice %arg2[%arg0, %dma_start3A_370, %dma_start3A_371] : memref<2x10000x64xbf16, #tpu.memory_space<hbm>> -> memref<1x10000x64xbf16, #tpu.memory_space<hbm>>
        %dma_start3A_373 = tpu.memref_squeeze %dma_start3A_372 : memref<1x10000x64xbf16, #tpu.memory_space<hbm>> -> memref<10000x64xbf16, #tpu.memory_space<hbm>>
        %dma_start3A_374 = arith.constant 0 : i32
        %dma_start3A_375 = arith.constant 0 : i32
        %dma_start3A_376 = tpu.memref_slice %dma_start3A_373[%dma_start3A_374, %dma_start3A_375] : memref<10000x64xbf16, #tpu.memory_space<hbm>> -> memref<10000x64xbf16, #tpu.memory_space<hbm>>
        tpu.enqueue_indirect_dma source(%dma_start3A_376 : memref<10000x64xbf16, #tpu.memory_space<hbm>>) target(%dma_start3A_366 : memref<125x64xbf16, #tpu.memory_space<vmem>>) offsets(%dma_start3A_369 : memref<125xi32, #tpu.memory_space<vmem>>) semaphore(%arg12 : memref<!tpu.dma_semaphore, #tpu.memory_space<semaphore_mem>>)
      } else {
      }
      %add3A_186 = arith.constant 1 : i32
      %add3A_187 = arith.addi %mul3A_152, %add3A_186 : i32
      %dma_wait3A_188 = arith.constant 1 : i32
      %dma_wait3A_189 = arith.constant 0 : i32
      %dma_wait3A_190 = arith.constant 0 : i32
      %dma_wait3A_191 = tpu.memref_slice %arg8[%dma_wait3A_188, %dma_wait3A_189, %dma_wait3A_190] : memref<5x125x64xbf16, #tpu.memory_space<vmem>> -> memref<1x125x64xbf16, #tpu.memory_space<vmem>>
      %dma_wait3A_192 = tpu.memref_squeeze %dma_wait3A_191 : memref<1x125x64xbf16, #tpu.memory_space<vmem>> -> memref<125x64xbf16, #tpu.memory_space<vmem>>
      %dma_wait3A_193 = arith.constant 0 : i32
      %dma_wait3A_194 = tpu.memref_slice %arg6[%add3A_187, %dma_wait3A_193] : memref<160x125xi32, #tpu.memory_space<vmem>> -> memref<1x125xi32, #tpu.memory_space<vmem>>
      %dma_wait3A_195 = tpu.memref_squeeze %dma_wait3A_194 : memref<1x125xi32, #tpu.memory_space<vmem>> -> memref<125xi32, #tpu.memory_space<vmem>>
      %dma_wait3A_196 = arith.constant 0 : i32
      %dma_wait3A_197 = arith.constant 0 : i32
      %dma_wait3A_198 = tpu.memref_slice %arg2[%arg0, %dma_wait3A_196, %dma_wait3A_197] : memref<2x10000x64xbf16, #tpu.memory_space<hbm>> -> memref<1x10000x64xbf16, #tpu.memory_space<hbm>>
      %dma_wait3A_199 = tpu.memref_squeeze %dma_wait3A_198 : memref<1x10000x64xbf16, #tpu.memory_space<hbm>> -> memref<10000x64xbf16, #tpu.memory_space<hbm>>
      %dma_wait3A_200 = arith.constant 0 : i32
      %dma_wait3A_201 = arith.constant 0 : i32
      %dma_wait3A_202 = tpu.memref_slice %dma_wait3A_199[%dma_wait3A_200, %dma_wait3A_201] : memref<10000x64xbf16, #tpu.memory_space<hbm>> -> memref<10000x64xbf16, #tpu.memory_space<hbm>>
      tpu.wait_indirect_dma semaphore(%arg10 : memref<!tpu.dma_semaphore, #tpu.memory_space<semaphore_mem>>) src(%dma_wait3A_202 : memref<10000x64xbf16, #tpu.memory_space<hbm>>) dst(%dma_wait3A_192 : memref<125x64xbf16, #tpu.memory_space<vmem>>)
      %dma_start3A_203 = arith.constant 1 : i32
      %dma_start3A_204 = arith.constant 0 : i32
      %dma_start3A_205 = arith.constant 0 : i32
      %dma_start3A_206 = tpu.memref_slice %arg8[%dma_start3A_203, %dma_start3A_204, %dma_start3A_205] : memref<5x125x64xbf16, #tpu.memory_space<vmem>> -> memref<1x125x64xbf16, #tpu.memory_space<vmem>>
      %dma_start3A_207 = tpu.memref_squeeze %dma_start3A_206 : memref<1x125x64xbf16, #tpu.memory_space<vmem>> -> memref<125x64xbf16, #tpu.memory_space<vmem>>
      %dma_start3A_208 = arith.constant 0 : i32
      %dma_start3A_209 = tpu.memref_slice %arg7[%add3A_187, %dma_start3A_208] : memref<160x125xi32, #tpu.memory_space<vmem>> -> memref<1x125xi32, #tpu.memory_space<vmem>>
      %dma_start3A_210 = tpu.memref_squeeze %dma_start3A_209 : memref<1x125xi32, #tpu.memory_space<vmem>> -> memref<125xi32, #tpu.memory_space<vmem>>
      %dma_start3A_211 = arith.constant 0 : i32
      %dma_start3A_212 = arith.constant 0 : i32
      %dma_start3A_213 = tpu.memref_slice %arg19[%dma_start3A_211, %dma_start3A_212] : memref<10000x64xbf16, #tpu.memory_space<vmem_shared>> -> memref<10000x64xbf16, #tpu.memory_space<vmem_shared>>
      tpu.enqueue_indirect_dma source(%dma_start3A_207 : memref<125x64xbf16, #tpu.memory_space<vmem>>) target(%dma_start3A_213 : memref<10000x64xbf16, #tpu.memory_space<vmem_shared>>) offsets(%dma_start3A_210 : memref<125xi32, #tpu.memory_space<vmem>>) semaphore(%arg15 : memref<!tpu.dma_semaphore, #tpu.memory_space<semaphore_mem>>) {add = true}
      %ge3A_214 = arith.constant 2 : i32
      %ge3A_215 = arith.cmpi sge, %add3A_187, %ge3A_214 : i32
      %sub3A_216 = arith.constant 2 : i32
      %sub3A_217 = arith.subi %add3A_187, %sub3A_216 : i32
      %add3A_218 = arith.constant 5 : i32
      %add3A_219 = arith.addi %sub3A_217, %add3A_218 : i32
      %lt3A_220 = arith.constant 160 : i32
      %lt3A_221 = arith.cmpi slt, %add3A_219, %lt3A_220 : i32
      %and3A_222 = arith.andi %ge3A_215, %lt3A_221 : i1
      %convert_element_type3A_223 = arith.extui %and3A_222 : i1 to i32
      %cond3A_224 = arith.constant 0 : i32
      %cond3A_225 = arith.cmpi ne, %convert_element_type3A_223, %cond3A_224 : i32
      scf.if %cond3A_225 {
        %dma_wait3A_346 = arith.constant 4 : i32
        %dma_wait3A_347 = arith.constant 0 : i32
        %dma_wait3A_348 = arith.constant 0 : i32
        %dma_wait3A_349 = arith.constant 0 : i32
        %dma_wait3A_350 = tpu.memref_slice %arg8[%dma_wait3A_346, %dma_wait3A_348, %dma_wait3A_349] : memref<5x125x64xbf16, #tpu.memory_space<vmem>> -> memref<1x125x64xbf16, #tpu.memory_space<vmem>>
        %dma_wait3A_351 = tpu.memref_squeeze %dma_wait3A_350 : memref<1x125x64xbf16, #tpu.memory_space<vmem>> -> memref<125x64xbf16, #tpu.memory_space<vmem>>
        %dma_wait3A_352 = arith.constant 0 : i32
        %dma_wait3A_353 = tpu.memref_slice %arg7[%dma_wait3A_347, %dma_wait3A_352] : memref<160x125xi32, #tpu.memory_space<vmem>> -> memref<1x125xi32, #tpu.memory_space<vmem>>
        %dma_wait3A_354 = tpu.memref_squeeze %dma_wait3A_353 : memref<1x125xi32, #tpu.memory_space<vmem>> -> memref<125xi32, #tpu.memory_space<vmem>>
        %dma_wait3A_355 = arith.constant 0 : i32
        %dma_wait3A_356 = arith.constant 0 : i32
        %dma_wait3A_357 = tpu.memref_slice %arg19[%dma_wait3A_355, %dma_wait3A_356] : memref<10000x64xbf16, #tpu.memory_space<vmem_shared>> -> memref<10000x64xbf16, #tpu.memory_space<vmem_shared>>
        tpu.wait_indirect_dma semaphore(%arg18 : memref<!tpu.dma_semaphore, #tpu.memory_space<semaphore_mem>>) src(%dma_wait3A_351 : memref<125x64xbf16, #tpu.memory_space<vmem>>) dst(%dma_wait3A_357 : memref<10000x64xbf16, #tpu.memory_space<vmem_shared>>)
        %sub3A_358 = arith.constant 2 : i32
        %sub3A_359 = arith.subi %add3A_187, %sub3A_358 : i32
        %add3A_360 = arith.constant 5 : i32
        %add3A_361 = arith.addi %sub3A_359, %add3A_360 : i32
        %dma_start3A_362 = arith.constant 4 : i32
        %dma_start3A_363 = arith.constant 0 : i32
        %dma_start3A_364 = arith.constant 0 : i32
        %dma_start3A_365 = tpu.memref_slice %arg8[%dma_start3A_362, %dma_start3A_363, %dma_start3A_364] : memref<5x125x64xbf16, #tpu.memory_space<vmem>> -> memref<1x125x64xbf16, #tpu.memory_space<vmem>>
        %dma_start3A_366 = tpu.memref_squeeze %dma_start3A_365 : memref<1x125x64xbf16, #tpu.memory_space<vmem>> -> memref<125x64xbf16, #tpu.memory_space<vmem>>
        %dma_start3A_367 = arith.constant 0 : i32
        %dma_start3A_368 = tpu.memref_slice %arg6[%add3A_361, %dma_start3A_367] : memref<160x125xi32, #tpu.memory_space<vmem>> -> memref<1x125xi32, #tpu.memory_space<vmem>>
        %dma_start3A_369 = tpu.memref_squeeze %dma_start3A_368 : memref<1x125xi32, #tpu.memory_space<vmem>> -> memref<125xi32, #tpu.memory_space<vmem>>
        %dma_start3A_370 = arith.constant 0 : i32
        %dma_start3A_371 = arith.constant 0 : i32
        %dma_start3A_372 = tpu.memref_slice %arg2[%arg0, %dma_start3A_370, %dma_start3A_371] : memref<2x10000x64xbf16, #tpu.memory_space<hbm>> -> memref<1x10000x64xbf16, #tpu.memory_space<hbm>>
        %dma_start3A_373 = tpu.memref_squeeze %dma_start3A_372 : memref<1x10000x64xbf16, #tpu.memory_space<hbm>> -> memref<10000x64xbf16, #tpu.memory_space<hbm>>
        %dma_start3A_374 = arith.constant 0 : i32
        %dma_start3A_375 = arith.constant 0 : i32
        %dma_start3A_376 = tpu.memref_slice %dma_start3A_373[%dma_start3A_374, %dma_start3A_375] : memref<10000x64xbf16, #tpu.memory_space<hbm>> -> memref<10000x64xbf16, #tpu.memory_space<hbm>>
        tpu.enqueue_indirect_dma source(%dma_start3A_376 : memref<10000x64xbf16, #tpu.memory_space<hbm>>) target(%dma_start3A_366 : memref<125x64xbf16, #tpu.memory_space<vmem>>) offsets(%dma_start3A_369 : memref<125xi32, #tpu.memory_space<vmem>>) semaphore(%arg13 : memref<!tpu.dma_semaphore, #tpu.memory_space<semaphore_mem>>)
      } else {
      }
      %add3A_226 = arith.constant 2 : i32
      %add3A_227 = arith.addi %mul3A_152, %add3A_226 : i32
      %dma_wait3A_228 = arith.constant 2 : i32
      %dma_wait3A_229 = arith.constant 0 : i32
      %dma_wait3A_230 = arith.constant 0 : i32
      %dma_wait3A_231 = tpu.memref_slice %arg8[%dma_wait3A_228, %dma_wait3A_229, %dma_wait3A_230] : memref<5x125x64xbf16, #tpu.memory_space<vmem>> -> memref<1x125x64xbf16, #tpu.memory_space<vmem>>
      %dma_wait3A_232 = tpu.memref_squeeze %dma_wait3A_231 : memref<1x125x64xbf16, #tpu.memory_space<vmem>> -> memref<125x64xbf16, #tpu.memory_space<vmem>>
      %dma_wait3A_233 = arith.constant 0 : i32
      %dma_wait3A_234 = tpu.memref_slice %arg6[%add3A_227, %dma_wait3A_233] : memref<160x125xi32, #tpu.memory_space<vmem>> -> memref<1x125xi32, #tpu.memory_space<vmem>>
      %dma_wait3A_235 = tpu.memref_squeeze %dma_wait3A_234 : memref<1x125xi32, #tpu.memory_space<vmem>> -> memref<125xi32, #tpu.memory_space<vmem>>
      %dma_wait3A_236 = arith.constant 0 : i32
      %dma_wait3A_237 = arith.constant 0 : i32
      %dma_wait3A_238 = tpu.memref_slice %arg2[%arg0, %dma_wait3A_236, %dma_wait3A_237] : memref<2x10000x64xbf16, #tpu.memory_space<hbm>> -> memref<1x10000x64xbf16, #tpu.memory_space<hbm>>
      %dma_wait3A_239 = tpu.memref_squeeze %dma_wait3A_238 : memref<1x10000x64xbf16, #tpu.memory_space<hbm>> -> memref<10000x64xbf16, #tpu.memory_space<hbm>>
      %dma_wait3A_240 = arith.constant 0 : i32
      %dma_wait3A_241 = arith.constant 0 : i32
      %dma_wait3A_242 = tpu.memref_slice %dma_wait3A_239[%dma_wait3A_240, %dma_wait3A_241] : memref<10000x64xbf16, #tpu.memory_space<hbm>> -> memref<10000x64xbf16, #tpu.memory_space<hbm>>
      tpu.wait_indirect_dma semaphore(%arg11 : memref<!tpu.dma_semaphore, #tpu.memory_space<semaphore_mem>>) src(%dma_wait3A_242 : memref<10000x64xbf16, #tpu.memory_space<hbm>>) dst(%dma_wait3A_232 : memref<125x64xbf16, #tpu.memory_space<vmem>>)
      %dma_start3A_243 = arith.constant 2 : i32
      %dma_start3A_244 = arith.constant 0 : i32
      %dma_start3A_245 = arith.constant 0 : i32
      %dma_start3A_246 = tpu.memref_slice %arg8[%dma_start3A_243, %dma_start3A_244, %dma_start3A_245] : memref<5x125x64xbf16, #tpu.memory_space<vmem>> -> memref<1x125x64xbf16, #tpu.memory_space<vmem>>
      %dma_start3A_247 = tpu.memref_squeeze %dma_start3A_246 : memref<1x125x64xbf16, #tpu.memory_space<vmem>> -> memref<125x64xbf16, #tpu.memory_space<vmem>>
      %dma_start3A_248 = arith.constant 0 : i32
      %dma_start3A_249 = tpu.memref_slice %arg7[%add3A_227, %dma_start3A_248] : memref<160x125xi32, #tpu.memory_space<vmem>> -> memref<1x125xi32, #tpu.memory_space<vmem>>
      %dma_start3A_250 = tpu.memref_squeeze %dma_start3A_249 : memref<1x125xi32, #tpu.memory_space<vmem>> -> memref<125xi32, #tpu.memory_space<vmem>>
      %dma_start3A_251 = arith.constant 0 : i32
      %dma_start3A_252 = arith.constant 0 : i32
      %dma_start3A_253 = tpu.memref_slice %arg19[%dma_start3A_251, %dma_start3A_252] : memref<10000x64xbf16, #tpu.memory_space<vmem_shared>> -> memref<10000x64xbf16, #tpu.memory_space<vmem_shared>>
      tpu.enqueue_indirect_dma source(%dma_start3A_247 : memref<125x64xbf16, #tpu.memory_space<vmem>>) target(%dma_start3A_253 : memref<10000x64xbf16, #tpu.memory_space<vmem_shared>>) offsets(%dma_start3A_250 : memref<125xi32, #tpu.memory_space<vmem>>) semaphore(%arg16 : memref<!tpu.dma_semaphore, #tpu.memory_space<semaphore_mem>>) {add = true}
      %ge3A_254 = arith.constant 2 : i32
      %ge3A_255 = arith.cmpi sge, %add3A_227, %ge3A_254 : i32
      %sub3A_256 = arith.constant 2 : i32
      %sub3A_257 = arith.subi %add3A_227, %sub3A_256 : i32
      %add3A_258 = arith.constant 5 : i32
      %add3A_259 = arith.addi %sub3A_257, %add3A_258 : i32
      %lt3A_260 = arith.constant 160 : i32
      %lt3A_261 = arith.cmpi slt, %add3A_259, %lt3A_260 : i32
      %and3A_262 = arith.andi %ge3A_255, %lt3A_261 : i1
      %convert_element_type3A_263 = arith.extui %and3A_262 : i1 to i32
      %cond3A_264 = arith.constant 0 : i32
      %cond3A_265 = arith.cmpi ne, %convert_element_type3A_263, %cond3A_264 : i32
      scf.if %cond3A_265 {
        %dma_wait3A_346 = arith.constant 0 : i32
        %dma_wait3A_347 = arith.constant 0 : i32
        %dma_wait3A_348 = arith.constant 0 : i32
        %dma_wait3A_349 = arith.constant 0 : i32
        %dma_wait3A_350 = tpu.memref_slice %arg8[%dma_wait3A_346, %dma_wait3A_348, %dma_wait3A_349] : memref<5x125x64xbf16, #tpu.memory_space<vmem>> -> memref<1x125x64xbf16, #tpu.memory_space<vmem>>
        %dma_wait3A_351 = tpu.memref_squeeze %dma_wait3A_350 : memref<1x125x64xbf16, #tpu.memory_space<vmem>> -> memref<125x64xbf16, #tpu.memory_space<vmem>>
        %dma_wait3A_352 = arith.constant 0 : i32
        %dma_wait3A_353 = tpu.memref_slice %arg7[%dma_wait3A_347, %dma_wait3A_352] : memref<160x125xi32, #tpu.memory_space<vmem>> -> memref<1x125xi32, #tpu.memory_space<vmem>>
        %dma_wait3A_354 = tpu.memref_squeeze %dma_wait3A_353 : memref<1x125xi32, #tpu.memory_space<vmem>> -> memref<125xi32, #tpu.memory_space<vmem>>
        %dma_wait3A_355 = arith.constant 0 : i32
        %dma_wait3A_356 = arith.constant 0 : i32
        %dma_wait3A_357 = tpu.memref_slice %arg19[%dma_wait3A_355, %dma_wait3A_356] : memref<10000x64xbf16, #tpu.memory_space<vmem_shared>> -> memref<10000x64xbf16, #tpu.memory_space<vmem_shared>>
        tpu.wait_indirect_dma semaphore(%arg14 : memref<!tpu.dma_semaphore, #tpu.memory_space<semaphore_mem>>) src(%dma_wait3A_351 : memref<125x64xbf16, #tpu.memory_space<vmem>>) dst(%dma_wait3A_357 : memref<10000x64xbf16, #tpu.memory_space<vmem_shared>>)
        %sub3A_358 = arith.constant 2 : i32
        %sub3A_359 = arith.subi %add3A_227, %sub3A_358 : i32
        %add3A_360 = arith.constant 5 : i32
        %add3A_361 = arith.addi %sub3A_359, %add3A_360 : i32
        %dma_start3A_362 = arith.constant 0 : i32
        %dma_start3A_363 = arith.constant 0 : i32
        %dma_start3A_364 = arith.constant 0 : i32
        %dma_start3A_365 = tpu.memref_slice %arg8[%dma_start3A_362, %dma_start3A_363, %dma_start3A_364] : memref<5x125x64xbf16, #tpu.memory_space<vmem>> -> memref<1x125x64xbf16, #tpu.memory_space<vmem>>
        %dma_start3A_366 = tpu.memref_squeeze %dma_start3A_365 : memref<1x125x64xbf16, #tpu.memory_space<vmem>> -> memref<125x64xbf16, #tpu.memory_space<vmem>>
        %dma_start3A_367 = arith.constant 0 : i32
        %dma_start3A_368 = tpu.memref_slice %arg6[%add3A_361, %dma_start3A_367] : memref<160x125xi32, #tpu.memory_space<vmem>> -> memref<1x125xi32, #tpu.memory_space<vmem>>
        %dma_start3A_369 = tpu.memref_squeeze %dma_start3A_368 : memref<1x125xi32, #tpu.memory_space<vmem>> -> memref<125xi32, #tpu.memory_space<vmem>>
        %dma_start3A_370 = arith.constant 0 : i32
        %dma_start3A_371 = arith.constant 0 : i32
        %dma_start3A_372 = tpu.memref_slice %arg2[%arg0, %dma_start3A_370, %dma_start3A_371] : memref<2x10000x64xbf16, #tpu.memory_space<hbm>> -> memref<1x10000x64xbf16, #tpu.memory_space<hbm>>
        %dma_start3A_373 = tpu.memref_squeeze %dma_start3A_372 : memref<1x10000x64xbf16, #tpu.memory_space<hbm>> -> memref<10000x64xbf16, #tpu.memory_space<hbm>>
        %dma_start3A_374 = arith.constant 0 : i32
        %dma_start3A_375 = arith.constant 0 : i32
        %dma_start3A_376 = tpu.memref_slice %dma_start3A_373[%dma_start3A_374, %dma_start3A_375] : memref<10000x64xbf16, #tpu.memory_space<hbm>> -> memref<10000x64xbf16, #tpu.memory_space<hbm>>
        tpu.enqueue_indirect_dma source(%dma_start3A_376 : memref<10000x64xbf16, #tpu.memory_space<hbm>>) target(%dma_start3A_366 : memref<125x64xbf16, #tpu.memory_space<vmem>>) offsets(%dma_start3A_369 : memref<125xi32, #tpu.memory_space<vmem>>) semaphore(%arg9 : memref<!tpu.dma_semaphore, #tpu.memory_space<semaphore_mem>>)
      } else {
      }
      %add3A_266 = arith.constant 3 : i32
      %add3A_267 = arith.addi %mul3A_152, %add3A_266 : i32
      %dma_wait3A_268 = arith.constant 3 : i32
      %dma_wait3A_269 = arith.constant 0 : i32
      %dma_wait3A_270 = arith.constant 0 : i32
      %dma_wait3A_271 = tpu.memref_slice %arg8[%dma_wait3A_268, %dma_wait3A_269, %dma_wait3A_270] : memref<5x125x64xbf16, #tpu.memory_space<vmem>> -> memref<1x125x64xbf16, #tpu.memory_space<vmem>>
      %dma_wait3A_272 = tpu.memref_squeeze %dma_wait3A_271 : memref<1x125x64xbf16, #tpu.memory_space<vmem>> -> memref<125x64xbf16, #tpu.memory_space<vmem>>
      %dma_wait3A_273 = arith.constant 0 : i32
      %dma_wait3A_274 = tpu.memref_slice %arg6[%add3A_267, %dma_wait3A_273] : memref<160x125xi32, #tpu.memory_space<vmem>> -> memref<1x125xi32, #tpu.memory_space<vmem>>
      %dma_wait3A_275 = tpu.memref_squeeze %dma_wait3A_274 : memref<1x125xi32, #tpu.memory_space<vmem>> -> memref<125xi32, #tpu.memory_space<vmem>>
      %dma_wait3A_276 = arith.constant 0 : i32
      %dma_wait3A_277 = arith.constant 0 : i32
      %dma_wait3A_278 = tpu.memref_slice %arg2[%arg0, %dma_wait3A_276, %dma_wait3A_277] : memref<2x10000x64xbf16, #tpu.memory_space<hbm>> -> memref<1x10000x64xbf16, #tpu.memory_space<hbm>>
      %dma_wait3A_279 = tpu.memref_squeeze %dma_wait3A_278 : memref<1x10000x64xbf16, #tpu.memory_space<hbm>> -> memref<10000x64xbf16, #tpu.memory_space<hbm>>
      %dma_wait3A_280 = arith.constant 0 : i32
      %dma_wait3A_281 = arith.constant 0 : i32
      %dma_wait3A_282 = tpu.memref_slice %dma_wait3A_279[%dma_wait3A_280, %dma_wait3A_281] : memref<10000x64xbf16, #tpu.memory_space<hbm>> -> memref<10000x64xbf16, #tpu.memory_space<hbm>>
      tpu.wait_indirect_dma semaphore(%arg12 : memref<!tpu.dma_semaphore, #tpu.memory_space<semaphore_mem>>) src(%dma_wait3A_282 : memref<10000x64xbf16, #tpu.memory_space<hbm>>) dst(%dma_wait3A_272 : memref<125x64xbf16, #tpu.memory_space<vmem>>)
      %dma_start3A_283 = arith.constant 3 : i32
      %dma_start3A_284 = arith.constant 0 : i32
      %dma_start3A_285 = arith.constant 0 : i32
      %dma_start3A_286 = tpu.memref_slice %arg8[%dma_start3A_283, %dma_start3A_284, %dma_start3A_285] : memref<5x125x64xbf16, #tpu.memory_space<vmem>> -> memref<1x125x64xbf16, #tpu.memory_space<vmem>>
      %dma_start3A_287 = tpu.memref_squeeze %dma_start3A_286 : memref<1x125x64xbf16, #tpu.memory_space<vmem>> -> memref<125x64xbf16, #tpu.memory_space<vmem>>
      %dma_start3A_288 = arith.constant 0 : i32
      %dma_start3A_289 = tpu.memref_slice %arg7[%add3A_267, %dma_start3A_288] : memref<160x125xi32, #tpu.memory_space<vmem>> -> memref<1x125xi32, #tpu.memory_space<vmem>>
      %dma_start3A_290 = tpu.memref_squeeze %dma_start3A_289 : memref<1x125xi32, #tpu.memory_space<vmem>> -> memref<125xi32, #tpu.memory_space<vmem>>
      %dma_start3A_291 = arith.constant 0 : i32
      %dma_start3A_292 = arith.constant 0 : i32
      %dma_start3A_293 = tpu.memref_slice %arg19[%dma_start3A_291, %dma_start3A_292] : memref<10000x64xbf16, #tpu.memory_space<vmem_shared>> -> memref<10000x64xbf16, #tpu.memory_space<vmem_shared>>
      tpu.enqueue_indirect_dma source(%dma_start3A_287 : memref<125x64xbf16, #tpu.memory_space<vmem>>) target(%dma_start3A_293 : memref<10000x64xbf16, #tpu.memory_space<vmem_shared>>) offsets(%dma_start3A_290 : memref<125xi32, #tpu.memory_space<vmem>>) semaphore(%arg17 : memref<!tpu.dma_semaphore, #tpu.memory_space<semaphore_mem>>) {add = true}
      %ge3A_294 = arith.constant 2 : i32
      %ge3A_295 = arith.cmpi sge, %add3A_267, %ge3A_294 : i32
      %sub3A_296 = arith.constant 2 : i32
      %sub3A_297 = arith.subi %add3A_267, %sub3A_296 : i32
      %add3A_298 = arith.constant 5 : i32
      %add3A_299 = arith.addi %sub3A_297, %add3A_298 : i32
      %lt3A_300 = arith.constant 160 : i32
      %lt3A_301 = arith.cmpi slt, %add3A_299, %lt3A_300 : i32
      %and3A_302 = arith.andi %ge3A_295, %lt3A_301 : i1
      %convert_element_type3A_303 = arith.extui %and3A_302 : i1 to i32
      %cond3A_304 = arith.constant 0 : i32
      %cond3A_305 = arith.cmpi ne, %convert_element_type3A_303, %cond3A_304 : i32
      scf.if %cond3A_305 {
        %dma_wait3A_346 = arith.constant 1 : i32
        %dma_wait3A_347 = arith.constant 0 : i32
        %dma_wait3A_348 = arith.constant 0 : i32
        %dma_wait3A_349 = arith.constant 0 : i32
        %dma_wait3A_350 = tpu.memref_slice %arg8[%dma_wait3A_346, %dma_wait3A_348, %dma_wait3A_349] : memref<5x125x64xbf16, #tpu.memory_space<vmem>> -> memref<1x125x64xbf16, #tpu.memory_space<vmem>>
        %dma_wait3A_351 = tpu.memref_squeeze %dma_wait3A_350 : memref<1x125x64xbf16, #tpu.memory_space<vmem>> -> memref<125x64xbf16, #tpu.memory_space<vmem>>
        %dma_wait3A_352 = arith.constant 0 : i32
        %dma_wait3A_353 = tpu.memref_slice %arg7[%dma_wait3A_347, %dma_wait3A_352] : memref<160x125xi32, #tpu.memory_space<vmem>> -> memref<1x125xi32, #tpu.memory_space<vmem>>
        %dma_wait3A_354 = tpu.memref_squeeze %dma_wait3A_353 : memref<1x125xi32, #tpu.memory_space<vmem>> -> memref<125xi32, #tpu.memory_space<vmem>>
        %dma_wait3A_355 = arith.constant 0 : i32
        %dma_wait3A_356 = arith.constant 0 : i32
        %dma_wait3A_357 = tpu.memref_slice %arg19[%dma_wait3A_355, %dma_wait3A_356] : memref<10000x64xbf16, #tpu.memory_space<vmem_shared>> -> memref<10000x64xbf16, #tpu.memory_space<vmem_shared>>
        tpu.wait_indirect_dma semaphore(%arg15 : memref<!tpu.dma_semaphore, #tpu.memory_space<semaphore_mem>>) src(%dma_wait3A_351 : memref<125x64xbf16, #tpu.memory_space<vmem>>) dst(%dma_wait3A_357 : memref<10000x64xbf16, #tpu.memory_space<vmem_shared>>)
        %sub3A_358 = arith.constant 2 : i32
        %sub3A_359 = arith.subi %add3A_267, %sub3A_358 : i32
        %add3A_360 = arith.constant 5 : i32
        %add3A_361 = arith.addi %sub3A_359, %add3A_360 : i32
        %dma_start3A_362 = arith.constant 1 : i32
        %dma_start3A_363 = arith.constant 0 : i32
        %dma_start3A_364 = arith.constant 0 : i32
        %dma_start3A_365 = tpu.memref_slice %arg8[%dma_start3A_362, %dma_start3A_363, %dma_start3A_364] : memref<5x125x64xbf16, #tpu.memory_space<vmem>> -> memref<1x125x64xbf16, #tpu.memory_space<vmem>>
        %dma_start3A_366 = tpu.memref_squeeze %dma_start3A_365 : memref<1x125x64xbf16, #tpu.memory_space<vmem>> -> memref<125x64xbf16, #tpu.memory_space<vmem>>
        %dma_start3A_367 = arith.constant 0 : i32
        %dma_start3A_368 = tpu.memref_slice %arg6[%add3A_361, %dma_start3A_367] : memref<160x125xi32, #tpu.memory_space<vmem>> -> memref<1x125xi32, #tpu.memory_space<vmem>>
        %dma_start3A_369 = tpu.memref_squeeze %dma_start3A_368 : memref<1x125xi32, #tpu.memory_space<vmem>> -> memref<125xi32, #tpu.memory_space<vmem>>
        %dma_start3A_370 = arith.constant 0 : i32
        %dma_start3A_371 = arith.constant 0 : i32
        %dma_start3A_372 = tpu.memref_slice %arg2[%arg0, %dma_start3A_370, %dma_start3A_371] : memref<2x10000x64xbf16, #tpu.memory_space<hbm>> -> memref<1x10000x64xbf16, #tpu.memory_space<hbm>>
        %dma_start3A_373 = tpu.memref_squeeze %dma_start3A_372 : memref<1x10000x64xbf16, #tpu.memory_space<hbm>> -> memref<10000x64xbf16, #tpu.memory_space<hbm>>
        %dma_start3A_374 = arith.constant 0 : i32
        %dma_start3A_375 = arith.constant 0 : i32
        %dma_start3A_376 = tpu.memref_slice %dma_start3A_373[%dma_start3A_374, %dma_start3A_375] : memref<10000x64xbf16, #tpu.memory_space<hbm>> -> memref<10000x64xbf16, #tpu.memory_space<hbm>>
        tpu.enqueue_indirect_dma source(%dma_start3A_376 : memref<10000x64xbf16, #tpu.memory_space<hbm>>) target(%dma_start3A_366 : memref<125x64xbf16, #tpu.memory_space<vmem>>) offsets(%dma_start3A_369 : memref<125xi32, #tpu.memory_space<vmem>>) semaphore(%arg10 : memref<!tpu.dma_semaphore, #tpu.memory_space<semaphore_mem>>)
      } else {
      }
      %add3A_306 = arith.constant 4 : i32
      %add3A_307 = arith.addi %mul3A_152, %add3A_306 : i32
      %dma_wait3A_308 = arith.constant 4 : i32
      %dma_wait3A_309 = arith.constant 0 : i32
      %dma_wait3A_310 = arith.constant 0 : i32
      %dma_wait3A_311 = tpu.memref_slice %arg8[%dma_wait3A_308, %dma_wait3A_309, %dma_wait3A_310] : memref<5x125x64xbf16, #tpu.memory_space<vmem>> -> memref<1x125x64xbf16, #tpu.memory_space<vmem>>
      %dma_wait3A_312 = tpu.memref_squeeze %dma_wait3A_311 : memref<1x125x64xbf16, #tpu.memory_space<vmem>> -> memref<125x64xbf16, #tpu.memory_space<vmem>>
      %dma_wait3A_313 = arith.constant 0 : i32
      %dma_wait3A_314 = tpu.memref_slice %arg6[%add3A_307, %dma_wait3A_313] : memref<160x125xi32, #tpu.memory_space<vmem>> -> memref<1x125xi32, #tpu.memory_space<vmem>>
      %dma_wait3A_315 = tpu.memref_squeeze %dma_wait3A_314 : memref<1x125xi32, #tpu.memory_space<vmem>> -> memref<125xi32, #tpu.memory_space<vmem>>
      %dma_wait3A_316 = arith.constant 0 : i32
      %dma_wait3A_317 = arith.constant 0 : i32
      %dma_wait3A_318 = tpu.memref_slice %arg2[%arg0, %dma_wait3A_316, %dma_wait3A_317] : memref<2x10000x64xbf16, #tpu.memory_space<hbm>> -> memref<1x10000x64xbf16, #tpu.memory_space<hbm>>
      %dma_wait3A_319 = tpu.memref_squeeze %dma_wait3A_318 : memref<1x10000x64xbf16, #tpu.memory_space<hbm>> -> memref<10000x64xbf16, #tpu.memory_space<hbm>>
      %dma_wait3A_320 = arith.constant 0 : i32
      %dma_wait3A_321 = arith.constant 0 : i32
      %dma_wait3A_322 = tpu.memref_slice %dma_wait3A_319[%dma_wait3A_320, %dma_wait3A_321] : memref<10000x64xbf16, #tpu.memory_space<hbm>> -> memref<10000x64xbf16, #tpu.memory_space<hbm>>
      tpu.wait_indirect_dma semaphore(%arg13 : memref<!tpu.dma_semaphore, #tpu.memory_space<semaphore_mem>>) src(%dma_wait3A_322 : memref<10000x64xbf16, #tpu.memory_space<hbm>>) dst(%dma_wait3A_312 : memref<125x64xbf16, #tpu.memory_space<vmem>>)
      %dma_start3A_323 = arith.constant 4 : i32
      %dma_start3A_324 = arith.constant 0 : i32
      %dma_start3A_325 = arith.constant 0 : i32
      %dma_start3A_326 = tpu.memref_slice %arg8[%dma_start3A_323, %dma_start3A_324, %dma_start3A_325] : memref<5x125x64xbf16, #tpu.memory_space<vmem>> -> memref<1x125x64xbf16, #tpu.memory_space<vmem>>
      %dma_start3A_327 = tpu.memref_squeeze %dma_start3A_326 : memref<1x125x64xbf16, #tpu.memory_space<vmem>> -> memref<125x64xbf16, #tpu.memory_space<vmem>>
      %dma_start3A_328 = arith.constant 0 : i32
      %dma_start3A_329 = tpu.memref_slice %arg7[%add3A_307, %dma_start3A_328] : memref<160x125xi32, #tpu.memory_space<vmem>> -> memref<1x125xi32, #tpu.memory_space<vmem>>
      %dma_start3A_330 = tpu.memref_squeeze %dma_start3A_329 : memref<1x125xi32, #tpu.memory_space<vmem>> -> memref<125xi32, #tpu.memory_space<vmem>>
      %dma_start3A_331 = arith.constant 0 : i32
      %dma_start3A_332 = arith.constant 0 : i32
      %dma_start3A_333 = tpu.memref_slice %arg19[%dma_start3A_331, %dma_start3A_332] : memref<10000x64xbf16, #tpu.memory_space<vmem_shared>> -> memref<10000x64xbf16, #tpu.memory_space<vmem_shared>>
      tpu.enqueue_indirect_dma source(%dma_start3A_327 : memref<125x64xbf16, #tpu.memory_space<vmem>>) target(%dma_start3A_333 : memref<10000x64xbf16, #tpu.memory_space<vmem_shared>>) offsets(%dma_start3A_330 : memref<125xi32, #tpu.memory_space<vmem>>) semaphore(%arg18 : memref<!tpu.dma_semaphore, #tpu.memory_space<semaphore_mem>>) {add = true}
      %ge3A_334 = arith.constant 2 : i32
      %ge3A_335 = arith.cmpi sge, %add3A_307, %ge3A_334 : i32
      %sub3A_336 = arith.constant 2 : i32
      %sub3A_337 = arith.subi %add3A_307, %sub3A_336 : i32
      %add3A_338 = arith.constant 5 : i32
      %add3A_339 = arith.addi %sub3A_337, %add3A_338 : i32
      %lt3A_340 = arith.constant 160 : i32
      %lt3A_341 = arith.cmpi slt, %add3A_339, %lt3A_340 : i32
      %and3A_342 = arith.andi %ge3A_335, %lt3A_341 : i1
      %convert_element_type3A_343 = arith.extui %and3A_342 : i1 to i32
      %cond3A_344 = arith.constant 0 : i32
      %cond3A_345 = arith.cmpi ne, %convert_element_type3A_343, %cond3A_344 : i32
      scf.if %cond3A_345 {
        %dma_wait3A_346 = arith.constant 2 : i32
        %dma_wait3A_347 = arith.constant 0 : i32
        %dma_wait3A_348 = arith.constant 0 : i32
        %dma_wait3A_349 = arith.constant 0 : i32
        %dma_wait3A_350 = tpu.memref_slice %arg8[%dma_wait3A_346, %dma_wait3A_348, %dma_wait3A_349] : memref<5x125x64xbf16, #tpu.memory_space<vmem>> -> memref<1x125x64xbf16, #tpu.memory_space<vmem>>
        %dma_wait3A_351 = tpu.memref_squeeze %dma_wait3A_350 : memref<1x125x64xbf16, #tpu.memory_space<vmem>> -> memref<125x64xbf16, #tpu.memory_space<vmem>>
        %dma_wait3A_352 = arith.constant 0 : i32
        %dma_wait3A_353 = tpu.memref_slice %arg7[%dma_wait3A_347, %dma_wait3A_352] : memref<160x125xi32, #tpu.memory_space<vmem>> -> memref<1x125xi32, #tpu.memory_space<vmem>>
        %dma_wait3A_354 = tpu.memref_squeeze %dma_wait3A_353 : memref<1x125xi32, #tpu.memory_space<vmem>> -> memref<125xi32, #tpu.memory_space<vmem>>
        %dma_wait3A_355 = arith.constant 0 : i32
        %dma_wait3A_356 = arith.constant 0 : i32
        %dma_wait3A_357 = tpu.memref_slice %arg19[%dma_wait3A_355, %dma_wait3A_356] : memref<10000x64xbf16, #tpu.memory_space<vmem_shared>> -> memref<10000x64xbf16, #tpu.memory_space<vmem_shared>>
        tpu.wait_indirect_dma semaphore(%arg16 : memref<!tpu.dma_semaphore, #tpu.memory_space<semaphore_mem>>) src(%dma_wait3A_351 : memref<125x64xbf16, #tpu.memory_space<vmem>>) dst(%dma_wait3A_357 : memref<10000x64xbf16, #tpu.memory_space<vmem_shared>>)
        %sub3A_358 = arith.constant 2 : i32
        %sub3A_359 = arith.subi %add3A_307, %sub3A_358 : i32
        %add3A_360 = arith.constant 5 : i32
        %add3A_361 = arith.addi %sub3A_359, %add3A_360 : i32
        %dma_start3A_362 = arith.constant 2 : i32
        %dma_start3A_363 = arith.constant 0 : i32
        %dma_start3A_364 = arith.constant 0 : i32
        %dma_start3A_365 = tpu.memref_slice %arg8[%dma_start3A_362, %dma_start3A_363, %dma_start3A_364] : memref<5x125x64xbf16, #tpu.memory_space<vmem>> -> memref<1x125x64xbf16, #tpu.memory_space<vmem>>
        %dma_start3A_366 = tpu.memref_squeeze %dma_start3A_365 : memref<1x125x64xbf16, #tpu.memory_space<vmem>> -> memref<125x64xbf16, #tpu.memory_space<vmem>>
        %dma_start3A_367 = arith.constant 0 : i32
        %dma_start3A_368 = tpu.memref_slice %arg6[%add3A_361, %dma_start3A_367] : memref<160x125xi32, #tpu.memory_space<vmem>> -> memref<1x125xi32, #tpu.memory_space<vmem>>
        %dma_start3A_369 = tpu.memref_squeeze %dma_start3A_368 : memref<1x125xi32, #tpu.memory_space<vmem>> -> memref<125xi32, #tpu.memory_space<vmem>>
        %dma_start3A_370 = arith.constant 0 : i32
        %dma_start3A_371 = arith.constant 0 : i32
        %dma_start3A_372 = tpu.memref_slice %arg2[%arg0, %dma_start3A_370, %dma_start3A_371] : memref<2x10000x64xbf16, #tpu.memory_space<hbm>> -> memref<1x10000x64xbf16, #tpu.memory_space<hbm>>
        %dma_start3A_373 = tpu.memref_squeeze %dma_start3A_372 : memref<1x10000x64xbf16, #tpu.memory_space<hbm>> -> memref<10000x64xbf16, #tpu.memory_space<hbm>>
        %dma_start3A_374 = arith.constant 0 : i32
        %dma_start3A_375 = arith.constant 0 : i32
        %dma_start3A_376 = tpu.memref_slice %dma_start3A_373[%dma_start3A_374, %dma_start3A_375] : memref<10000x64xbf16, #tpu.memory_space<hbm>> -> memref<10000x64xbf16, #tpu.memory_space<hbm>>
        tpu.enqueue_indirect_dma source(%dma_start3A_376 : memref<10000x64xbf16, #tpu.memory_space<hbm>>) target(%dma_start3A_366 : memref<125x64xbf16, #tpu.memory_space<vmem>>) offsets(%dma_start3A_369 : memref<125xi32, #tpu.memory_space<vmem>>) semaphore(%arg11 : memref<!tpu.dma_semaphore, #tpu.memory_space<semaphore_mem>>)
      } else {
      }
    }
    %scan3A_85 = arith.constant 32 : i32
    %dma_wait3A = arith.constant 0 : i32
    %dma_wait3A_86 = arith.constant 0 : i32
    %dma_wait3A_87 = arith.constant 0 : i32
    %dma_wait3A_88 = arith.constant 0 : i32
    %dma_wait3A_89 = tpu.memref_slice %arg8[%dma_wait3A, %dma_wait3A_87, %dma_wait3A_88] : memref<5x125x64xbf16, #tpu.memory_space<vmem>> -> memref<1x125x64xbf16, #tpu.memory_space<vmem>>
    %dma_wait3A_90 = tpu.memref_squeeze %dma_wait3A_89 : memref<1x125x64xbf16, #tpu.memory_space<vmem>> -> memref<125x64xbf16, #tpu.memory_space<vmem>>
    %dma_wait3A_91 = arith.constant 0 : i32
    %dma_wait3A_92 = tpu.memref_slice %arg7[%dma_wait3A_86, %dma_wait3A_91] : memref<160x125xi32, #tpu.memory_space<vmem>> -> memref<1x125xi32, #tpu.memory_space<vmem>>
    %dma_wait3A_93 = tpu.memref_squeeze %dma_wait3A_92 : memref<1x125xi32, #tpu.memory_space<vmem>> -> memref<125xi32, #tpu.memory_space<vmem>>
    %dma_wait3A_94 = arith.constant 0 : i32
    %dma_wait3A_95 = arith.constant 0 : i32
    %dma_wait3A_96 = tpu.memref_slice %arg19[%dma_wait3A_94, %dma_wait3A_95] : memref<10000x64xbf16, #tpu.memory_space<vmem_shared>> -> memref<10000x64xbf16, #tpu.memory_space<vmem_shared>>
    tpu.wait_indirect_dma semaphore(%arg14 : memref<!tpu.dma_semaphore, #tpu.memory_space<semaphore_mem>>) src(%dma_wait3A_90 : memref<125x64xbf16, #tpu.memory_space<vmem>>) dst(%dma_wait3A_96 : memref<10000x64xbf16, #tpu.memory_space<vmem_shared>>)
    %dma_wait3A_97 = arith.constant 1 : i32
    %dma_wait3A_98 = arith.constant 0 : i32
    %dma_wait3A_99 = arith.constant 0 : i32
    %dma_wait3A_100 = arith.constant 0 : i32
    %dma_wait3A_101 = tpu.memref_slice %arg8[%dma_wait3A_97, %dma_wait3A_99, %dma_wait3A_100] : memref<5x125x64xbf16, #tpu.memory_space<vmem>> -> memref<1x125x64xbf16, #tpu.memory_space<vmem>>
    %dma_wait3A_102 = tpu.memref_squeeze %dma_wait3A_101 : memref<1x125x64xbf16, #tpu.memory_space<vmem>> -> memref<125x64xbf16, #tpu.memory_space<vmem>>
    %dma_wait3A_103 = arith.constant 0 : i32
    %dma_wait3A_104 = tpu.memref_slice %arg7[%dma_wait3A_98, %dma_wait3A_103] : memref<160x125xi32, #tpu.memory_space<vmem>> -> memref<1x125xi32, #tpu.memory_space<vmem>>
    %dma_wait3A_105 = tpu.memref_squeeze %dma_wait3A_104 : memref<1x125xi32, #tpu.memory_space<vmem>> -> memref<125xi32, #tpu.memory_space<vmem>>
    %dma_wait3A_106 = arith.constant 0 : i32
    %dma_wait3A_107 = arith.constant 0 : i32
    %dma_wait3A_108 = tpu.memref_slice %arg19[%dma_wait3A_106, %dma_wait3A_107] : memref<10000x64xbf16, #tpu.memory_space<vmem_shared>> -> memref<10000x64xbf16, #tpu.memory_space<vmem_shared>>
    tpu.wait_indirect_dma semaphore(%arg15 : memref<!tpu.dma_semaphore, #tpu.memory_space<semaphore_mem>>) src(%dma_wait3A_102 : memref<125x64xbf16, #tpu.memory_space<vmem>>) dst(%dma_wait3A_108 : memref<10000x64xbf16, #tpu.memory_space<vmem_shared>>)
    %dma_wait3A_109 = arith.constant 2 : i32
    %dma_wait3A_110 = arith.constant 0 : i32
    %dma_wait3A_111 = arith.constant 0 : i32
    %dma_wait3A_112 = arith.constant 0 : i32
    %dma_wait3A_113 = tpu.memref_slice %arg8[%dma_wait3A_109, %dma_wait3A_111, %dma_wait3A_112] : memref<5x125x64xbf16, #tpu.memory_space<vmem>> -> memref<1x125x64xbf16, #tpu.memory_space<vmem>>
    %dma_wait3A_114 = tpu.memref_squeeze %dma_wait3A_113 : memref<1x125x64xbf16, #tpu.memory_space<vmem>> -> memref<125x64xbf16, #tpu.memory_space<vmem>>
    %dma_wait3A_115 = arith.constant 0 : i32
    %dma_wait3A_116 = tpu.memref_slice %arg7[%dma_wait3A_110, %dma_wait3A_115] : memref<160x125xi32, #tpu.memory_space<vmem>> -> memref<1x125xi32, #tpu.memory_space<vmem>>
    %dma_wait3A_117 = tpu.memref_squeeze %dma_wait3A_116 : memref<1x125xi32, #tpu.memory_space<vmem>> -> memref<125xi32, #tpu.memory_space<vmem>>
    %dma_wait3A_118 = arith.constant 0 : i32
    %dma_wait3A_119 = arith.constant 0 : i32
    %dma_wait3A_120 = tpu.memref_slice %arg19[%dma_wait3A_118, %dma_wait3A_119] : memref<10000x64xbf16, #tpu.memory_space<vmem_shared>> -> memref<10000x64xbf16, #tpu.memory_space<vmem_shared>>
    tpu.wait_indirect_dma semaphore(%arg16 : memref<!tpu.dma_semaphore, #tpu.memory_space<semaphore_mem>>) src(%dma_wait3A_114 : memref<125x64xbf16, #tpu.memory_space<vmem>>) dst(%dma_wait3A_120 : memref<10000x64xbf16, #tpu.memory_space<vmem_shared>>)
    %dma_wait3A_121 = arith.constant 3 : i32
    %dma_wait3A_122 = arith.constant 0 : i32
    %dma_wait3A_123 = arith.constant 0 : i32
    %dma_wait3A_124 = arith.constant 0 : i32
    %dma_wait3A_125 = tpu.memref_slice %arg8[%dma_wait3A_121, %dma_wait3A_123, %dma_wait3A_124] : memref<5x125x64xbf16, #tpu.memory_space<vmem>> -> memref<1x125x64xbf16, #tpu.memory_space<vmem>>
    %dma_wait3A_126 = tpu.memref_squeeze %dma_wait3A_125 : memref<1x125x64xbf16, #tpu.memory_space<vmem>> -> memref<125x64xbf16, #tpu.memory_space<vmem>>
    %dma_wait3A_127 = arith.constant 0 : i32
    %dma_wait3A_128 = tpu.memref_slice %arg7[%dma_wait3A_122, %dma_wait3A_127] : memref<160x125xi32, #tpu.memory_space<vmem>> -> memref<1x125xi32, #tpu.memory_space<vmem>>
    %dma_wait3A_129 = tpu.memref_squeeze %dma_wait3A_128 : memref<1x125xi32, #tpu.memory_space<vmem>> -> memref<125xi32, #tpu.memory_space<vmem>>
    %dma_wait3A_130 = arith.constant 0 : i32
    %dma_wait3A_131 = arith.constant 0 : i32
    %dma_wait3A_132 = tpu.memref_slice %arg19[%dma_wait3A_130, %dma_wait3A_131] : memref<10000x64xbf16, #tpu.memory_space<vmem_shared>> -> memref<10000x64xbf16, #tpu.memory_space<vmem_shared>>
    tpu.wait_indirect_dma semaphore(%arg17 : memref<!tpu.dma_semaphore, #tpu.memory_space<semaphore_mem>>) src(%dma_wait3A_126 : memref<125x64xbf16, #tpu.memory_space<vmem>>) dst(%dma_wait3A_132 : memref<10000x64xbf16, #tpu.memory_space<vmem_shared>>)
    %dma_wait3A_133 = arith.constant 4 : i32
    %dma_wait3A_134 = arith.constant 0 : i32
    %dma_wait3A_135 = arith.constant 0 : i32
    %dma_wait3A_136 = arith.constant 0 : i32
    %dma_wait3A_137 = tpu.memref_slice %arg8[%dma_wait3A_133, %dma_wait3A_135, %dma_wait3A_136] : memref<5x125x64xbf16, #tpu.memory_space<vmem>> -> memref<1x125x64xbf16, #tpu.memory_space<vmem>>
    %dma_wait3A_138 = tpu.memref_squeeze %dma_wait3A_137 : memref<1x125x64xbf16, #tpu.memory_space<vmem>> -> memref<125x64xbf16, #tpu.memory_space<vmem>>
    %dma_wait3A_139 = arith.constant 0 : i32
    %dma_wait3A_140 = tpu.memref_slice %arg7[%dma_wait3A_134, %dma_wait3A_139] : memref<160x125xi32, #tpu.memory_space<vmem>> -> memref<1x125xi32, #tpu.memory_space<vmem>>
    %dma_wait3A_141 = tpu.memref_squeeze %dma_wait3A_140 : memref<1x125xi32, #tpu.memory_space<vmem>> -> memref<125xi32, #tpu.memory_space<vmem>>
    %dma_wait3A_142 = arith.constant 0 : i32
    %dma_wait3A_143 = arith.constant 0 : i32
    %dma_wait3A_144 = tpu.memref_slice %arg19[%dma_wait3A_142, %dma_wait3A_143] : memref<10000x64xbf16, #tpu.memory_space<vmem_shared>> -> memref<10000x64xbf16, #tpu.memory_space<vmem_shared>>
    tpu.wait_indirect_dma semaphore(%arg18 : memref<!tpu.dma_semaphore, #tpu.memory_space<semaphore_mem>>) src(%dma_wait3A_138 : memref<125x64xbf16, #tpu.memory_space<vmem>>) dst(%dma_wait3A_144 : memref<10000x64xbf16, #tpu.memory_space<vmem_shared>>)
    %barrier3A_145 = arith.constant 0 : index
    tpu.barrier barrier_id(%barrier3A_145)
    %mul3A_146 = arith.constant 625 : i32
    %mul3A_147 = arith.muli %arg1, %mul3A_146 : i32
    %mul3A_148 = arith.constant 625 : i32
    %mul3A_149 = arith.muli %arg1, %mul3A_148 : i32
    "tpu.region"() ({
      %run_scoped3A_150 = tpu.sem_alloc : memref<!tpu.dma_semaphore, #tpu.memory_space<semaphore_mem>>
      %dma_start3A_151 = arith.constant 0 : i32
      %dma_start3A_152 = tpu.memref_slice %arg5[%arg0, %mul3A_149, %dma_start3A_151] : memref<2x10000x64xbf16, #tpu.memory_space<hbm>> -> memref<1x625x64xbf16, #tpu.memory_space<hbm>>
      %dma_start3A_153 = tpu.memref_squeeze %dma_start3A_152 : memref<1x625x64xbf16, #tpu.memory_space<hbm>> -> memref<625x64xbf16, #tpu.memory_space<hbm>>
      %dma_start3A_154 = arith.constant 0 : i32
      %dma_start3A_155 = tpu.memref_slice %arg19[%mul3A_147, %dma_start3A_154] : memref<10000x64xbf16, #tpu.memory_space<vmem_shared>> -> memref<625x64xbf16, #tpu.memory_space<vmem_shared>>
      tpu.enqueue_dma source(%dma_start3A_155 : memref<625x64xbf16, #tpu.memory_space<vmem_shared>>) target(%dma_start3A_153 : memref<625x64xbf16, #tpu.memory_space<hbm>>) target_semaphore(%run_scoped3A_150 : memref<!tpu.dma_semaphore, #tpu.memory_space<semaphore_mem>>)
      %dma_wait3A_156 = arith.constant 0 : i32
      %dma_wait3A_157 = tpu.memref_slice %arg5[%arg0, %mul3A_149, %dma_wait3A_156] : memref<2x10000x64xbf16, #tpu.memory_space<hbm>> -> memref<1x625x64xbf16, #tpu.memory_space<hbm>>
      %dma_wait3A_158 = tpu.memref_squeeze %dma_wait3A_157 : memref<1x625x64xbf16, #tpu.memory_space<hbm>> -> memref<625x64xbf16, #tpu.memory_space<hbm>>
      %dma_wait3A_159 = arith.constant 0 : i32
      %dma_wait3A_160 = tpu.memref_slice %arg19[%mul3A_147, %dma_wait3A_159] : memref<10000x64xbf16, #tpu.memory_space<vmem_shared>> -> memref<625x64xbf16, #tpu.memory_space<vmem_shared>>
      tpu.wait_dma2 semaphore(%run_scoped3A_150 : memref<!tpu.dma_semaphore, #tpu.memory_space<semaphore_mem>>) src(%dma_wait3A_160 : memref<625x64xbf16, #tpu.memory_space<vmem_shared>>) dst(%dma_wait3A_158 : memref<625x64xbf16, #tpu.memory_space<hbm>>)
      tpu.yield
    }) : () -> ()
    return
  }
}

#map = affine_map<(d0, d1) -> (0, 0, 0)>
#map1 = affine_map<(d0, d1) -> (0, 0, 0, 0)>
#map2 = affine_map<(d0, d1) -> (0, 0)>
module attributes {stable_mosaic.version = 14 : i64} {
  func.func @_agg_body(%arg0: i32, %arg1: i32, %arg2: memref<2x10000x64xbf16, #tpu.memory_space<hbm>>, %arg3: memref<2x16x160x125xi32, #tpu.memory_space<hbm>>, %arg4: memref<625x64xbf16, #tpu.memory_space<hbm>>, %arg5: memref<2x10000x64xbf16, #tpu.memory_space<hbm>>, %arg6: memref<160x125xi32, #tpu.memory_space<vmem>>, %arg7: memref<160x125xi32, #tpu.memory_space<vmem>>, %arg8: memref<5x125x64xbf16, #tpu.memory_space<vmem>>, %arg9: memref<!tpu.dma_semaphore, #tpu.memory_space<semaphore_mem>>, %arg10: memref<!tpu.dma_semaphore, #tpu.memory_space<semaphore_mem>>, %arg11: memref<!tpu.dma_semaphore, #tpu.memory_space<semaphore_mem>>, %arg12: memref<!tpu.dma_semaphore, #tpu.memory_space<semaphore_mem>>, %arg13: memref<!tpu.dma_semaphore, #tpu.memory_space<semaphore_mem>>, %arg14: memref<!tpu.dma_semaphore, #tpu.memory_space<semaphore_mem>>, %arg15: memref<!tpu.dma_semaphore, #tpu.memory_space<semaphore_mem>>, %arg16: memref<!tpu.dma_semaphore, #tpu.memory_space<semaphore_mem>>, %arg17: memref<!tpu.dma_semaphore, #tpu.memory_space<semaphore_mem>>, %arg18: memref<!tpu.dma_semaphore, #tpu.memory_space<semaphore_mem>>, %arg19: memref<10000x64xbf16, #tpu.memory_space<vmem_shared>>) attributes {dimension_semantics = [#tpu.dimension_semantics<core_parallel>, #tpu.dimension_semantics<subcore_parallel>], iteration_bounds = array<i64: 2, 16>, scalar_prefetch = 0 : i64, scratch_operands = 14 : i64, tpu.core_type = #tpu.core_type<sc_vector_subcore>, window_params = [{transform_indices = #map}, {transform_indices = #map1}, {transform_indices = #map2}, {transform_indices = #map}]} {
    %run_scoped3A = arith.constant 0 : i32
    "tpu.region"() ({
      %run_scoped3A_150 = tpu.sem_alloc : memref<!tpu.dma_semaphore, #tpu.memory_space<semaphore_mem>>
      %dma_start3A_151 = arith.constant 0 : i32
      %dma_start3A_152 = arith.constant 0 : i32
      %dma_start3A_153 = tpu.memref_slice %arg3[%run_scoped3A, %arg1, %dma_start3A_151, %dma_start3A_152] : memref<2x16x160x125xi32, #tpu.memory_space<hbm>> -> memref<1x1x160x125xi32, #tpu.memory_space<hbm>>
      %dma_start3A_154 = tpu.memref_squeeze %dma_start3A_153 : memref<1x1x160x125xi32, #tpu.memory_space<hbm>> -> memref<160x125xi32, #tpu.memory_space<hbm>>
      %dma_start3A_155 = arith.constant 0 : i32
      %dma_start3A_156 = arith.constant 0 : i32
      %dma_start3A_157 = tpu.memref_slice %arg3[%run_scoped3A, %arg1, %dma_start3A_155, %dma_start3A_156] : memref<2x16x160x125xi32, #tpu.memory_space<hbm>> -> memref<1x1x160x125xi32, #tpu.memory_space<hbm>>
      %dma_start3A_158 = tpu.memref_squeeze %dma_start3A_157 : memref<1x1x160x125xi32, #tpu.memory_space<hbm>> -> memref<160x125xi32, #tpu.memory_space<hbm>>
      tpu.enqueue_dma source(%dma_start3A_158 : memref<160x125xi32, #tpu.memory_space<hbm>>) target(%arg6 : memref<160x125xi32, #tpu.memory_space<vmem>>) target_semaphore(%run_scoped3A_150 : memref<!tpu.dma_semaphore, #tpu.memory_space<semaphore_mem>>)
      %dma_wait3A_159 = arith.constant 0 : i32
      %dma_wait3A_160 = arith.constant 0 : i32
      %dma_wait3A_161 = tpu.memref_slice %arg3[%run_scoped3A, %arg1, %dma_wait3A_159, %dma_wait3A_160] : memref<2x16x160x125xi32, #tpu.memory_space<hbm>> -> memref<1x1x160x125xi32, #tpu.memory_space<hbm>>
      %dma_wait3A_162 = tpu.memref_squeeze %dma_wait3A_161 : memref<1x1x160x125xi32, #tpu.memory_space<hbm>> -> memref<160x125xi32, #tpu.memory_space<hbm>>
      %dma_wait3A_163 = arith.constant 0 : i32
      %dma_wait3A_164 = arith.constant 0 : i32
      %dma_wait3A_165 = tpu.memref_slice %arg3[%run_scoped3A, %arg1, %dma_wait3A_163, %dma_wait3A_164] : memref<2x16x160x125xi32, #tpu.memory_space<hbm>> -> memref<1x1x160x125xi32, #tpu.memory_space<hbm>>
      %dma_wait3A_166 = tpu.memref_squeeze %dma_wait3A_165 : memref<1x1x160x125xi32, #tpu.memory_space<hbm>> -> memref<160x125xi32, #tpu.memory_space<hbm>>
      tpu.wait_dma2 semaphore(%run_scoped3A_150 : memref<!tpu.dma_semaphore, #tpu.memory_space<semaphore_mem>>) src(%dma_wait3A_166 : memref<160x125xi32, #tpu.memory_space<hbm>>) dst(%arg6 : memref<160x125xi32, #tpu.memory_space<vmem>>)
      tpu.yield
    }) : () -> ()
    %run_scoped3A_0 = arith.constant 1 : i32
    "tpu.region"() ({
      %run_scoped3A_150 = tpu.sem_alloc : memref<!tpu.dma_semaphore, #tpu.memory_space<semaphore_mem>>
      %dma_start3A_151 = arith.constant 0 : i32
      %dma_start3A_152 = arith.constant 0 : i32
      %dma_start3A_153 = tpu.memref_slice %arg3[%run_scoped3A_0, %arg1, %dma_start3A_151, %dma_start3A_152] : memref<2x16x160x125xi32, #tpu.memory_space<hbm>> -> memref<1x1x160x125xi32, #tpu.memory_space<hbm>>
      %dma_start3A_154 = tpu.memref_squeeze %dma_start3A_153 : memref<1x1x160x125xi32, #tpu.memory_space<hbm>> -> memref<160x125xi32, #tpu.memory_space<hbm>>
      %dma_start3A_155 = arith.constant 0 : i32
      %dma_start3A_156 = arith.constant 0 : i32
      %dma_start3A_157 = tpu.memref_slice %arg3[%run_scoped3A_0, %arg1, %dma_start3A_155, %dma_start3A_156] : memref<2x16x160x125xi32, #tpu.memory_space<hbm>> -> memref<1x1x160x125xi32, #tpu.memory_space<hbm>>
      %dma_start3A_158 = tpu.memref_squeeze %dma_start3A_157 : memref<1x1x160x125xi32, #tpu.memory_space<hbm>> -> memref<160x125xi32, #tpu.memory_space<hbm>>
      tpu.enqueue_dma source(%dma_start3A_158 : memref<160x125xi32, #tpu.memory_space<hbm>>) target(%arg7 : memref<160x125xi32, #tpu.memory_space<vmem>>) target_semaphore(%run_scoped3A_150 : memref<!tpu.dma_semaphore, #tpu.memory_space<semaphore_mem>>)
      %dma_wait3A_159 = arith.constant 0 : i32
      %dma_wait3A_160 = arith.constant 0 : i32
      %dma_wait3A_161 = tpu.memref_slice %arg3[%run_scoped3A_0, %arg1, %dma_wait3A_159, %dma_wait3A_160] : memref<2x16x160x125xi32, #tpu.memory_space<hbm>> -> memref<1x1x160x125xi32, #tpu.memory_space<hbm>>
      %dma_wait3A_162 = tpu.memref_squeeze %dma_wait3A_161 : memref<1x1x160x125xi32, #tpu.memory_space<hbm>> -> memref<160x125xi32, #tpu.memory_space<hbm>>
      %dma_wait3A_163 = arith.constant 0 : i32
      %dma_wait3A_164 = arith.constant 0 : i32
      %dma_wait3A_165 = tpu.memref_slice %arg3[%run_scoped3A_0, %arg1, %dma_wait3A_163, %dma_wait3A_164] : memref<2x16x160x125xi32, #tpu.memory_space<hbm>> -> memref<1x1x160x125xi32, #tpu.memory_space<hbm>>
      %dma_wait3A_166 = tpu.memref_squeeze %dma_wait3A_165 : memref<1x1x160x125xi32, #tpu.memory_space<hbm>> -> memref<160x125xi32, #tpu.memory_space<hbm>>
      tpu.wait_dma2 semaphore(%run_scoped3A_150 : memref<!tpu.dma_semaphore, #tpu.memory_space<semaphore_mem>>) src(%dma_wait3A_166 : memref<160x125xi32, #tpu.memory_space<hbm>>) dst(%arg7 : memref<160x125xi32, #tpu.memory_space<vmem>>)
      tpu.yield
    }) : () -> ()
    %mul3A = arith.constant 625 : i32
    %mul3A_1 = arith.muli %arg1, %mul3A : i32
    "tpu.region"() ({
      %run_scoped3A_150 = tpu.sem_alloc : memref<!tpu.dma_semaphore, #tpu.memory_space<semaphore_mem>>
      %dma_start3A_151 = arith.constant 0 : i32
      %dma_start3A_152 = tpu.memref_slice %arg19[%mul3A_1, %dma_start3A_151] : memref<10000x64xbf16, #tpu.memory_space<vmem_shared>> -> memref<625x64xbf16, #tpu.memory_space<vmem_shared>>
      tpu.enqueue_dma source(%arg4 : memref<625x64xbf16, #tpu.memory_space<hbm>>) target(%dma_start3A_152 : memref<625x64xbf16, #tpu.memory_space<vmem_shared>>) target_semaphore(%run_scoped3A_150 : memref<!tpu.dma_semaphore, #tpu.memory_space<semaphore_mem>>)
      %dma_wait3A_153 = arith.constant 0 : i32
      %dma_wait3A_154 = tpu.memref_slice %arg19[%mul3A_1, %dma_wait3A_153] : memref<10000x64xbf16, #tpu.memory_space<vmem_shared>> -> memref<625x64xbf16, #tpu.memory_space<vmem_shared>>
      tpu.wait_dma2 semaphore(%run_scoped3A_150 : memref<!tpu.dma_semaphore, #tpu.memory_space<semaphore_mem>>) src(%arg4 : memref<625x64xbf16, #tpu.memory_space<hbm>>) dst(%dma_wait3A_154 : memref<625x64xbf16, #tpu.memory_space<vmem_shared>>)
      tpu.yield
    }) : () -> ()
    %dma_start3A = arith.constant 0 : i32
    %dma_start3A_2 = arith.constant 0 : i32
    %dma_start3A_3 = arith.constant 0 : i32
    %dma_start3A_4 = arith.constant 0 : i32
    %dma_start3A_5 = tpu.memref_slice %arg8[%dma_start3A_2, %dma_start3A_3, %dma_start3A_4] : memref<5x125x64xbf16, #tpu.memory_space<vmem>> -> memref<1x125x64xbf16, #tpu.memory_space<vmem>>
    %dma_start3A_6 = tpu.memref_squeeze %dma_start3A_5 : memref<1x125x64xbf16, #tpu.memory_space<vmem>> -> memref<125x64xbf16, #tpu.memory_space<vmem>>
    %dma_start3A_7 = arith.constant 0 : i32
    %dma_start3A_8 = tpu.memref_slice %arg6[%dma_start3A, %dma_start3A_7] : memref<160x125xi32, #tpu.memory_space<vmem>> -> memref<1x125xi32, #tpu.memory_space<vmem>>
    %dma_start3A_9 = tpu.memref_squeeze %dma_start3A_8 : memref<1x125xi32, #tpu.memory_space<vmem>> -> memref<125xi32, #tpu.memory_space<vmem>>
    %dma_start3A_10 = arith.constant 0 : i32
    %dma_start3A_11 = arith.constant 0 : i32
    %dma_start3A_12 = tpu.memref_slice %arg2[%arg0, %dma_start3A_10, %dma_start3A_11] : memref<2x10000x64xbf16, #tpu.memory_space<hbm>> -> memref<1x10000x64xbf16, #tpu.memory_space<hbm>>
    %dma_start3A_13 = tpu.memref_squeeze %dma_start3A_12 : memref<1x10000x64xbf16, #tpu.memory_space<hbm>> -> memref<10000x64xbf16, #tpu.memory_space<hbm>>
    %dma_start3A_14 = arith.constant 0 : i32
    %dma_start3A_15 = arith.constant 0 : i32
    %dma_start3A_16 = tpu.memref_slice %dma_start3A_13[%dma_start3A_14, %dma_start3A_15] : memref<10000x64xbf16, #tpu.memory_space<hbm>> -> memref<10000x64xbf16, #tpu.memory_space<hbm>>
    tpu.enqueue_indirect_dma source(%dma_start3A_16 : memref<10000x64xbf16, #tpu.memory_space<hbm>>) target(%dma_start3A_6 : memref<125x64xbf16, #tpu.memory_space<vmem>>) offsets(%dma_start3A_9 : memref<125xi32, #tpu.memory_space<vmem>>) semaphore(%arg9 : memref<!tpu.dma_semaphore, #tpu.memory_space<semaphore_mem>>)
    %dma_start3A_17 = arith.constant 1 : i32
    %dma_start3A_18 = arith.constant 1 : i32
    %dma_start3A_19 = arith.constant 0 : i32
    %dma_start3A_20 = arith.constant 0 : i32
    %dma_start3A_21 = tpu.memref_slice %arg8[%dma_start3A_18, %dma_start3A_19, %dma_start3A_20] : memref<5x125x64xbf16, #tpu.memory_space<vmem>> -> memref<1x125x64xbf16, #tpu.memory_space<vmem>>
    %dma_start3A_22 = tpu.memref_squeeze %dma_start3A_21 : memref<1x125x64xbf16, #tpu.memory_space<vmem>> -> memref<125x64xbf16, #tpu.memory_space<vmem>>
    %dma_start3A_23 = arith.constant 0 : i32
    %dma_start3A_24 = tpu.memref_slice %arg6[%dma_start3A_17, %dma_start3A_23] : memref<160x125xi32, #tpu.memory_space<vmem>> -> memref<1x125xi32, #tpu.memory_space<vmem>>
    %dma_start3A_25 = tpu.memref_squeeze %dma_start3A_24 : memref<1x125xi32, #tpu.memory_space<vmem>> -> memref<125xi32, #tpu.memory_space<vmem>>
    %dma_start3A_26 = arith.constant 0 : i32
    %dma_start3A_27 = arith.constant 0 : i32
    %dma_start3A_28 = tpu.memref_slice %arg2[%arg0, %dma_start3A_26, %dma_start3A_27] : memref<2x10000x64xbf16, #tpu.memory_space<hbm>> -> memref<1x10000x64xbf16, #tpu.memory_space<hbm>>
    %dma_start3A_29 = tpu.memref_squeeze %dma_start3A_28 : memref<1x10000x64xbf16, #tpu.memory_space<hbm>> -> memref<10000x64xbf16, #tpu.memory_space<hbm>>
    %dma_start3A_30 = arith.constant 0 : i32
    %dma_start3A_31 = arith.constant 0 : i32
    %dma_start3A_32 = tpu.memref_slice %dma_start3A_29[%dma_start3A_30, %dma_start3A_31] : memref<10000x64xbf16, #tpu.memory_space<hbm>> -> memref<10000x64xbf16, #tpu.memory_space<hbm>>
    tpu.enqueue_indirect_dma source(%dma_start3A_32 : memref<10000x64xbf16, #tpu.memory_space<hbm>>) target(%dma_start3A_22 : memref<125x64xbf16, #tpu.memory_space<vmem>>) offsets(%dma_start3A_25 : memref<125xi32, #tpu.memory_space<vmem>>) semaphore(%arg10 : memref<!tpu.dma_semaphore, #tpu.memory_space<semaphore_mem>>)
    %dma_start3A_33 = arith.constant 2 : i32
    %dma_start3A_34 = arith.constant 2 : i32
    %dma_start3A_35 = arith.constant 0 : i32
    %dma_start3A_36 = arith.constant 0 : i32
    %dma_start3A_37 = tpu.memref_slice %arg8[%dma_start3A_34, %dma_start3A_35, %dma_start3A_36] : memref<5x125x64xbf16, #tpu.memory_space<vmem>> -> memref<1x125x64xbf16, #tpu.memory_space<vmem>>
    %dma_start3A_38 = tpu.memref_squeeze %dma_start3A_37 : memref<1x125x64xbf16, #tpu.memory_space<vmem>> -> memref<125x64xbf16, #tpu.memory_space<vmem>>
    %dma_start3A_39 = arith.constant 0 : i32
    %dma_start3A_40 = tpu.memref_slice %arg6[%dma_start3A_33, %dma_start3A_39] : memref<160x125xi32, #tpu.memory_space<vmem>> -> memref<1x125xi32, #tpu.memory_space<vmem>>
    %dma_start3A_41 = tpu.memref_squeeze %dma_start3A_40 : memref<1x125xi32, #tpu.memory_space<vmem>> -> memref<125xi32, #tpu.memory_space<vmem>>
    %dma_start3A_42 = arith.constant 0 : i32
    %dma_start3A_43 = arith.constant 0 : i32
    %dma_start3A_44 = tpu.memref_slice %arg2[%arg0, %dma_start3A_42, %dma_start3A_43] : memref<2x10000x64xbf16, #tpu.memory_space<hbm>> -> memref<1x10000x64xbf16, #tpu.memory_space<hbm>>
    %dma_start3A_45 = tpu.memref_squeeze %dma_start3A_44 : memref<1x10000x64xbf16, #tpu.memory_space<hbm>> -> memref<10000x64xbf16, #tpu.memory_space<hbm>>
    %dma_start3A_46 = arith.constant 0 : i32
    %dma_start3A_47 = arith.constant 0 : i32
    %dma_start3A_48 = tpu.memref_slice %dma_start3A_45[%dma_start3A_46, %dma_start3A_47] : memref<10000x64xbf16, #tpu.memory_space<hbm>> -> memref<10000x64xbf16, #tpu.memory_space<hbm>>
    tpu.enqueue_indirect_dma source(%dma_start3A_48 : memref<10000x64xbf16, #tpu.memory_space<hbm>>) target(%dma_start3A_38 : memref<125x64xbf16, #tpu.memory_space<vmem>>) offsets(%dma_start3A_41 : memref<125xi32, #tpu.memory_space<vmem>>) semaphore(%arg11 : memref<!tpu.dma_semaphore, #tpu.memory_space<semaphore_mem>>)
    %dma_start3A_49 = arith.constant 3 : i32
    %dma_start3A_50 = arith.constant 3 : i32
    %dma_start3A_51 = arith.constant 0 : i32
    %dma_start3A_52 = arith.constant 0 : i32
    %dma_start3A_53 = tpu.memref_slice %arg8[%dma_start3A_50, %dma_start3A_51, %dma_start3A_52] : memref<5x125x64xbf16, #tpu.memory_space<vmem>> -> memref<1x125x64xbf16, #tpu.memory_space<vmem>>
    %dma_start3A_54 = tpu.memref_squeeze %dma_start3A_53 : memref<1x125x64xbf16, #tpu.memory_space<vmem>> -> memref<125x64xbf16, #tpu.memory_space<vmem>>
    %dma_start3A_55 = arith.constant 0 : i32
    %dma_start3A_56 = tpu.memref_slice %arg6[%dma_start3A_49, %dma_start3A_55] : memref<160x125xi32, #tpu.memory_space<vmem>> -> memref<1x125xi32, #tpu.memory_space<vmem>>
    %dma_start3A_57 = tpu.memref_squeeze %dma_start3A_56 : memref<1x125xi32, #tpu.memory_space<vmem>> -> memref<125xi32, #tpu.memory_space<vmem>>
    %dma_start3A_58 = arith.constant 0 : i32
    %dma_start3A_59 = arith.constant 0 : i32
    %dma_start3A_60 = tpu.memref_slice %arg2[%arg0, %dma_start3A_58, %dma_start3A_59] : memref<2x10000x64xbf16, #tpu.memory_space<hbm>> -> memref<1x10000x64xbf16, #tpu.memory_space<hbm>>
    %dma_start3A_61 = tpu.memref_squeeze %dma_start3A_60 : memref<1x10000x64xbf16, #tpu.memory_space<hbm>> -> memref<10000x64xbf16, #tpu.memory_space<hbm>>
    %dma_start3A_62 = arith.constant 0 : i32
    %dma_start3A_63 = arith.constant 0 : i32
    %dma_start3A_64 = tpu.memref_slice %dma_start3A_61[%dma_start3A_62, %dma_start3A_63] : memref<10000x64xbf16, #tpu.memory_space<hbm>> -> memref<10000x64xbf16, #tpu.memory_space<hbm>>
    tpu.enqueue_indirect_dma source(%dma_start3A_64 : memref<10000x64xbf16, #tpu.memory_space<hbm>>) target(%dma_start3A_54 : memref<125x64xbf16, #tpu.memory_space<vmem>>) offsets(%dma_start3A_57 : memref<125xi32, #tpu.memory_space<vmem>>) semaphore(%arg12 : memref<!tpu.dma_semaphore, #tpu.memory_space<semaphore_mem>>)
    %dma_start3A_65 = arith.constant 4 : i32
    %dma_start3A_66 = arith.constant 4 : i32
    %dma_start3A_67 = arith.constant 0 : i32
    %dma_start3A_68 = arith.constant 0 : i32
    %dma_start3A_69 = tpu.memref_slice %arg8[%dma_start3A_66, %dma_start3A_67, %dma_start3A_68] : memref<5x125x64xbf16, #tpu.memory_space<vmem>> -> memref<1x125x64xbf16, #tpu.memory_space<vmem>>
    %dma_start3A_70 = tpu.memref_squeeze %dma_start3A_69 : memref<1x125x64xbf16, #tpu.memory_space<vmem>> -> memref<125x64xbf16, #tpu.memory_space<vmem>>
    %dma_start3A_71 = arith.constant 0 : i32
    %dma_start3A_72 = tpu.memref_slice %arg6[%dma_start3A_65, %dma_start3A_71] : memref<160x125xi32, #tpu.memory_space<vmem>> -> memref<1x125xi32, #tpu.memory_space<vmem>>
    %dma_start3A_73 = tpu.memref_squeeze %dma_start3A_72 : memref<1x125xi32, #tpu.memory_space<vmem>> -> memref<125xi32, #tpu.memory_space<vmem>>
    %dma_start3A_74 = arith.constant 0 : i32
    %dma_start3A_75 = arith.constant 0 : i32
    %dma_start3A_76 = tpu.memref_slice %arg2[%arg0, %dma_start3A_74, %dma_start3A_75] : memref<2x10000x64xbf16, #tpu.memory_space<hbm>> -> memref<1x10000x64xbf16, #tpu.memory_space<hbm>>
    %dma_start3A_77 = tpu.memref_squeeze %dma_start3A_76 : memref<1x10000x64xbf16, #tpu.memory_space<hbm>> -> memref<10000x64xbf16, #tpu.memory_space<hbm>>
    %dma_start3A_78 = arith.constant 0 : i32
    %dma_start3A_79 = arith.constant 0 : i32
    %dma_start3A_80 = tpu.memref_slice %dma_start3A_77[%dma_start3A_78, %dma_start3A_79] : memref<10000x64xbf16, #tpu.memory_space<hbm>> -> memref<10000x64xbf16, #tpu.memory_space<hbm>>
    tpu.enqueue_indirect_dma source(%dma_start3A_80 : memref<10000x64xbf16, #tpu.memory_space<hbm>>) target(%dma_start3A_70 : memref<125x64xbf16, #tpu.memory_space<vmem>>) offsets(%dma_start3A_73 : memref<125xi32, #tpu.memory_space<vmem>>) semaphore(%arg13 : memref<!tpu.dma_semaphore, #tpu.memory_space<semaphore_mem>>)
    %barrier3A = arith.constant 0 : index
    tpu.barrier barrier_id(%barrier3A)
    %scan3A = arith.constant 0 : i32
    %scan3A_81 = arith.constant 0 : i32
    %scan3A_82 = arith.constant 32 : i32
    %scan3A_83 = arith.addi %scan3A_81, %scan3A_82 : i32
    %scan3A_84 = arith.constant 1 : i32
    scf.for %scan3A_150 = %scan3A_81 to %scan3A_83 step %scan3A_84  : i32 {
      %mul3A_151 = arith.constant 5 : i32
      %mul3A_152 = arith.muli %scan3A_150, %mul3A_151 : i32
      %add3A = arith.constant 0 : i32
      %add3A_153 = arith.addi %mul3A_152, %add3A : i32
      %dma_wait3A_154 = arith.constant 0 : i32
      %dma_wait3A_155 = arith.constant 0 : i32
      %dma_wait3A_156 = arith.constant 0 : i32
      %dma_wait3A_157 = tpu.memref_slice %arg8[%dma_wait3A_154, %dma_wait3A_155, %dma_wait3A_156] : memref<5x125x64xbf16, #tpu.memory_space<vmem>> -> memref<1x125x64xbf16, #tpu.memory_space<vmem>>
      %dma_wait3A_158 = tpu.memref_squeeze %dma_wait3A_157 : memref<1x125x64xbf16, #tpu.memory_space<vmem>> -> memref<125x64xbf16, #tpu.memory_space<vmem>>
      %dma_wait3A_159 = arith.constant 0 : i32
      %dma_wait3A_160 = tpu.memref_slice %arg6[%add3A_153, %dma_wait3A_159] : memref<160x125xi32, #tpu.memory_space<vmem>> -> memref<1x125xi32, #tpu.memory_space<vmem>>
      %dma_wait3A_161 = tpu.memref_squeeze %dma_wait3A_160 : memref<1x125xi32, #tpu.memory_space<vmem>> -> memref<125xi32, #tpu.memory_space<vmem>>
      %dma_wait3A_162 = arith.constant 0 : i32
      %dma_wait3A_163 = arith.constant 0 : i32
      %dma_wait3A_164 = tpu.memref_slice %arg2[%arg0, %dma_wait3A_162, %dma_wait3A_163] : memref<2x10000x64xbf16, #tpu.memory_space<hbm>> -> memref<1x10000x64xbf16, #tpu.memory_space<hbm>>
      %dma_wait3A_165 = tpu.memref_squeeze %dma_wait3A_164 : memref<1x10000x64xbf16, #tpu.memory_space<hbm>> -> memref<10000x64xbf16, #tpu.memory_space<hbm>>
      %dma_wait3A_166 = arith.constant 0 : i32
      %dma_wait3A_167 = arith.constant 0 : i32
      %dma_wait3A_168 = tpu.memref_slice %dma_wait3A_165[%dma_wait3A_166, %dma_wait3A_167] : memref<10000x64xbf16, #tpu.memory_space<hbm>> -> memref<10000x64xbf16, #tpu.memory_space<hbm>>
      tpu.wait_indirect_dma semaphore(%arg9 : memref<!tpu.dma_semaphore, #tpu.memory_space<semaphore_mem>>) src(%dma_wait3A_168 : memref<10000x64xbf16, #tpu.memory_space<hbm>>) dst(%dma_wait3A_158 : memref<125x64xbf16, #tpu.memory_space<vmem>>)
      %dma_start3A_169 = arith.constant 0 : i32
      %dma_start3A_170 = arith.constant 0 : i32
      %dma_start3A_171 = arith.constant 0 : i32
      %dma_start3A_172 = tpu.memref_slice %arg8[%dma_start3A_169, %dma_start3A_170, %dma_start3A_171] : memref<5x125x64xbf16, #tpu.memory_space<vmem>> -> memref<1x125x64xbf16, #tpu.memory_space<vmem>>
      %dma_start3A_173 = tpu.memref_squeeze %dma_start3A_172 : memref<1x125x64xbf16, #tpu.memory_space<vmem>> -> memref<125x64xbf16, #tpu.memory_space<vmem>>
      %dma_start3A_174 = arith.constant 0 : i32
      %dma_start3A_175 = tpu.memref_slice %arg7[%add3A_153, %dma_start3A_174] : memref<160x125xi32, #tpu.memory_space<vmem>> -> memref<1x125xi32, #tpu.memory_space<vmem>>
      %dma_start3A_176 = tpu.memref_squeeze %dma_start3A_175 : memref<1x125xi32, #tpu.memory_space<vmem>> -> memref<125xi32, #tpu.memory_space<vmem>>
      %dma_start3A_177 = arith.constant 0 : i32
      %dma_start3A_178 = arith.constant 0 : i32
      %dma_start3A_179 = tpu.memref_slice %arg19[%dma_start3A_177, %dma_start3A_178] : memref<10000x64xbf16, #tpu.memory_space<vmem_shared>> -> memref<10000x64xbf16, #tpu.memory_space<vmem_shared>>
      tpu.enqueue_indirect_dma source(%dma_start3A_173 : memref<125x64xbf16, #tpu.memory_space<vmem>>) target(%dma_start3A_179 : memref<10000x64xbf16, #tpu.memory_space<vmem_shared>>) offsets(%dma_start3A_176 : memref<125xi32, #tpu.memory_space<vmem>>) semaphore(%arg14 : memref<!tpu.dma_semaphore, #tpu.memory_space<semaphore_mem>>) {add = true}
      %ge3A = arith.constant 2 : i32
      %ge3A_180 = arith.cmpi sge, %add3A_153, %ge3A : i32
      %sub3A = arith.constant 2 : i32
      %sub3A_181 = arith.subi %add3A_153, %sub3A : i32
      %add3A_182 = arith.constant 5 : i32
      %add3A_183 = arith.addi %sub3A_181, %add3A_182 : i32
      %lt3A = arith.constant 160 : i32
      %lt3A_184 = arith.cmpi slt, %add3A_183, %lt3A : i32
      %and3A = arith.andi %ge3A_180, %lt3A_184 : i1
      %convert_element_type3A = arith.extui %and3A : i1 to i32
      %cond3A = arith.constant 0 : i32
      %cond3A_185 = arith.cmpi ne, %convert_element_type3A, %cond3A : i32
      scf.if %cond3A_185 {
        %dma_wait3A_346 = arith.constant 3 : i32
        %dma_wait3A_347 = arith.constant 0 : i32
        %dma_wait3A_348 = arith.constant 0 : i32
        %dma_wait3A_349 = arith.constant 0 : i32
        %dma_wait3A_350 = tpu.memref_slice %arg8[%dma_wait3A_346, %dma_wait3A_348, %dma_wait3A_349] : memref<5x125x64xbf16, #tpu.memory_space<vmem>> -> memref<1x125x64xbf16, #tpu.memory_space<vmem>>
        %dma_wait3A_351 = tpu.memref_squeeze %dma_wait3A_350 : memref<1x125x64xbf16, #tpu.memory_space<vmem>> -> memref<125x64xbf16, #tpu.memory_space<vmem>>
        %dma_wait3A_352 = arith.constant 0 : i32
        %dma_wait3A_353 = tpu.memref_slice %arg7[%dma_wait3A_347, %dma_wait3A_352] : memref<160x125xi32, #tpu.memory_space<vmem>> -> memref<1x125xi32, #tpu.memory_space<vmem>>
        %dma_wait3A_354 = tpu.memref_squeeze %dma_wait3A_353 : memref<1x125xi32, #tpu.memory_space<vmem>> -> memref<125xi32, #tpu.memory_space<vmem>>
        %dma_wait3A_355 = arith.constant 0 : i32
        %dma_wait3A_356 = arith.constant 0 : i32
        %dma_wait3A_357 = tpu.memref_slice %arg19[%dma_wait3A_355, %dma_wait3A_356] : memref<10000x64xbf16, #tpu.memory_space<vmem_shared>> -> memref<10000x64xbf16, #tpu.memory_space<vmem_shared>>
        tpu.wait_indirect_dma semaphore(%arg17 : memref<!tpu.dma_semaphore, #tpu.memory_space<semaphore_mem>>) src(%dma_wait3A_351 : memref<125x64xbf16, #tpu.memory_space<vmem>>) dst(%dma_wait3A_357 : memref<10000x64xbf16, #tpu.memory_space<vmem_shared>>)
        %sub3A_358 = arith.constant 2 : i32
        %sub3A_359 = arith.subi %add3A_153, %sub3A_358 : i32
        %add3A_360 = arith.constant 5 : i32
        %add3A_361 = arith.addi %sub3A_359, %add3A_360 : i32
        %dma_start3A_362 = arith.constant 3 : i32
        %dma_start3A_363 = arith.constant 0 : i32
        %dma_start3A_364 = arith.constant 0 : i32
        %dma_start3A_365 = tpu.memref_slice %arg8[%dma_start3A_362, %dma_start3A_363, %dma_start3A_364] : memref<5x125x64xbf16, #tpu.memory_space<vmem>> -> memref<1x125x64xbf16, #tpu.memory_space<vmem>>
        %dma_start3A_366 = tpu.memref_squeeze %dma_start3A_365 : memref<1x125x64xbf16, #tpu.memory_space<vmem>> -> memref<125x64xbf16, #tpu.memory_space<vmem>>
        %dma_start3A_367 = arith.constant 0 : i32
        %dma_start3A_368 = tpu.memref_slice %arg6[%add3A_361, %dma_start3A_367] : memref<160x125xi32, #tpu.memory_space<vmem>> -> memref<1x125xi32, #tpu.memory_space<vmem>>
        %dma_start3A_369 = tpu.memref_squeeze %dma_start3A_368 : memref<1x125xi32, #tpu.memory_space<vmem>> -> memref<125xi32, #tpu.memory_space<vmem>>
        %dma_start3A_370 = arith.constant 0 : i32
        %dma_start3A_371 = arith.constant 0 : i32
        %dma_start3A_372 = tpu.memref_slice %arg2[%arg0, %dma_start3A_370, %dma_start3A_371] : memref<2x10000x64xbf16, #tpu.memory_space<hbm>> -> memref<1x10000x64xbf16, #tpu.memory_space<hbm>>
        %dma_start3A_373 = tpu.memref_squeeze %dma_start3A_372 : memref<1x10000x64xbf16, #tpu.memory_space<hbm>> -> memref<10000x64xbf16, #tpu.memory_space<hbm>>
        %dma_start3A_374 = arith.constant 0 : i32
        %dma_start3A_375 = arith.constant 0 : i32
        %dma_start3A_376 = tpu.memref_slice %dma_start3A_373[%dma_start3A_374, %dma_start3A_375] : memref<10000x64xbf16, #tpu.memory_space<hbm>> -> memref<10000x64xbf16, #tpu.memory_space<hbm>>
        tpu.enqueue_indirect_dma source(%dma_start3A_376 : memref<10000x64xbf16, #tpu.memory_space<hbm>>) target(%dma_start3A_366 : memref<125x64xbf16, #tpu.memory_space<vmem>>) offsets(%dma_start3A_369 : memref<125xi32, #tpu.memory_space<vmem>>) semaphore(%arg12 : memref<!tpu.dma_semaphore, #tpu.memory_space<semaphore_mem>>)
      } else {
      }
      %add3A_186 = arith.constant 1 : i32
      %add3A_187 = arith.addi %mul3A_152, %add3A_186 : i32
      %dma_wait3A_188 = arith.constant 1 : i32
      %dma_wait3A_189 = arith.constant 0 : i32
      %dma_wait3A_190 = arith.constant 0 : i32
      %dma_wait3A_191 = tpu.memref_slice %arg8[%dma_wait3A_188, %dma_wait3A_189, %dma_wait3A_190] : memref<5x125x64xbf16, #tpu.memory_space<vmem>> -> memref<1x125x64xbf16, #tpu.memory_space<vmem>>
      %dma_wait3A_192 = tpu.memref_squeeze %dma_wait3A_191 : memref<1x125x64xbf16, #tpu.memory_space<vmem>> -> memref<125x64xbf16, #tpu.memory_space<vmem>>
      %dma_wait3A_193 = arith.constant 0 : i32
      %dma_wait3A_194 = tpu.memref_slice %arg6[%add3A_187, %dma_wait3A_193] : memref<160x125xi32, #tpu.memory_space<vmem>> -> memref<1x125xi32, #tpu.memory_space<vmem>>
      %dma_wait3A_195 = tpu.memref_squeeze %dma_wait3A_194 : memref<1x125xi32, #tpu.memory_space<vmem>> -> memref<125xi32, #tpu.memory_space<vmem>>
      %dma_wait3A_196 = arith.constant 0 : i32
      %dma_wait3A_197 = arith.constant 0 : i32
      %dma_wait3A_198 = tpu.memref_slice %arg2[%arg0, %dma_wait3A_196, %dma_wait3A_197] : memref<2x10000x64xbf16, #tpu.memory_space<hbm>> -> memref<1x10000x64xbf16, #tpu.memory_space<hbm>>
      %dma_wait3A_199 = tpu.memref_squeeze %dma_wait3A_198 : memref<1x10000x64xbf16, #tpu.memory_space<hbm>> -> memref<10000x64xbf16, #tpu.memory_space<hbm>>
      %dma_wait3A_200 = arith.constant 0 : i32
      %dma_wait3A_201 = arith.constant 0 : i32
      %dma_wait3A_202 = tpu.memref_slice %dma_wait3A_199[%dma_wait3A_200, %dma_wait3A_201] : memref<10000x64xbf16, #tpu.memory_space<hbm>> -> memref<10000x64xbf16, #tpu.memory_space<hbm>>
      tpu.wait_indirect_dma semaphore(%arg10 : memref<!tpu.dma_semaphore, #tpu.memory_space<semaphore_mem>>) src(%dma_wait3A_202 : memref<10000x64xbf16, #tpu.memory_space<hbm>>) dst(%dma_wait3A_192 : memref<125x64xbf16, #tpu.memory_space<vmem>>)
      %dma_start3A_203 = arith.constant 1 : i32
      %dma_start3A_204 = arith.constant 0 : i32
      %dma_start3A_205 = arith.constant 0 : i32
      %dma_start3A_206 = tpu.memref_slice %arg8[%dma_start3A_203, %dma_start3A_204, %dma_start3A_205] : memref<5x125x64xbf16, #tpu.memory_space<vmem>> -> memref<1x125x64xbf16, #tpu.memory_space<vmem>>
      %dma_start3A_207 = tpu.memref_squeeze %dma_start3A_206 : memref<1x125x64xbf16, #tpu.memory_space<vmem>> -> memref<125x64xbf16, #tpu.memory_space<vmem>>
      %dma_start3A_208 = arith.constant 0 : i32
      %dma_start3A_209 = tpu.memref_slice %arg7[%add3A_187, %dma_start3A_208] : memref<160x125xi32, #tpu.memory_space<vmem>> -> memref<1x125xi32, #tpu.memory_space<vmem>>
      %dma_start3A_210 = tpu.memref_squeeze %dma_start3A_209 : memref<1x125xi32, #tpu.memory_space<vmem>> -> memref<125xi32, #tpu.memory_space<vmem>>
      %dma_start3A_211 = arith.constant 0 : i32
      %dma_start3A_212 = arith.constant 0 : i32
      %dma_start3A_213 = tpu.memref_slice %arg19[%dma_start3A_211, %dma_start3A_212] : memref<10000x64xbf16, #tpu.memory_space<vmem_shared>> -> memref<10000x64xbf16, #tpu.memory_space<vmem_shared>>
      tpu.enqueue_indirect_dma source(%dma_start3A_207 : memref<125x64xbf16, #tpu.memory_space<vmem>>) target(%dma_start3A_213 : memref<10000x64xbf16, #tpu.memory_space<vmem_shared>>) offsets(%dma_start3A_210 : memref<125xi32, #tpu.memory_space<vmem>>) semaphore(%arg15 : memref<!tpu.dma_semaphore, #tpu.memory_space<semaphore_mem>>) {add = true}
      %ge3A_214 = arith.constant 2 : i32
      %ge3A_215 = arith.cmpi sge, %add3A_187, %ge3A_214 : i32
      %sub3A_216 = arith.constant 2 : i32
      %sub3A_217 = arith.subi %add3A_187, %sub3A_216 : i32
      %add3A_218 = arith.constant 5 : i32
      %add3A_219 = arith.addi %sub3A_217, %add3A_218 : i32
      %lt3A_220 = arith.constant 160 : i32
      %lt3A_221 = arith.cmpi slt, %add3A_219, %lt3A_220 : i32
      %and3A_222 = arith.andi %ge3A_215, %lt3A_221 : i1
      %convert_element_type3A_223 = arith.extui %and3A_222 : i1 to i32
      %cond3A_224 = arith.constant 0 : i32
      %cond3A_225 = arith.cmpi ne, %convert_element_type3A_223, %cond3A_224 : i32
      scf.if %cond3A_225 {
        %dma_wait3A_346 = arith.constant 4 : i32
        %dma_wait3A_347 = arith.constant 0 : i32
        %dma_wait3A_348 = arith.constant 0 : i32
        %dma_wait3A_349 = arith.constant 0 : i32
        %dma_wait3A_350 = tpu.memref_slice %arg8[%dma_wait3A_346, %dma_wait3A_348, %dma_wait3A_349] : memref<5x125x64xbf16, #tpu.memory_space<vmem>> -> memref<1x125x64xbf16, #tpu.memory_space<vmem>>
        %dma_wait3A_351 = tpu.memref_squeeze %dma_wait3A_350 : memref<1x125x64xbf16, #tpu.memory_space<vmem>> -> memref<125x64xbf16, #tpu.memory_space<vmem>>
        %dma_wait3A_352 = arith.constant 0 : i32
        %dma_wait3A_353 = tpu.memref_slice %arg7[%dma_wait3A_347, %dma_wait3A_352] : memref<160x125xi32, #tpu.memory_space<vmem>> -> memref<1x125xi32, #tpu.memory_space<vmem>>
        %dma_wait3A_354 = tpu.memref_squeeze %dma_wait3A_353 : memref<1x125xi32, #tpu.memory_space<vmem>> -> memref<125xi32, #tpu.memory_space<vmem>>
        %dma_wait3A_355 = arith.constant 0 : i32
        %dma_wait3A_356 = arith.constant 0 : i32
        %dma_wait3A_357 = tpu.memref_slice %arg19[%dma_wait3A_355, %dma_wait3A_356] : memref<10000x64xbf16, #tpu.memory_space<vmem_shared>> -> memref<10000x64xbf16, #tpu.memory_space<vmem_shared>>
        tpu.wait_indirect_dma semaphore(%arg18 : memref<!tpu.dma_semaphore, #tpu.memory_space<semaphore_mem>>) src(%dma_wait3A_351 : memref<125x64xbf16, #tpu.memory_space<vmem>>) dst(%dma_wait3A_357 : memref<10000x64xbf16, #tpu.memory_space<vmem_shared>>)
        %sub3A_358 = arith.constant 2 : i32
        %sub3A_359 = arith.subi %add3A_187, %sub3A_358 : i32
        %add3A_360 = arith.constant 5 : i32
        %add3A_361 = arith.addi %sub3A_359, %add3A_360 : i32
        %dma_start3A_362 = arith.constant 4 : i32
        %dma_start3A_363 = arith.constant 0 : i32
        %dma_start3A_364 = arith.constant 0 : i32
        %dma_start3A_365 = tpu.memref_slice %arg8[%dma_start3A_362, %dma_start3A_363, %dma_start3A_364] : memref<5x125x64xbf16, #tpu.memory_space<vmem>> -> memref<1x125x64xbf16, #tpu.memory_space<vmem>>
        %dma_start3A_366 = tpu.memref_squeeze %dma_start3A_365 : memref<1x125x64xbf16, #tpu.memory_space<vmem>> -> memref<125x64xbf16, #tpu.memory_space<vmem>>
        %dma_start3A_367 = arith.constant 0 : i32
        %dma_start3A_368 = tpu.memref_slice %arg6[%add3A_361, %dma_start3A_367] : memref<160x125xi32, #tpu.memory_space<vmem>> -> memref<1x125xi32, #tpu.memory_space<vmem>>
        %dma_start3A_369 = tpu.memref_squeeze %dma_start3A_368 : memref<1x125xi32, #tpu.memory_space<vmem>> -> memref<125xi32, #tpu.memory_space<vmem>>
        %dma_start3A_370 = arith.constant 0 : i32
        %dma_start3A_371 = arith.constant 0 : i32
        %dma_start3A_372 = tpu.memref_slice %arg2[%arg0, %dma_start3A_370, %dma_start3A_371] : memref<2x10000x64xbf16, #tpu.memory_space<hbm>> -> memref<1x10000x64xbf16, #tpu.memory_space<hbm>>
        %dma_start3A_373 = tpu.memref_squeeze %dma_start3A_372 : memref<1x10000x64xbf16, #tpu.memory_space<hbm>> -> memref<10000x64xbf16, #tpu.memory_space<hbm>>
        %dma_start3A_374 = arith.constant 0 : i32
        %dma_start3A_375 = arith.constant 0 : i32
        %dma_start3A_376 = tpu.memref_slice %dma_start3A_373[%dma_start3A_374, %dma_start3A_375] : memref<10000x64xbf16, #tpu.memory_space<hbm>> -> memref<10000x64xbf16, #tpu.memory_space<hbm>>
        tpu.enqueue_indirect_dma source(%dma_start3A_376 : memref<10000x64xbf16, #tpu.memory_space<hbm>>) target(%dma_start3A_366 : memref<125x64xbf16, #tpu.memory_space<vmem>>) offsets(%dma_start3A_369 : memref<125xi32, #tpu.memory_space<vmem>>) semaphore(%arg13 : memref<!tpu.dma_semaphore, #tpu.memory_space<semaphore_mem>>)
      } else {
      }
      %add3A_226 = arith.constant 2 : i32
      %add3A_227 = arith.addi %mul3A_152, %add3A_226 : i32
      %dma_wait3A_228 = arith.constant 2 : i32
      %dma_wait3A_229 = arith.constant 0 : i32
      %dma_wait3A_230 = arith.constant 0 : i32
      %dma_wait3A_231 = tpu.memref_slice %arg8[%dma_wait3A_228, %dma_wait3A_229, %dma_wait3A_230] : memref<5x125x64xbf16, #tpu.memory_space<vmem>> -> memref<1x125x64xbf16, #tpu.memory_space<vmem>>
      %dma_wait3A_232 = tpu.memref_squeeze %dma_wait3A_231 : memref<1x125x64xbf16, #tpu.memory_space<vmem>> -> memref<125x64xbf16, #tpu.memory_space<vmem>>
      %dma_wait3A_233 = arith.constant 0 : i32
      %dma_wait3A_234 = tpu.memref_slice %arg6[%add3A_227, %dma_wait3A_233] : memref<160x125xi32, #tpu.memory_space<vmem>> -> memref<1x125xi32, #tpu.memory_space<vmem>>
      %dma_wait3A_235 = tpu.memref_squeeze %dma_wait3A_234 : memref<1x125xi32, #tpu.memory_space<vmem>> -> memref<125xi32, #tpu.memory_space<vmem>>
      %dma_wait3A_236 = arith.constant 0 : i32
      %dma_wait3A_237 = arith.constant 0 : i32
      %dma_wait3A_238 = tpu.memref_slice %arg2[%arg0, %dma_wait3A_236, %dma_wait3A_237] : memref<2x10000x64xbf16, #tpu.memory_space<hbm>> -> memref<1x10000x64xbf16, #tpu.memory_space<hbm>>
      %dma_wait3A_239 = tpu.memref_squeeze %dma_wait3A_238 : memref<1x10000x64xbf16, #tpu.memory_space<hbm>> -> memref<10000x64xbf16, #tpu.memory_space<hbm>>
      %dma_wait3A_240 = arith.constant 0 : i32
      %dma_wait3A_241 = arith.constant 0 : i32
      %dma_wait3A_242 = tpu.memref_slice %dma_wait3A_239[%dma_wait3A_240, %dma_wait3A_241] : memref<10000x64xbf16, #tpu.memory_space<hbm>> -> memref<10000x64xbf16, #tpu.memory_space<hbm>>
      tpu.wait_indirect_dma semaphore(%arg11 : memref<!tpu.dma_semaphore, #tpu.memory_space<semaphore_mem>>) src(%dma_wait3A_242 : memref<10000x64xbf16, #tpu.memory_space<hbm>>) dst(%dma_wait3A_232 : memref<125x64xbf16, #tpu.memory_space<vmem>>)
      %dma_start3A_243 = arith.constant 2 : i32
      %dma_start3A_244 = arith.constant 0 : i32
      %dma_start3A_245 = arith.constant 0 : i32
      %dma_start3A_246 = tpu.memref_slice %arg8[%dma_start3A_243, %dma_start3A_244, %dma_start3A_245] : memref<5x125x64xbf16, #tpu.memory_space<vmem>> -> memref<1x125x64xbf16, #tpu.memory_space<vmem>>
      %dma_start3A_247 = tpu.memref_squeeze %dma_start3A_246 : memref<1x125x64xbf16, #tpu.memory_space<vmem>> -> memref<125x64xbf16, #tpu.memory_space<vmem>>
      %dma_start3A_248 = arith.constant 0 : i32
      %dma_start3A_249 = tpu.memref_slice %arg7[%add3A_227, %dma_start3A_248] : memref<160x125xi32, #tpu.memory_space<vmem>> -> memref<1x125xi32, #tpu.memory_space<vmem>>
      %dma_start3A_250 = tpu.memref_squeeze %dma_start3A_249 : memref<1x125xi32, #tpu.memory_space<vmem>> -> memref<125xi32, #tpu.memory_space<vmem>>
      %dma_start3A_251 = arith.constant 0 : i32
      %dma_start3A_252 = arith.constant 0 : i32
      %dma_start3A_253 = tpu.memref_slice %arg19[%dma_start3A_251, %dma_start3A_252] : memref<10000x64xbf16, #tpu.memory_space<vmem_shared>> -> memref<10000x64xbf16, #tpu.memory_space<vmem_shared>>
      tpu.enqueue_indirect_dma source(%dma_start3A_247 : memref<125x64xbf16, #tpu.memory_space<vmem>>) target(%dma_start3A_253 : memref<10000x64xbf16, #tpu.memory_space<vmem_shared>>) offsets(%dma_start3A_250 : memref<125xi32, #tpu.memory_space<vmem>>) semaphore(%arg16 : memref<!tpu.dma_semaphore, #tpu.memory_space<semaphore_mem>>) {add = true}
      %ge3A_254 = arith.constant 2 : i32
      %ge3A_255 = arith.cmpi sge, %add3A_227, %ge3A_254 : i32
      %sub3A_256 = arith.constant 2 : i32
      %sub3A_257 = arith.subi %add3A_227, %sub3A_256 : i32
      %add3A_258 = arith.constant 5 : i32
      %add3A_259 = arith.addi %sub3A_257, %add3A_258 : i32
      %lt3A_260 = arith.constant 160 : i32
      %lt3A_261 = arith.cmpi slt, %add3A_259, %lt3A_260 : i32
      %and3A_262 = arith.andi %ge3A_255, %lt3A_261 : i1
      %convert_element_type3A_263 = arith.extui %and3A_262 : i1 to i32
      %cond3A_264 = arith.constant 0 : i32
      %cond3A_265 = arith.cmpi ne, %convert_element_type3A_263, %cond3A_264 : i32
      scf.if %cond3A_265 {
        %dma_wait3A_346 = arith.constant 0 : i32
        %dma_wait3A_347 = arith.constant 0 : i32
        %dma_wait3A_348 = arith.constant 0 : i32
        %dma_wait3A_349 = arith.constant 0 : i32
        %dma_wait3A_350 = tpu.memref_slice %arg8[%dma_wait3A_346, %dma_wait3A_348, %dma_wait3A_349] : memref<5x125x64xbf16, #tpu.memory_space<vmem>> -> memref<1x125x64xbf16, #tpu.memory_space<vmem>>
        %dma_wait3A_351 = tpu.memref_squeeze %dma_wait3A_350 : memref<1x125x64xbf16, #tpu.memory_space<vmem>> -> memref<125x64xbf16, #tpu.memory_space<vmem>>
        %dma_wait3A_352 = arith.constant 0 : i32
        %dma_wait3A_353 = tpu.memref_slice %arg7[%dma_wait3A_347, %dma_wait3A_352] : memref<160x125xi32, #tpu.memory_space<vmem>> -> memref<1x125xi32, #tpu.memory_space<vmem>>
        %dma_wait3A_354 = tpu.memref_squeeze %dma_wait3A_353 : memref<1x125xi32, #tpu.memory_space<vmem>> -> memref<125xi32, #tpu.memory_space<vmem>>
        %dma_wait3A_355 = arith.constant 0 : i32
        %dma_wait3A_356 = arith.constant 0 : i32
        %dma_wait3A_357 = tpu.memref_slice %arg19[%dma_wait3A_355, %dma_wait3A_356] : memref<10000x64xbf16, #tpu.memory_space<vmem_shared>> -> memref<10000x64xbf16, #tpu.memory_space<vmem_shared>>
        tpu.wait_indirect_dma semaphore(%arg14 : memref<!tpu.dma_semaphore, #tpu.memory_space<semaphore_mem>>) src(%dma_wait3A_351 : memref<125x64xbf16, #tpu.memory_space<vmem>>) dst(%dma_wait3A_357 : memref<10000x64xbf16, #tpu.memory_space<vmem_shared>>)
        %sub3A_358 = arith.constant 2 : i32
        %sub3A_359 = arith.subi %add3A_227, %sub3A_358 : i32
        %add3A_360 = arith.constant 5 : i32
        %add3A_361 = arith.addi %sub3A_359, %add3A_360 : i32
        %dma_start3A_362 = arith.constant 0 : i32
        %dma_start3A_363 = arith.constant 0 : i32
        %dma_start3A_364 = arith.constant 0 : i32
        %dma_start3A_365 = tpu.memref_slice %arg8[%dma_start3A_362, %dma_start3A_363, %dma_start3A_364] : memref<5x125x64xbf16, #tpu.memory_space<vmem>> -> memref<1x125x64xbf16, #tpu.memory_space<vmem>>
        %dma_start3A_366 = tpu.memref_squeeze %dma_start3A_365 : memref<1x125x64xbf16, #tpu.memory_space<vmem>> -> memref<125x64xbf16, #tpu.memory_space<vmem>>
        %dma_start3A_367 = arith.constant 0 : i32
        %dma_start3A_368 = tpu.memref_slice %arg6[%add3A_361, %dma_start3A_367] : memref<160x125xi32, #tpu.memory_space<vmem>> -> memref<1x125xi32, #tpu.memory_space<vmem>>
        %dma_start3A_369 = tpu.memref_squeeze %dma_start3A_368 : memref<1x125xi32, #tpu.memory_space<vmem>> -> memref<125xi32, #tpu.memory_space<vmem>>
        %dma_start3A_370 = arith.constant 0 : i32
        %dma_start3A_371 = arith.constant 0 : i32
        %dma_start3A_372 = tpu.memref_slice %arg2[%arg0, %dma_start3A_370, %dma_start3A_371] : memref<2x10000x64xbf16, #tpu.memory_space<hbm>> -> memref<1x10000x64xbf16, #tpu.memory_space<hbm>>
        %dma_start3A_373 = tpu.memref_squeeze %dma_start3A_372 : memref<1x10000x64xbf16, #tpu.memory_space<hbm>> -> memref<10000x64xbf16, #tpu.memory_space<hbm>>
        %dma_start3A_374 = arith.constant 0 : i32
        %dma_start3A_375 = arith.constant 0 : i32
        %dma_start3A_376 = tpu.memref_slice %dma_start3A_373[%dma_start3A_374, %dma_start3A_375] : memref<10000x64xbf16, #tpu.memory_space<hbm>> -> memref<10000x64xbf16, #tpu.memory_space<hbm>>
        tpu.enqueue_indirect_dma source(%dma_start3A_376 : memref<10000x64xbf16, #tpu.memory_space<hbm>>) target(%dma_start3A_366 : memref<125x64xbf16, #tpu.memory_space<vmem>>) offsets(%dma_start3A_369 : memref<125xi32, #tpu.memory_space<vmem>>) semaphore(%arg9 : memref<!tpu.dma_semaphore, #tpu.memory_space<semaphore_mem>>)
      } else {
      }
      %add3A_266 = arith.constant 3 : i32
      %add3A_267 = arith.addi %mul3A_152, %add3A_266 : i32
      %dma_wait3A_268 = arith.constant 3 : i32
      %dma_wait3A_269 = arith.constant 0 : i32
      %dma_wait3A_270 = arith.constant 0 : i32
      %dma_wait3A_271 = tpu.memref_slice %arg8[%dma_wait3A_268, %dma_wait3A_269, %dma_wait3A_270] : memref<5x125x64xbf16, #tpu.memory_space<vmem>> -> memref<1x125x64xbf16, #tpu.memory_space<vmem>>
      %dma_wait3A_272 = tpu.memref_squeeze %dma_wait3A_271 : memref<1x125x64xbf16, #tpu.memory_space<vmem>> -> memref<125x64xbf16, #tpu.memory_space<vmem>>
      %dma_wait3A_273 = arith.constant 0 : i32
      %dma_wait3A_274 = tpu.memref_slice %arg6[%add3A_267, %dma_wait3A_273] : memref<160x125xi32, #tpu.memory_space<vmem>> -> memref<1x125xi32, #tpu.memory_space<vmem>>
      %dma_wait3A_275 = tpu.memref_squeeze %dma_wait3A_274 : memref<1x125xi32, #tpu.memory_space<vmem>> -> memref<125xi32, #tpu.memory_space<vmem>>
      %dma_wait3A_276 = arith.constant 0 : i32
      %dma_wait3A_277 = arith.constant 0 : i32
      %dma_wait3A_278 = tpu.memref_slice %arg2[%arg0, %dma_wait3A_276, %dma_wait3A_277] : memref<2x10000x64xbf16, #tpu.memory_space<hbm>> -> memref<1x10000x64xbf16, #tpu.memory_space<hbm>>
      %dma_wait3A_279 = tpu.memref_squeeze %dma_wait3A_278 : memref<1x10000x64xbf16, #tpu.memory_space<hbm>> -> memref<10000x64xbf16, #tpu.memory_space<hbm>>
      %dma_wait3A_280 = arith.constant 0 : i32
      %dma_wait3A_281 = arith.constant 0 : i32
      %dma_wait3A_282 = tpu.memref_slice %dma_wait3A_279[%dma_wait3A_280, %dma_wait3A_281] : memref<10000x64xbf16, #tpu.memory_space<hbm>> -> memref<10000x64xbf16, #tpu.memory_space<hbm>>
      tpu.wait_indirect_dma semaphore(%arg12 : memref<!tpu.dma_semaphore, #tpu.memory_space<semaphore_mem>>) src(%dma_wait3A_282 : memref<10000x64xbf16, #tpu.memory_space<hbm>>) dst(%dma_wait3A_272 : memref<125x64xbf16, #tpu.memory_space<vmem>>)
      %dma_start3A_283 = arith.constant 3 : i32
      %dma_start3A_284 = arith.constant 0 : i32
      %dma_start3A_285 = arith.constant 0 : i32
      %dma_start3A_286 = tpu.memref_slice %arg8[%dma_start3A_283, %dma_start3A_284, %dma_start3A_285] : memref<5x125x64xbf16, #tpu.memory_space<vmem>> -> memref<1x125x64xbf16, #tpu.memory_space<vmem>>
      %dma_start3A_287 = tpu.memref_squeeze %dma_start3A_286 : memref<1x125x64xbf16, #tpu.memory_space<vmem>> -> memref<125x64xbf16, #tpu.memory_space<vmem>>
      %dma_start3A_288 = arith.constant 0 : i32
      %dma_start3A_289 = tpu.memref_slice %arg7[%add3A_267, %dma_start3A_288] : memref<160x125xi32, #tpu.memory_space<vmem>> -> memref<1x125xi32, #tpu.memory_space<vmem>>
      %dma_start3A_290 = tpu.memref_squeeze %dma_start3A_289 : memref<1x125xi32, #tpu.memory_space<vmem>> -> memref<125xi32, #tpu.memory_space<vmem>>
      %dma_start3A_291 = arith.constant 0 : i32
      %dma_start3A_292 = arith.constant 0 : i32
      %dma_start3A_293 = tpu.memref_slice %arg19[%dma_start3A_291, %dma_start3A_292] : memref<10000x64xbf16, #tpu.memory_space<vmem_shared>> -> memref<10000x64xbf16, #tpu.memory_space<vmem_shared>>
      tpu.enqueue_indirect_dma source(%dma_start3A_287 : memref<125x64xbf16, #tpu.memory_space<vmem>>) target(%dma_start3A_293 : memref<10000x64xbf16, #tpu.memory_space<vmem_shared>>) offsets(%dma_start3A_290 : memref<125xi32, #tpu.memory_space<vmem>>) semaphore(%arg17 : memref<!tpu.dma_semaphore, #tpu.memory_space<semaphore_mem>>) {add = true}
      %ge3A_294 = arith.constant 2 : i32
      %ge3A_295 = arith.cmpi sge, %add3A_267, %ge3A_294 : i32
      %sub3A_296 = arith.constant 2 : i32
      %sub3A_297 = arith.subi %add3A_267, %sub3A_296 : i32
      %add3A_298 = arith.constant 5 : i32
      %add3A_299 = arith.addi %sub3A_297, %add3A_298 : i32
      %lt3A_300 = arith.constant 160 : i32
      %lt3A_301 = arith.cmpi slt, %add3A_299, %lt3A_300 : i32
      %and3A_302 = arith.andi %ge3A_295, %lt3A_301 : i1
      %convert_element_type3A_303 = arith.extui %and3A_302 : i1 to i32
      %cond3A_304 = arith.constant 0 : i32
      %cond3A_305 = arith.cmpi ne, %convert_element_type3A_303, %cond3A_304 : i32
      scf.if %cond3A_305 {
        %dma_wait3A_346 = arith.constant 1 : i32
        %dma_wait3A_347 = arith.constant 0 : i32
        %dma_wait3A_348 = arith.constant 0 : i32
        %dma_wait3A_349 = arith.constant 0 : i32
        %dma_wait3A_350 = tpu.memref_slice %arg8[%dma_wait3A_346, %dma_wait3A_348, %dma_wait3A_349] : memref<5x125x64xbf16, #tpu.memory_space<vmem>> -> memref<1x125x64xbf16, #tpu.memory_space<vmem>>
        %dma_wait3A_351 = tpu.memref_squeeze %dma_wait3A_350 : memref<1x125x64xbf16, #tpu.memory_space<vmem>> -> memref<125x64xbf16, #tpu.memory_space<vmem>>
        %dma_wait3A_352 = arith.constant 0 : i32
        %dma_wait3A_353 = tpu.memref_slice %arg7[%dma_wait3A_347, %dma_wait3A_352] : memref<160x125xi32, #tpu.memory_space<vmem>> -> memref<1x125xi32, #tpu.memory_space<vmem>>
        %dma_wait3A_354 = tpu.memref_squeeze %dma_wait3A_353 : memref<1x125xi32, #tpu.memory_space<vmem>> -> memref<125xi32, #tpu.memory_space<vmem>>
        %dma_wait3A_355 = arith.constant 0 : i32
        %dma_wait3A_356 = arith.constant 0 : i32
        %dma_wait3A_357 = tpu.memref_slice %arg19[%dma_wait3A_355, %dma_wait3A_356] : memref<10000x64xbf16, #tpu.memory_space<vmem_shared>> -> memref<10000x64xbf16, #tpu.memory_space<vmem_shared>>
        tpu.wait_indirect_dma semaphore(%arg15 : memref<!tpu.dma_semaphore, #tpu.memory_space<semaphore_mem>>) src(%dma_wait3A_351 : memref<125x64xbf16, #tpu.memory_space<vmem>>) dst(%dma_wait3A_357 : memref<10000x64xbf16, #tpu.memory_space<vmem_shared>>)
        %sub3A_358 = arith.constant 2 : i32
        %sub3A_359 = arith.subi %add3A_267, %sub3A_358 : i32
        %add3A_360 = arith.constant 5 : i32
        %add3A_361 = arith.addi %sub3A_359, %add3A_360 : i32
        %dma_start3A_362 = arith.constant 1 : i32
        %dma_start3A_363 = arith.constant 0 : i32
        %dma_start3A_364 = arith.constant 0 : i32
        %dma_start3A_365 = tpu.memref_slice %arg8[%dma_start3A_362, %dma_start3A_363, %dma_start3A_364] : memref<5x125x64xbf16, #tpu.memory_space<vmem>> -> memref<1x125x64xbf16, #tpu.memory_space<vmem>>
        %dma_start3A_366 = tpu.memref_squeeze %dma_start3A_365 : memref<1x125x64xbf16, #tpu.memory_space<vmem>> -> memref<125x64xbf16, #tpu.memory_space<vmem>>
        %dma_start3A_367 = arith.constant 0 : i32
        %dma_start3A_368 = tpu.memref_slice %arg6[%add3A_361, %dma_start3A_367] : memref<160x125xi32, #tpu.memory_space<vmem>> -> memref<1x125xi32, #tpu.memory_space<vmem>>
        %dma_start3A_369 = tpu.memref_squeeze %dma_start3A_368 : memref<1x125xi32, #tpu.memory_space<vmem>> -> memref<125xi32, #tpu.memory_space<vmem>>
        %dma_start3A_370 = arith.constant 0 : i32
        %dma_start3A_371 = arith.constant 0 : i32
        %dma_start3A_372 = tpu.memref_slice %arg2[%arg0, %dma_start3A_370, %dma_start3A_371] : memref<2x10000x64xbf16, #tpu.memory_space<hbm>> -> memref<1x10000x64xbf16, #tpu.memory_space<hbm>>
        %dma_start3A_373 = tpu.memref_squeeze %dma_start3A_372 : memref<1x10000x64xbf16, #tpu.memory_space<hbm>> -> memref<10000x64xbf16, #tpu.memory_space<hbm>>
        %dma_start3A_374 = arith.constant 0 : i32
        %dma_start3A_375 = arith.constant 0 : i32
        %dma_start3A_376 = tpu.memref_slice %dma_start3A_373[%dma_start3A_374, %dma_start3A_375] : memref<10000x64xbf16, #tpu.memory_space<hbm>> -> memref<10000x64xbf16, #tpu.memory_space<hbm>>
        tpu.enqueue_indirect_dma source(%dma_start3A_376 : memref<10000x64xbf16, #tpu.memory_space<hbm>>) target(%dma_start3A_366 : memref<125x64xbf16, #tpu.memory_space<vmem>>) offsets(%dma_start3A_369 : memref<125xi32, #tpu.memory_space<vmem>>) semaphore(%arg10 : memref<!tpu.dma_semaphore, #tpu.memory_space<semaphore_mem>>)
      } else {
      }
      %add3A_306 = arith.constant 4 : i32
      %add3A_307 = arith.addi %mul3A_152, %add3A_306 : i32
      %dma_wait3A_308 = arith.constant 4 : i32
      %dma_wait3A_309 = arith.constant 0 : i32
      %dma_wait3A_310 = arith.constant 0 : i32
      %dma_wait3A_311 = tpu.memref_slice %arg8[%dma_wait3A_308, %dma_wait3A_309, %dma_wait3A_310] : memref<5x125x64xbf16, #tpu.memory_space<vmem>> -> memref<1x125x64xbf16, #tpu.memory_space<vmem>>
      %dma_wait3A_312 = tpu.memref_squeeze %dma_wait3A_311 : memref<1x125x64xbf16, #tpu.memory_space<vmem>> -> memref<125x64xbf16, #tpu.memory_space<vmem>>
      %dma_wait3A_313 = arith.constant 0 : i32
      %dma_wait3A_314 = tpu.memref_slice %arg6[%add3A_307, %dma_wait3A_313] : memref<160x125xi32, #tpu.memory_space<vmem>> -> memref<1x125xi32, #tpu.memory_space<vmem>>
      %dma_wait3A_315 = tpu.memref_squeeze %dma_wait3A_314 : memref<1x125xi32, #tpu.memory_space<vmem>> -> memref<125xi32, #tpu.memory_space<vmem>>
      %dma_wait3A_316 = arith.constant 0 : i32
      %dma_wait3A_317 = arith.constant 0 : i32
      %dma_wait3A_318 = tpu.memref_slice %arg2[%arg0, %dma_wait3A_316, %dma_wait3A_317] : memref<2x10000x64xbf16, #tpu.memory_space<hbm>> -> memref<1x10000x64xbf16, #tpu.memory_space<hbm>>
      %dma_wait3A_319 = tpu.memref_squeeze %dma_wait3A_318 : memref<1x10000x64xbf16, #tpu.memory_space<hbm>> -> memref<10000x64xbf16, #tpu.memory_space<hbm>>
      %dma_wait3A_320 = arith.constant 0 : i32
      %dma_wait3A_321 = arith.constant 0 : i32
      %dma_wait3A_322 = tpu.memref_slice %dma_wait3A_319[%dma_wait3A_320, %dma_wait3A_321] : memref<10000x64xbf16, #tpu.memory_space<hbm>> -> memref<10000x64xbf16, #tpu.memory_space<hbm>>
      tpu.wait_indirect_dma semaphore(%arg13 : memref<!tpu.dma_semaphore, #tpu.memory_space<semaphore_mem>>) src(%dma_wait3A_322 : memref<10000x64xbf16, #tpu.memory_space<hbm>>) dst(%dma_wait3A_312 : memref<125x64xbf16, #tpu.memory_space<vmem>>)
      %dma_start3A_323 = arith.constant 4 : i32
      %dma_start3A_324 = arith.constant 0 : i32
      %dma_start3A_325 = arith.constant 0 : i32
      %dma_start3A_326 = tpu.memref_slice %arg8[%dma_start3A_323, %dma_start3A_324, %dma_start3A_325] : memref<5x125x64xbf16, #tpu.memory_space<vmem>> -> memref<1x125x64xbf16, #tpu.memory_space<vmem>>
      %dma_start3A_327 = tpu.memref_squeeze %dma_start3A_326 : memref<1x125x64xbf16, #tpu.memory_space<vmem>> -> memref<125x64xbf16, #tpu.memory_space<vmem>>
      %dma_start3A_328 = arith.constant 0 : i32
      %dma_start3A_329 = tpu.memref_slice %arg7[%add3A_307, %dma_start3A_328] : memref<160x125xi32, #tpu.memory_space<vmem>> -> memref<1x125xi32, #tpu.memory_space<vmem>>
      %dma_start3A_330 = tpu.memref_squeeze %dma_start3A_329 : memref<1x125xi32, #tpu.memory_space<vmem>> -> memref<125xi32, #tpu.memory_space<vmem>>
      %dma_start3A_331 = arith.constant 0 : i32
      %dma_start3A_332 = arith.constant 0 : i32
      %dma_start3A_333 = tpu.memref_slice %arg19[%dma_start3A_331, %dma_start3A_332] : memref<10000x64xbf16, #tpu.memory_space<vmem_shared>> -> memref<10000x64xbf16, #tpu.memory_space<vmem_shared>>
      tpu.enqueue_indirect_dma source(%dma_start3A_327 : memref<125x64xbf16, #tpu.memory_space<vmem>>) target(%dma_start3A_333 : memref<10000x64xbf16, #tpu.memory_space<vmem_shared>>) offsets(%dma_start3A_330 : memref<125xi32, #tpu.memory_space<vmem>>) semaphore(%arg18 : memref<!tpu.dma_semaphore, #tpu.memory_space<semaphore_mem>>) {add = true}
      %ge3A_334 = arith.constant 2 : i32
      %ge3A_335 = arith.cmpi sge, %add3A_307, %ge3A_334 : i32
      %sub3A_336 = arith.constant 2 : i32
      %sub3A_337 = arith.subi %add3A_307, %sub3A_336 : i32
      %add3A_338 = arith.constant 5 : i32
      %add3A_339 = arith.addi %sub3A_337, %add3A_338 : i32
      %lt3A_340 = arith.constant 160 : i32
      %lt3A_341 = arith.cmpi slt, %add3A_339, %lt3A_340 : i32
      %and3A_342 = arith.andi %ge3A_335, %lt3A_341 : i1
      %convert_element_type3A_343 = arith.extui %and3A_342 : i1 to i32
      %cond3A_344 = arith.constant 0 : i32
      %cond3A_345 = arith.cmpi ne, %convert_element_type3A_343, %cond3A_344 : i32
      scf.if %cond3A_345 {
        %dma_wait3A_346 = arith.constant 2 : i32
        %dma_wait3A_347 = arith.constant 0 : i32
        %dma_wait3A_348 = arith.constant 0 : i32
        %dma_wait3A_349 = arith.constant 0 : i32
        %dma_wait3A_350 = tpu.memref_slice %arg8[%dma_wait3A_346, %dma_wait3A_348, %dma_wait3A_349] : memref<5x125x64xbf16, #tpu.memory_space<vmem>> -> memref<1x125x64xbf16, #tpu.memory_space<vmem>>
        %dma_wait3A_351 = tpu.memref_squeeze %dma_wait3A_350 : memref<1x125x64xbf16, #tpu.memory_space<vmem>> -> memref<125x64xbf16, #tpu.memory_space<vmem>>
        %dma_wait3A_352 = arith.constant 0 : i32
        %dma_wait3A_353 = tpu.memref_slice %arg7[%dma_wait3A_347, %dma_wait3A_352] : memref<160x125xi32, #tpu.memory_space<vmem>> -> memref<1x125xi32, #tpu.memory_space<vmem>>
        %dma_wait3A_354 = tpu.memref_squeeze %dma_wait3A_353 : memref<1x125xi32, #tpu.memory_space<vmem>> -> memref<125xi32, #tpu.memory_space<vmem>>
        %dma_wait3A_355 = arith.constant 0 : i32
        %dma_wait3A_356 = arith.constant 0 : i32
        %dma_wait3A_357 = tpu.memref_slice %arg19[%dma_wait3A_355, %dma_wait3A_356] : memref<10000x64xbf16, #tpu.memory_space<vmem_shared>> -> memref<10000x64xbf16, #tpu.memory_space<vmem_shared>>
        tpu.wait_indirect_dma semaphore(%arg16 : memref<!tpu.dma_semaphore, #tpu.memory_space<semaphore_mem>>) src(%dma_wait3A_351 : memref<125x64xbf16, #tpu.memory_space<vmem>>) dst(%dma_wait3A_357 : memref<10000x64xbf16, #tpu.memory_space<vmem_shared>>)
        %sub3A_358 = arith.constant 2 : i32
        %sub3A_359 = arith.subi %add3A_307, %sub3A_358 : i32
        %add3A_360 = arith.constant 5 : i32
        %add3A_361 = arith.addi %sub3A_359, %add3A_360 : i32
        %dma_start3A_362 = arith.constant 2 : i32
        %dma_start3A_363 = arith.constant 0 : i32
        %dma_start3A_364 = arith.constant 0 : i32
        %dma_start3A_365 = tpu.memref_slice %arg8[%dma_start3A_362, %dma_start3A_363, %dma_start3A_364] : memref<5x125x64xbf16, #tpu.memory_space<vmem>> -> memref<1x125x64xbf16, #tpu.memory_space<vmem>>
        %dma_start3A_366 = tpu.memref_squeeze %dma_start3A_365 : memref<1x125x64xbf16, #tpu.memory_space<vmem>> -> memref<125x64xbf16, #tpu.memory_space<vmem>>
        %dma_start3A_367 = arith.constant 0 : i32
        %dma_start3A_368 = tpu.memref_slice %arg6[%add3A_361, %dma_start3A_367] : memref<160x125xi32, #tpu.memory_space<vmem>> -> memref<1x125xi32, #tpu.memory_space<vmem>>
        %dma_start3A_369 = tpu.memref_squeeze %dma_start3A_368 : memref<1x125xi32, #tpu.memory_space<vmem>> -> memref<125xi32, #tpu.memory_space<vmem>>
        %dma_start3A_370 = arith.constant 0 : i32
        %dma_start3A_371 = arith.constant 0 : i32
        %dma_start3A_372 = tpu.memref_slice %arg2[%arg0, %dma_start3A_370, %dma_start3A_371] : memref<2x10000x64xbf16, #tpu.memory_space<hbm>> -> memref<1x10000x64xbf16, #tpu.memory_space<hbm>>
        %dma_start3A_373 = tpu.memref_squeeze %dma_start3A_372 : memref<1x10000x64xbf16, #tpu.memory_space<hbm>> -> memref<10000x64xbf16, #tpu.memory_space<hbm>>
        %dma_start3A_374 = arith.constant 0 : i32
        %dma_start3A_375 = arith.constant 0 : i32
        %dma_start3A_376 = tpu.memref_slice %dma_start3A_373[%dma_start3A_374, %dma_start3A_375] : memref<10000x64xbf16, #tpu.memory_space<hbm>> -> memref<10000x64xbf16, #tpu.memory_space<hbm>>
        tpu.enqueue_indirect_dma source(%dma_start3A_376 : memref<10000x64xbf16, #tpu.memory_space<hbm>>) target(%dma_start3A_366 : memref<125x64xbf16, #tpu.memory_space<vmem>>) offsets(%dma_start3A_369 : memref<125xi32, #tpu.memory_space<vmem>>) semaphore(%arg11 : memref<!tpu.dma_semaphore, #tpu.memory_space<semaphore_mem>>)
      } else {
      }
    }
    %scan3A_85 = arith.constant 32 : i32
    %dma_wait3A = arith.constant 0 : i32
    %dma_wait3A_86 = arith.constant 0 : i32
    %dma_wait3A_87 = arith.constant 0 : i32
    %dma_wait3A_88 = arith.constant 0 : i32
    %dma_wait3A_89 = tpu.memref_slice %arg8[%dma_wait3A, %dma_wait3A_87, %dma_wait3A_88] : memref<5x125x64xbf16, #tpu.memory_space<vmem>> -> memref<1x125x64xbf16, #tpu.memory_space<vmem>>
    %dma_wait3A_90 = tpu.memref_squeeze %dma_wait3A_89 : memref<1x125x64xbf16, #tpu.memory_space<vmem>> -> memref<125x64xbf16, #tpu.memory_space<vmem>>
    %dma_wait3A_91 = arith.constant 0 : i32
    %dma_wait3A_92 = tpu.memref_slice %arg7[%dma_wait3A_86, %dma_wait3A_91] : memref<160x125xi32, #tpu.memory_space<vmem>> -> memref<1x125xi32, #tpu.memory_space<vmem>>
    %dma_wait3A_93 = tpu.memref_squeeze %dma_wait3A_92 : memref<1x125xi32, #tpu.memory_space<vmem>> -> memref<125xi32, #tpu.memory_space<vmem>>
    %dma_wait3A_94 = arith.constant 0 : i32
    %dma_wait3A_95 = arith.constant 0 : i32
    %dma_wait3A_96 = tpu.memref_slice %arg19[%dma_wait3A_94, %dma_wait3A_95] : memref<10000x64xbf16, #tpu.memory_space<vmem_shared>> -> memref<10000x64xbf16, #tpu.memory_space<vmem_shared>>
    tpu.wait_indirect_dma semaphore(%arg14 : memref<!tpu.dma_semaphore, #tpu.memory_space<semaphore_mem>>) src(%dma_wait3A_90 : memref<125x64xbf16, #tpu.memory_space<vmem>>) dst(%dma_wait3A_96 : memref<10000x64xbf16, #tpu.memory_space<vmem_shared>>)
    %dma_wait3A_97 = arith.constant 1 : i32
    %dma_wait3A_98 = arith.constant 0 : i32
    %dma_wait3A_99 = arith.constant 0 : i32
    %dma_wait3A_100 = arith.constant 0 : i32
    %dma_wait3A_101 = tpu.memref_slice %arg8[%dma_wait3A_97, %dma_wait3A_99, %dma_wait3A_100] : memref<5x125x64xbf16, #tpu.memory_space<vmem>> -> memref<1x125x64xbf16, #tpu.memory_space<vmem>>
    %dma_wait3A_102 = tpu.memref_squeeze %dma_wait3A_101 : memref<1x125x64xbf16, #tpu.memory_space<vmem>> -> memref<125x64xbf16, #tpu.memory_space<vmem>>
    %dma_wait3A_103 = arith.constant 0 : i32
    %dma_wait3A_104 = tpu.memref_slice %arg7[%dma_wait3A_98, %dma_wait3A_103] : memref<160x125xi32, #tpu.memory_space<vmem>> -> memref<1x125xi32, #tpu.memory_space<vmem>>
    %dma_wait3A_105 = tpu.memref_squeeze %dma_wait3A_104 : memref<1x125xi32, #tpu.memory_space<vmem>> -> memref<125xi32, #tpu.memory_space<vmem>>
    %dma_wait3A_106 = arith.constant 0 : i32
    %dma_wait3A_107 = arith.constant 0 : i32
    %dma_wait3A_108 = tpu.memref_slice %arg19[%dma_wait3A_106, %dma_wait3A_107] : memref<10000x64xbf16, #tpu.memory_space<vmem_shared>> -> memref<10000x64xbf16, #tpu.memory_space<vmem_shared>>
    tpu.wait_indirect_dma semaphore(%arg15 : memref<!tpu.dma_semaphore, #tpu.memory_space<semaphore_mem>>) src(%dma_wait3A_102 : memref<125x64xbf16, #tpu.memory_space<vmem>>) dst(%dma_wait3A_108 : memref<10000x64xbf16, #tpu.memory_space<vmem_shared>>)
    %dma_wait3A_109 = arith.constant 2 : i32
    %dma_wait3A_110 = arith.constant 0 : i32
    %dma_wait3A_111 = arith.constant 0 : i32
    %dma_wait3A_112 = arith.constant 0 : i32
    %dma_wait3A_113 = tpu.memref_slice %arg8[%dma_wait3A_109, %dma_wait3A_111, %dma_wait3A_112] : memref<5x125x64xbf16, #tpu.memory_space<vmem>> -> memref<1x125x64xbf16, #tpu.memory_space<vmem>>
    %dma_wait3A_114 = tpu.memref_squeeze %dma_wait3A_113 : memref<1x125x64xbf16, #tpu.memory_space<vmem>> -> memref<125x64xbf16, #tpu.memory_space<vmem>>
    %dma_wait3A_115 = arith.constant 0 : i32
    %dma_wait3A_116 = tpu.memref_slice %arg7[%dma_wait3A_110, %dma_wait3A_115] : memref<160x125xi32, #tpu.memory_space<vmem>> -> memref<1x125xi32, #tpu.memory_space<vmem>>
    %dma_wait3A_117 = tpu.memref_squeeze %dma_wait3A_116 : memref<1x125xi32, #tpu.memory_space<vmem>> -> memref<125xi32, #tpu.memory_space<vmem>>
    %dma_wait3A_118 = arith.constant 0 : i32
    %dma_wait3A_119 = arith.constant 0 : i32
    %dma_wait3A_120 = tpu.memref_slice %arg19[%dma_wait3A_118, %dma_wait3A_119] : memref<10000x64xbf16, #tpu.memory_space<vmem_shared>> -> memref<10000x64xbf16, #tpu.memory_space<vmem_shared>>
    tpu.wait_indirect_dma semaphore(%arg16 : memref<!tpu.dma_semaphore, #tpu.memory_space<semaphore_mem>>) src(%dma_wait3A_114 : memref<125x64xbf16, #tpu.memory_space<vmem>>) dst(%dma_wait3A_120 : memref<10000x64xbf16, #tpu.memory_space<vmem_shared>>)
    %dma_wait3A_121 = arith.constant 3 : i32
    %dma_wait3A_122 = arith.constant 0 : i32
    %dma_wait3A_123 = arith.constant 0 : i32
    %dma_wait3A_124 = arith.constant 0 : i32
    %dma_wait3A_125 = tpu.memref_slice %arg8[%dma_wait3A_121, %dma_wait3A_123, %dma_wait3A_124] : memref<5x125x64xbf16, #tpu.memory_space<vmem>> -> memref<1x125x64xbf16, #tpu.memory_space<vmem>>
    %dma_wait3A_126 = tpu.memref_squeeze %dma_wait3A_125 : memref<1x125x64xbf16, #tpu.memory_space<vmem>> -> memref<125x64xbf16, #tpu.memory_space<vmem>>
    %dma_wait3A_127 = arith.constant 0 : i32
    %dma_wait3A_128 = tpu.memref_slice %arg7[%dma_wait3A_122, %dma_wait3A_127] : memref<160x125xi32, #tpu.memory_space<vmem>> -> memref<1x125xi32, #tpu.memory_space<vmem>>
    %dma_wait3A_129 = tpu.memref_squeeze %dma_wait3A_128 : memref<1x125xi32, #tpu.memory_space<vmem>> -> memref<125xi32, #tpu.memory_space<vmem>>
    %dma_wait3A_130 = arith.constant 0 : i32
    %dma_wait3A_131 = arith.constant 0 : i32
    %dma_wait3A_132 = tpu.memref_slice %arg19[%dma_wait3A_130, %dma_wait3A_131] : memref<10000x64xbf16, #tpu.memory_space<vmem_shared>> -> memref<10000x64xbf16, #tpu.memory_space<vmem_shared>>
    tpu.wait_indirect_dma semaphore(%arg17 : memref<!tpu.dma_semaphore, #tpu.memory_space<semaphore_mem>>) src(%dma_wait3A_126 : memref<125x64xbf16, #tpu.memory_space<vmem>>) dst(%dma_wait3A_132 : memref<10000x64xbf16, #tpu.memory_space<vmem_shared>>)
    %dma_wait3A_133 = arith.constant 4 : i32
    %dma_wait3A_134 = arith.constant 0 : i32
    %dma_wait3A_135 = arith.constant 0 : i32
    %dma_wait3A_136 = arith.constant 0 : i32
    %dma_wait3A_137 = tpu.memref_slice %arg8[%dma_wait3A_133, %dma_wait3A_135, %dma_wait3A_136] : memref<5x125x64xbf16, #tpu.memory_space<vmem>> -> memref<1x125x64xbf16, #tpu.memory_space<vmem>>
    %dma_wait3A_138 = tpu.memref_squeeze %dma_wait3A_137 : memref<1x125x64xbf16, #tpu.memory_space<vmem>> -> memref<125x64xbf16, #tpu.memory_space<vmem>>
    %dma_wait3A_139 = arith.constant 0 : i32
    %dma_wait3A_140 = tpu.memref_slice %arg7[%dma_wait3A_134, %dma_wait3A_139] : memref<160x125xi32, #tpu.memory_space<vmem>> -> memref<1x125xi32, #tpu.memory_space<vmem>>
    %dma_wait3A_141 = tpu.memref_squeeze %dma_wait3A_140 : memref<1x125xi32, #tpu.memory_space<vmem>> -> memref<125xi32, #tpu.memory_space<vmem>>
    %dma_wait3A_142 = arith.constant 0 : i32
    %dma_wait3A_143 = arith.constant 0 : i32
    %dma_wait3A_144 = tpu.memref_slice %arg19[%dma_wait3A_142, %dma_wait3A_143] : memref<10000x64xbf16, #tpu.memory_space<vmem_shared>> -> memref<10000x64xbf16, #tpu.memory_space<vmem_shared>>
    tpu.wait_indirect_dma semaphore(%arg18 : memref<!tpu.dma_semaphore, #tpu.memory_space<semaphore_mem>>) src(%dma_wait3A_138 : memref<125x64xbf16, #tpu.memory_space<vmem>>) dst(%dma_wait3A_144 : memref<10000x64xbf16, #tpu.memory_space<vmem_shared>>)
    %barrier3A_145 = arith.constant 0 : index
    tpu.barrier barrier_id(%barrier3A_145)
    %mul3A_146 = arith.constant 625 : i32
    %mul3A_147 = arith.muli %arg1, %mul3A_146 : i32
    %mul3A_148 = arith.constant 625 : i32
    %mul3A_149 = arith.muli %arg1, %mul3A_148 : i32
    "tpu.region"() ({
      %run_scoped3A_150 = tpu.sem_alloc : memref<!tpu.dma_semaphore, #tpu.memory_space<semaphore_mem>>
      %dma_start3A_151 = arith.constant 0 : i32
      %dma_start3A_152 = tpu.memref_slice %arg5[%arg0, %mul3A_149, %dma_start3A_151] : memref<2x10000x64xbf16, #tpu.memory_space<hbm>> -> memref<1x625x64xbf16, #tpu.memory_space<hbm>>
      %dma_start3A_153 = tpu.memref_squeeze %dma_start3A_152 : memref<1x625x64xbf16, #tpu.memory_space<hbm>> -> memref<625x64xbf16, #tpu.memory_space<hbm>>
      %dma_start3A_154 = arith.constant 0 : i32
      %dma_start3A_155 = tpu.memref_slice %arg19[%mul3A_147, %dma_start3A_154] : memref<10000x64xbf16, #tpu.memory_space<vmem_shared>> -> memref<625x64xbf16, #tpu.memory_space<vmem_shared>>
      tpu.enqueue_dma source(%dma_start3A_155 : memref<625x64xbf16, #tpu.memory_space<vmem_shared>>) target(%dma_start3A_153 : memref<625x64xbf16, #tpu.memory_space<hbm>>) target_semaphore(%run_scoped3A_150 : memref<!tpu.dma_semaphore, #tpu.memory_space<semaphore_mem>>)
      %dma_wait3A_156 = arith.constant 0 : i32
      %dma_wait3A_157 = tpu.memref_slice %arg5[%arg0, %mul3A_149, %dma_wait3A_156] : memref<2x10000x64xbf16, #tpu.memory_space<hbm>> -> memref<1x625x64xbf16, #tpu.memory_space<hbm>>
      %dma_wait3A_158 = tpu.memref_squeeze %dma_wait3A_157 : memref<1x625x64xbf16, #tpu.memory_space<hbm>> -> memref<625x64xbf16, #tpu.memory_space<hbm>>
      %dma_wait3A_159 = arith.constant 0 : i32
      %dma_wait3A_160 = tpu.memref_slice %arg19[%mul3A_147, %dma_wait3A_159] : memref<10000x64xbf16, #tpu.memory_space<vmem_shared>> -> memref<625x64xbf16, #tpu.memory_space<vmem_shared>>
      tpu.wait_dma2 semaphore(%run_scoped3A_150 : memref<!tpu.dma_semaphore, #tpu.memory_space<semaphore_mem>>) src(%dma_wait3A_160 : memref<625x64xbf16, #tpu.memory_space<vmem_shared>>) dst(%dma_wait3A_158 : memref<625x64xbf16, #tpu.memory_space<hbm>>)
      tpu.yield
    }) : () -> ()
    return
  }
}

#map = affine_map<(d0, d1) -> (0, 0, 0)>
#map1 = affine_map<(d0, d1) -> (0, 0, 0, 0)>
#map2 = affine_map<(d0, d1) -> (0, 0)>
module attributes {stable_mosaic.version = 14 : i64} {
  func.func @_agg_body(%arg0: i32, %arg1: i32, %arg2: memref<2x10000x64xbf16, #tpu.memory_space<hbm>>, %arg3: memref<2x16x160x125xi32, #tpu.memory_space<hbm>>, %arg4: memref<625x64xbf16, #tpu.memory_space<hbm>>, %arg5: memref<2x10000x64xbf16, #tpu.memory_space<hbm>>, %arg6: memref<160x125xi32, #tpu.memory_space<vmem>>, %arg7: memref<160x125xi32, #tpu.memory_space<vmem>>, %arg8: memref<5x125x64xbf16, #tpu.memory_space<vmem>>, %arg9: memref<!tpu.dma_semaphore, #tpu.memory_space<semaphore_mem>>, %arg10: memref<!tpu.dma_semaphore, #tpu.memory_space<semaphore_mem>>, %arg11: memref<!tpu.dma_semaphore, #tpu.memory_space<semaphore_mem>>, %arg12: memref<!tpu.dma_semaphore, #tpu.memory_space<semaphore_mem>>, %arg13: memref<!tpu.dma_semaphore, #tpu.memory_space<semaphore_mem>>, %arg14: memref<!tpu.dma_semaphore, #tpu.memory_space<semaphore_mem>>, %arg15: memref<!tpu.dma_semaphore, #tpu.memory_space<semaphore_mem>>, %arg16: memref<!tpu.dma_semaphore, #tpu.memory_space<semaphore_mem>>, %arg17: memref<!tpu.dma_semaphore, #tpu.memory_space<semaphore_mem>>, %arg18: memref<!tpu.dma_semaphore, #tpu.memory_space<semaphore_mem>>, %arg19: memref<10000x64xbf16, #tpu.memory_space<vmem_shared>>) attributes {dimension_semantics = [#tpu.dimension_semantics<core_parallel>, #tpu.dimension_semantics<subcore_parallel>], iteration_bounds = array<i64: 2, 16>, scalar_prefetch = 0 : i64, scratch_operands = 14 : i64, tpu.core_type = #tpu.core_type<sc_vector_subcore>, window_params = [{transform_indices = #map}, {transform_indices = #map1}, {transform_indices = #map2}, {transform_indices = #map}]} {
    %run_scoped3A = arith.constant 0 : i32
    "tpu.region"() ({
      %run_scoped3A_150 = tpu.sem_alloc : memref<!tpu.dma_semaphore, #tpu.memory_space<semaphore_mem>>
      %dma_start3A_151 = arith.constant 0 : i32
      %dma_start3A_152 = arith.constant 0 : i32
      %dma_start3A_153 = tpu.memref_slice %arg3[%run_scoped3A, %arg1, %dma_start3A_151, %dma_start3A_152] : memref<2x16x160x125xi32, #tpu.memory_space<hbm>> -> memref<1x1x160x125xi32, #tpu.memory_space<hbm>>
      %dma_start3A_154 = tpu.memref_squeeze %dma_start3A_153 : memref<1x1x160x125xi32, #tpu.memory_space<hbm>> -> memref<160x125xi32, #tpu.memory_space<hbm>>
      %dma_start3A_155 = arith.constant 0 : i32
      %dma_start3A_156 = arith.constant 0 : i32
      %dma_start3A_157 = tpu.memref_slice %arg3[%run_scoped3A, %arg1, %dma_start3A_155, %dma_start3A_156] : memref<2x16x160x125xi32, #tpu.memory_space<hbm>> -> memref<1x1x160x125xi32, #tpu.memory_space<hbm>>
      %dma_start3A_158 = tpu.memref_squeeze %dma_start3A_157 : memref<1x1x160x125xi32, #tpu.memory_space<hbm>> -> memref<160x125xi32, #tpu.memory_space<hbm>>
      tpu.enqueue_dma source(%dma_start3A_158 : memref<160x125xi32, #tpu.memory_space<hbm>>) target(%arg6 : memref<160x125xi32, #tpu.memory_space<vmem>>) target_semaphore(%run_scoped3A_150 : memref<!tpu.dma_semaphore, #tpu.memory_space<semaphore_mem>>)
      %dma_wait3A_159 = arith.constant 0 : i32
      %dma_wait3A_160 = arith.constant 0 : i32
      %dma_wait3A_161 = tpu.memref_slice %arg3[%run_scoped3A, %arg1, %dma_wait3A_159, %dma_wait3A_160] : memref<2x16x160x125xi32, #tpu.memory_space<hbm>> -> memref<1x1x160x125xi32, #tpu.memory_space<hbm>>
      %dma_wait3A_162 = tpu.memref_squeeze %dma_wait3A_161 : memref<1x1x160x125xi32, #tpu.memory_space<hbm>> -> memref<160x125xi32, #tpu.memory_space<hbm>>
      %dma_wait3A_163 = arith.constant 0 : i32
      %dma_wait3A_164 = arith.constant 0 : i32
      %dma_wait3A_165 = tpu.memref_slice %arg3[%run_scoped3A, %arg1, %dma_wait3A_163, %dma_wait3A_164] : memref<2x16x160x125xi32, #tpu.memory_space<hbm>> -> memref<1x1x160x125xi32, #tpu.memory_space<hbm>>
      %dma_wait3A_166 = tpu.memref_squeeze %dma_wait3A_165 : memref<1x1x160x125xi32, #tpu.memory_space<hbm>> -> memref<160x125xi32, #tpu.memory_space<hbm>>
      tpu.wait_dma2 semaphore(%run_scoped3A_150 : memref<!tpu.dma_semaphore, #tpu.memory_space<semaphore_mem>>) src(%dma_wait3A_166 : memref<160x125xi32, #tpu.memory_space<hbm>>) dst(%arg6 : memref<160x125xi32, #tpu.memory_space<vmem>>)
      tpu.yield
    }) : () -> ()
    %run_scoped3A_0 = arith.constant 1 : i32
    "tpu.region"() ({
      %run_scoped3A_150 = tpu.sem_alloc : memref<!tpu.dma_semaphore, #tpu.memory_space<semaphore_mem>>
      %dma_start3A_151 = arith.constant 0 : i32
      %dma_start3A_152 = arith.constant 0 : i32
      %dma_start3A_153 = tpu.memref_slice %arg3[%run_scoped3A_0, %arg1, %dma_start3A_151, %dma_start3A_152] : memref<2x16x160x125xi32, #tpu.memory_space<hbm>> -> memref<1x1x160x125xi32, #tpu.memory_space<hbm>>
      %dma_start3A_154 = tpu.memref_squeeze %dma_start3A_153 : memref<1x1x160x125xi32, #tpu.memory_space<hbm>> -> memref<160x125xi32, #tpu.memory_space<hbm>>
      %dma_start3A_155 = arith.constant 0 : i32
      %dma_start3A_156 = arith.constant 0 : i32
      %dma_start3A_157 = tpu.memref_slice %arg3[%run_scoped3A_0, %arg1, %dma_start3A_155, %dma_start3A_156] : memref<2x16x160x125xi32, #tpu.memory_space<hbm>> -> memref<1x1x160x125xi32, #tpu.memory_space<hbm>>
      %dma_start3A_158 = tpu.memref_squeeze %dma_start3A_157 : memref<1x1x160x125xi32, #tpu.memory_space<hbm>> -> memref<160x125xi32, #tpu.memory_space<hbm>>
      tpu.enqueue_dma source(%dma_start3A_158 : memref<160x125xi32, #tpu.memory_space<hbm>>) target(%arg7 : memref<160x125xi32, #tpu.memory_space<vmem>>) target_semaphore(%run_scoped3A_150 : memref<!tpu.dma_semaphore, #tpu.memory_space<semaphore_mem>>)
      %dma_wait3A_159 = arith.constant 0 : i32
      %dma_wait3A_160 = arith.constant 0 : i32
      %dma_wait3A_161 = tpu.memref_slice %arg3[%run_scoped3A_0, %arg1, %dma_wait3A_159, %dma_wait3A_160] : memref<2x16x160x125xi32, #tpu.memory_space<hbm>> -> memref<1x1x160x125xi32, #tpu.memory_space<hbm>>
      %dma_wait3A_162 = tpu.memref_squeeze %dma_wait3A_161 : memref<1x1x160x125xi32, #tpu.memory_space<hbm>> -> memref<160x125xi32, #tpu.memory_space<hbm>>
      %dma_wait3A_163 = arith.constant 0 : i32
      %dma_wait3A_164 = arith.constant 0 : i32
      %dma_wait3A_165 = tpu.memref_slice %arg3[%run_scoped3A_0, %arg1, %dma_wait3A_163, %dma_wait3A_164] : memref<2x16x160x125xi32, #tpu.memory_space<hbm>> -> memref<1x1x160x125xi32, #tpu.memory_space<hbm>>
      %dma_wait3A_166 = tpu.memref_squeeze %dma_wait3A_165 : memref<1x1x160x125xi32, #tpu.memory_space<hbm>> -> memref<160x125xi32, #tpu.memory_space<hbm>>
      tpu.wait_dma2 semaphore(%run_scoped3A_150 : memref<!tpu.dma_semaphore, #tpu.memory_space<semaphore_mem>>) src(%dma_wait3A_166 : memref<160x125xi32, #tpu.memory_space<hbm>>) dst(%arg7 : memref<160x125xi32, #tpu.memory_space<vmem>>)
      tpu.yield
    }) : () -> ()
    %mul3A = arith.constant 625 : i32
    %mul3A_1 = arith.muli %arg1, %mul3A : i32
    "tpu.region"() ({
      %run_scoped3A_150 = tpu.sem_alloc : memref<!tpu.dma_semaphore, #tpu.memory_space<semaphore_mem>>
      %dma_start3A_151 = arith.constant 0 : i32
      %dma_start3A_152 = tpu.memref_slice %arg19[%mul3A_1, %dma_start3A_151] : memref<10000x64xbf16, #tpu.memory_space<vmem_shared>> -> memref<625x64xbf16, #tpu.memory_space<vmem_shared>>
      tpu.enqueue_dma source(%arg4 : memref<625x64xbf16, #tpu.memory_space<hbm>>) target(%dma_start3A_152 : memref<625x64xbf16, #tpu.memory_space<vmem_shared>>) target_semaphore(%run_scoped3A_150 : memref<!tpu.dma_semaphore, #tpu.memory_space<semaphore_mem>>)
      %dma_wait3A_153 = arith.constant 0 : i32
      %dma_wait3A_154 = tpu.memref_slice %arg19[%mul3A_1, %dma_wait3A_153] : memref<10000x64xbf16, #tpu.memory_space<vmem_shared>> -> memref<625x64xbf16, #tpu.memory_space<vmem_shared>>
      tpu.wait_dma2 semaphore(%run_scoped3A_150 : memref<!tpu.dma_semaphore, #tpu.memory_space<semaphore_mem>>) src(%arg4 : memref<625x64xbf16, #tpu.memory_space<hbm>>) dst(%dma_wait3A_154 : memref<625x64xbf16, #tpu.memory_space<vmem_shared>>)
      tpu.yield
    }) : () -> ()
    %dma_start3A = arith.constant 0 : i32
    %dma_start3A_2 = arith.constant 0 : i32
    %dma_start3A_3 = arith.constant 0 : i32
    %dma_start3A_4 = arith.constant 0 : i32
    %dma_start3A_5 = tpu.memref_slice %arg8[%dma_start3A_2, %dma_start3A_3, %dma_start3A_4] : memref<5x125x64xbf16, #tpu.memory_space<vmem>> -> memref<1x125x64xbf16, #tpu.memory_space<vmem>>
    %dma_start3A_6 = tpu.memref_squeeze %dma_start3A_5 : memref<1x125x64xbf16, #tpu.memory_space<vmem>> -> memref<125x64xbf16, #tpu.memory_space<vmem>>
    %dma_start3A_7 = arith.constant 0 : i32
    %dma_start3A_8 = tpu.memref_slice %arg6[%dma_start3A, %dma_start3A_7] : memref<160x125xi32, #tpu.memory_space<vmem>> -> memref<1x125xi32, #tpu.memory_space<vmem>>
    %dma_start3A_9 = tpu.memref_squeeze %dma_start3A_8 : memref<1x125xi32, #tpu.memory_space<vmem>> -> memref<125xi32, #tpu.memory_space<vmem>>
    %dma_start3A_10 = arith.constant 0 : i32
    %dma_start3A_11 = arith.constant 0 : i32
    %dma_start3A_12 = tpu.memref_slice %arg2[%arg0, %dma_start3A_10, %dma_start3A_11] : memref<2x10000x64xbf16, #tpu.memory_space<hbm>> -> memref<1x10000x64xbf16, #tpu.memory_space<hbm>>
    %dma_start3A_13 = tpu.memref_squeeze %dma_start3A_12 : memref<1x10000x64xbf16, #tpu.memory_space<hbm>> -> memref<10000x64xbf16, #tpu.memory_space<hbm>>
    %dma_start3A_14 = arith.constant 0 : i32
    %dma_start3A_15 = arith.constant 0 : i32
    %dma_start3A_16 = tpu.memref_slice %dma_start3A_13[%dma_start3A_14, %dma_start3A_15] : memref<10000x64xbf16, #tpu.memory_space<hbm>> -> memref<10000x64xbf16, #tpu.memory_space<hbm>>
    tpu.enqueue_indirect_dma source(%dma_start3A_16 : memref<10000x64xbf16, #tpu.memory_space<hbm>>) target(%dma_start3A_6 : memref<125x64xbf16, #tpu.memory_space<vmem>>) offsets(%dma_start3A_9 : memref<125xi32, #tpu.memory_space<vmem>>) semaphore(%arg9 : memref<!tpu.dma_semaphore, #tpu.memory_space<semaphore_mem>>)
    %dma_start3A_17 = arith.constant 1 : i32
    %dma_start3A_18 = arith.constant 1 : i32
    %dma_start3A_19 = arith.constant 0 : i32
    %dma_start3A_20 = arith.constant 0 : i32
    %dma_start3A_21 = tpu.memref_slice %arg8[%dma_start3A_18, %dma_start3A_19, %dma_start3A_20] : memref<5x125x64xbf16, #tpu.memory_space<vmem>> -> memref<1x125x64xbf16, #tpu.memory_space<vmem>>
    %dma_start3A_22 = tpu.memref_squeeze %dma_start3A_21 : memref<1x125x64xbf16, #tpu.memory_space<vmem>> -> memref<125x64xbf16, #tpu.memory_space<vmem>>
    %dma_start3A_23 = arith.constant 0 : i32
    %dma_start3A_24 = tpu.memref_slice %arg6[%dma_start3A_17, %dma_start3A_23] : memref<160x125xi32, #tpu.memory_space<vmem>> -> memref<1x125xi32, #tpu.memory_space<vmem>>
    %dma_start3A_25 = tpu.memref_squeeze %dma_start3A_24 : memref<1x125xi32, #tpu.memory_space<vmem>> -> memref<125xi32, #tpu.memory_space<vmem>>
    %dma_start3A_26 = arith.constant 0 : i32
    %dma_start3A_27 = arith.constant 0 : i32
    %dma_start3A_28 = tpu.memref_slice %arg2[%arg0, %dma_start3A_26, %dma_start3A_27] : memref<2x10000x64xbf16, #tpu.memory_space<hbm>> -> memref<1x10000x64xbf16, #tpu.memory_space<hbm>>
    %dma_start3A_29 = tpu.memref_squeeze %dma_start3A_28 : memref<1x10000x64xbf16, #tpu.memory_space<hbm>> -> memref<10000x64xbf16, #tpu.memory_space<hbm>>
    %dma_start3A_30 = arith.constant 0 : i32
    %dma_start3A_31 = arith.constant 0 : i32
    %dma_start3A_32 = tpu.memref_slice %dma_start3A_29[%dma_start3A_30, %dma_start3A_31] : memref<10000x64xbf16, #tpu.memory_space<hbm>> -> memref<10000x64xbf16, #tpu.memory_space<hbm>>
    tpu.enqueue_indirect_dma source(%dma_start3A_32 : memref<10000x64xbf16, #tpu.memory_space<hbm>>) target(%dma_start3A_22 : memref<125x64xbf16, #tpu.memory_space<vmem>>) offsets(%dma_start3A_25 : memref<125xi32, #tpu.memory_space<vmem>>) semaphore(%arg10 : memref<!tpu.dma_semaphore, #tpu.memory_space<semaphore_mem>>)
    %dma_start3A_33 = arith.constant 2 : i32
    %dma_start3A_34 = arith.constant 2 : i32
    %dma_start3A_35 = arith.constant 0 : i32
    %dma_start3A_36 = arith.constant 0 : i32
    %dma_start3A_37 = tpu.memref_slice %arg8[%dma_start3A_34, %dma_start3A_35, %dma_start3A_36] : memref<5x125x64xbf16, #tpu.memory_space<vmem>> -> memref<1x125x64xbf16, #tpu.memory_space<vmem>>
    %dma_start3A_38 = tpu.memref_squeeze %dma_start3A_37 : memref<1x125x64xbf16, #tpu.memory_space<vmem>> -> memref<125x64xbf16, #tpu.memory_space<vmem>>
    %dma_start3A_39 = arith.constant 0 : i32
    %dma_start3A_40 = tpu.memref_slice %arg6[%dma_start3A_33, %dma_start3A_39] : memref<160x125xi32, #tpu.memory_space<vmem>> -> memref<1x125xi32, #tpu.memory_space<vmem>>
    %dma_start3A_41 = tpu.memref_squeeze %dma_start3A_40 : memref<1x125xi32, #tpu.memory_space<vmem>> -> memref<125xi32, #tpu.memory_space<vmem>>
    %dma_start3A_42 = arith.constant 0 : i32
    %dma_start3A_43 = arith.constant 0 : i32
    %dma_start3A_44 = tpu.memref_slice %arg2[%arg0, %dma_start3A_42, %dma_start3A_43] : memref<2x10000x64xbf16, #tpu.memory_space<hbm>> -> memref<1x10000x64xbf16, #tpu.memory_space<hbm>>
    %dma_start3A_45 = tpu.memref_squeeze %dma_start3A_44 : memref<1x10000x64xbf16, #tpu.memory_space<hbm>> -> memref<10000x64xbf16, #tpu.memory_space<hbm>>
    %dma_start3A_46 = arith.constant 0 : i32
    %dma_start3A_47 = arith.constant 0 : i32
    %dma_start3A_48 = tpu.memref_slice %dma_start3A_45[%dma_start3A_46, %dma_start3A_47] : memref<10000x64xbf16, #tpu.memory_space<hbm>> -> memref<10000x64xbf16, #tpu.memory_space<hbm>>
    tpu.enqueue_indirect_dma source(%dma_start3A_48 : memref<10000x64xbf16, #tpu.memory_space<hbm>>) target(%dma_start3A_38 : memref<125x64xbf16, #tpu.memory_space<vmem>>) offsets(%dma_start3A_41 : memref<125xi32, #tpu.memory_space<vmem>>) semaphore(%arg11 : memref<!tpu.dma_semaphore, #tpu.memory_space<semaphore_mem>>)
    %dma_start3A_49 = arith.constant 3 : i32
    %dma_start3A_50 = arith.constant 3 : i32
    %dma_start3A_51 = arith.constant 0 : i32
    %dma_start3A_52 = arith.constant 0 : i32
    %dma_start3A_53 = tpu.memref_slice %arg8[%dma_start3A_50, %dma_start3A_51, %dma_start3A_52] : memref<5x125x64xbf16, #tpu.memory_space<vmem>> -> memref<1x125x64xbf16, #tpu.memory_space<vmem>>
    %dma_start3A_54 = tpu.memref_squeeze %dma_start3A_53 : memref<1x125x64xbf16, #tpu.memory_space<vmem>> -> memref<125x64xbf16, #tpu.memory_space<vmem>>
    %dma_start3A_55 = arith.constant 0 : i32
    %dma_start3A_56 = tpu.memref_slice %arg6[%dma_start3A_49, %dma_start3A_55] : memref<160x125xi32, #tpu.memory_space<vmem>> -> memref<1x125xi32, #tpu.memory_space<vmem>>
    %dma_start3A_57 = tpu.memref_squeeze %dma_start3A_56 : memref<1x125xi32, #tpu.memory_space<vmem>> -> memref<125xi32, #tpu.memory_space<vmem>>
    %dma_start3A_58 = arith.constant 0 : i32
    %dma_start3A_59 = arith.constant 0 : i32
    %dma_start3A_60 = tpu.memref_slice %arg2[%arg0, %dma_start3A_58, %dma_start3A_59] : memref<2x10000x64xbf16, #tpu.memory_space<hbm>> -> memref<1x10000x64xbf16, #tpu.memory_space<hbm>>
    %dma_start3A_61 = tpu.memref_squeeze %dma_start3A_60 : memref<1x10000x64xbf16, #tpu.memory_space<hbm>> -> memref<10000x64xbf16, #tpu.memory_space<hbm>>
    %dma_start3A_62 = arith.constant 0 : i32
    %dma_start3A_63 = arith.constant 0 : i32
    %dma_start3A_64 = tpu.memref_slice %dma_start3A_61[%dma_start3A_62, %dma_start3A_63] : memref<10000x64xbf16, #tpu.memory_space<hbm>> -> memref<10000x64xbf16, #tpu.memory_space<hbm>>
    tpu.enqueue_indirect_dma source(%dma_start3A_64 : memref<10000x64xbf16, #tpu.memory_space<hbm>>) target(%dma_start3A_54 : memref<125x64xbf16, #tpu.memory_space<vmem>>) offsets(%dma_start3A_57 : memref<125xi32, #tpu.memory_space<vmem>>) semaphore(%arg12 : memref<!tpu.dma_semaphore, #tpu.memory_space<semaphore_mem>>)
    %dma_start3A_65 = arith.constant 4 : i32
    %dma_start3A_66 = arith.constant 4 : i32
    %dma_start3A_67 = arith.constant 0 : i32
    %dma_start3A_68 = arith.constant 0 : i32
    %dma_start3A_69 = tpu.memref_slice %arg8[%dma_start3A_66, %dma_start3A_67, %dma_start3A_68] : memref<5x125x64xbf16, #tpu.memory_space<vmem>> -> memref<1x125x64xbf16, #tpu.memory_space<vmem>>
    %dma_start3A_70 = tpu.memref_squeeze %dma_start3A_69 : memref<1x125x64xbf16, #tpu.memory_space<vmem>> -> memref<125x64xbf16, #tpu.memory_space<vmem>>
    %dma_start3A_71 = arith.constant 0 : i32
    %dma_start3A_72 = tpu.memref_slice %arg6[%dma_start3A_65, %dma_start3A_71] : memref<160x125xi32, #tpu.memory_space<vmem>> -> memref<1x125xi32, #tpu.memory_space<vmem>>
    %dma_start3A_73 = tpu.memref_squeeze %dma_start3A_72 : memref<1x125xi32, #tpu.memory_space<vmem>> -> memref<125xi32, #tpu.memory_space<vmem>>
    %dma_start3A_74 = arith.constant 0 : i32
    %dma_start3A_75 = arith.constant 0 : i32
    %dma_start3A_76 = tpu.memref_slice %arg2[%arg0, %dma_start3A_74, %dma_start3A_75] : memref<2x10000x64xbf16, #tpu.memory_space<hbm>> -> memref<1x10000x64xbf16, #tpu.memory_space<hbm>>
    %dma_start3A_77 = tpu.memref_squeeze %dma_start3A_76 : memref<1x10000x64xbf16, #tpu.memory_space<hbm>> -> memref<10000x64xbf16, #tpu.memory_space<hbm>>
    %dma_start3A_78 = arith.constant 0 : i32
    %dma_start3A_79 = arith.constant 0 : i32
    %dma_start3A_80 = tpu.memref_slice %dma_start3A_77[%dma_start3A_78, %dma_start3A_79] : memref<10000x64xbf16, #tpu.memory_space<hbm>> -> memref<10000x64xbf16, #tpu.memory_space<hbm>>
    tpu.enqueue_indirect_dma source(%dma_start3A_80 : memref<10000x64xbf16, #tpu.memory_space<hbm>>) target(%dma_start3A_70 : memref<125x64xbf16, #tpu.memory_space<vmem>>) offsets(%dma_start3A_73 : memref<125xi32, #tpu.memory_space<vmem>>) semaphore(%arg13 : memref<!tpu.dma_semaphore, #tpu.memory_space<semaphore_mem>>)
    %barrier3A = arith.constant 0 : index
    tpu.barrier barrier_id(%barrier3A)
    %scan3A = arith.constant 0 : i32
    %scan3A_81 = arith.constant 0 : i32
    %scan3A_82 = arith.constant 32 : i32
    %scan3A_83 = arith.addi %scan3A_81, %scan3A_82 : i32
    %scan3A_84 = arith.constant 1 : i32
    scf.for %scan3A_150 = %scan3A_81 to %scan3A_83 step %scan3A_84  : i32 {
      %mul3A_151 = arith.constant 5 : i32
      %mul3A_152 = arith.muli %scan3A_150, %mul3A_151 : i32
      %add3A = arith.constant 0 : i32
      %add3A_153 = arith.addi %mul3A_152, %add3A : i32
      %dma_wait3A_154 = arith.constant 0 : i32
      %dma_wait3A_155 = arith.constant 0 : i32
      %dma_wait3A_156 = arith.constant 0 : i32
      %dma_wait3A_157 = tpu.memref_slice %arg8[%dma_wait3A_154, %dma_wait3A_155, %dma_wait3A_156] : memref<5x125x64xbf16, #tpu.memory_space<vmem>> -> memref<1x125x64xbf16, #tpu.memory_space<vmem>>
      %dma_wait3A_158 = tpu.memref_squeeze %dma_wait3A_157 : memref<1x125x64xbf16, #tpu.memory_space<vmem>> -> memref<125x64xbf16, #tpu.memory_space<vmem>>
      %dma_wait3A_159 = arith.constant 0 : i32
      %dma_wait3A_160 = tpu.memref_slice %arg6[%add3A_153, %dma_wait3A_159] : memref<160x125xi32, #tpu.memory_space<vmem>> -> memref<1x125xi32, #tpu.memory_space<vmem>>
      %dma_wait3A_161 = tpu.memref_squeeze %dma_wait3A_160 : memref<1x125xi32, #tpu.memory_space<vmem>> -> memref<125xi32, #tpu.memory_space<vmem>>
      %dma_wait3A_162 = arith.constant 0 : i32
      %dma_wait3A_163 = arith.constant 0 : i32
      %dma_wait3A_164 = tpu.memref_slice %arg2[%arg0, %dma_wait3A_162, %dma_wait3A_163] : memref<2x10000x64xbf16, #tpu.memory_space<hbm>> -> memref<1x10000x64xbf16, #tpu.memory_space<hbm>>
      %dma_wait3A_165 = tpu.memref_squeeze %dma_wait3A_164 : memref<1x10000x64xbf16, #tpu.memory_space<hbm>> -> memref<10000x64xbf16, #tpu.memory_space<hbm>>
      %dma_wait3A_166 = arith.constant 0 : i32
      %dma_wait3A_167 = arith.constant 0 : i32
      %dma_wait3A_168 = tpu.memref_slice %dma_wait3A_165[%dma_wait3A_166, %dma_wait3A_167] : memref<10000x64xbf16, #tpu.memory_space<hbm>> -> memref<10000x64xbf16, #tpu.memory_space<hbm>>
      tpu.wait_indirect_dma semaphore(%arg9 : memref<!tpu.dma_semaphore, #tpu.memory_space<semaphore_mem>>) src(%dma_wait3A_168 : memref<10000x64xbf16, #tpu.memory_space<hbm>>) dst(%dma_wait3A_158 : memref<125x64xbf16, #tpu.memory_space<vmem>>)
      %dma_start3A_169 = arith.constant 0 : i32
      %dma_start3A_170 = arith.constant 0 : i32
      %dma_start3A_171 = arith.constant 0 : i32
      %dma_start3A_172 = tpu.memref_slice %arg8[%dma_start3A_169, %dma_start3A_170, %dma_start3A_171] : memref<5x125x64xbf16, #tpu.memory_space<vmem>> -> memref<1x125x64xbf16, #tpu.memory_space<vmem>>
      %dma_start3A_173 = tpu.memref_squeeze %dma_start3A_172 : memref<1x125x64xbf16, #tpu.memory_space<vmem>> -> memref<125x64xbf16, #tpu.memory_space<vmem>>
      %dma_start3A_174 = arith.constant 0 : i32
      %dma_start3A_175 = tpu.memref_slice %arg7[%add3A_153, %dma_start3A_174] : memref<160x125xi32, #tpu.memory_space<vmem>> -> memref<1x125xi32, #tpu.memory_space<vmem>>
      %dma_start3A_176 = tpu.memref_squeeze %dma_start3A_175 : memref<1x125xi32, #tpu.memory_space<vmem>> -> memref<125xi32, #tpu.memory_space<vmem>>
      %dma_start3A_177 = arith.constant 0 : i32
      %dma_start3A_178 = arith.constant 0 : i32
      %dma_start3A_179 = tpu.memref_slice %arg19[%dma_start3A_177, %dma_start3A_178] : memref<10000x64xbf16, #tpu.memory_space<vmem_shared>> -> memref<10000x64xbf16, #tpu.memory_space<vmem_shared>>
      tpu.enqueue_indirect_dma source(%dma_start3A_173 : memref<125x64xbf16, #tpu.memory_space<vmem>>) target(%dma_start3A_179 : memref<10000x64xbf16, #tpu.memory_space<vmem_shared>>) offsets(%dma_start3A_176 : memref<125xi32, #tpu.memory_space<vmem>>) semaphore(%arg14 : memref<!tpu.dma_semaphore, #tpu.memory_space<semaphore_mem>>) {add = true}
      %ge3A = arith.constant 2 : i32
      %ge3A_180 = arith.cmpi sge, %add3A_153, %ge3A : i32
      %sub3A = arith.constant 2 : i32
      %sub3A_181 = arith.subi %add3A_153, %sub3A : i32
      %add3A_182 = arith.constant 5 : i32
      %add3A_183 = arith.addi %sub3A_181, %add3A_182 : i32
      %lt3A = arith.constant 160 : i32
      %lt3A_184 = arith.cmpi slt, %add3A_183, %lt3A : i32
      %and3A = arith.andi %ge3A_180, %lt3A_184 : i1
      %convert_element_type3A = arith.extui %and3A : i1 to i32
      %cond3A = arith.constant 0 : i32
      %cond3A_185 = arith.cmpi ne, %convert_element_type3A, %cond3A : i32
      scf.if %cond3A_185 {
        %dma_wait3A_346 = arith.constant 3 : i32
        %dma_wait3A_347 = arith.constant 0 : i32
        %dma_wait3A_348 = arith.constant 0 : i32
        %dma_wait3A_349 = arith.constant 0 : i32
        %dma_wait3A_350 = tpu.memref_slice %arg8[%dma_wait3A_346, %dma_wait3A_348, %dma_wait3A_349] : memref<5x125x64xbf16, #tpu.memory_space<vmem>> -> memref<1x125x64xbf16, #tpu.memory_space<vmem>>
        %dma_wait3A_351 = tpu.memref_squeeze %dma_wait3A_350 : memref<1x125x64xbf16, #tpu.memory_space<vmem>> -> memref<125x64xbf16, #tpu.memory_space<vmem>>
        %dma_wait3A_352 = arith.constant 0 : i32
        %dma_wait3A_353 = tpu.memref_slice %arg7[%dma_wait3A_347, %dma_wait3A_352] : memref<160x125xi32, #tpu.memory_space<vmem>> -> memref<1x125xi32, #tpu.memory_space<vmem>>
        %dma_wait3A_354 = tpu.memref_squeeze %dma_wait3A_353 : memref<1x125xi32, #tpu.memory_space<vmem>> -> memref<125xi32, #tpu.memory_space<vmem>>
        %dma_wait3A_355 = arith.constant 0 : i32
        %dma_wait3A_356 = arith.constant 0 : i32
        %dma_wait3A_357 = tpu.memref_slice %arg19[%dma_wait3A_355, %dma_wait3A_356] : memref<10000x64xbf16, #tpu.memory_space<vmem_shared>> -> memref<10000x64xbf16, #tpu.memory_space<vmem_shared>>
        tpu.wait_indirect_dma semaphore(%arg17 : memref<!tpu.dma_semaphore, #tpu.memory_space<semaphore_mem>>) src(%dma_wait3A_351 : memref<125x64xbf16, #tpu.memory_space<vmem>>) dst(%dma_wait3A_357 : memref<10000x64xbf16, #tpu.memory_space<vmem_shared>>)
        %sub3A_358 = arith.constant 2 : i32
        %sub3A_359 = arith.subi %add3A_153, %sub3A_358 : i32
        %add3A_360 = arith.constant 5 : i32
        %add3A_361 = arith.addi %sub3A_359, %add3A_360 : i32
        %dma_start3A_362 = arith.constant 3 : i32
        %dma_start3A_363 = arith.constant 0 : i32
        %dma_start3A_364 = arith.constant 0 : i32
        %dma_start3A_365 = tpu.memref_slice %arg8[%dma_start3A_362, %dma_start3A_363, %dma_start3A_364] : memref<5x125x64xbf16, #tpu.memory_space<vmem>> -> memref<1x125x64xbf16, #tpu.memory_space<vmem>>
        %dma_start3A_366 = tpu.memref_squeeze %dma_start3A_365 : memref<1x125x64xbf16, #tpu.memory_space<vmem>> -> memref<125x64xbf16, #tpu.memory_space<vmem>>
        %dma_start3A_367 = arith.constant 0 : i32
        %dma_start3A_368 = tpu.memref_slice %arg6[%add3A_361, %dma_start3A_367] : memref<160x125xi32, #tpu.memory_space<vmem>> -> memref<1x125xi32, #tpu.memory_space<vmem>>
        %dma_start3A_369 = tpu.memref_squeeze %dma_start3A_368 : memref<1x125xi32, #tpu.memory_space<vmem>> -> memref<125xi32, #tpu.memory_space<vmem>>
        %dma_start3A_370 = arith.constant 0 : i32
        %dma_start3A_371 = arith.constant 0 : i32
        %dma_start3A_372 = tpu.memref_slice %arg2[%arg0, %dma_start3A_370, %dma_start3A_371] : memref<2x10000x64xbf16, #tpu.memory_space<hbm>> -> memref<1x10000x64xbf16, #tpu.memory_space<hbm>>
        %dma_start3A_373 = tpu.memref_squeeze %dma_start3A_372 : memref<1x10000x64xbf16, #tpu.memory_space<hbm>> -> memref<10000x64xbf16, #tpu.memory_space<hbm>>
        %dma_start3A_374 = arith.constant 0 : i32
        %dma_start3A_375 = arith.constant 0 : i32
        %dma_start3A_376 = tpu.memref_slice %dma_start3A_373[%dma_start3A_374, %dma_start3A_375] : memref<10000x64xbf16, #tpu.memory_space<hbm>> -> memref<10000x64xbf16, #tpu.memory_space<hbm>>
        tpu.enqueue_indirect_dma source(%dma_start3A_376 : memref<10000x64xbf16, #tpu.memory_space<hbm>>) target(%dma_start3A_366 : memref<125x64xbf16, #tpu.memory_space<vmem>>) offsets(%dma_start3A_369 : memref<125xi32, #tpu.memory_space<vmem>>) semaphore(%arg12 : memref<!tpu.dma_semaphore, #tpu.memory_space<semaphore_mem>>)
      } else {
      }
      %add3A_186 = arith.constant 1 : i32
      %add3A_187 = arith.addi %mul3A_152, %add3A_186 : i32
      %dma_wait3A_188 = arith.constant 1 : i32
      %dma_wait3A_189 = arith.constant 0 : i32
      %dma_wait3A_190 = arith.constant 0 : i32
      %dma_wait3A_191 = tpu.memref_slice %arg8[%dma_wait3A_188, %dma_wait3A_189, %dma_wait3A_190] : memref<5x125x64xbf16, #tpu.memory_space<vmem>> -> memref<1x125x64xbf16, #tpu.memory_space<vmem>>
      %dma_wait3A_192 = tpu.memref_squeeze %dma_wait3A_191 : memref<1x125x64xbf16, #tpu.memory_space<vmem>> -> memref<125x64xbf16, #tpu.memory_space<vmem>>
      %dma_wait3A_193 = arith.constant 0 : i32
      %dma_wait3A_194 = tpu.memref_slice %arg6[%add3A_187, %dma_wait3A_193] : memref<160x125xi32, #tpu.memory_space<vmem>> -> memref<1x125xi32, #tpu.memory_space<vmem>>
      %dma_wait3A_195 = tpu.memref_squeeze %dma_wait3A_194 : memref<1x125xi32, #tpu.memory_space<vmem>> -> memref<125xi32, #tpu.memory_space<vmem>>
      %dma_wait3A_196 = arith.constant 0 : i32
      %dma_wait3A_197 = arith.constant 0 : i32
      %dma_wait3A_198 = tpu.memref_slice %arg2[%arg0, %dma_wait3A_196, %dma_wait3A_197] : memref<2x10000x64xbf16, #tpu.memory_space<hbm>> -> memref<1x10000x64xbf16, #tpu.memory_space<hbm>>
      %dma_wait3A_199 = tpu.memref_squeeze %dma_wait3A_198 : memref<1x10000x64xbf16, #tpu.memory_space<hbm>> -> memref<10000x64xbf16, #tpu.memory_space<hbm>>
      %dma_wait3A_200 = arith.constant 0 : i32
      %dma_wait3A_201 = arith.constant 0 : i32
      %dma_wait3A_202 = tpu.memref_slice %dma_wait3A_199[%dma_wait3A_200, %dma_wait3A_201] : memref<10000x64xbf16, #tpu.memory_space<hbm>> -> memref<10000x64xbf16, #tpu.memory_space<hbm>>
      tpu.wait_indirect_dma semaphore(%arg10 : memref<!tpu.dma_semaphore, #tpu.memory_space<semaphore_mem>>) src(%dma_wait3A_202 : memref<10000x64xbf16, #tpu.memory_space<hbm>>) dst(%dma_wait3A_192 : memref<125x64xbf16, #tpu.memory_space<vmem>>)
      %dma_start3A_203 = arith.constant 1 : i32
      %dma_start3A_204 = arith.constant 0 : i32
      %dma_start3A_205 = arith.constant 0 : i32
      %dma_start3A_206 = tpu.memref_slice %arg8[%dma_start3A_203, %dma_start3A_204, %dma_start3A_205] : memref<5x125x64xbf16, #tpu.memory_space<vmem>> -> memref<1x125x64xbf16, #tpu.memory_space<vmem>>
      %dma_start3A_207 = tpu.memref_squeeze %dma_start3A_206 : memref<1x125x64xbf16, #tpu.memory_space<vmem>> -> memref<125x64xbf16, #tpu.memory_space<vmem>>
      %dma_start3A_208 = arith.constant 0 : i32
      %dma_start3A_209 = tpu.memref_slice %arg7[%add3A_187, %dma_start3A_208] : memref<160x125xi32, #tpu.memory_space<vmem>> -> memref<1x125xi32, #tpu.memory_space<vmem>>
      %dma_start3A_210 = tpu.memref_squeeze %dma_start3A_209 : memref<1x125xi32, #tpu.memory_space<vmem>> -> memref<125xi32, #tpu.memory_space<vmem>>
      %dma_start3A_211 = arith.constant 0 : i32
      %dma_start3A_212 = arith.constant 0 : i32
      %dma_start3A_213 = tpu.memref_slice %arg19[%dma_start3A_211, %dma_start3A_212] : memref<10000x64xbf16, #tpu.memory_space<vmem_shared>> -> memref<10000x64xbf16, #tpu.memory_space<vmem_shared>>
      tpu.enqueue_indirect_dma source(%dma_start3A_207 : memref<125x64xbf16, #tpu.memory_space<vmem>>) target(%dma_start3A_213 : memref<10000x64xbf16, #tpu.memory_space<vmem_shared>>) offsets(%dma_start3A_210 : memref<125xi32, #tpu.memory_space<vmem>>) semaphore(%arg15 : memref<!tpu.dma_semaphore, #tpu.memory_space<semaphore_mem>>) {add = true}
      %ge3A_214 = arith.constant 2 : i32
      %ge3A_215 = arith.cmpi sge, %add3A_187, %ge3A_214 : i32
      %sub3A_216 = arith.constant 2 : i32
      %sub3A_217 = arith.subi %add3A_187, %sub3A_216 : i32
      %add3A_218 = arith.constant 5 : i32
      %add3A_219 = arith.addi %sub3A_217, %add3A_218 : i32
      %lt3A_220 = arith.constant 160 : i32
      %lt3A_221 = arith.cmpi slt, %add3A_219, %lt3A_220 : i32
      %and3A_222 = arith.andi %ge3A_215, %lt3A_221 : i1
      %convert_element_type3A_223 = arith.extui %and3A_222 : i1 to i32
      %cond3A_224 = arith.constant 0 : i32
      %cond3A_225 = arith.cmpi ne, %convert_element_type3A_223, %cond3A_224 : i32
      scf.if %cond3A_225 {
        %dma_wait3A_346 = arith.constant 4 : i32
        %dma_wait3A_347 = arith.constant 0 : i32
        %dma_wait3A_348 = arith.constant 0 : i32
        %dma_wait3A_349 = arith.constant 0 : i32
        %dma_wait3A_350 = tpu.memref_slice %arg8[%dma_wait3A_346, %dma_wait3A_348, %dma_wait3A_349] : memref<5x125x64xbf16, #tpu.memory_space<vmem>> -> memref<1x125x64xbf16, #tpu.memory_space<vmem>>
        %dma_wait3A_351 = tpu.memref_squeeze %dma_wait3A_350 : memref<1x125x64xbf16, #tpu.memory_space<vmem>> -> memref<125x64xbf16, #tpu.memory_space<vmem>>
        %dma_wait3A_352 = arith.constant 0 : i32
        %dma_wait3A_353 = tpu.memref_slice %arg7[%dma_wait3A_347, %dma_wait3A_352] : memref<160x125xi32, #tpu.memory_space<vmem>> -> memref<1x125xi32, #tpu.memory_space<vmem>>
        %dma_wait3A_354 = tpu.memref_squeeze %dma_wait3A_353 : memref<1x125xi32, #tpu.memory_space<vmem>> -> memref<125xi32, #tpu.memory_space<vmem>>
        %dma_wait3A_355 = arith.constant 0 : i32
        %dma_wait3A_356 = arith.constant 0 : i32
        %dma_wait3A_357 = tpu.memref_slice %arg19[%dma_wait3A_355, %dma_wait3A_356] : memref<10000x64xbf16, #tpu.memory_space<vmem_shared>> -> memref<10000x64xbf16, #tpu.memory_space<vmem_shared>>
        tpu.wait_indirect_dma semaphore(%arg18 : memref<!tpu.dma_semaphore, #tpu.memory_space<semaphore_mem>>) src(%dma_wait3A_351 : memref<125x64xbf16, #tpu.memory_space<vmem>>) dst(%dma_wait3A_357 : memref<10000x64xbf16, #tpu.memory_space<vmem_shared>>)
        %sub3A_358 = arith.constant 2 : i32
        %sub3A_359 = arith.subi %add3A_187, %sub3A_358 : i32
        %add3A_360 = arith.constant 5 : i32
        %add3A_361 = arith.addi %sub3A_359, %add3A_360 : i32
        %dma_start3A_362 = arith.constant 4 : i32
        %dma_start3A_363 = arith.constant 0 : i32
        %dma_start3A_364 = arith.constant 0 : i32
        %dma_start3A_365 = tpu.memref_slice %arg8[%dma_start3A_362, %dma_start3A_363, %dma_start3A_364] : memref<5x125x64xbf16, #tpu.memory_space<vmem>> -> memref<1x125x64xbf16, #tpu.memory_space<vmem>>
        %dma_start3A_366 = tpu.memref_squeeze %dma_start3A_365 : memref<1x125x64xbf16, #tpu.memory_space<vmem>> -> memref<125x64xbf16, #tpu.memory_space<vmem>>
        %dma_start3A_367 = arith.constant 0 : i32
        %dma_start3A_368 = tpu.memref_slice %arg6[%add3A_361, %dma_start3A_367] : memref<160x125xi32, #tpu.memory_space<vmem>> -> memref<1x125xi32, #tpu.memory_space<vmem>>
        %dma_start3A_369 = tpu.memref_squeeze %dma_start3A_368 : memref<1x125xi32, #tpu.memory_space<vmem>> -> memref<125xi32, #tpu.memory_space<vmem>>
        %dma_start3A_370 = arith.constant 0 : i32
        %dma_start3A_371 = arith.constant 0 : i32
        %dma_start3A_372 = tpu.memref_slice %arg2[%arg0, %dma_start3A_370, %dma_start3A_371] : memref<2x10000x64xbf16, #tpu.memory_space<hbm>> -> memref<1x10000x64xbf16, #tpu.memory_space<hbm>>
        %dma_start3A_373 = tpu.memref_squeeze %dma_start3A_372 : memref<1x10000x64xbf16, #tpu.memory_space<hbm>> -> memref<10000x64xbf16, #tpu.memory_space<hbm>>
        %dma_start3A_374 = arith.constant 0 : i32
        %dma_start3A_375 = arith.constant 0 : i32
        %dma_start3A_376 = tpu.memref_slice %dma_start3A_373[%dma_start3A_374, %dma_start3A_375] : memref<10000x64xbf16, #tpu.memory_space<hbm>> -> memref<10000x64xbf16, #tpu.memory_space<hbm>>
        tpu.enqueue_indirect_dma source(%dma_start3A_376 : memref<10000x64xbf16, #tpu.memory_space<hbm>>) target(%dma_start3A_366 : memref<125x64xbf16, #tpu.memory_space<vmem>>) offsets(%dma_start3A_369 : memref<125xi32, #tpu.memory_space<vmem>>) semaphore(%arg13 : memref<!tpu.dma_semaphore, #tpu.memory_space<semaphore_mem>>)
      } else {
      }
      %add3A_226 = arith.constant 2 : i32
      %add3A_227 = arith.addi %mul3A_152, %add3A_226 : i32
      %dma_wait3A_228 = arith.constant 2 : i32
      %dma_wait3A_229 = arith.constant 0 : i32
      %dma_wait3A_230 = arith.constant 0 : i32
      %dma_wait3A_231 = tpu.memref_slice %arg8[%dma_wait3A_228, %dma_wait3A_229, %dma_wait3A_230] : memref<5x125x64xbf16, #tpu.memory_space<vmem>> -> memref<1x125x64xbf16, #tpu.memory_space<vmem>>
      %dma_wait3A_232 = tpu.memref_squeeze %dma_wait3A_231 : memref<1x125x64xbf16, #tpu.memory_space<vmem>> -> memref<125x64xbf16, #tpu.memory_space<vmem>>
      %dma_wait3A_233 = arith.constant 0 : i32
      %dma_wait3A_234 = tpu.memref_slice %arg6[%add3A_227, %dma_wait3A_233] : memref<160x125xi32, #tpu.memory_space<vmem>> -> memref<1x125xi32, #tpu.memory_space<vmem>>
      %dma_wait3A_235 = tpu.memref_squeeze %dma_wait3A_234 : memref<1x125xi32, #tpu.memory_space<vmem>> -> memref<125xi32, #tpu.memory_space<vmem>>
      %dma_wait3A_236 = arith.constant 0 : i32
      %dma_wait3A_237 = arith.constant 0 : i32
      %dma_wait3A_238 = tpu.memref_slice %arg2[%arg0, %dma_wait3A_236, %dma_wait3A_237] : memref<2x10000x64xbf16, #tpu.memory_space<hbm>> -> memref<1x10000x64xbf16, #tpu.memory_space<hbm>>
      %dma_wait3A_239 = tpu.memref_squeeze %dma_wait3A_238 : memref<1x10000x64xbf16, #tpu.memory_space<hbm>> -> memref<10000x64xbf16, #tpu.memory_space<hbm>>
      %dma_wait3A_240 = arith.constant 0 : i32
      %dma_wait3A_241 = arith.constant 0 : i32
      %dma_wait3A_242 = tpu.memref_slice %dma_wait3A_239[%dma_wait3A_240, %dma_wait3A_241] : memref<10000x64xbf16, #tpu.memory_space<hbm>> -> memref<10000x64xbf16, #tpu.memory_space<hbm>>
      tpu.wait_indirect_dma semaphore(%arg11 : memref<!tpu.dma_semaphore, #tpu.memory_space<semaphore_mem>>) src(%dma_wait3A_242 : memref<10000x64xbf16, #tpu.memory_space<hbm>>) dst(%dma_wait3A_232 : memref<125x64xbf16, #tpu.memory_space<vmem>>)
      %dma_start3A_243 = arith.constant 2 : i32
      %dma_start3A_244 = arith.constant 0 : i32
      %dma_start3A_245 = arith.constant 0 : i32
      %dma_start3A_246 = tpu.memref_slice %arg8[%dma_start3A_243, %dma_start3A_244, %dma_start3A_245] : memref<5x125x64xbf16, #tpu.memory_space<vmem>> -> memref<1x125x64xbf16, #tpu.memory_space<vmem>>
      %dma_start3A_247 = tpu.memref_squeeze %dma_start3A_246 : memref<1x125x64xbf16, #tpu.memory_space<vmem>> -> memref<125x64xbf16, #tpu.memory_space<vmem>>
      %dma_start3A_248 = arith.constant 0 : i32
      %dma_start3A_249 = tpu.memref_slice %arg7[%add3A_227, %dma_start3A_248] : memref<160x125xi32, #tpu.memory_space<vmem>> -> memref<1x125xi32, #tpu.memory_space<vmem>>
      %dma_start3A_250 = tpu.memref_squeeze %dma_start3A_249 : memref<1x125xi32, #tpu.memory_space<vmem>> -> memref<125xi32, #tpu.memory_space<vmem>>
      %dma_start3A_251 = arith.constant 0 : i32
      %dma_start3A_252 = arith.constant 0 : i32
      %dma_start3A_253 = tpu.memref_slice %arg19[%dma_start3A_251, %dma_start3A_252] : memref<10000x64xbf16, #tpu.memory_space<vmem_shared>> -> memref<10000x64xbf16, #tpu.memory_space<vmem_shared>>
      tpu.enqueue_indirect_dma source(%dma_start3A_247 : memref<125x64xbf16, #tpu.memory_space<vmem>>) target(%dma_start3A_253 : memref<10000x64xbf16, #tpu.memory_space<vmem_shared>>) offsets(%dma_start3A_250 : memref<125xi32, #tpu.memory_space<vmem>>) semaphore(%arg16 : memref<!tpu.dma_semaphore, #tpu.memory_space<semaphore_mem>>) {add = true}
      %ge3A_254 = arith.constant 2 : i32
      %ge3A_255 = arith.cmpi sge, %add3A_227, %ge3A_254 : i32
      %sub3A_256 = arith.constant 2 : i32
      %sub3A_257 = arith.subi %add3A_227, %sub3A_256 : i32
      %add3A_258 = arith.constant 5 : i32
      %add3A_259 = arith.addi %sub3A_257, %add3A_258 : i32
      %lt3A_260 = arith.constant 160 : i32
      %lt3A_261 = arith.cmpi slt, %add3A_259, %lt3A_260 : i32
      %and3A_262 = arith.andi %ge3A_255, %lt3A_261 : i1
      %convert_element_type3A_263 = arith.extui %and3A_262 : i1 to i32
      %cond3A_264 = arith.constant 0 : i32
      %cond3A_265 = arith.cmpi ne, %convert_element_type3A_263, %cond3A_264 : i32
      scf.if %cond3A_265 {
        %dma_wait3A_346 = arith.constant 0 : i32
        %dma_wait3A_347 = arith.constant 0 : i32
        %dma_wait3A_348 = arith.constant 0 : i32
        %dma_wait3A_349 = arith.constant 0 : i32
        %dma_wait3A_350 = tpu.memref_slice %arg8[%dma_wait3A_346, %dma_wait3A_348, %dma_wait3A_349] : memref<5x125x64xbf16, #tpu.memory_space<vmem>> -> memref<1x125x64xbf16, #tpu.memory_space<vmem>>
        %dma_wait3A_351 = tpu.memref_squeeze %dma_wait3A_350 : memref<1x125x64xbf16, #tpu.memory_space<vmem>> -> memref<125x64xbf16, #tpu.memory_space<vmem>>
        %dma_wait3A_352 = arith.constant 0 : i32
        %dma_wait3A_353 = tpu.memref_slice %arg7[%dma_wait3A_347, %dma_wait3A_352] : memref<160x125xi32, #tpu.memory_space<vmem>> -> memref<1x125xi32, #tpu.memory_space<vmem>>
        %dma_wait3A_354 = tpu.memref_squeeze %dma_wait3A_353 : memref<1x125xi32, #tpu.memory_space<vmem>> -> memref<125xi32, #tpu.memory_space<vmem>>
        %dma_wait3A_355 = arith.constant 0 : i32
        %dma_wait3A_356 = arith.constant 0 : i32
        %dma_wait3A_357 = tpu.memref_slice %arg19[%dma_wait3A_355, %dma_wait3A_356] : memref<10000x64xbf16, #tpu.memory_space<vmem_shared>> -> memref<10000x64xbf16, #tpu.memory_space<vmem_shared>>
        tpu.wait_indirect_dma semaphore(%arg14 : memref<!tpu.dma_semaphore, #tpu.memory_space<semaphore_mem>>) src(%dma_wait3A_351 : memref<125x64xbf16, #tpu.memory_space<vmem>>) dst(%dma_wait3A_357 : memref<10000x64xbf16, #tpu.memory_space<vmem_shared>>)
        %sub3A_358 = arith.constant 2 : i32
        %sub3A_359 = arith.subi %add3A_227, %sub3A_358 : i32
        %add3A_360 = arith.constant 5 : i32
        %add3A_361 = arith.addi %sub3A_359, %add3A_360 : i32
        %dma_start3A_362 = arith.constant 0 : i32
        %dma_start3A_363 = arith.constant 0 : i32
        %dma_start3A_364 = arith.constant 0 : i32
        %dma_start3A_365 = tpu.memref_slice %arg8[%dma_start3A_362, %dma_start3A_363, %dma_start3A_364] : memref<5x125x64xbf16, #tpu.memory_space<vmem>> -> memref<1x125x64xbf16, #tpu.memory_space<vmem>>
        %dma_start3A_366 = tpu.memref_squeeze %dma_start3A_365 : memref<1x125x64xbf16, #tpu.memory_space<vmem>> -> memref<125x64xbf16, #tpu.memory_space<vmem>>
        %dma_start3A_367 = arith.constant 0 : i32
        %dma_start3A_368 = tpu.memref_slice %arg6[%add3A_361, %dma_start3A_367] : memref<160x125xi32, #tpu.memory_space<vmem>> -> memref<1x125xi32, #tpu.memory_space<vmem>>
        %dma_start3A_369 = tpu.memref_squeeze %dma_start3A_368 : memref<1x125xi32, #tpu.memory_space<vmem>> -> memref<125xi32, #tpu.memory_space<vmem>>
        %dma_start3A_370 = arith.constant 0 : i32
        %dma_start3A_371 = arith.constant 0 : i32
        %dma_start3A_372 = tpu.memref_slice %arg2[%arg0, %dma_start3A_370, %dma_start3A_371] : memref<2x10000x64xbf16, #tpu.memory_space<hbm>> -> memref<1x10000x64xbf16, #tpu.memory_space<hbm>>
        %dma_start3A_373 = tpu.memref_squeeze %dma_start3A_372 : memref<1x10000x64xbf16, #tpu.memory_space<hbm>> -> memref<10000x64xbf16, #tpu.memory_space<hbm>>
        %dma_start3A_374 = arith.constant 0 : i32
        %dma_start3A_375 = arith.constant 0 : i32
        %dma_start3A_376 = tpu.memref_slice %dma_start3A_373[%dma_start3A_374, %dma_start3A_375] : memref<10000x64xbf16, #tpu.memory_space<hbm>> -> memref<10000x64xbf16, #tpu.memory_space<hbm>>
        tpu.enqueue_indirect_dma source(%dma_start3A_376 : memref<10000x64xbf16, #tpu.memory_space<hbm>>) target(%dma_start3A_366 : memref<125x64xbf16, #tpu.memory_space<vmem>>) offsets(%dma_start3A_369 : memref<125xi32, #tpu.memory_space<vmem>>) semaphore(%arg9 : memref<!tpu.dma_semaphore, #tpu.memory_space<semaphore_mem>>)
      } else {
      }
      %add3A_266 = arith.constant 3 : i32
      %add3A_267 = arith.addi %mul3A_152, %add3A_266 : i32
      %dma_wait3A_268 = arith.constant 3 : i32
      %dma_wait3A_269 = arith.constant 0 : i32
      %dma_wait3A_270 = arith.constant 0 : i32
      %dma_wait3A_271 = tpu.memref_slice %arg8[%dma_wait3A_268, %dma_wait3A_269, %dma_wait3A_270] : memref<5x125x64xbf16, #tpu.memory_space<vmem>> -> memref<1x125x64xbf16, #tpu.memory_space<vmem>>
      %dma_wait3A_272 = tpu.memref_squeeze %dma_wait3A_271 : memref<1x125x64xbf16, #tpu.memory_space<vmem>> -> memref<125x64xbf16, #tpu.memory_space<vmem>>
      %dma_wait3A_273 = arith.constant 0 : i32
      %dma_wait3A_274 = tpu.memref_slice %arg6[%add3A_267, %dma_wait3A_273] : memref<160x125xi32, #tpu.memory_space<vmem>> -> memref<1x125xi32, #tpu.memory_space<vmem>>
      %dma_wait3A_275 = tpu.memref_squeeze %dma_wait3A_274 : memref<1x125xi32, #tpu.memory_space<vmem>> -> memref<125xi32, #tpu.memory_space<vmem>>
      %dma_wait3A_276 = arith.constant 0 : i32
      %dma_wait3A_277 = arith.constant 0 : i32
      %dma_wait3A_278 = tpu.memref_slice %arg2[%arg0, %dma_wait3A_276, %dma_wait3A_277] : memref<2x10000x64xbf16, #tpu.memory_space<hbm>> -> memref<1x10000x64xbf16, #tpu.memory_space<hbm>>
      %dma_wait3A_279 = tpu.memref_squeeze %dma_wait3A_278 : memref<1x10000x64xbf16, #tpu.memory_space<hbm>> -> memref<10000x64xbf16, #tpu.memory_space<hbm>>
      %dma_wait3A_280 = arith.constant 0 : i32
      %dma_wait3A_281 = arith.constant 0 : i32
      %dma_wait3A_282 = tpu.memref_slice %dma_wait3A_279[%dma_wait3A_280, %dma_wait3A_281] : memref<10000x64xbf16, #tpu.memory_space<hbm>> -> memref<10000x64xbf16, #tpu.memory_space<hbm>>
      tpu.wait_indirect_dma semaphore(%arg12 : memref<!tpu.dma_semaphore, #tpu.memory_space<semaphore_mem>>) src(%dma_wait3A_282 : memref<10000x64xbf16, #tpu.memory_space<hbm>>) dst(%dma_wait3A_272 : memref<125x64xbf16, #tpu.memory_space<vmem>>)
      %dma_start3A_283 = arith.constant 3 : i32
      %dma_start3A_284 = arith.constant 0 : i32
      %dma_start3A_285 = arith.constant 0 : i32
      %dma_start3A_286 = tpu.memref_slice %arg8[%dma_start3A_283, %dma_start3A_284, %dma_start3A_285] : memref<5x125x64xbf16, #tpu.memory_space<vmem>> -> memref<1x125x64xbf16, #tpu.memory_space<vmem>>
      %dma_start3A_287 = tpu.memref_squeeze %dma_start3A_286 : memref<1x125x64xbf16, #tpu.memory_space<vmem>> -> memref<125x64xbf16, #tpu.memory_space<vmem>>
      %dma_start3A_288 = arith.constant 0 : i32
      %dma_start3A_289 = tpu.memref_slice %arg7[%add3A_267, %dma_start3A_288] : memref<160x125xi32, #tpu.memory_space<vmem>> -> memref<1x125xi32, #tpu.memory_space<vmem>>
      %dma_start3A_290 = tpu.memref_squeeze %dma_start3A_289 : memref<1x125xi32, #tpu.memory_space<vmem>> -> memref<125xi32, #tpu.memory_space<vmem>>
      %dma_start3A_291 = arith.constant 0 : i32
      %dma_start3A_292 = arith.constant 0 : i32
      %dma_start3A_293 = tpu.memref_slice %arg19[%dma_start3A_291, %dma_start3A_292] : memref<10000x64xbf16, #tpu.memory_space<vmem_shared>> -> memref<10000x64xbf16, #tpu.memory_space<vmem_shared>>
      tpu.enqueue_indirect_dma source(%dma_start3A_287 : memref<125x64xbf16, #tpu.memory_space<vmem>>) target(%dma_start3A_293 : memref<10000x64xbf16, #tpu.memory_space<vmem_shared>>) offsets(%dma_start3A_290 : memref<125xi32, #tpu.memory_space<vmem>>) semaphore(%arg17 : memref<!tpu.dma_semaphore, #tpu.memory_space<semaphore_mem>>) {add = true}
      %ge3A_294 = arith.constant 2 : i32
      %ge3A_295 = arith.cmpi sge, %add3A_267, %ge3A_294 : i32
      %sub3A_296 = arith.constant 2 : i32
      %sub3A_297 = arith.subi %add3A_267, %sub3A_296 : i32
      %add3A_298 = arith.constant 5 : i32
      %add3A_299 = arith.addi %sub3A_297, %add3A_298 : i32
      %lt3A_300 = arith.constant 160 : i32
      %lt3A_301 = arith.cmpi slt, %add3A_299, %lt3A_300 : i32
      %and3A_302 = arith.andi %ge3A_295, %lt3A_301 : i1
      %convert_element_type3A_303 = arith.extui %and3A_302 : i1 to i32
      %cond3A_304 = arith.constant 0 : i32
      %cond3A_305 = arith.cmpi ne, %convert_element_type3A_303, %cond3A_304 : i32
      scf.if %cond3A_305 {
        %dma_wait3A_346 = arith.constant 1 : i32
        %dma_wait3A_347 = arith.constant 0 : i32
        %dma_wait3A_348 = arith.constant 0 : i32
        %dma_wait3A_349 = arith.constant 0 : i32
        %dma_wait3A_350 = tpu.memref_slice %arg8[%dma_wait3A_346, %dma_wait3A_348, %dma_wait3A_349] : memref<5x125x64xbf16, #tpu.memory_space<vmem>> -> memref<1x125x64xbf16, #tpu.memory_space<vmem>>
        %dma_wait3A_351 = tpu.memref_squeeze %dma_wait3A_350 : memref<1x125x64xbf16, #tpu.memory_space<vmem>> -> memref<125x64xbf16, #tpu.memory_space<vmem>>
        %dma_wait3A_352 = arith.constant 0 : i32
        %dma_wait3A_353 = tpu.memref_slice %arg7[%dma_wait3A_347, %dma_wait3A_352] : memref<160x125xi32, #tpu.memory_space<vmem>> -> memref<1x125xi32, #tpu.memory_space<vmem>>
        %dma_wait3A_354 = tpu.memref_squeeze %dma_wait3A_353 : memref<1x125xi32, #tpu.memory_space<vmem>> -> memref<125xi32, #tpu.memory_space<vmem>>
        %dma_wait3A_355 = arith.constant 0 : i32
        %dma_wait3A_356 = arith.constant 0 : i32
        %dma_wait3A_357 = tpu.memref_slice %arg19[%dma_wait3A_355, %dma_wait3A_356] : memref<10000x64xbf16, #tpu.memory_space<vmem_shared>> -> memref<10000x64xbf16, #tpu.memory_space<vmem_shared>>
        tpu.wait_indirect_dma semaphore(%arg15 : memref<!tpu.dma_semaphore, #tpu.memory_space<semaphore_mem>>) src(%dma_wait3A_351 : memref<125x64xbf16, #tpu.memory_space<vmem>>) dst(%dma_wait3A_357 : memref<10000x64xbf16, #tpu.memory_space<vmem_shared>>)
        %sub3A_358 = arith.constant 2 : i32
        %sub3A_359 = arith.subi %add3A_267, %sub3A_358 : i32
        %add3A_360 = arith.constant 5 : i32
        %add3A_361 = arith.addi %sub3A_359, %add3A_360 : i32
        %dma_start3A_362 = arith.constant 1 : i32
        %dma_start3A_363 = arith.constant 0 : i32
        %dma_start3A_364 = arith.constant 0 : i32
        %dma_start3A_365 = tpu.memref_slice %arg8[%dma_start3A_362, %dma_start3A_363, %dma_start3A_364] : memref<5x125x64xbf16, #tpu.memory_space<vmem>> -> memref<1x125x64xbf16, #tpu.memory_space<vmem>>
        %dma_start3A_366 = tpu.memref_squeeze %dma_start3A_365 : memref<1x125x64xbf16, #tpu.memory_space<vmem>> -> memref<125x64xbf16, #tpu.memory_space<vmem>>
        %dma_start3A_367 = arith.constant 0 : i32
        %dma_start3A_368 = tpu.memref_slice %arg6[%add3A_361, %dma_start3A_367] : memref<160x125xi32, #tpu.memory_space<vmem>> -> memref<1x125xi32, #tpu.memory_space<vmem>>
        %dma_start3A_369 = tpu.memref_squeeze %dma_start3A_368 : memref<1x125xi32, #tpu.memory_space<vmem>> -> memref<125xi32, #tpu.memory_space<vmem>>
        %dma_start3A_370 = arith.constant 0 : i32
        %dma_start3A_371 = arith.constant 0 : i32
        %dma_start3A_372 = tpu.memref_slice %arg2[%arg0, %dma_start3A_370, %dma_start3A_371] : memref<2x10000x64xbf16, #tpu.memory_space<hbm>> -> memref<1x10000x64xbf16, #tpu.memory_space<hbm>>
        %dma_start3A_373 = tpu.memref_squeeze %dma_start3A_372 : memref<1x10000x64xbf16, #tpu.memory_space<hbm>> -> memref<10000x64xbf16, #tpu.memory_space<hbm>>
        %dma_start3A_374 = arith.constant 0 : i32
        %dma_start3A_375 = arith.constant 0 : i32
        %dma_start3A_376 = tpu.memref_slice %dma_start3A_373[%dma_start3A_374, %dma_start3A_375] : memref<10000x64xbf16, #tpu.memory_space<hbm>> -> memref<10000x64xbf16, #tpu.memory_space<hbm>>
        tpu.enqueue_indirect_dma source(%dma_start3A_376 : memref<10000x64xbf16, #tpu.memory_space<hbm>>) target(%dma_start3A_366 : memref<125x64xbf16, #tpu.memory_space<vmem>>) offsets(%dma_start3A_369 : memref<125xi32, #tpu.memory_space<vmem>>) semaphore(%arg10 : memref<!tpu.dma_semaphore, #tpu.memory_space<semaphore_mem>>)
      } else {
      }
      %add3A_306 = arith.constant 4 : i32
      %add3A_307 = arith.addi %mul3A_152, %add3A_306 : i32
      %dma_wait3A_308 = arith.constant 4 : i32
      %dma_wait3A_309 = arith.constant 0 : i32
      %dma_wait3A_310 = arith.constant 0 : i32
      %dma_wait3A_311 = tpu.memref_slice %arg8[%dma_wait3A_308, %dma_wait3A_309, %dma_wait3A_310] : memref<5x125x64xbf16, #tpu.memory_space<vmem>> -> memref<1x125x64xbf16, #tpu.memory_space<vmem>>
      %dma_wait3A_312 = tpu.memref_squeeze %dma_wait3A_311 : memref<1x125x64xbf16, #tpu.memory_space<vmem>> -> memref<125x64xbf16, #tpu.memory_space<vmem>>
      %dma_wait3A_313 = arith.constant 0 : i32
      %dma_wait3A_314 = tpu.memref_slice %arg6[%add3A_307, %dma_wait3A_313] : memref<160x125xi32, #tpu.memory_space<vmem>> -> memref<1x125xi32, #tpu.memory_space<vmem>>
      %dma_wait3A_315 = tpu.memref_squeeze %dma_wait3A_314 : memref<1x125xi32, #tpu.memory_space<vmem>> -> memref<125xi32, #tpu.memory_space<vmem>>
      %dma_wait3A_316 = arith.constant 0 : i32
      %dma_wait3A_317 = arith.constant 0 : i32
      %dma_wait3A_318 = tpu.memref_slice %arg2[%arg0, %dma_wait3A_316, %dma_wait3A_317] : memref<2x10000x64xbf16, #tpu.memory_space<hbm>> -> memref<1x10000x64xbf16, #tpu.memory_space<hbm>>
      %dma_wait3A_319 = tpu.memref_squeeze %dma_wait3A_318 : memref<1x10000x64xbf16, #tpu.memory_space<hbm>> -> memref<10000x64xbf16, #tpu.memory_space<hbm>>
      %dma_wait3A_320 = arith.constant 0 : i32
      %dma_wait3A_321 = arith.constant 0 : i32
      %dma_wait3A_322 = tpu.memref_slice %dma_wait3A_319[%dma_wait3A_320, %dma_wait3A_321] : memref<10000x64xbf16, #tpu.memory_space<hbm>> -> memref<10000x64xbf16, #tpu.memory_space<hbm>>
      tpu.wait_indirect_dma semaphore(%arg13 : memref<!tpu.dma_semaphore, #tpu.memory_space<semaphore_mem>>) src(%dma_wait3A_322 : memref<10000x64xbf16, #tpu.memory_space<hbm>>) dst(%dma_wait3A_312 : memref<125x64xbf16, #tpu.memory_space<vmem>>)
      %dma_start3A_323 = arith.constant 4 : i32
      %dma_start3A_324 = arith.constant 0 : i32
      %dma_start3A_325 = arith.constant 0 : i32
      %dma_start3A_326 = tpu.memref_slice %arg8[%dma_start3A_323, %dma_start3A_324, %dma_start3A_325] : memref<5x125x64xbf16, #tpu.memory_space<vmem>> -> memref<1x125x64xbf16, #tpu.memory_space<vmem>>
      %dma_start3A_327 = tpu.memref_squeeze %dma_start3A_326 : memref<1x125x64xbf16, #tpu.memory_space<vmem>> -> memref<125x64xbf16, #tpu.memory_space<vmem>>
      %dma_start3A_328 = arith.constant 0 : i32
      %dma_start3A_329 = tpu.memref_slice %arg7[%add3A_307, %dma_start3A_328] : memref<160x125xi32, #tpu.memory_space<vmem>> -> memref<1x125xi32, #tpu.memory_space<vmem>>
      %dma_start3A_330 = tpu.memref_squeeze %dma_start3A_329 : memref<1x125xi32, #tpu.memory_space<vmem>> -> memref<125xi32, #tpu.memory_space<vmem>>
      %dma_start3A_331 = arith.constant 0 : i32
      %dma_start3A_332 = arith.constant 0 : i32
      %dma_start3A_333 = tpu.memref_slice %arg19[%dma_start3A_331, %dma_start3A_332] : memref<10000x64xbf16, #tpu.memory_space<vmem_shared>> -> memref<10000x64xbf16, #tpu.memory_space<vmem_shared>>
      tpu.enqueue_indirect_dma source(%dma_start3A_327 : memref<125x64xbf16, #tpu.memory_space<vmem>>) target(%dma_start3A_333 : memref<10000x64xbf16, #tpu.memory_space<vmem_shared>>) offsets(%dma_start3A_330 : memref<125xi32, #tpu.memory_space<vmem>>) semaphore(%arg18 : memref<!tpu.dma_semaphore, #tpu.memory_space<semaphore_mem>>) {add = true}
      %ge3A_334 = arith.constant 2 : i32
      %ge3A_335 = arith.cmpi sge, %add3A_307, %ge3A_334 : i32
      %sub3A_336 = arith.constant 2 : i32
      %sub3A_337 = arith.subi %add3A_307, %sub3A_336 : i32
      %add3A_338 = arith.constant 5 : i32
      %add3A_339 = arith.addi %sub3A_337, %add3A_338 : i32
      %lt3A_340 = arith.constant 160 : i32
      %lt3A_341 = arith.cmpi slt, %add3A_339, %lt3A_340 : i32
      %and3A_342 = arith.andi %ge3A_335, %lt3A_341 : i1
      %convert_element_type3A_343 = arith.extui %and3A_342 : i1 to i32
      %cond3A_344 = arith.constant 0 : i32
      %cond3A_345 = arith.cmpi ne, %convert_element_type3A_343, %cond3A_344 : i32
      scf.if %cond3A_345 {
        %dma_wait3A_346 = arith.constant 2 : i32
        %dma_wait3A_347 = arith.constant 0 : i32
        %dma_wait3A_348 = arith.constant 0 : i32
        %dma_wait3A_349 = arith.constant 0 : i32
        %dma_wait3A_350 = tpu.memref_slice %arg8[%dma_wait3A_346, %dma_wait3A_348, %dma_wait3A_349] : memref<5x125x64xbf16, #tpu.memory_space<vmem>> -> memref<1x125x64xbf16, #tpu.memory_space<vmem>>
        %dma_wait3A_351 = tpu.memref_squeeze %dma_wait3A_350 : memref<1x125x64xbf16, #tpu.memory_space<vmem>> -> memref<125x64xbf16, #tpu.memory_space<vmem>>
        %dma_wait3A_352 = arith.constant 0 : i32
        %dma_wait3A_353 = tpu.memref_slice %arg7[%dma_wait3A_347, %dma_wait3A_352] : memref<160x125xi32, #tpu.memory_space<vmem>> -> memref<1x125xi32, #tpu.memory_space<vmem>>
        %dma_wait3A_354 = tpu.memref_squeeze %dma_wait3A_353 : memref<1x125xi32, #tpu.memory_space<vmem>> -> memref<125xi32, #tpu.memory_space<vmem>>
        %dma_wait3A_355 = arith.constant 0 : i32
        %dma_wait3A_356 = arith.constant 0 : i32
        %dma_wait3A_357 = tpu.memref_slice %arg19[%dma_wait3A_355, %dma_wait3A_356] : memref<10000x64xbf16, #tpu.memory_space<vmem_shared>> -> memref<10000x64xbf16, #tpu.memory_space<vmem_shared>>
        tpu.wait_indirect_dma semaphore(%arg16 : memref<!tpu.dma_semaphore, #tpu.memory_space<semaphore_mem>>) src(%dma_wait3A_351 : memref<125x64xbf16, #tpu.memory_space<vmem>>) dst(%dma_wait3A_357 : memref<10000x64xbf16, #tpu.memory_space<vmem_shared>>)
        %sub3A_358 = arith.constant 2 : i32
        %sub3A_359 = arith.subi %add3A_307, %sub3A_358 : i32
        %add3A_360 = arith.constant 5 : i32
        %add3A_361 = arith.addi %sub3A_359, %add3A_360 : i32
        %dma_start3A_362 = arith.constant 2 : i32
        %dma_start3A_363 = arith.constant 0 : i32
        %dma_start3A_364 = arith.constant 0 : i32
        %dma_start3A_365 = tpu.memref_slice %arg8[%dma_start3A_362, %dma_start3A_363, %dma_start3A_364] : memref<5x125x64xbf16, #tpu.memory_space<vmem>> -> memref<1x125x64xbf16, #tpu.memory_space<vmem>>
        %dma_start3A_366 = tpu.memref_squeeze %dma_start3A_365 : memref<1x125x64xbf16, #tpu.memory_space<vmem>> -> memref<125x64xbf16, #tpu.memory_space<vmem>>
        %dma_start3A_367 = arith.constant 0 : i32
        %dma_start3A_368 = tpu.memref_slice %arg6[%add3A_361, %dma_start3A_367] : memref<160x125xi32, #tpu.memory_space<vmem>> -> memref<1x125xi32, #tpu.memory_space<vmem>>
        %dma_start3A_369 = tpu.memref_squeeze %dma_start3A_368 : memref<1x125xi32, #tpu.memory_space<vmem>> -> memref<125xi32, #tpu.memory_space<vmem>>
        %dma_start3A_370 = arith.constant 0 : i32
        %dma_start3A_371 = arith.constant 0 : i32
        %dma_start3A_372 = tpu.memref_slice %arg2[%arg0, %dma_start3A_370, %dma_start3A_371] : memref<2x10000x64xbf16, #tpu.memory_space<hbm>> -> memref<1x10000x64xbf16, #tpu.memory_space<hbm>>
        %dma_start3A_373 = tpu.memref_squeeze %dma_start3A_372 : memref<1x10000x64xbf16, #tpu.memory_space<hbm>> -> memref<10000x64xbf16, #tpu.memory_space<hbm>>
        %dma_start3A_374 = arith.constant 0 : i32
        %dma_start3A_375 = arith.constant 0 : i32
        %dma_start3A_376 = tpu.memref_slice %dma_start3A_373[%dma_start3A_374, %dma_start3A_375] : memref<10000x64xbf16, #tpu.memory_space<hbm>> -> memref<10000x64xbf16, #tpu.memory_space<hbm>>
        tpu.enqueue_indirect_dma source(%dma_start3A_376 : memref<10000x64xbf16, #tpu.memory_space<hbm>>) target(%dma_start3A_366 : memref<125x64xbf16, #tpu.memory_space<vmem>>) offsets(%dma_start3A_369 : memref<125xi32, #tpu.memory_space<vmem>>) semaphore(%arg11 : memref<!tpu.dma_semaphore, #tpu.memory_space<semaphore_mem>>)
      } else {
      }
    }
    %scan3A_85 = arith.constant 32 : i32
    %dma_wait3A = arith.constant 0 : i32
    %dma_wait3A_86 = arith.constant 0 : i32
    %dma_wait3A_87 = arith.constant 0 : i32
    %dma_wait3A_88 = arith.constant 0 : i32
    %dma_wait3A_89 = tpu.memref_slice %arg8[%dma_wait3A, %dma_wait3A_87, %dma_wait3A_88] : memref<5x125x64xbf16, #tpu.memory_space<vmem>> -> memref<1x125x64xbf16, #tpu.memory_space<vmem>>
    %dma_wait3A_90 = tpu.memref_squeeze %dma_wait3A_89 : memref<1x125x64xbf16, #tpu.memory_space<vmem>> -> memref<125x64xbf16, #tpu.memory_space<vmem>>
    %dma_wait3A_91 = arith.constant 0 : i32
    %dma_wait3A_92 = tpu.memref_slice %arg7[%dma_wait3A_86, %dma_wait3A_91] : memref<160x125xi32, #tpu.memory_space<vmem>> -> memref<1x125xi32, #tpu.memory_space<vmem>>
    %dma_wait3A_93 = tpu.memref_squeeze %dma_wait3A_92 : memref<1x125xi32, #tpu.memory_space<vmem>> -> memref<125xi32, #tpu.memory_space<vmem>>
    %dma_wait3A_94 = arith.constant 0 : i32
    %dma_wait3A_95 = arith.constant 0 : i32
    %dma_wait3A_96 = tpu.memref_slice %arg19[%dma_wait3A_94, %dma_wait3A_95] : memref<10000x64xbf16, #tpu.memory_space<vmem_shared>> -> memref<10000x64xbf16, #tpu.memory_space<vmem_shared>>
    tpu.wait_indirect_dma semaphore(%arg14 : memref<!tpu.dma_semaphore, #tpu.memory_space<semaphore_mem>>) src(%dma_wait3A_90 : memref<125x64xbf16, #tpu.memory_space<vmem>>) dst(%dma_wait3A_96 : memref<10000x64xbf16, #tpu.memory_space<vmem_shared>>)
    %dma_wait3A_97 = arith.constant 1 : i32
    %dma_wait3A_98 = arith.constant 0 : i32
    %dma_wait3A_99 = arith.constant 0 : i32
    %dma_wait3A_100 = arith.constant 0 : i32
    %dma_wait3A_101 = tpu.memref_slice %arg8[%dma_wait3A_97, %dma_wait3A_99, %dma_wait3A_100] : memref<5x125x64xbf16, #tpu.memory_space<vmem>> -> memref<1x125x64xbf16, #tpu.memory_space<vmem>>
    %dma_wait3A_102 = tpu.memref_squeeze %dma_wait3A_101 : memref<1x125x64xbf16, #tpu.memory_space<vmem>> -> memref<125x64xbf16, #tpu.memory_space<vmem>>
    %dma_wait3A_103 = arith.constant 0 : i32
    %dma_wait3A_104 = tpu.memref_slice %arg7[%dma_wait3A_98, %dma_wait3A_103] : memref<160x125xi32, #tpu.memory_space<vmem>> -> memref<1x125xi32, #tpu.memory_space<vmem>>
    %dma_wait3A_105 = tpu.memref_squeeze %dma_wait3A_104 : memref<1x125xi32, #tpu.memory_space<vmem>> -> memref<125xi32, #tpu.memory_space<vmem>>
    %dma_wait3A_106 = arith.constant 0 : i32
    %dma_wait3A_107 = arith.constant 0 : i32
    %dma_wait3A_108 = tpu.memref_slice %arg19[%dma_wait3A_106, %dma_wait3A_107] : memref<10000x64xbf16, #tpu.memory_space<vmem_shared>> -> memref<10000x64xbf16, #tpu.memory_space<vmem_shared>>
    tpu.wait_indirect_dma semaphore(%arg15 : memref<!tpu.dma_semaphore, #tpu.memory_space<semaphore_mem>>) src(%dma_wait3A_102 : memref<125x64xbf16, #tpu.memory_space<vmem>>) dst(%dma_wait3A_108 : memref<10000x64xbf16, #tpu.memory_space<vmem_shared>>)
    %dma_wait3A_109 = arith.constant 2 : i32
    %dma_wait3A_110 = arith.constant 0 : i32
    %dma_wait3A_111 = arith.constant 0 : i32
    %dma_wait3A_112 = arith.constant 0 : i32
    %dma_wait3A_113 = tpu.memref_slice %arg8[%dma_wait3A_109, %dma_wait3A_111, %dma_wait3A_112] : memref<5x125x64xbf16, #tpu.memory_space<vmem>> -> memref<1x125x64xbf16, #tpu.memory_space<vmem>>
    %dma_wait3A_114 = tpu.memref_squeeze %dma_wait3A_113 : memref<1x125x64xbf16, #tpu.memory_space<vmem>> -> memref<125x64xbf16, #tpu.memory_space<vmem>>
    %dma_wait3A_115 = arith.constant 0 : i32
    %dma_wait3A_116 = tpu.memref_slice %arg7[%dma_wait3A_110, %dma_wait3A_115] : memref<160x125xi32, #tpu.memory_space<vmem>> -> memref<1x125xi32, #tpu.memory_space<vmem>>
    %dma_wait3A_117 = tpu.memref_squeeze %dma_wait3A_116 : memref<1x125xi32, #tpu.memory_space<vmem>> -> memref<125xi32, #tpu.memory_space<vmem>>
    %dma_wait3A_118 = arith.constant 0 : i32
    %dma_wait3A_119 = arith.constant 0 : i32
    %dma_wait3A_120 = tpu.memref_slice %arg19[%dma_wait3A_118, %dma_wait3A_119] : memref<10000x64xbf16, #tpu.memory_space<vmem_shared>> -> memref<10000x64xbf16, #tpu.memory_space<vmem_shared>>
    tpu.wait_indirect_dma semaphore(%arg16 : memref<!tpu.dma_semaphore, #tpu.memory_space<semaphore_mem>>) src(%dma_wait3A_114 : memref<125x64xbf16, #tpu.memory_space<vmem>>) dst(%dma_wait3A_120 : memref<10000x64xbf16, #tpu.memory_space<vmem_shared>>)
    %dma_wait3A_121 = arith.constant 3 : i32
    %dma_wait3A_122 = arith.constant 0 : i32
    %dma_wait3A_123 = arith.constant 0 : i32
    %dma_wait3A_124 = arith.constant 0 : i32
    %dma_wait3A_125 = tpu.memref_slice %arg8[%dma_wait3A_121, %dma_wait3A_123, %dma_wait3A_124] : memref<5x125x64xbf16, #tpu.memory_space<vmem>> -> memref<1x125x64xbf16, #tpu.memory_space<vmem>>
    %dma_wait3A_126 = tpu.memref_squeeze %dma_wait3A_125 : memref<1x125x64xbf16, #tpu.memory_space<vmem>> -> memref<125x64xbf16, #tpu.memory_space<vmem>>
    %dma_wait3A_127 = arith.constant 0 : i32
    %dma_wait3A_128 = tpu.memref_slice %arg7[%dma_wait3A_122, %dma_wait3A_127] : memref<160x125xi32, #tpu.memory_space<vmem>> -> memref<1x125xi32, #tpu.memory_space<vmem>>
    %dma_wait3A_129 = tpu.memref_squeeze %dma_wait3A_128 : memref<1x125xi32, #tpu.memory_space<vmem>> -> memref<125xi32, #tpu.memory_space<vmem>>
    %dma_wait3A_130 = arith.constant 0 : i32
    %dma_wait3A_131 = arith.constant 0 : i32
    %dma_wait3A_132 = tpu.memref_slice %arg19[%dma_wait3A_130, %dma_wait3A_131] : memref<10000x64xbf16, #tpu.memory_space<vmem_shared>> -> memref<10000x64xbf16, #tpu.memory_space<vmem_shared>>
    tpu.wait_indirect_dma semaphore(%arg17 : memref<!tpu.dma_semaphore, #tpu.memory_space<semaphore_mem>>) src(%dma_wait3A_126 : memref<125x64xbf16, #tpu.memory_space<vmem>>) dst(%dma_wait3A_132 : memref<10000x64xbf16, #tpu.memory_space<vmem_shared>>)
    %dma_wait3A_133 = arith.constant 4 : i32
    %dma_wait3A_134 = arith.constant 0 : i32
    %dma_wait3A_135 = arith.constant 0 : i32
    %dma_wait3A_136 = arith.constant 0 : i32
    %dma_wait3A_137 = tpu.memref_slice %arg8[%dma_wait3A_133, %dma_wait3A_135, %dma_wait3A_136] : memref<5x125x64xbf16, #tpu.memory_space<vmem>> -> memref<1x125x64xbf16, #tpu.memory_space<vmem>>
    %dma_wait3A_138 = tpu.memref_squeeze %dma_wait3A_137 : memref<1x125x64xbf16, #tpu.memory_space<vmem>> -> memref<125x64xbf16, #tpu.memory_space<vmem>>
    %dma_wait3A_139 = arith.constant 0 : i32
    %dma_wait3A_140 = tpu.memref_slice %arg7[%dma_wait3A_134, %dma_wait3A_139] : memref<160x125xi32, #tpu.memory_space<vmem>> -> memref<1x125xi32, #tpu.memory_space<vmem>>
    %dma_wait3A_141 = tpu.memref_squeeze %dma_wait3A_140 : memref<1x125xi32, #tpu.memory_space<vmem>> -> memref<125xi32, #tpu.memory_space<vmem>>
    %dma_wait3A_142 = arith.constant 0 : i32
    %dma_wait3A_143 = arith.constant 0 : i32
    %dma_wait3A_144 = tpu.memref_slice %arg19[%dma_wait3A_142, %dma_wait3A_143] : memref<10000x64xbf16, #tpu.memory_space<vmem_shared>> -> memref<10000x64xbf16, #tpu.memory_space<vmem_shared>>
    tpu.wait_indirect_dma semaphore(%arg18 : memref<!tpu.dma_semaphore, #tpu.memory_space<semaphore_mem>>) src(%dma_wait3A_138 : memref<125x64xbf16, #tpu.memory_space<vmem>>) dst(%dma_wait3A_144 : memref<10000x64xbf16, #tpu.memory_space<vmem_shared>>)
    %barrier3A_145 = arith.constant 0 : index
    tpu.barrier barrier_id(%barrier3A_145)
    %mul3A_146 = arith.constant 625 : i32
    %mul3A_147 = arith.muli %arg1, %mul3A_146 : i32
    %mul3A_148 = arith.constant 625 : i32
    %mul3A_149 = arith.muli %arg1, %mul3A_148 : i32
    "tpu.region"() ({
      %run_scoped3A_150 = tpu.sem_alloc : memref<!tpu.dma_semaphore, #tpu.memory_space<semaphore_mem>>
      %dma_start3A_151 = arith.constant 0 : i32
      %dma_start3A_152 = tpu.memref_slice %arg5[%arg0, %mul3A_149, %dma_start3A_151] : memref<2x10000x64xbf16, #tpu.memory_space<hbm>> -> memref<1x625x64xbf16, #tpu.memory_space<hbm>>
      %dma_start3A_153 = tpu.memref_squeeze %dma_start3A_152 : memref<1x625x64xbf16, #tpu.memory_space<hbm>> -> memref<625x64xbf16, #tpu.memory_space<hbm>>
      %dma_start3A_154 = arith.constant 0 : i32
      %dma_start3A_155 = tpu.memref_slice %arg19[%mul3A_147, %dma_start3A_154] : memref<10000x64xbf16, #tpu.memory_space<vmem_shared>> -> memref<625x64xbf16, #tpu.memory_space<vmem_shared>>
      tpu.enqueue_dma source(%dma_start3A_155 : memref<625x64xbf16, #tpu.memory_space<vmem_shared>>) target(%dma_start3A_153 : memref<625x64xbf16, #tpu.memory_space<hbm>>) target_semaphore(%run_scoped3A_150 : memref<!tpu.dma_semaphore, #tpu.memory_space<semaphore_mem>>)
      %dma_wait3A_156 = arith.constant 0 : i32
      %dma_wait3A_157 = tpu.memref_slice %arg5[%arg0, %mul3A_149, %dma_wait3A_156] : memref<2x10000x64xbf16, #tpu.memory_space<hbm>> -> memref<1x625x64xbf16, #tpu.memory_space<hbm>>
      %dma_wait3A_158 = tpu.memref_squeeze %dma_wait3A_157 : memref<1x625x64xbf16, #tpu.memory_space<hbm>> -> memref<625x64xbf16, #tpu.memory_space<hbm>>
      %dma_wait3A_159 = arith.constant 0 : i32
      %dma_wait3A_160 = tpu.memref_slice %arg19[%mul3A_147, %dma_wait3A_159] : memref<10000x64xbf16, #tpu.memory_space<vmem_shared>> -> memref<625x64xbf16, #tpu.memory_space<vmem_shared>>
      tpu.wait_dma2 semaphore(%run_scoped3A_150 : memref<!tpu.dma_semaphore, #tpu.memory_space<semaphore_mem>>) src(%dma_wait3A_160 : memref<625x64xbf16, #tpu.memory_space<vmem_shared>>) dst(%dma_wait3A_158 : memref<625x64xbf16, #tpu.memory_space<hbm>>)
      tpu.yield
    }) : () -> ()
    return
  }
}

module attributes {stable_mosaic.version = 14 : i64} {
  func.func @_embed_body(%arg0: i32, %arg1: memref<1000x128xf32, #tpu.memory_space<vmem>>, %arg2: memref<4x1000x16xf32, #tpu.memory_space<vmem>>, %arg3: memref<128x128xf32, #tpu.memory_space<vmem>>, %arg4: memref<1x128xf32, #tpu.memory_space<vmem>>, %arg5: memref<2x1000x64xbf16, #tpu.memory_space<vmem>>, %arg6: memref<1000x1xf32, #tpu.memory_space<vmem>>, %arg7: memref<1000x1xf32, #tpu.memory_space<vmem>>) attributes {dimension_semantics = [#tpu.dimension_semantics<arbitrary>], iteration_bounds = array<i64: 10>, scalar_prefetch = 0 : i64, scratch_operands = 0 : i64, tpu.core_type = #tpu.core_type<tc>, window_params = [{transform_indices = @transform_0, window_bounds = array<i64: 1000, 128>}, {transform_indices = @transform_1, window_bounds = array<i64: 4, 1000, 16>}, {pipeline_mode = #tpu.pipeline_mode<synchronous>, transform_indices = @transform_2, window_bounds = array<i64: 128, 128>}, {pipeline_mode = #tpu.pipeline_mode<synchronous>, transform_indices = @transform_3, window_bounds = array<i64: 1, 128>}, {transform_indices = @transform_4, window_bounds = array<i64: 2, 1000, 64>}, {transform_indices = @transform_5, window_bounds = array<i64: 1000, 1>}, {transform_indices = @transform_6, window_bounds = array<i64: 1000, 1>}]} {
    %get3A = arith.constant 0 : index
    %get3A_0 = arith.constant 0 : index
    %get3A_1 = arith.constant 0 : index
    %get3A_2 = vector.load %arg2[%get3A, %get3A_0, %get3A_1] : memref<4x1000x16xf32, #tpu.memory_space<vmem>>, vector<4x1000x16xf32>
    %slice3A = vector.extract_strided_slice %get3A_2 {offsets = [0, 0, 0], sizes = [1, 1000, 1], strides = [1, 1, 1]} : vector<4x1000x16xf32> to vector<1x1000x1xf32>
    %squeeze3A = vector.shape_cast %slice3A : vector<1x1000x1xf32> to vector<1000x1xf32>
    %slice3A_3 = vector.extract_strided_slice %get3A_2 {offsets = [2, 0, 0], sizes = [1, 1000, 1], strides = [1, 1, 1]} : vector<4x1000x16xf32> to vector<1x1000x1xf32>
    %squeeze3A_4 = vector.shape_cast %slice3A_3 : vector<1x1000x1xf32> to vector<1000x1xf32>
    %add3A = arith.addf %squeeze3A, %squeeze3A_4 : vector<1000x1xf32>
    %slice3A_5 = vector.extract_strided_slice %get3A_2 {offsets = [1, 0, 0], sizes = [1, 1000, 1], strides = [1, 1, 1]} : vector<4x1000x16xf32> to vector<1x1000x1xf32>
    %squeeze3A_6 = vector.shape_cast %slice3A_5 : vector<1x1000x1xf32> to vector<1000x1xf32>
    %slice3A_7 = vector.extract_strided_slice %get3A_2 {offsets = [3, 0, 0], sizes = [1, 1000, 1], strides = [1, 1, 1]} : vector<4x1000x16xf32> to vector<1x1000x1xf32>
    %squeeze3A_8 = vector.shape_cast %slice3A_7 : vector<1x1000x1xf32> to vector<1000x1xf32>
    %add3A_9 = arith.addf %squeeze3A_6, %squeeze3A_8 : vector<1000x1xf32>
    %gt3A = arith.constant 0.000000e+00 : f32
    %gt3A_10 = vector.broadcast %gt3A : f32 to vector<1000x1xf32>
    %gt3A_11 = arith.cmpf ogt, %add3A, %gt3A_10 : vector<1000x1xf32>
    %rsqrt3A = math.rsqrt %add3A : vector<1000x1xf32>
    %jit3A = arith.constant 0.000000e+00 : f32
    %broadcast_in_dim3A = vector.broadcast %jit3A : f32 to vector<1000x1xf32>
    %select_n3A = arith.select %gt3A_11, %rsqrt3A, %broadcast_in_dim3A : vector<1000x1xi1>, vector<1000x1xf32>
    %gt3A_12 = arith.constant 0.000000e+00 : f32
    %gt3A_13 = vector.broadcast %gt3A_12 : f32 to vector<1000x1xf32>
    %gt3A_14 = arith.cmpf ogt, %add3A_9, %gt3A_13 : vector<1000x1xf32>
    %rsqrt3A_15 = math.rsqrt %add3A_9 : vector<1000x1xf32>
    %jit3A_16 = arith.constant 0.000000e+00 : f32
    %broadcast_in_dim3A_17 = vector.broadcast %jit3A_16 : f32 to vector<1000x1xf32>
    %select_n3A_18 = arith.select %gt3A_14, %rsqrt3A_15, %broadcast_in_dim3A_17 : vector<1000x1xi1>, vector<1000x1xf32>
    %get3A_19 = arith.constant 0 : index
    %get3A_20 = arith.constant 0 : index
    %get3A_21 = vector.load %arg1[%get3A_19, %get3A_20] : memref<1000x128xf32, #tpu.memory_space<vmem>>, vector<1000x128xf32>
    %get3A_22 = arith.constant 0 : index
    %get3A_23 = arith.constant 0 : index
    %get3A_24 = vector.load %arg3[%get3A_22, %get3A_23] : memref<128x128xf32, #tpu.memory_space<vmem>>, vector<128x128xf32>
    %dot_general3A = arith.constant dense<0.000000e+00> : vector<1000x128xf32>
    %dot_general3A_25 = tpu.matmul %get3A_21, %get3A_24, %dot_general3A {dimension_numbers = #tpu.dot_dimension_numbers<[1], [0], [0], [1], [0, 0, 1, 1], [], []>, transpose_lhs_hint = false} : vector<1000x128xf32>, vector<128x128xf32>, vector<1000x128xf32> -> vector<1000x128xf32>
    %get3A_26 = arith.constant 0 : index
    %get3A_27 = arith.constant 0 : index
    %get3A_28 = vector.load %arg4[%get3A_26, %get3A_27] : memref<1x128xf32, #tpu.memory_space<vmem>>, vector<1x128xf32>
    %add3A_29 = vector.broadcast %get3A_28 : vector<1x128xf32> to vector<1000x128xf32>
    %add3A_30 = arith.addf %dot_general3A_25, %add3A_29 : vector<1000x128xf32>
    %mul3A = vector.broadcast %select_n3A : vector<1000x1xf32> to vector<1000x128xf32>
    %mul3A_31 = arith.mulf %add3A_30, %mul3A : vector<1000x128xf32>
    %convert_element_type3A = arith.truncf %mul3A_31 : vector<1000x128xf32> to vector<1000x128xbf16>
    %slice3A_32 = vector.extract_strided_slice %convert_element_type3A {offsets = [0, 0], sizes = [1000, 64], strides = [1, 1]} : vector<1000x128xbf16> to vector<1000x64xbf16>
    %swap3A = arith.constant 0 : index
    %swap3A_33 = arith.constant 0 : index
    %swap3A_34 = arith.constant 0 : index
    %swap3A_35 = vector.load %arg5[%swap3A, %swap3A_33, %swap3A_34] : memref<2x1000x64xbf16, #tpu.memory_space<vmem>>, vector<1x1000x64xbf16>
    %swap3A_36 = vector.shape_cast %swap3A_35 : vector<1x1000x64xbf16> to vector<1000x64xbf16>
    %swap3A_37 = vector.shape_cast %slice3A_32 : vector<1000x64xbf16> to vector<1x1000x64xbf16>
    tpu.vector_store %arg5[%swap3A, %swap3A_33, %swap3A_34], %swap3A_37 {strides = array<i32>} : memref<2x1000x64xbf16, #tpu.memory_space<vmem>>, vector<1x1000x64xbf16>,
    %slice3A_38 = vector.extract_strided_slice %convert_element_type3A {offsets = [0, 64], sizes = [1000, 64], strides = [1, 1]} : vector<1000x128xbf16> to vector<1000x64xbf16>
    %swap3A_39 = arith.constant 1 : index
    %swap3A_40 = arith.constant 0 : index
    %swap3A_41 = arith.constant 0 : index
    %swap3A_42 = vector.load %arg5[%swap3A_39, %swap3A_40, %swap3A_41] : memref<2x1000x64xbf16, #tpu.memory_space<vmem>>, vector<1x1000x64xbf16>
    %swap3A_43 = vector.shape_cast %swap3A_42 : vector<1x1000x64xbf16> to vector<1000x64xbf16>
    %swap3A_44 = vector.shape_cast %slice3A_38 : vector<1000x64xbf16> to vector<1x1000x64xbf16>
    tpu.vector_store %arg5[%swap3A_39, %swap3A_40, %swap3A_41], %swap3A_44 {strides = array<i32>} : memref<2x1000x64xbf16, #tpu.memory_space<vmem>>, vector<1x1000x64xbf16>,
    %swap3A_45 = arith.constant 0 : index
    %swap3A_46 = arith.constant 0 : index
    %swap3A_47 = vector.load %arg6[%swap3A_45, %swap3A_46] : memref<1000x1xf32, #tpu.memory_space<vmem>>, vector<1000x1xf32>
    tpu.vector_store %arg6[%swap3A_45, %swap3A_46], %select_n3A {strides = array<i32>} : memref<1000x1xf32, #tpu.memory_space<vmem>>, vector<1000x1xf32>,
    %swap3A_48 = arith.constant 0 : index
    %swap3A_49 = arith.constant 0 : index
    %swap3A_50 = vector.load %arg7[%swap3A_48, %swap3A_49] : memref<1000x1xf32, #tpu.memory_space<vmem>>, vector<1000x1xf32>
    tpu.vector_store %arg7[%swap3A_48, %swap3A_49], %select_n3A_18 {strides = array<i32>} : memref<1000x1xf32, #tpu.memory_space<vmem>>, vector<1000x1xf32>,
    return
  }
  func.func @transform_0(%arg0: i32) -> (i32, i32) {
    %c0_i32 = arith.constant 0 : i32
    %c0_i32_0 = arith.constant 0 : i32
    return %arg0, %c0_i32 : i32, i32
  }
  func.func @transform_1(%arg0: i32) -> (i32, i32, i32) {
    %c0_i32 = arith.constant 0 : i32
    %c0_i32_0 = arith.constant 0 : i32
    %c0_i32_1 = arith.constant 0 : i32
    return %c0_i32, %arg0, %c0_i32_0 : i32, i32, i32
  }
  func.func @transform_2(%arg0: i32) -> (i32, i32) {
    %c0_i32 = arith.constant 0 : i32
    %c0_i32_0 = arith.constant 0 : i32
    %c0_i32_1 = arith.constant 0 : i32
    return %c0_i32, %c0_i32_0 : i32, i32
  }
  func.func @transform_3(%arg0: i32) -> (i32, i32) {
    %c0_i32 = arith.constant 0 : i32
    %c0_i32_0 = arith.constant 0 : i32
    %c0_i32_1 = arith.constant 0 : i32
    return %c0_i32, %c0_i32_0 : i32, i32
  }
  func.func @transform_4(%arg0: i32) -> (i32, i32, i32) {
    %c0_i32 = arith.constant 0 : i32
    %c0_i32_0 = arith.constant 0 : i32
    %c0_i32_1 = arith.constant 0 : i32
    return %c0_i32, %arg0, %c0_i32_0 : i32, i32, i32
  }
  func.func @transform_5(%arg0: i32) -> (i32, i32) {
    %c0_i32 = arith.constant 0 : i32
    %c0_i32_0 = arith.constant 0 : i32
    return %arg0, %c0_i32 : i32, i32
  }
  func.func @transform_6(%arg0: i32) -> (i32, i32) {
    %c0_i32 = arith.constant 0 : i32
    %c0_i32_0 = arith.constant 0 : i32
    return %arg0, %c0_i32 : i32, i32
  }
}

module attributes {stable_mosaic.version = 14 : i64} {
  func.func @_layer_body(%arg0: i32, %arg1: memref<2x1000x64xbf16, #tpu.memory_space<vmem>>, %arg2: memref<1000x1xf32, #tpu.memory_space<vmem>>, %arg3: memref<1000x1xf32, #tpu.memory_space<vmem>>, %arg4: memref<128x128xf32, #tpu.memory_space<vmem>>, %arg5: memref<1x128xf32, #tpu.memory_space<vmem>>, %arg6: memref<2x1000x64xbf16, #tpu.memory_space<vmem>>) attributes {dimension_semantics = [#tpu.dimension_semantics<arbitrary>], iteration_bounds = array<i64: 10>, scalar_prefetch = 0 : i64, scratch_operands = 0 : i64, tpu.core_type = #tpu.core_type<tc>, window_params = [{transform_indices = @transform_0, window_bounds = array<i64: 2, 1000, 64>}, {transform_indices = @transform_1, window_bounds = array<i64: 1000, 1>}, {transform_indices = @transform_2, window_bounds = array<i64: 1000, 1>}, {pipeline_mode = #tpu.pipeline_mode<synchronous>, transform_indices = @transform_3, window_bounds = array<i64: 128, 128>}, {pipeline_mode = #tpu.pipeline_mode<synchronous>, transform_indices = @transform_4, window_bounds = array<i64: 1, 128>}, {transform_indices = @transform_5, window_bounds = array<i64: 2, 1000, 64>}]} {
    %get3A = arith.constant 0 : index
    %get3A_0 = arith.constant 0 : index
    %get3A_1 = arith.constant 0 : index
    %get3A_2 = vector.load %arg1[%get3A, %get3A_0, %get3A_1] : memref<2x1000x64xbf16, #tpu.memory_space<vmem>>, vector<2x1000x64xbf16>
    %convert_element_type3A = arith.extf %get3A_2 : vector<2x1000x64xbf16> to vector<2x1000x64xf32>
    %slice3A = vector.extract_strided_slice %convert_element_type3A {offsets = [0, 0, 0], sizes = [1, 1000, 64], strides = [1, 1, 1]} : vector<2x1000x64xf32> to vector<1x1000x64xf32>
    %squeeze3A = vector.shape_cast %slice3A : vector<1x1000x64xf32> to vector<1000x64xf32>
    %slice3A_3 = vector.extract_strided_slice %convert_element_type3A {offsets = [1, 0, 0], sizes = [1, 1000, 64], strides = [1, 1, 1]} : vector<2x1000x64xf32> to vector<1x1000x64xf32>
    %squeeze3A_4 = vector.shape_cast %slice3A_3 : vector<1x1000x64xf32> to vector<1000x64xf32>
    %concatenate3A = tpu.concatenate %squeeze3A, %squeeze3A_4 in 1 : vector<1000x64xf32>, vector<1000x64xf32> -> vector<1000x128xf32>
    %get3A_5 = arith.constant 0 : index
    %get3A_6 = arith.constant 0 : index
    %get3A_7 = vector.load %arg2[%get3A_5, %get3A_6] : memref<1000x1xf32, #tpu.memory_space<vmem>>, vector<1000x1xf32>
    %mul3A = vector.broadcast %get3A_7 : vector<1000x1xf32> to vector<1000x128xf32>
    %mul3A_8 = arith.mulf %concatenate3A, %mul3A : vector<1000x128xf32>
    %get3A_9 = arith.constant 0 : index
    %get3A_10 = arith.constant 0 : index
    %get3A_11 = vector.load %arg4[%get3A_9, %get3A_10] : memref<128x128xf32, #tpu.memory_space<vmem>>, vector<128x128xf32>
    %dot_general3A = arith.constant dense<0.000000e+00> : vector<1000x128xf32>
    %dot_general3A_12 = tpu.matmul %mul3A_8, %get3A_11, %dot_general3A {dimension_numbers = #tpu.dot_dimension_numbers<[1], [0], [0], [1], [0, 0, 1, 1], [], []>, transpose_lhs_hint = false} : vector<1000x128xf32>, vector<128x128xf32>, vector<1000x128xf32> -> vector<1000x128xf32>
    %get3A_13 = arith.constant 0 : index
    %get3A_14 = arith.constant 0 : index
    %get3A_15 = vector.load %arg5[%get3A_13, %get3A_14] : memref<1x128xf32, #tpu.memory_space<vmem>>, vector<1x128xf32>
    %add3A = vector.broadcast %get3A_15 : vector<1x128xf32> to vector<1000x128xf32>
    %add3A_16 = arith.addf %dot_general3A_12, %add3A : vector<1000x128xf32>
    %max3A = arith.constant 0.000000e+00 : f32
    %max3A_17 = vector.broadcast %max3A : f32 to vector<1000x128xf32>
    %max3A_18 = arith.maximumf %add3A_16, %max3A_17 : vector<1000x128xf32>
    %get3A_19 = arith.constant 0 : index
    %get3A_20 = arith.constant 0 : index
    %get3A_21 = vector.load %arg3[%get3A_19, %get3A_20] : memref<1000x1xf32, #tpu.memory_space<vmem>>, vector<1000x1xf32>
    %mul3A_22 = vector.broadcast %get3A_21 : vector<1000x1xf32> to vector<1000x128xf32>
    %mul3A_23 = arith.mulf %max3A_18, %mul3A_22 : vector<1000x128xf32>
    %convert_element_type3A_24 = arith.truncf %mul3A_23 : vector<1000x128xf32> to vector<1000x128xbf16>
    %slice3A_25 = vector.extract_strided_slice %convert_element_type3A_24 {offsets = [0, 0], sizes = [1000, 64], strides = [1, 1]} : vector<1000x128xbf16> to vector<1000x64xbf16>
    %swap3A = arith.constant 0 : index
    %swap3A_26 = arith.constant 0 : index
    %swap3A_27 = arith.constant 0 : index
    %swap3A_28 = vector.load %arg6[%swap3A, %swap3A_26, %swap3A_27] : memref<2x1000x64xbf16, #tpu.memory_space<vmem>>, vector<1x1000x64xbf16>
    %swap3A_29 = vector.shape_cast %swap3A_28 : vector<1x1000x64xbf16> to vector<1000x64xbf16>
    %swap3A_30 = vector.shape_cast %slice3A_25 : vector<1000x64xbf16> to vector<1x1000x64xbf16>
    tpu.vector_store %arg6[%swap3A, %swap3A_26, %swap3A_27], %swap3A_30 {strides = array<i32>} : memref<2x1000x64xbf16, #tpu.memory_space<vmem>>, vector<1x1000x64xbf16>,
    %slice3A_31 = vector.extract_strided_slice %convert_element_type3A_24 {offsets = [0, 64], sizes = [1000, 64], strides = [1, 1]} : vector<1000x128xbf16> to vector<1000x64xbf16>
    %swap3A_32 = arith.constant 1 : index
    %swap3A_33 = arith.constant 0 : index
    %swap3A_34 = arith.constant 0 : index
    %swap3A_35 = vector.load %arg6[%swap3A_32, %swap3A_33, %swap3A_34] : memref<2x1000x64xbf16, #tpu.memory_space<vmem>>, vector<1x1000x64xbf16>
    %swap3A_36 = vector.shape_cast %swap3A_35 : vector<1x1000x64xbf16> to vector<1000x64xbf16>
    %swap3A_37 = vector.shape_cast %slice3A_31 : vector<1000x64xbf16> to vector<1x1000x64xbf16>
    tpu.vector_store %arg6[%swap3A_32, %swap3A_33, %swap3A_34], %swap3A_37 {strides = array<i32>} : memref<2x1000x64xbf16, #tpu.memory_space<vmem>>, vector<1x1000x64xbf16>,
    return
  }
  func.func @transform_0(%arg0: i32) -> (i32, i32, i32) {
    %c0_i32 = arith.constant 0 : i32
    %c0_i32_0 = arith.constant 0 : i32
    %c0_i32_1 = arith.constant 0 : i32
    return %c0_i32, %arg0, %c0_i32_0 : i32, i32, i32
  }
  func.func @transform_1(%arg0: i32) -> (i32, i32) {
    %c0_i32 = arith.constant 0 : i32
    %c0_i32_0 = arith.constant 0 : i32
    return %arg0, %c0_i32 : i32, i32
  }
  func.func @transform_2(%arg0: i32) -> (i32, i32) {
    %c0_i32 = arith.constant 0 : i32
    %c0_i32_0 = arith.constant 0 : i32
    return %arg0, %c0_i32 : i32, i32
  }
  func.func @transform_3(%arg0: i32) -> (i32, i32) {
    %c0_i32 = arith.constant 0 : i32
    %c0_i32_0 = arith.constant 0 : i32
    %c0_i32_1 = arith.constant 0 : i32
    return %c0_i32, %c0_i32_0 : i32, i32
  }
  func.func @transform_4(%arg0: i32) -> (i32, i32) {
    %c0_i32 = arith.constant 0 : i32
    %c0_i32_0 = arith.constant 0 : i32
    %c0_i32_1 = arith.constant 0 : i32
    return %c0_i32, %c0_i32_0 : i32, i32
  }
  func.func @transform_5(%arg0: i32) -> (i32, i32, i32) {
    %c0_i32 = arith.constant 0 : i32
    %c0_i32_0 = arith.constant 0 : i32
    %c0_i32_1 = arith.constant 0 : i32
    return %c0_i32, %arg0, %c0_i32_0 : i32, i32, i32
  }
}

module attributes {stable_mosaic.version = 14 : i64} {
  func.func @_last_body(%arg0: i32, %arg1: memref<2x1000x64xbf16, #tpu.memory_space<vmem>>, %arg2: memref<1000x1xf32, #tpu.memory_space<vmem>>, %arg3: memref<128x128xf32, #tpu.memory_space<vmem>>, %arg4: memref<1x128xf32, #tpu.memory_space<vmem>>, %arg5: memref<128x64xf32, #tpu.memory_space<vmem>>, %arg6: memref<1x64xf32, #tpu.memory_space<vmem>>, %arg7: memref<64x32xf32, #tpu.memory_space<vmem>>, %arg8: memref<1x32xf32, #tpu.memory_space<vmem>>, %arg9: memref<32x1xf32, #tpu.memory_space<vmem>>, %arg10: memref<1x1xf32, #tpu.memory_space<vmem>>, %arg11: memref<1x1xf32, #tpu.memory_space<vmem>>, %arg12: memref<1x128xf32, #tpu.memory_space<vmem>>) attributes {dimension_semantics = [#tpu.dimension_semantics<arbitrary>], iteration_bounds = array<i64: 10>, scalar_prefetch = 0 : i64, scratch_operands = 1 : i64, tpu.core_type = #tpu.core_type<tc>, window_params = [{transform_indices = @transform_0, window_bounds = array<i64: 2, 1000, 64>}, {transform_indices = @transform_1, window_bounds = array<i64: 1000, 1>}, {pipeline_mode = #tpu.pipeline_mode<synchronous>, transform_indices = @transform_2, window_bounds = array<i64: 128, 128>}, {pipeline_mode = #tpu.pipeline_mode<synchronous>, transform_indices = @transform_3, window_bounds = array<i64: 1, 128>}, {pipeline_mode = #tpu.pipeline_mode<synchronous>, transform_indices = @transform_4, window_bounds = array<i64: 128, 64>}, {pipeline_mode = #tpu.pipeline_mode<synchronous>, transform_indices = @transform_5, window_bounds = array<i64: 1, 64>}, {pipeline_mode = #tpu.pipeline_mode<synchronous>, transform_indices = @transform_6, window_bounds = array<i64: 64, 32>}, {pipeline_mode = #tpu.pipeline_mode<synchronous>, transform_indices = @transform_7, window_bounds = array<i64: 1, 32>}, {pipeline_mode = #tpu.pipeline_mode<synchronous>, transform_indices = @transform_8, window_bounds = array<i64: 32, 1>}, {pipeline_mode = #tpu.pipeline_mode<synchronous>, transform_indices = @transform_9, window_bounds = array<i64: 1, 1>}, {pipeline_mode = #tpu.pipeline_mode<synchronous>, transform_indices = @transform_10, window_bounds = array<i64: 1, 1>}]} {
    %get3A = arith.constant 0 : index
    %get3A_0 = arith.constant 0 : index
    %get3A_1 = arith.constant 0 : index
    %get3A_2 = vector.load %arg1[%get3A, %get3A_0, %get3A_1] : memref<2x1000x64xbf16, #tpu.memory_space<vmem>>, vector<2x1000x64xbf16>
    %convert_element_type3A = arith.extf %get3A_2 : vector<2x1000x64xbf16> to vector<2x1000x64xf32>
    %slice3A = vector.extract_strided_slice %convert_element_type3A {offsets = [0, 0, 0], sizes = [1, 1000, 64], strides = [1, 1, 1]} : vector<2x1000x64xf32> to vector<1x1000x64xf32>
    %squeeze3A = vector.shape_cast %slice3A : vector<1x1000x64xf32> to vector<1000x64xf32>
    %slice3A_3 = vector.extract_strided_slice %convert_element_type3A {offsets = [1, 0, 0], sizes = [1, 1000, 64], strides = [1, 1, 1]} : vector<2x1000x64xf32> to vector<1x1000x64xf32>
    %squeeze3A_4 = vector.shape_cast %slice3A_3 : vector<1x1000x64xf32> to vector<1000x64xf32>
    %concatenate3A = tpu.concatenate %squeeze3A, %squeeze3A_4 in 1 : vector<1000x64xf32>, vector<1000x64xf32> -> vector<1000x128xf32>
    %get3A_5 = arith.constant 0 : index
    %get3A_6 = arith.constant 0 : index
    %get3A_7 = vector.load %arg2[%get3A_5, %get3A_6] : memref<1000x1xf32, #tpu.memory_space<vmem>>, vector<1000x1xf32>
    %mul3A = vector.broadcast %get3A_7 : vector<1000x1xf32> to vector<1000x128xf32>
    %mul3A_8 = arith.mulf %concatenate3A, %mul3A : vector<1000x128xf32>
    %get3A_9 = arith.constant 0 : index
    %get3A_10 = arith.constant 0 : index
    %get3A_11 = vector.load %arg3[%get3A_9, %get3A_10] : memref<128x128xf32, #tpu.memory_space<vmem>>, vector<128x128xf32>
    %dot_general3A = arith.constant dense<0.000000e+00> : vector<1000x128xf32>
    %dot_general3A_12 = tpu.matmul %mul3A_8, %get3A_11, %dot_general3A {dimension_numbers = #tpu.dot_dimension_numbers<[1], [0], [0], [1], [0, 0, 1, 1], [], []>, transpose_lhs_hint = false} : vector<1000x128xf32>, vector<128x128xf32>, vector<1000x128xf32> -> vector<1000x128xf32>
    %get3A_13 = arith.constant 0 : index
    %get3A_14 = arith.constant 0 : index
    %get3A_15 = vector.load %arg4[%get3A_13, %get3A_14] : memref<1x128xf32, #tpu.memory_space<vmem>>, vector<1x128xf32>
    %add3A = vector.broadcast %get3A_15 : vector<1x128xf32> to vector<1000x128xf32>
    %add3A_16 = arith.addf %dot_general3A_12, %add3A : vector<1000x128xf32>
    %max3A = arith.constant 0.000000e+00 : f32
    %max3A_17 = vector.broadcast %max3A : f32 to vector<1000x128xf32>
    %max3A_18 = arith.maximumf %add3A_16, %max3A_17 : vector<1000x128xf32>
    %reduce_sum3A = arith.constant dense<0.000000e+00> : vector<128xf32>
    %reduce_sum3A_19 = vector.multi_reduction <add>, %max3A_18, %reduce_sum3A [0] : vector<1000x128xf32> to vector<128xf32>
    %broadcast_in_dim3A = vector.shape_cast %reduce_sum3A_19 : vector<128xf32> to vector<1x128xf32>
    %eq3A = arith.constant 0 : i32
    %eq3A_20 = arith.cmpi eq, %arg0, %eq3A : i32
    %convert_element_type3A_21 = arith.extui %eq3A_20 : i1 to i32
    %cond3A = arith.constant 0 : i32
    %cond3A_22 = arith.cmpi ne, %convert_element_type3A_21, %cond3A : i32
    scf.if %cond3A_22 {
      %swap3A = arith.constant 0 : index
      %swap3A_32 = arith.constant 0 : index
      %swap3A_33 = vector.load %arg12[%swap3A, %swap3A_32] : memref<1x128xf32, #tpu.memory_space<vmem>>, vector<1x128xf32>
      tpu.vector_store %arg12[%swap3A, %swap3A_32], %broadcast_in_dim3A {strides = array<i32>} : memref<1x128xf32, #tpu.memory_space<vmem>>, vector<1x128xf32>,
    } else {
    }
    %gt3A = arith.constant 0 : i32
    %gt3A_23 = arith.cmpi sgt, %arg0, %gt3A : i32
    %convert_element_type3A_24 = arith.extui %gt3A_23 : i1 to i32
    %cond3A_25 = arith.constant 0 : i32
    %cond3A_26 = arith.cmpi ne, %convert_element_type3A_24, %cond3A_25 : i32
    scf.if %cond3A_26 {
      %get3A_32 = arith.constant 0 : index
      %get3A_33 = arith.constant 0 : index
      %get3A_34 = vector.load %arg12[%get3A_32, %get3A_33] : memref<1x128xf32, #tpu.memory_space<vmem>>, vector<1x128xf32>
      %add3A_35 = arith.addf %get3A_34, %broadcast_in_dim3A : vector<1x128xf32>
      %swap3A = arith.constant 0 : index
      %swap3A_36 = arith.constant 0 : index
      %swap3A_37 = vector.load %arg12[%swap3A, %swap3A_36] : memref<1x128xf32, #tpu.memory_space<vmem>>, vector<1x128xf32>
      tpu.vector_store %arg12[%swap3A, %swap3A_36], %add3A_35 {strides = array<i32>} : memref<1x128xf32, #tpu.memory_space<vmem>>, vector<1x128xf32>,
    } else {
    }
    %eq3A_27 = arith.constant 9 : i32
    %eq3A_28 = arith.cmpi eq, %arg0, %eq3A_27 : i32
    %convert_element_type3A_29 = arith.extui %eq3A_28 : i1 to i32
    %cond3A_30 = arith.constant 0 : i32
    %cond3A_31 = arith.cmpi ne, %convert_element_type3A_29, %cond3A_30 : i32
    scf.if %cond3A_31 {
      %get3A_32 = arith.constant 0 : index
      %get3A_33 = arith.constant 0 : index
      %get3A_34 = vector.load %arg12[%get3A_32, %get3A_33] : memref<1x128xf32, #tpu.memory_space<vmem>>, vector<1x128xf32>
      %mul3A_35 = arith.constant 9.99999974E-5 : f32
      %mul3A_36 = vector.broadcast %mul3A_35 : f32 to vector<1x128xf32>
      %mul3A_37 = arith.mulf %get3A_34, %mul3A_36 : vector<1x128xf32>
      %get3A_38 = arith.constant 0 : index
      %get3A_39 = arith.constant 0 : index
      %get3A_40 = vector.load %arg5[%get3A_38, %get3A_39] : memref<128x64xf32, #tpu.memory_space<vmem>>, vector<128x64xf32>
      %dot_general3A_41 = arith.constant dense<0.000000e+00> : vector<1x64xf32>
      %dot_general3A_42 = tpu.matmul %mul3A_37, %get3A_40, %dot_general3A_41 {dimension_numbers = #tpu.dot_dimension_numbers<[1], [0], [0], [1], [0, 0, 1, 1], [], []>, transpose_lhs_hint = false} : vector<1x128xf32>, vector<128x64xf32>, vector<1x64xf32> -> vector<1x64xf32>
      %get3A_43 = arith.constant 0 : index
      %get3A_44 = arith.constant 0 : index
      %get3A_45 = vector.load %arg6[%get3A_43, %get3A_44] : memref<1x64xf32, #tpu.memory_space<vmem>>, vector<1x64xf32>
      %add3A_46 = arith.addf %dot_general3A_42, %get3A_45 : vector<1x64xf32>
      %max3A_47 = arith.constant 0.000000e+00 : f32
      %max3A_48 = vector.broadcast %max3A_47 : f32 to vector<1x64xf32>
      %max3A_49 = arith.maximumf %add3A_46, %max3A_48 : vector<1x64xf32>
      %get3A_50 = arith.constant 0 : index
      %get3A_51 = arith.constant 0 : index
      %get3A_52 = vector.load %arg7[%get3A_50, %get3A_51] : memref<64x32xf32, #tpu.memory_space<vmem>>, vector<64x32xf32>
      %dot_general3A_53 = arith.constant dense<0.000000e+00> : vector<1x32xf32>
      %dot_general3A_54 = tpu.matmul %max3A_49, %get3A_52, %dot_general3A_53 {dimension_numbers = #tpu.dot_dimension_numbers<[1], [0], [0], [1], [0, 0, 1, 1], [], []>, transpose_lhs_hint = false} : vector<1x64xf32>, vector<64x32xf32>, vector<1x32xf32> -> vector<1x32xf32>
      %get3A_55 = arith.constant 0 : index
      %get3A_56 = arith.constant 0 : index
      %get3A_57 = vector.load %arg8[%get3A_55, %get3A_56] : memref<1x32xf32, #tpu.memory_space<vmem>>, vector<1x32xf32>
      %add3A_58 = arith.addf %dot_general3A_54, %get3A_57 : vector<1x32xf32>
      %max3A_59 = arith.constant 0.000000e+00 : f32
      %max3A_60 = vector.broadcast %max3A_59 : f32 to vector<1x32xf32>
      %max3A_61 = arith.maximumf %add3A_58, %max3A_60 : vector<1x32xf32>
      %get3A_62 = arith.constant 0 : index
      %get3A_63 = arith.constant 0 : index
      %get3A_64 = vector.load %arg9[%get3A_62, %get3A_63] : memref<32x1xf32, #tpu.memory_space<vmem>>, vector<32x1xf32>
      %dot_general3A_65 = arith.constant dense<0.000000e+00> : vector<1x1xf32>
      %dot_general3A_66 = tpu.matmul %max3A_61, %get3A_64, %dot_general3A_65 {dimension_numbers = #tpu.dot_dimension_numbers<[1], [0], [0], [1], [0, 0, 1, 1], [], []>, transpose_lhs_hint = false} : vector<1x32xf32>, vector<32x1xf32>, vector<1x1xf32> -> vector<1x1xf32>
      %get3A_67 = arith.constant 0 : index
      %get3A_68 = arith.constant 0 : index
      %get3A_69 = vector.load %arg10[%get3A_67, %get3A_68] : memref<1x1xf32, #tpu.memory_space<vmem>>, vector<1x1xf32>
      %add3A_70 = arith.addf %dot_general3A_66, %get3A_69 : vector<1x1xf32>
      %swap3A = arith.constant 0 : index
      %swap3A_71 = arith.constant 0 : index
      %swap3A_72 = vector.load %arg11[%swap3A, %swap3A_71] : memref<1x1xf32, #tpu.memory_space<vmem>>, vector<1x1xf32>
      tpu.vector_store %arg11[%swap3A, %swap3A_71], %add3A_70 {strides = array<i32>} : memref<1x1xf32, #tpu.memory_space<vmem>>, vector<1x1xf32>,
    } else {
    }
    return
  }
  func.func @transform_0(%arg0: i32) -> (i32, i32, i32) {
    %c0_i32 = arith.constant 0 : i32
    %c0_i32_0 = arith.constant 0 : i32
    %c0_i32_1 = arith.constant 0 : i32
    return %c0_i32, %arg0, %c0_i32_0 : i32, i32, i32
  }
  func.func @transform_1(%arg0: i32) -> (i32, i32) {
    %c0_i32 = arith.constant 0 : i32
    %c0_i32_0 = arith.constant 0 : i32
    return %arg0, %c0_i32 : i32, i32
  }
  func.func @transform_2(%arg0: i32) -> (i32, i32) {
    %c0_i32 = arith.constant 0 : i32
    %c0_i32_0 = arith.constant 0 : i32
    %c0_i32_1 = arith.constant 0 : i32
    return %c0_i32, %c0_i32_0 : i32, i32
  }
  func.func @transform_3(%arg0: i32) -> (i32, i32) {
    %c0_i32 = arith.constant 0 : i32
    %c0_i32_0 = arith.constant 0 : i32
    %c0_i32_1 = arith.constant 0 : i32
    return %c0_i32, %c0_i32_0 : i32, i32
  }
  func.func @transform_4(%arg0: i32) -> (i32, i32) {
    %c0_i32 = arith.constant 0 : i32
    %c0_i32_0 = arith.constant 0 : i32
    %c0_i32_1 = arith.constant 0 : i32
    return %c0_i32, %c0_i32_0 : i32, i32
  }
  func.func @transform_5(%arg0: i32) -> (i32, i32) {
    %c0_i32 = arith.constant 0 : i32
    %c0_i32_0 = arith.constant 0 : i32
    %c0_i32_1 = arith.constant 0 : i32
    return %c0_i32, %c0_i32_0 : i32, i32
  }
  func.func @transform_6(%arg0: i32) -> (i32, i32) {
    %c0_i32 = arith.constant 0 : i32
    %c0_i32_0 = arith.constant 0 : i32
    %c0_i32_1 = arith.constant 0 : i32
    return %c0_i32, %c0_i32_0 : i32, i32
  }
  func.func @transform_7(%arg0: i32) -> (i32, i32) {
    %c0_i32 = arith.constant 0 : i32
    %c0_i32_0 = arith.constant 0 : i32
    %c0_i32_1 = arith.constant 0 : i32
    return %c0_i32, %c0_i32_0 : i32, i32
  }
  func.func @transform_8(%arg0: i32) -> (i32, i32) {
    %c0_i32 = arith.constant 0 : i32
    %c0_i32_0 = arith.constant 0 : i32
    %c0_i32_1 = arith.constant 0 : i32
    return %c0_i32, %c0_i32_0 : i32, i32
  }
  func.func @transform_9(%arg0: i32) -> (i32, i32) {
    %c0_i32 = arith.constant 0 : i32
    %c0_i32_0 = arith.constant 0 : i32
    %c0_i32_1 = arith.constant 0 : i32
    return %c0_i32, %c0_i32_0 : i32, i32
  }
  func.func @transform_10(%arg0: i32) -> (i32, i32) {
    %c0_i32 = arith.constant 0 : i32
    %c0_i32_0 = arith.constant 0 : i32
    %c0_i32_1 = arith.constant 0 : i32
    return %c0_i32, %c0_i32_0 : i32, i32
  }
}

</mosaic_0001>

<sc_bundles>
// kernel: kernel.10.cloned.1.call-start
scs
__scs_entry_jumppad:
0x0: {  	(pc) =	sbr.rel $0x88, $3  }
0x1: {  	(tag) =	ssettag $0x0;
	lr =	simm.s32 $0x1  }
0x2: {  	[smem:$0x3F91] =	sst lr;
	_ =	strace $0xD0000000  }
0x3: {  	_ = 	snop  }
0x4: {  	_ = 	snop  }
0x5: {  	_ = 	snop  }
0x6: {  	_ = 	snop  }
0x7: {  	_ = 	snop  }
__scs_overlays_trampoline_lowered:
0x8: {  	[smem:$0x3FA0] =	sst s0  }
0x9: {  	[smem:$0x3FA1] =	sst s1  }
0xa: {  	[smem:$0x3FA2] =	sst s2  }
0xb: {  	[smem:$0x3FA3] =	sst s3  }
0xc: {  	[smem:$0x3FA4] =	sst s4  }
0xd: {  	[smem:$0x3FA5] =	sst s5  }
0xe: {  	[smem:$0x3FA6] =	sst s6  }
0xf: {  	[smem:$0x3FA7] =	sst s7  }
0x10: {  	[smem:$0x3FA8] =	sst s8  }
0x11: {  	[smem:$0x3FA9] =	sst s9;
	s0 =	simm.s32 @!p0 $0x0  }
0x12: {  	s1 =	sld [smem:$0x3F8F];
	s0 =	simm.s32 @p0 $0x1  }
0x13: {  	[smem:$0x3FAA] =	sst s0;
	s0 =	simm.s32 @!p1 $0x0  }
0x14: {  	s2 =	sld [smem:$0x3F8E];
	s0 =	simm.s32 @p1 $0x1  }
0x15: {  	[smem:$0x3FAB] =	sst s0;
	s0 =	simm.s32 @!p2 $0x0  }
0x16: {  	s3 =	sld [smem:$0x3FDB];
	s0 =	simm.s32 @p2 $0x1  }
0x17: {  	s4 =	simm.s32 $0x1BF5;
	[smem:$0x3FAD] =	sst s0  }
0x18: {  	s0 =	sld [smem:$0x3F90];
	_ =	swait.ge [sflag:s4], $0x0  }
0x19: {  	s7 =	sld [smem:$0x3F91]  }
0x1a: {  	s8 =	sadd.s32 $0xFFFFE003, lr  }
0x1b: {  	s9 =	sadd.s32 $0xFFFFFEF7, lr;
	s5 =	simm.s32 $0xFFFFFFFF;
	p2 =	slt.u32 s8, $0xFFFFF086  }
0x1c: {  	p1 =	slt.u32 s9, $0xF7A;
	s5 =	simm.s32 @!p2 $0x0  }
0x1d: {  	s5 =	simm.s32 @p1 $0x1;
	p0 =	seq.s32 s7, s2  }
0x1e: {  	s7 =	smul.u32 @!p0 $0xF7A, s2;
	p2 =	seq.s32 @!p0 s5, $0x0  }
0x1f: {  	s9 =	smul.u32 $0xF7A, s1;
	s8 =	simm.s32 @!p0 $0x1BF5;
	p2 =	por !p2, p0  }
0x20: {  	[sflag:s8] =	ssyncset.s32 @!p0 $0xFFFFF086;
	s6 =	sadd.s32 @!p0 s3, s7;
	s7 =	simm.s32 @!p0 $0x108  }
0x21: {  	s3 =	sadd.s32 s3, s9;
	s6 =	sadd.s32 @!p0 $0x88, s6;
	s7 =	simm.s32 @p2 $0x1082  }
0x22: {  	[simem:s7], [sflag:s8] =	dma.local @!p0 [hbm:s6], $0xF7A  }
0x23: {  	s9 =	sor.u32 $0xD0000000, s2;
	s6 =	simm.s32 $0x108;
	_ =	swait.ge @!p0 [sflag:s8], $0x0  }
0x24: {  	s3 =	sadd.s32 $0x88, s3;
	s6 =	simm.s32 @!p1 $0x1082;
	[sflag:s4] =	ssyncset.s32 $0xFFFFF086  }
0x25: {  	[simem:s6], [sflag:s4] =	dma.local [hbm:s3], $0xF7A  }
0x26: {  	[smem:$0x3F91] =	sst s1;
	(tag) =	ssettag s2;
	_ =	strace s9  }
0x27: {  	s1 =	sld [smem:$0x3FA1]  }
0x28: {  	s2 =	sld [smem:$0x3FA2]  }
0x29: {  	s4 =	sld [smem:$0x3FA4]  }
0x2a: {  	p0 =	seq.s32 s5, $0x0;
	s5 =	sld [smem:$0x3FA5]  }
0x2b: {  	s6 =	sld [smem:$0x3FA6]  }
0x2c: {  	s7 =	sld [smem:$0x3FA7]  }
0x2d: {  	s3 =	simm.s32 $0x108;
	s8 =	sld [smem:$0x3FA8]  }
0x2e: {  	s3 =	simm.s32 @!p0 $0x1082;
	s9 =	sld [smem:$0x3FA9]  }
0x2f: {  	lr =	sadd.s32 s0, s3;
	s0 =	sld [smem:$0x3FA0]  }
0x30: {  	s3 =	sld [smem:$0x3FA3]  }
0x31: {  	[smem:$0x3FAC] =	sst s10  }
0x32: {  	s10 =	sld [smem:$0x3FAA];
	_ =	sdelay $0x3  }
0x33: {  	p0 =	seq.s32 s10, $0x1;
	s10 =	sld [smem:$0x3FAC];
	_ =	sdelay $0x3  }
0x34: {  	[smem:$0x3FAC] =	sst s10  }
0x35: {  	s10 =	sld [smem:$0x3FAB];
	_ =	sdelay $0x3  }
0x36: {  	p1 =	seq.s32 s10, $0x1;
	s10 =	sld [smem:$0x3FAC];
	_ =	sdelay $0x3  }
0x37: {  	[smem:$0x3FAC] =	sst s10  }
0x38: {  	s10 =	sld [smem:$0x3FAD]  }
0x39: {  	_ = 	snop;
	(pc) =	sbr.ind lr, $3  }
0x3a: {  	_ = 	snop  }
0x3b: {  	_ = 	snop  }
0x3c: {  	p2 =	seq.s32 s10, $0x1;
	s10 =	sld [smem:$0x3FAC]  }
0x3d: {  	_ =	shalt  }
0x3e: {  	_ =	shalt  }
0x3f: {  	_ =	shalt  }
0x40: {  	_ =	shalt  }
0x41: {  	_ =	shalt  }
0x42: {  	_ =	shalt  }
0x43: {  	_ =	shalt  }
0x44: {  	_ =	shalt  }
0x45: {  	_ =	shalt  }
0x46: {  	_ =	shalt  }
0x47: {  	_ =	shalt  }
0x48: {  	_ =	shalt  }
0x49: {  	_ =	shalt  }
0x4a: {  	_ =	shalt  }
0x4b: {  	_ =	shalt  }
0x4c: {  	_ =	shalt  }
0x4d: {  	_ =	shalt  }
0x4e: {  	_ =	shalt  }
0x4f: {  	_ =	shalt  }
0x50: {  	_ =	shalt  }
0x51: {  	_ =	shalt  }
0x52: {  	_ =	shalt  }
0x53: {  	_ =	shalt  }
0x54: {  	_ =	shalt  }
0x55: {  	_ =	shalt  }
0x56: {  	_ =	shalt  }
0x57: {  	_ =	shalt  }
0x58: {  	_ =	shalt  }
0x59: {  	_ =	shalt  }
0x5a: {  	_ =	shalt  }
0x5b: {  	_ =	shalt  }
0x5c: {  	_ =	shalt  }
0x5d: {  	_ =	shalt  }
0x5e: {  	_ =	shalt  }
0x5f: {  	_ =	shalt  }
0x60: {  	_ =	shalt  }
0x61: {  	_ =	shalt  }
0x62: {  	_ =	shalt  }
0x63: {  	_ =	shalt  }
0x64: {  	_ =	shalt  }
0x65: {  	_ =	shalt  }
0x66: {  	_ =	shalt  }
0x67: {  	_ =	shalt  }
0x68: {  	_ =	shalt  }
0x69: {  	_ =	shalt  }
0x6a: {  	_ =	shalt  }
0x6b: {  	_ =	shalt  }
0x6c: {  	_ =	shalt  }
0x6d: {  	_ =	shalt  }
0x6e: {  	_ =	shalt  }
0x6f: {  	_ =	shalt  }
0x70: {  	_ =	shalt  }
0x71: {  	_ =	shalt  }
0x72: {  	_ =	shalt  }
0x73: {  	_ =	shalt  }
0x74: {  	_ =	shalt  }
0x75: {  	_ =	shalt  }
0x76: {  	_ =	shalt  }
0x77: {  	_ =	shalt  }
0x78: {  	_ =	shalt  }
0x79: {  	_ =	shalt  }
0x7a: {  	_ =	shalt  }
0x7b: {  	_ =	shalt  }
0x7c: {  	_ =	shalt  }
0x7d: {  	_ =	shalt  }
0x7e: {  	_ =	shalt  }
0x7f: {  	_ =	shalt  }
0x80: {  	_ =	shalt  }
0x81: {  	_ =	shalt  }
0x82: {  	_ =	shalt  }
0x83: {  	_ =	shalt  }
0x84: {  	_ =	shalt  }
0x85: {  	_ =	shalt  }
0x86: {  	_ =	shalt  }
0x87: {  	_ =	shalt  }
.Lfunc_end0:
.L_simem_size_0:
called_computation_lowered:
.L_overlay_start_0:
0x88: {  	s2 =	sld [smem:$0x3FD9]  }
0x89: {  	s3 =	sld [smem:$0x3FFE];
	_ =	sdelay $0x1  }
0x8a: {  	s1 =	srdreg.scid  }
0x8b: {  	s0 =	sand.u32 $0x1, s1  }
0x8c: {  	s16 =	sshll.u32 s0, $0xA;
	s2 =	sadd.s32 s3, s2  }
0x8d: {  	s2 =	sadd.s32 s2, s16  }
0x8e: {  	[smem:$0x3FB8] =	sst s2  }
0x8f: {  	_ = 	snop  }
0x90: {  	(tm) =	ssettm $0x1  }
0x91: {  	s17 =	sld [smem:$0x3FFB];
	_ =	sdelay $0x3  }
0x92: {  	_ =	strace s17  }
0x93: {  	s2 =	sld [smem:$0x3FFC];
	_ =	sdelay $0x3  }
0x94: {  	_ =	strace s2  }
0x95: {  	s2 =	sld [smem:$0x3FFD];
	_ =	sdelay $0x3  }
0x96: {  	_ =	strace s2  }
0x97: {  	_ =	strace $0x8FFFFFFF  }
0x98: {  	s18 =	sld [smem:$0x3FDB];
	_ =	sdelay $0x1  }
0x99: {  	s19 =	simm.s32 $_scs_section_size  }
0x9a: {  	s4 =	simm.s32 $_size__tile_overlayer_lowered;
	s5 =	simm.s32 $_tile_overlayer_lowered  }
0x9b: {  	s22 =	simm.s32 $0x1BFF;
	s21 =	sshll.u32 s5, $0x1;
	s2 =	sadd.s32 s19, s18  }
0x9c: {  	s6 =	simm.s32 $0x0;
	s20 =	sshll.u32 s4, $0x1;
	s4 =	sadd.s32 s21, s2  }
0x9d: {  	[timem:s6], [sflag:s22] =	dma.local [hbm:s4], s20  }
0x9e: {  	_ =	swait.ge [sflag:s22], s20  }
0x9f: {  	s3 =	ssub.s32 $0x0, s20;
	[sflag:s22] =	ssyncset.done $0x0  }
0xa0: {  	[sflag:s22] =	ssyncadd.s32 s3;
	_ =	sdelay $0x1  }
0xa1: {  	s23 =	simm.s32 $0x1B8B  }
0xa2: {  	_ =	swait.ge [sflag:s23], $0x1  }
0xa3: {  	[sflag:s23] =	ssyncset.done $0x0  }
0xa4: {  	s25 =	simm.s32 $0x1B8E;
	s24 =	sld [smem:$0x3FFE];
	[sflag:s23] =	ssyncadd.s32 $0xFFFFFFFF  }
0xa5: {  	s26 =	simm.s32 $execute0_lowered;
	[smem:$0x3FD2] =	sst s25  }
0xa6: {  	s4 =	sshll.u32 s26, $0x1;
	_ =	strace $0x80000046;
	[dreg:$0x1] =	wrdreg $0xFFFFFFFF  }
0xa7: {  	s28 =	simm.s32 $_size_execute0_lowered;
	s2 =	sadd.s32 s2, s4;
	[dreg:$0x0] =	wrdreg $0x0  }
0xa8: {  	s4 =	sshll.u32 s28, $0x1;
	[dreg:$0x2] =	wrdreg s2  }
0xa9: {  	[dreg:$0x3] =	wrdreg s4  }
0xaa: {  	[dreg:$0x4] =	wrdreg $0xC0  }
0xab: {  	_ =	task [dreg:s6], $0x5FFFF  }
0xac: {  	[dreg:$0x1] =	wrdreg $0xFFFFFFFF  }
0xad: {  	[dreg:$0x0] =	wrdreg $0x60  }
0xae: {  	[dreg:$0x2] =	wrdreg s24  }
0xaf: {  	[dreg:$0x3] =	wrdreg $0x57800  }
0xb0: {  	[dreg:$0x4] =	wrdreg $0x7E900  }
0xb1: {  	[dreg:$0x5] =	wrdreg $0x9  }
0xb2: {  	_ =	task.clear_ibuf [dreg:s6], $0x6FFFF;
	_ =	strace $0x90000046  }
0xb3: {  	s29 =	simm.s32 $0x9;
	_ =	strace $0x80000048  }
0xb4: {  	_ =	swait.ge [sflag:s29], $0x1  }
0xb5: {  	[sflag:s29] =	ssyncadd.s32 $0xFFFFFFFF  }
0xb6: {  	_ =	strace $0x90000048  }
0xb7: {  	_ =	sfence  }
0xb8: {  	s30 =	sld [smem:$0x0];
	_ =	sdelay $0x2  }
0xb9: {  	s31 =	sshll.u32 s1, $0xD;
	s1 =	sshrl.u32 s1, $0x2  }
0xba: {  	s3 =	sand.u32 $0x4000, s31;
	s1 =	sadd.s32 s1, s30  }
0xbb: {  	s0 =	sor.u32 s3, s0;
	s1 =	sshll.u32 s1, $0x11  }
0xbc: {  	s0 =	sor.u32 s1, s0  }
0xbd: {  	s0 =	sadd.s32 $0x8F2B, s0  }
0xbe: {  	[sflag:s0] =	ssyncadd.remote.s32 $0x1  }
0xbf: {  	_ =	sfence.sel $0xFFFF  }
0xc0: {  	[dreg:$0x0] =	wrdreg $0xFFFFFFFF;
	(pc) =	sbr.abs _section_cstart, $3  }
0xc1: {  	[dreg:$0x1] =	wrdreg $0xFFFFFFFF  }
0xc2: {  	_ =	task.clear_ibuf [dreg:s6], $0x2FFFF;
	_ =	strace $0x9FFFFFFF  }
0xc3: {  	(tm) =	ssettm $0x7FFFFFFF  }
tec
execute0_lowered:
.L_overlay_start_1:
0x0: {  	(tag) =	ssettag $0x1  }
0x1: {  	s7 =	rddreg [dreg:$0x0]  }
0x2: {  	s2 =	rddreg [dreg:$0x1]  }
0x3: {  	s0 =	srdreg.scid;
	s3 =	rddreg [dreg:$0x2];
	s4 =	simm.s32 $0x0  }
0x4: {  	s14 =	simm.s32 $0x5140;
	s6 =	sand.u32 $0x1, s0;
	s0 =	stileid.u32  }
0x5: {  	s18 =	simm.s32 $0x1;
	s19 =	simm.s32 $0x0;
	s9 =	smul.u32 $0x2710, s0  }
0x6: {  	[smem:$0x7FF] =	sst s4;
	s1 =	sshll.u32 s6, $0x4;
	s8 =	smul.u32 $0x4E200, s6  }
0x7: {  	s11 =	ssub.s32 $0x2, s6;
	s6 =	sadd.s32 $0x17C00, s7;
	s15 =	sshll.u32 s0, $0x6  }
0x8: {  	s1 =	sor.u32 s0, s1;
	s12 =	sshrl.u32 s11, $0x1;
	s15 =	sor.u32 $0x1C02, s15  }
0x9: {  	s5 =	smul.u32 $0x28A0, s1;
	s1 =	rddreg [dreg:$0x3];
	_ =	strace $0x80000047  }
0xa: {  	s8 =	sadd.s32 s9, s8;
	s11 =	ssub.s32 s11, s12;
	s16 =	sadd.s32 s9, s2  }
0xb: {  	s17 =	sadd.s32 s9, s3;
	s12 =	simm.s32 $0x2;
	s8 =	sshrl.u32 s8, $0x3  }
0xc: {  	s11 =	smax.u32 s11, $0x1;
	s16 =	sshrl.u32 s16, $0x3;
	s5 =	sshrl.u32 s5, $0x3  }
0xd: {  	s17 =	sshrl.u32 s17, $0x3;
	s13 =	sadd.s32 s8, s7;
	s10 =	sadd.s32 s5, s7  }
0xe: {  	s5 =	sadd.s32 $0x18200, s7;
	s9 =	sadd.s32 $0x18400, s13;
	s7 =	sadd.s32 $0x3600, s10  }
0xf: {  	s8 =	sadd.s32 $0xD880, s10;
	s10 =	sadd.s32 $0x1D220, s13;
	s13 =	simm.s32 $0x28A0  }
.LBB2_1:
0x10: {  	[tilespmem:s4], [sflag:$0x2] =	stream.linear.gather [hbm4b:s7+s4], $0x28A0, $0x38;
	[tilespmem:$0xA5A0] =	vst v63  }
0x11: {  	_ =	swait.ge [sflag:s12], $0x28A0  }
0x12: {  	[sflag:s12] =	ssyncset.done $0x0  }
0x13: {  	[sflag:s12] =	ssyncadd.s32 $0xFFFFD760  }
0x14: {  	[tilespmem:s13], [sflag:$0x2] =	stream.linear.gather [hbm4b:s8+s4], $0x28A0, $0x38;
	[tilespmem:$0xA5A0] =	vst v63  }
0x15: {  	_ =	swait.ge [sflag:s12], $0x28A0  }
0x16: {  	[sflag:s12] =	ssyncset.done $0x0  }
0x17: {  	[sflag:s12] =	ssyncadd.s32 $0xFFFFD760  }
0x18: {  	[tilespmem:s14], [sflag:$0x2] =	stream.linear.gather [hbm4b:s5+s4], $0x640, $0x38;
	[tilespmem:$0xA5A0] =	vst v63  }
0x19: {  	_ =	swait.ge [sflag:s12], $0x640  }
0x1a: {  	[sflag:s12] =	ssyncset.done $0x0  }
0x1b: {  	[sflag:s12] =	ssyncadd.s32 $0xFFFFF9C0  }
0x1c: {  	[spmem:s16], [sflag:s15] =	dma.local [hbm:s6], $0x4E2  }
0x1d: {  	_ =	swait.ge [sflag:s12], $0x4E2  }
0x1e: {  	[sflag:s12] =	ssyncset.done $0x0  }
0x1f: {  	[sflag:s12] =	ssyncadd.s32 $0xFFFFFB1E  }
0x20: {  	[spmem:s17], [sflag:s15] =	dma.local [hbm:s6], $0x4E2  }
0x21: {  	_ =	swait.ge [sflag:s12], $0x4E2  }
0x22: {  	[sflag:s12] =	ssyncset.done $0x0  }
0x23: {  	[sflag:s12] =	ssyncadd.s32 $0xFFFFFB1E  }
0x24: {  	s21 =	simm.s32 $0x0;
	s20 =	simm.s32 $0x64;
	[bflag:$0x0] =	sbarrier.arrive $0xFFFF  }
0x25: {  	[spmem:s2] =	stream.indirect.scatter.add.f32 [tilespmem:s14], [sflag:$0x1], $0x10, s21, s20, $0xb8;
	[tilespmem:$0xA5A0] =	vst v63  }
0x26: {  	s22 =	simm.s32 $0x28A0;
	s21 =	simm.s32 $0x1A0  }
.LBB2_2:
0x27: {  	[spmem:s3] =	stream.indirect.scatter.add.f32 [tilespmem:s14], [sflag:$0x1], $0x10, s22, s20, $0xb8;
	[tilespmem:$0xA5A0] =	vst v63  }
0x28: {  	s22 =	smov.u32 s21;
	p0 =	sne.s32 s21, $0xA0E0  }
.Ltmp0:
0x29: {  	s21 =	sadd.s32 $0x1A0, s21;
	(pc) =	sbr.rel @p0 .LBB2_2-.Ltmp0, $4  }
0x2a: {  	_ = 	snop  }
0x2b: {  	s22 =	sshra.s32 s22, $0x2  }
0x2c: {  	[spmem:s2] =	stream.indirect.scatter.add.f32 [tilespmem:s14], [sflag:$0x1], $0x10, s22, s20, $0xb8;
	[tilespmem:$0xA5A0] =	vst v63  }
0x2d: {  	s22 =	sadd.s32 $0x28A0, s22  }
0x2e: {  	[spmem:s3] =	stream.indirect.scatter.add.f32 [tilespmem:s14], [sflag:$0x1], $0x10, s22, s20, $0xb8;
	[tilespmem:$0xA5A0] =	vst v63  }
0x2f: {  	_ =	swait.ge [sflag:s18], $0x640  }
0x30: {  	[sflag:s18] =	ssyncset.done $0x0  }
0x31: {  	[sflag:s18] =	ssyncadd.s32 $0xFFFFF9C0  }
0x32: {  	_ =	swait.ge [sflag:s18], $0x640  }
0x33: {  	s20 =	simm.s32 $0x63;
	[sflag:s18] =	ssyncset.done $0x0  }
.LBB2_4:
0x34: {  	p0 =	sne.s32 s20, $0x1;
	s20 =	sadd.s32 $0xFFFFFFFF, s20;
	[sflag:s18] =	ssyncadd.s32 $0xFFFFF9C0  }
.Ltmp1:
0x35: {  	_ =	swait.ge [sflag:s18], $0x640;
	(pc) =	sbr.rel @p0 .LBB2_4-.Ltmp1, $4  }
0x36: {  	[sflag:s18] =	ssyncset.done $0x0  }
0x37: {  	[sflag:s18] =	ssyncadd.s32 $0xFFFFF9C0  }
0x38: {  	_ =	swait.ge [sflag:s18], $0x640  }
0x39: {  	[sflag:s18] =	ssyncset.done $0x0  }
0x3a: {  	[sflag:s18] =	ssyncadd.s32 $0xFFFFF9C0  }
0x3b: {  	[bflag:$0x0] =	sbarrier.arrive $0xFFFF  }
0x3c: {  	[hbm:s9], [sflag:s15] =	dma.local [spmem:s16], $0x4E2  }
0x3d: {  	s19 =	sadd.s32 $0x1, s19;
	_ =	swait.ge [sflag:s12], $0x4E2  }
0x3e: {  	p0 =	sne.s32 s19, s11;
	[sflag:s12] =	ssyncset.done $0x0  }
.Ltmp2:
0x3f: {  	[sflag:s12] =	ssyncadd.s32 $0xFFFFFB1E;
	(pc) =	sbr.rel @p0 .LBB2_1-.Ltmp2, $4  }
0x40: {  	[hbm:s10], [sflag:s15] =	dma.local [spmem:s17], $0x4E2  }
0x41: {  	_ =	swait.ge [sflag:s12], $0x4E2  }
0x42: {  	[sflag:s12] =	ssyncset.done $0x0  }
0x43: {  	[sflag:s12] =	ssyncadd.s32 $0xFFFFFB1E  }
0x44: {  	_ =	sfence.sel $0x180000  }
0x45: {  	[bflag:$0x0] =	sbarrier.arrive $0xFFFF  }
0x46: {  	p0 =	sne.s32 s0, $0x0;
	_ =	strace $0x90000047  }
0x47: {  	s0 =	sadd.s32 @!p0 $0x100000, s1;
	[bflag:$0x2] =	sbarrier.arrive $0xFFFF  }
0x48: {  	[sflag:s0] =	ssyncadd.tile.s32 @!p0 $0x1;
	_ =	shalt  }
.Lfunc_end2:
_tile_overlayer_lowered:
.L_overlay_start_2:
0x49: {  	(tag) =	ssettag $0x2  }
0x4a: {  	s0 =	rddreg [dreg:$0x0];
	s2 =	stileid.u32  }
0x4b: {  	s1 =	rddreg [dreg:$0x1];
	p0 =	sne.s32 s2, $0x0  }
0x4c: {  	s3 =	rddreg [dreg:$0x2];
	[bflag:$0x3] =	sbarrier.arrive $0xFFFF;
	s2 =	simm.s32 @!p0 $0x1C02  }
0x4d: {  	[timem:s3], [sflag:s2] =	dma.local @!p0 [hbm:s0], s1  }
0x4e: {  	s0 =	simm.s32 @!p0 $0x2  }
0x4f: {  	_ =	swait.ge @!p0 [sflag:s0], s1  }
0x50: {  	s1 =	ssub.s32 @!p0 $0x0, s1;
	[sflag:s0] =	ssyncset.done @!p0 $0x0  }
0x51: {  	[sflag:s0] =	ssyncadd.s32 @!p0 s1  }
0x52: {  	[bflag:$0x3] =	sbarrier.arrive $0xFFFF  }
0x53: {  	_ =	shalt  }

// kernel: kernel.13.cloned.1.call-start
scs
__scs_entry_jumppad:
0x0: {  	(pc) =	sbr.rel $0x88, $3  }
0x1: {  	(tag) =	ssettag $0x0;
	lr =	simm.s32 $0x1  }
0x2: {  	[smem:$0x3F91] =	sst lr;
	_ =	strace $0xD0000000  }
0x3: {  	_ = 	snop  }
0x4: {  	_ = 	snop  }
0x5: {  	_ = 	snop  }
0x6: {  	_ = 	snop  }
0x7: {  	_ = 	snop  }
__scs_overlays_trampoline_lowered:
0x8: {  	[smem:$0x3FA0] =	sst s0  }
0x9: {  	[smem:$0x3FA1] =	sst s1  }
0xa: {  	[smem:$0x3FA2] =	sst s2  }
0xb: {  	[smem:$0x3FA3] =	sst s3  }
0xc: {  	[smem:$0x3FA4] =	sst s4  }
0xd: {  	[smem:$0x3FA5] =	sst s5  }
0xe: {  	[smem:$0x3FA6] =	sst s6  }
0xf: {  	[smem:$0x3FA7] =	sst s7  }
0x10: {  	[smem:$0x3FA8] =	sst s8  }
0x11: {  	[smem:$0x3FA9] =	sst s9;
	s0 =	simm.s32 @!p0 $0x0  }
0x12: {  	s1 =	sld [smem:$0x3F8F];
	s0 =	simm.s32 @p0 $0x1  }
0x13: {  	[smem:$0x3FAA] =	sst s0;
	s0 =	simm.s32 @!p1 $0x0  }
0x14: {  	s2 =	sld [smem:$0x3F8E];
	s0 =	simm.s32 @p1 $0x1  }
0x15: {  	[smem:$0x3FAB] =	sst s0;
	s0 =	simm.s32 @!p2 $0x0  }
0x16: {  	s3 =	sld [smem:$0x3FDB];
	s0 =	simm.s32 @p2 $0x1  }
0x17: {  	s4 =	simm.s32 $0x1BF5;
	[smem:$0x3FAD] =	sst s0  }
0x18: {  	s0 =	sld [smem:$0x3F90];
	_ =	swait.ge [sflag:s4], $0x0  }
0x19: {  	s7 =	sld [smem:$0x3F91]  }
0x1a: {  	s8 =	sadd.s32 $0xFFFFE003, lr  }
0x1b: {  	s9 =	sadd.s32 $0xFFFFFEF7, lr;
	s5 =	simm.s32 $0xFFFFFFFF;
	p2 =	slt.u32 s8, $0xFFFFF086  }
0x1c: {  	p1 =	slt.u32 s9, $0xF7A;
	s5 =	simm.s32 @!p2 $0x0  }
0x1d: {  	s5 =	simm.s32 @p1 $0x1;
	p0 =	seq.s32 s7, s2  }
0x1e: {  	s7 =	smul.u32 @!p0 $0xF7A, s2;
	p2 =	seq.s32 @!p0 s5, $0x0  }
0x1f: {  	s9 =	smul.u32 $0xF7A, s1;
	s8 =	simm.s32 @!p0 $0x1BF5;
	p2 =	por !p2, p0  }
0x20: {  	[sflag:s8] =	ssyncset.s32 @!p0 $0xFFFFF086;
	s6 =	sadd.s32 @!p0 s3, s7;
	s7 =	simm.s32 @!p0 $0x108  }
0x21: {  	s3 =	sadd.s32 s3, s9;
	s6 =	sadd.s32 @!p0 $0x88, s6;
	s7 =	simm.s32 @p2 $0x1082  }
0x22: {  	[simem:s7], [sflag:s8] =	dma.local @!p0 [hbm:s6], $0xF7A  }
0x23: {  	s9 =	sor.u32 $0xD0000000, s2;
	s6 =	simm.s32 $0x108;
	_ =	swait.ge @!p0 [sflag:s8], $0x0  }
0x24: {  	s3 =	sadd.s32 $0x88, s3;
	s6 =	simm.s32 @!p1 $0x1082;
	[sflag:s4] =	ssyncset.s32 $0xFFFFF086  }
0x25: {  	[simem:s6], [sflag:s4] =	dma.local [hbm:s3], $0xF7A  }
0x26: {  	[smem:$0x3F91] =	sst s1;
	(tag) =	ssettag s2;
	_ =	strace s9  }
0x27: {  	s1 =	sld [smem:$0x3FA1]  }
0x28: {  	s2 =	sld [smem:$0x3FA2]  }
0x29: {  	s4 =	sld [smem:$0x3FA4]  }
0x2a: {  	p0 =	seq.s32 s5, $0x0;
	s5 =	sld [smem:$0x3FA5]  }
0x2b: {  	s6 =	sld [smem:$0x3FA6]  }
0x2c: {  	s7 =	sld [smem:$0x3FA7]  }
0x2d: {  	s3 =	simm.s32 $0x108;
	s8 =	sld [smem:$0x3FA8]  }
0x2e: {  	s3 =	simm.s32 @!p0 $0x1082;
	s9 =	sld [smem:$0x3FA9]  }
0x2f: {  	lr =	sadd.s32 s0, s3;
	s0 =	sld [smem:$0x3FA0]  }
0x30: {  	s3 =	sld [smem:$0x3FA3]  }
0x31: {  	[smem:$0x3FAC] =	sst s10  }
0x32: {  	s10 =	sld [smem:$0x3FAA];
	_ =	sdelay $0x3  }
0x33: {  	p0 =	seq.s32 s10, $0x1;
	s10 =	sld [smem:$0x3FAC];
	_ =	sdelay $0x3  }
0x34: {  	[smem:$0x3FAC] =	sst s10  }
0x35: {  	s10 =	sld [smem:$0x3FAB];
	_ =	sdelay $0x3  }
0x36: {  	p1 =	seq.s32 s10, $0x1;
	s10 =	sld [smem:$0x3FAC];
	_ =	sdelay $0x3  }
0x37: {  	[smem:$0x3FAC] =	sst s10  }
0x38: {  	s10 =	sld [smem:$0x3FAD]  }
0x39: {  	_ = 	snop;
	(pc) =	sbr.ind lr, $3  }
0x3a: {  	_ = 	snop  }
0x3b: {  	_ = 	snop  }
0x3c: {  	p2 =	seq.s32 s10, $0x1;
	s10 =	sld [smem:$0x3FAC]  }
0x3d: {  	_ =	shalt  }
0x3e: {  	_ =	shalt  }
0x3f: {  	_ =	shalt  }
0x40: {  	_ =	shalt  }
0x41: {  	_ =	shalt  }
0x42: {  	_ =	shalt  }
0x43: {  	_ =	shalt  }
0x44: {  	_ =	shalt  }
0x45: {  	_ =	shalt  }
0x46: {  	_ =	shalt  }
0x47: {  	_ =	shalt  }
0x48: {  	_ =	shalt  }
0x49: {  	_ =	shalt  }
0x4a: {  	_ =	shalt  }
0x4b: {  	_ =	shalt  }
0x4c: {  	_ =	shalt  }
0x4d: {  	_ =	shalt  }
0x4e: {  	_ =	shalt  }
0x4f: {  	_ =	shalt  }
0x50: {  	_ =	shalt  }
0x51: {  	_ =	shalt  }
0x52: {  	_ =	shalt  }
0x53: {  	_ =	shalt  }
0x54: {  	_ =	shalt  }
0x55: {  	_ =	shalt  }
0x56: {  	_ =	shalt  }
0x57: {  	_ =	shalt  }
0x58: {  	_ =	shalt  }
0x59: {  	_ =	shalt  }
0x5a: {  	_ =	shalt  }
0x5b: {  	_ =	shalt  }
0x5c: {  	_ =	shalt  }
0x5d: {  	_ =	shalt  }
0x5e: {  	_ =	shalt  }
0x5f: {  	_ =	shalt  }
0x60: {  	_ =	shalt  }
0x61: {  	_ =	shalt  }
0x62: {  	_ =	shalt  }
0x63: {  	_ =	shalt  }
0x64: {  	_ =	shalt  }
0x65: {  	_ =	shalt  }
0x66: {  	_ =	shalt  }
0x67: {  	_ =	shalt  }
0x68: {  	_ =	shalt  }
0x69: {  	_ =	shalt  }
0x6a: {  	_ =	shalt  }
0x6b: {  	_ =	shalt  }
0x6c: {  	_ =	shalt  }
0x6d: {  	_ =	shalt  }
0x6e: {  	_ =	shalt  }
0x6f: {  	_ =	shalt  }
0x70: {  	_ =	shalt  }
0x71: {  	_ =	shalt  }
0x72: {  	_ =	shalt  }
0x73: {  	_ =	shalt  }
0x74: {  	_ =	shalt  }
0x75: {  	_ =	shalt  }
0x76: {  	_ =	shalt  }
0x77: {  	_ =	shalt  }
0x78: {  	_ =	shalt  }
0x79: {  	_ =	shalt  }
0x7a: {  	_ =	shalt  }
0x7b: {  	_ =	shalt  }
0x7c: {  	_ =	shalt  }
0x7d: {  	_ =	shalt  }
0x7e: {  	_ =	shalt  }
0x7f: {  	_ =	shalt  }
0x80: {  	_ =	shalt  }
0x81: {  	_ =	shalt  }
0x82: {  	_ =	shalt  }
0x83: {  	_ =	shalt  }
0x84: {  	_ =	shalt  }
0x85: {  	_ =	shalt  }
0x86: {  	_ =	shalt  }
0x87: {  	_ =	shalt  }
.Lfunc_end0:
.L_simem_size_0:
called_computation.1_lowered:
.L_overlay_start_0:
0x88: {  	s2 =	sld [smem:$0x3FD9]  }
0x89: {  	s3 =	sld [smem:$0x3FFE];
	_ =	sdelay $0x1  }
0x8a: {  	s1 =	srdreg.scid  }
0x8b: {  	s0 =	sand.u32 $0x1, s1  }
0x8c: {  	s16 =	sshll.u32 s0, $0xA;
	s2 =	sadd.s32 s3, s2  }
0x8d: {  	s2 =	sadd.s32 s2, s16  }
0x8e: {  	[smem:$0x3FB8] =	sst s2  }
0x8f: {  	_ = 	snop  }
0x90: {  	(tm) =	ssettm $0x1  }
0x91: {  	s17 =	sld [smem:$0x3FFB];
	_ =	sdelay $0x3  }
0x92: {  	_ =	strace s17  }
0x93: {  	s2 =	sld [smem:$0x3FFC];
	_ =	sdelay $0x3  }
0x94: {  	_ =	strace s2  }
0x95: {  	s2 =	sld [smem:$0x3FFD];
	_ =	sdelay $0x3  }
0x96: {  	_ =	strace s2  }
0x97: {  	_ =	strace $0x8FFFFFFF  }
0x98: {  	s18 =	sld [smem:$0x3FDB];
	_ =	sdelay $0x1  }
0x99: {  	s19 =	simm.s32 $_scs_section_size  }
0x9a: {  	s4 =	simm.s32 $_size__tile_overlayer_lowered;
	s5 =	simm.s32 $_tile_overlayer_lowered  }
0x9b: {  	s22 =	simm.s32 $0x1BFF;
	s21 =	sshll.u32 s5, $0x1;
	s2 =	sadd.s32 s19, s18  }
0x9c: {  	s6 =	simm.s32 $0x0;
	s20 =	sshll.u32 s4, $0x1;
	s4 =	sadd.s32 s21, s2  }
0x9d: {  	[timem:s6], [sflag:s22] =	dma.local [hbm:s4], s20  }
0x9e: {  	_ =	swait.ge [sflag:s22], s20  }
0x9f: {  	s3 =	ssub.s32 $0x0, s20;
	[sflag:s22] =	ssyncset.done $0x0  }
0xa0: {  	[sflag:s22] =	ssyncadd.s32 s3;
	_ =	sdelay $0x1  }
0xa1: {  	s23 =	simm.s32 $0x1B8B  }
0xa2: {  	_ =	swait.ge [sflag:s23], $0x1  }
0xa3: {  	[sflag:s23] =	ssyncset.done $0x0  }
0xa4: {  	s25 =	simm.s32 $0x1B8E;
	s24 =	sld [smem:$0x3FFE];
	[sflag:s23] =	ssyncadd.s32 $0xFFFFFFFF  }
0xa5: {  	s26 =	simm.s32 $execute0_lowered;
	[smem:$0x3FD2] =	sst s25  }
0xa6: {  	s4 =	sshll.u32 s26, $0x1;
	_ =	strace $0x80000049;
	[dreg:$0x1] =	wrdreg $0xFFFFFFFF  }
0xa7: {  	s28 =	simm.s32 $_size_execute0_lowered;
	s2 =	sadd.s32 s2, s4;
	[dreg:$0x0] =	wrdreg $0x0  }
0xa8: {  	s4 =	sshll.u32 s28, $0x1;
	[dreg:$0x2] =	wrdreg s2  }
0xa9: {  	[dreg:$0x3] =	wrdreg s4  }
0xaa: {  	[dreg:$0x4] =	wrdreg $0xC0  }
0xab: {  	_ =	task [dreg:s6], $0x5FFFF  }
0xac: {  	[dreg:$0x1] =	wrdreg $0xFFFFFFFF  }
0xad: {  	[dreg:$0x0] =	wrdreg $0x60  }
0xae: {  	[dreg:$0x2] =	wrdreg s24  }
0xaf: {  	[dreg:$0x3] =	wrdreg $0xEE200  }
0xb0: {  	[dreg:$0x4] =	wrdreg $0x9  }
0xb1: {  	_ =	task.clear_ibuf [dreg:s6], $0x5FFFF;
	_ =	strace $0x90000049  }
0xb2: {  	s29 =	simm.s32 $0x9;
	_ =	strace $0x8000004B  }
0xb3: {  	_ =	swait.ge [sflag:s29], $0x1  }
0xb4: {  	[sflag:s29] =	ssyncadd.s32 $0xFFFFFFFF  }
0xb5: {  	_ =	strace $0x9000004B  }
0xb6: {  	_ =	sfence  }
0xb7: {  	s30 =	sld [smem:$0x0];
	_ =	sdelay $0x2  }
0xb8: {  	s31 =	sshll.u32 s1, $0xD;
	s1 =	sshrl.u32 s1, $0x2  }
0xb9: {  	s3 =	sand.u32 $0x4000, s31;
	s1 =	sadd.s32 s1, s30  }
0xba: {  	s0 =	sor.u32 s3, s0;
	s1 =	sshll.u32 s1, $0x11  }
0xbb: {  	s0 =	sor.u32 s1, s0  }
0xbc: {  	s0 =	sadd.s32 $0x8F2B, s0  }
0xbd: {  	[sflag:s0] =	ssyncadd.remote.s32 $0x1  }
0xbe: {  	_ =	sfence.sel $0xFFFF  }
0xbf: {  	[dreg:$0x0] =	wrdreg $0xFFFFFFFF;
	(pc) =	sbr.abs _section_cstart, $3  }
0xc0: {  	[dreg:$0x1] =	wrdreg $0xFFFFFFFF  }
0xc1: {  	_ =	task.clear_ibuf [dreg:s6], $0x2FFFF;
	_ =	strace $0x9FFFFFFF  }
0xc2: {  	(tm) =	ssettm $0x7FFFFFFF  }
0xc3: {  	_ =	shalt  }
tec
execute0_lowered:
.L_overlay_start_1:
0x0: {  	(tag) =	ssettag $0x1  }
0x1: {  	s0 =	rddreg [dreg:$0x0]  }
0x2: {  	s1 =	srdreg.scid;
	s2 =	rddreg [dreg:$0x1]  }
0x3: {  	s11 =	stileid.u32;
	s3 =	simm.s32 $0x0;
	s10 =	simm.s32 $0xB  }
0x4: {  	s14 =	simm.s32 $0x7D;
	s15 =	simm.s32 $0xA000;
	s17 =	simm.s32 $0xAFA0  }
0x5: {  	s19 =	simm.s32 $0xBF40;
	s21 =	simm.s32 $0xCEE0;
	s28 =	simm.s32 $0x3  }
0x6: {  	s30 =	simm.s32 $0x6;
	s16 =	simm.s32 $0x7;
	s20 =	simm.s32 $0x5  }
0x7: {  	s31 =	simm.s32 $0x9;
	s18 =	simm.s32 $0x0;
	s5 =	smul.u32 $0x5000, s11  }
0x8: {  	s1 =	sand.u32 $0x1, s1;
	[smem:$0x7FF] =	sst s3;
	s7 =	smul.u32 $0x9C40, s11  }
0x9: {  	s24 =	sadd.s32 $0x3FE00, s0;
	s29 =	sshll.u32 s11, $0x6;
	s4 =	smul.u32 $0x9C400, s1  }
0xa: {  	_ =	strace $0x8000004A;
	s1 =	ssub.s32 $0x2, s1;
	[dreg:$0x3] =	wrdreg s24  }
0xb: {  	s12 =	sor.u32 $0x1C0B, s29;
	s24 =	simm.s32 $0x1;
	s5 =	sshrl.u32 s5, $0x3  }
0xc: {  	s9 =	sshrl.u32 s1, $0x1;
	s6 =	sshrl.u32 s4, $0x4;
	s22 =	sadd.s32 s5, s0  }
0xd: {  	s23 =	sadd.s32 s7, s4;
	s1 =	ssub.s32 s1, s9;
	s7 =	sshrl.u32 s7, $0x1  }
0xe: {  	s8 =	sadd.s32 s6, s0;
	s5 =	sshrl.u32 s23, $0x4;
	s25 =	sadd.s32 $0x2BE00, s22  }
.Ltmp0:
0xf: {  	s26 =	sadd.s32 $0x35E00, s22;
	s13 =	sadd.s32 s7, s2;
	(pc) =	sbr.rel .LBB2_1-.Ltmp0, $4  }
0x10: {  	s9 =	smax.u32 s1, $0x1;
	s23 =	simm.s32 $0xDE80;
	[dreg:$0x4] =	wrdreg s25  }
0x11: {  	s1 =	simm.s32 $0xA;
	s0 =	sadd.s32 s5, s0;
	[dreg:$0x5] =	wrdreg s26  }
0x12: {  	s7 =	sadd.s32 $0x3600, s8;
	s13 =	sshrl.u32 s13, $0x3;
	s25 =	simm.s32 $0x2  }
0x13: {  	s26 =	simm.s32 $0x8;
	s8 =	sadd.s32 $0x17000, s0;
	s0 =	simm.s32 $0x4  }
.LBB2_4:
0x14: {  	_ =	swait.ge [sflag:s30], $0xFA0  }
0x15: {  	[sflag:s30] =	ssyncset.done $0x0  }
0x16: {  	[sflag:s30] =	ssyncadd.s32 $0xFFFFF060  }
0x17: {  	_ =	swait.ge [sflag:s16], $0xFA0  }
0x18: {  	[sflag:s16] =	ssyncset.done $0x0  }
0x19: {  	[sflag:s16] =	ssyncadd.s32 $0xFFFFF060  }
0x1a: {  	_ =	swait.ge [sflag:s26], $0xFA0  }
0x1b: {  	[sflag:s26] =	ssyncset.done $0x0  }
0x1c: {  	[sflag:s26] =	ssyncadd.s32 $0xFFFFF060  }
0x1d: {  	_ =	swait.ge [sflag:s31], $0xFA0  }
0x1e: {  	[sflag:s31] =	ssyncset.done $0x0  }
0x1f: {  	[sflag:s31] =	ssyncadd.s32 $0xFFFFF060  }
0x20: {  	_ =	swait.ge [sflag:s1], $0xFA0  }
0x21: {  	s18 =	sadd.s32 $0x1, s18;
	[sflag:s1] =	ssyncset.done $0x0  }
0x22: {  	p0 =	sne.s32 s18, s9;
	[sflag:s1] =	ssyncadd.s32 $0xFFFFF060  }
.Ltmp1:
0x23: {  	[bflag:$0x0] =	sbarrier.arrive $0xFFFF;
	(pc) =	sbr.rel @!p0 .LBB2_5-.Ltmp1, $4  }
0x24: {  	[hbm:s8], [sflag:s12] =	dma.local [spmem:s13], $0x9C4  }
0x25: {  	_ =	swait.ge [sflag:s10], $0x9C4  }
0x26: {  	[sflag:s10] =	ssyncset.done $0x0  }
0x27: {  	[sflag:s10] =	ssyncadd.s32 $0xFFFFF63C  }
.LBB2_1:
0x28: {  	s4 =	rddreg [dreg:$0x4]  }
0x29: {  	[tilespmem:s3], [sflag:$0xB] =	stream.linear.gather [hbm4b:s4+s3], $0x5000, $0x38;
	[tilespmem:$0x13C40] =	vst v63  }
0x2a: {  	_ =	swait.ge [sflag:s10], $0x5000  }
0x2b: {  	[sflag:s10] =	ssyncset.done $0x0  }
0x2c: {  	s5 =	simm.s32 $0x5000;
	s6 =	rddreg [dreg:$0x5];
	[sflag:s10] =	ssyncadd.s32 $0xFFFFB000  }
0x2d: {  	[tilespmem:s5], [sflag:$0xB] =	stream.linear.gather [hbm4b:s6+s3], $0x5000, $0x38;
	[tilespmem:$0x13C40] =	vst v63  }
0x2e: {  	_ =	swait.ge [sflag:s10], $0x5000  }
0x2f: {  	[sflag:s10] =	ssyncset.done $0x0  }
0x30: {  	s11 =	rddreg [dreg:$0x3];
	[sflag:s10] =	ssyncadd.s32 $0xFFFFB000  }
0x31: {  	[spmem:s13], [sflag:s12] =	dma.local [hbm:s11], $0x9C4  }
0x32: {  	_ =	swait.ge [sflag:s10], $0x9C4  }
0x33: {  	[sflag:s10] =	ssyncset.done $0x0  }
0x34: {  	[sflag:s10] =	ssyncadd.s32 $0xFFFFF63C  }
0x35: {  	[tilespmem:s15], [sflag:$0x1] =	stream.indirect.gather [hbm4b:s7+s14], $0x20, s3, s14, $0xb8;
	[tilespmem:$0x13C40] =	vst v63  }
0x36: {  	s22 =	simm.s32 $0x80  }
0x37: {  	[tilespmem:s17], [sflag:$0x2] =	stream.indirect.gather [hbm4b:s7+s14], $0x20, s22, s14, $0xb8;
	[tilespmem:$0x13C40] =	vst v63  }
0x38: {  	s29 =	simm.s32 $0x100  }
0x39: {  	[tilespmem:s19], [sflag:$0x3] =	stream.indirect.gather [hbm4b:s7+s14], $0x20, s29, s14, $0xb8;
	[tilespmem:$0x13C40] =	vst v63  }
0x3a: {  	s6 =	simm.s32 $0x180  }
0x3b: {  	[tilespmem:s21], [sflag:$0x4] =	stream.indirect.gather [hbm4b:s7+s14], $0x20, s6, s14, $0xb8;
	[tilespmem:$0x13C40] =	vst v63  }
0x3c: {  	s11 =	simm.s32 $0x200  }
0x3d: {  	[tilespmem:s23], [sflag:$0x5] =	stream.indirect.gather [hbm4b:s7+s14], $0x20, s11, s14, $0xb8;
	[tilespmem:$0x13C40] =	vst v63  }
0x3e: {  	[bflag:$0x0] =	sbarrier.arrive $0xFFFF  }
0x3f: {  	_ =	swait.ge [sflag:s24], $0xFA0  }
0x40: {  	[sflag:s24] =	ssyncset.done $0x0  }
0x41: {  	[sflag:s24] =	ssyncadd.s32 $0xFFFFF060  }
0x42: {  	[spmem:s2] =	stream.indirect.scatter.add.bf16 [tilespmem:s15], [sflag:$0x6], $0x20, s5, s14, $0xb8;
	[tilespmem:$0x13C40] =	vst v63  }
0x43: {  	_ =	swait.ge [sflag:s25], $0xFA0  }
0x44: {  	[sflag:s25] =	ssyncset.done $0x0  }
0x45: {  	s22 =	simm.s32 $0x5080;
	[sflag:s25] =	ssyncadd.s32 $0xFFFFF060  }
0x46: {  	[spmem:s2] =	stream.indirect.scatter.add.bf16 [tilespmem:s17], [sflag:$0x7], $0x20, s22, s14, $0xb8;
	[tilespmem:$0x13C40] =	vst v63  }
0x47: {  	_ =	swait.ge [sflag:s28], $0xFA0  }
0x48: {  	[sflag:s28] =	ssyncset.done $0x0  }
0x49: {  	s29 =	simm.s32 $0x5100;
	[sflag:s28] =	ssyncadd.s32 $0xFFFFF060  }
0x4a: {  	[spmem:s2] =	stream.indirect.scatter.add.bf16 [tilespmem:s19], [sflag:$0x8], $0x20, s29, s14, $0xb8;
	[tilespmem:$0x13C40] =	vst v63  }
0x4b: {  	_ =	swait.ge [sflag:s30], $0xFA0  }
0x4c: {  	[sflag:s30] =	ssyncset.done $0x0  }
0x4d: {  	s5 =	simm.s32 $0x280;
	[sflag:s30] =	ssyncadd.s32 $0xFFFFF060  }
0x4e: {  	[tilespmem:s15], [sflag:$0x1] =	stream.indirect.gather [hbm4b:s7+s14], $0x20, s5, s14, $0xb8;
	[tilespmem:$0x13C40] =	vst v63  }
0x4f: {  	_ =	swait.ge [sflag:s0], $0xFA0  }
0x50: {  	[sflag:s0] =	ssyncset.done $0x0  }
0x51: {  	s6 =	simm.s32 $0x5180;
	[sflag:s0] =	ssyncadd.s32 $0xFFFFF060  }
0x52: {  	[spmem:s2] =	stream.indirect.scatter.add.bf16 [tilespmem:s21], [sflag:$0x9], $0x20, s6, s14, $0xb8;
	[tilespmem:$0x13C40] =	vst v63  }
0x53: {  	_ =	swait.ge [sflag:s16], $0xFA0  }
0x54: {  	[sflag:s16] =	ssyncset.done $0x0  }
0x55: {  	s11 =	simm.s32 $0x300;
	[sflag:s16] =	ssyncadd.s32 $0xFFFFF060  }
0x56: {  	[tilespmem:s17], [sflag:$0x2] =	stream.indirect.gather [hbm4b:s7+s14], $0x20, s11, s14, $0xb8;
	[tilespmem:$0x13C40] =	vst v63  }
0x57: {  	_ =	swait.ge [sflag:s20], $0xFA0  }
0x58: {  	[sflag:s20] =	ssyncset.done $0x0  }
0x59: {  	s22 =	simm.s32 $0x5200;
	[sflag:s20] =	ssyncadd.s32 $0xFFFFF060  }
0x5a: {  	[spmem:s2] =	stream.indirect.scatter.add.bf16 [tilespmem:s23], [sflag:$0xA], $0x20, s22, s14, $0xb8;
	[tilespmem:$0x13C40] =	vst v63  }
0x5b: {  	_ =	swait.ge [sflag:s26], $0xFA0  }
0x5c: {  	[sflag:s26] =	ssyncset.done $0x0  }
0x5d: {  	s29 =	simm.s32 $0x380;
	s22 =	simm.s32 $0x0;
	[sflag:s26] =	ssyncadd.s32 $0xFFFFF060  }
0x5e: {  	[tilespmem:s19], [sflag:$0x3] =	stream.indirect.gather [hbm4b:s7+s14], $0x20, s29, s14, $0xb8;
	[tilespmem:$0x13C40] =	vst v63  }
.LBB2_2:
0x5f: {  	_ =	swait.ge [sflag:s24], $0xFA0  }
0x60: {  	s29 =	sshra.s32 s22, $0x2;
	[sflag:s24] =	ssyncset.done $0x0  }
0x61: {  	s4 =	sadd.s32 $0x5280, s29;
	[sflag:s24] =	ssyncadd.s32 $0xFFFFF060  }
0x62: {  	[spmem:s2] =	stream.indirect.scatter.add.bf16 [tilespmem:s15], [sflag:$0x6], $0x20, s4, s14, $0xb8;
	[tilespmem:$0x13C40] =	vst v63  }
0x63: {  	_ =	swait.ge [sflag:s31], $0xFA0  }
0x64: {  	[sflag:s31] =	ssyncset.done $0x0  }
0x65: {  	s6 =	sadd.s32 $0x400, s29;
	[sflag:s31] =	ssyncadd.s32 $0xFFFFF060  }
0x66: {  	[tilespmem:s21], [sflag:$0x4] =	stream.indirect.gather [hbm4b:s7+s14], $0x20, s6, s14, $0xb8;
	[tilespmem:$0x13C40] =	vst v63  }
0x67: {  	_ =	swait.ge [sflag:s25], $0xFA0  }
0x68: {  	[sflag:s25] =	ssyncset.done $0x0  }
0x69: {  	s11 =	sadd.s32 $0x5300, s29;
	[sflag:s25] =	ssyncadd.s32 $0xFFFFF060  }
0x6a: {  	[spmem:s2] =	stream.indirect.scatter.add.bf16 [tilespmem:s17], [sflag:$0x7], $0x20, s11, s14, $0xb8;
	[tilespmem:$0x13C40] =	vst v63  }
0x6b: {  	_ =	swait.ge [sflag:s1], $0xFA0  }
0x6c: {  	[sflag:s1] =	ssyncset.done $0x0  }
0x6d: {  	s5 =	sadd.s32 $0x480, s29;
	[sflag:s1] =	ssyncadd.s32 $0xFFFFF060  }
0x6e: {  	[tilespmem:s23], [sflag:$0x5] =	stream.indirect.gather [hbm4b:s7+s14], $0x20, s5, s14, $0xb8;
	[tilespmem:$0x13C40] =	vst v63  }
0x6f: {  	_ =	swait.ge [sflag:s28], $0xFA0  }
0x70: {  	p0 =	seq.s32 s22, $0x12C00;
	[sflag:s28] =	ssyncset.done $0x0  }
0x71: {  	s4 =	simm.s32 @p0 $0x4;
	s6 =	sadd.s32 $0x5380, s29;
	[sflag:s28] =	ssyncadd.s32 $0xFFFFF060  }
0x72: {  	[spmem:s2] =	stream.indirect.scatter.add.bf16 [tilespmem:s19], [sflag:$0x8], $0x20, s6, s14, $0xb8;
	[tilespmem:$0x13C40] =	vst v63  }
0x73: {  	_ =	swait.ge @p0 [sflag:s4], $0xFA0  }
0x74: {  	s5 =	simm.s32 @p0 $0x9F00;
	[sflag:s4] =	ssyncset.done @p0 $0x0  }
0x75: {  	s6 =	simm.s32 @p0 $0xCEE0;
	[sflag:s4] =	ssyncadd.s32 @p0 $0xFFFFF060;
	s4 =	simm.s32 @p0 $0x7D  }
0x76: {  	[spmem:s2] =	stream.indirect.scatter.add.bf16 @p0 [tilespmem:s6], [sflag:$0x9], $0x20, s5, s4, $0xb8;
	[tilespmem:$0x13C40] =	vst v63  }
0x77: {  	s4 =	simm.s32 @!p0 $0x6  }
0x78: {  	_ =	swait.ge @!p0 [sflag:s4], $0xFA0  }
0x79: {  	[sflag:s4] =	ssyncset.done @!p0 $0x0  }
0x7a: {  	[sflag:s4] =	ssyncadd.s32 @!p0 $0xFFFFF060;
	s4 =	sshra.s32 @!p0 s22, $0x2  }
0x7b: {  	s11 =	simm.s32 @!p0 $0xA000;
	s6 =	simm.s32 @!p0 $0x7D;
	s5 =	sadd.s32 @!p0 $0x500, s4  }
0x7c: {  	[tilespmem:s11], [sflag:$0x1] =	stream.indirect.gather @!p0 [hbm4b:s7+s6], $0x20, s5, s6, $0xb8;
	[tilespmem:$0x13C40] =	vst v63  }
0x7d: {  	s5 =	simm.s32 @!p0 $0x4  }
0x7e: {  	_ =	swait.ge @!p0 [sflag:s5], $0xFA0  }
0x7f: {  	[sflag:s5] =	ssyncset.done @!p0 $0x0  }
0x80: {  	s11 =	simm.s32 @!p0 $0xCEE0;
	[sflag:s5] =	ssyncadd.s32 @!p0 $0xFFFFF060;
	s5 =	sadd.s32 @!p0 $0x5400, s4  }
0x81: {  	[spmem:s2] =	stream.indirect.scatter.add.bf16 @!p0 [tilespmem:s11], [sflag:$0x9], $0x20, s5, s6, $0xb8;
	[tilespmem:$0x13C40] =	vst v63  }
0x82: {  	s5 =	simm.s32 @!p0 $0x7  }
0x83: {  	_ =	swait.ge @!p0 [sflag:s5], $0xFA0  }
0x84: {  	[sflag:s5] =	ssyncset.done @!p0 $0x0  }
0x85: {  	s4 =	sadd.s32 @!p0 $0x580, s4;
	[sflag:s5] =	ssyncadd.s32 @!p0 $0xFFFFF060;
	s5 =	simm.s32 @!p0 $0xAFA0  }
0x86: {  	[tilespmem:s5], [sflag:$0x2] =	stream.indirect.gather @!p0 [hbm4b:s7+s6], $0x20, s4, s6, $0xb8;
	[tilespmem:$0x13C40] =	vst v63  }
.Ltmp2:
0x87: {  	_ = 	snop;
	(pc) =	sbr.rel @p0 .LBB2_4-.Ltmp2, $4  }
0x88: {  	_ =	swait.ge [sflag:s20], $0xFA0  }
0x89: {  	[sflag:s20] =	ssyncset.done $0x0  }
0x8a: {  	s11 =	sadd.s32 $0x5480, s29;
	[sflag:s20] =	ssyncadd.s32 $0xFFFFF060  }
0x8b: {  	[spmem:s2] =	stream.indirect.scatter.add.bf16 [tilespmem:s23], [sflag:$0xA], $0x20, s11, s14, $0xb8;
	[tilespmem:$0x13C40] =	vst v63  }
.Ltmp3:
0x8c: {  	(pc) =	sbr.rel .LBB2_2-.Ltmp3, $4  }
0x8d: {  	_ =	swait.ge [sflag:s26], $0xFA0  }
0x8e: {  	[sflag:s26] =	ssyncset.done $0x0  }
0x8f: {  	s4 =	sadd.s32 $0x600, s29;
	s22 =	sadd.s32 $0xA00, s22;
	[sflag:s26] =	ssyncadd.s32 $0xFFFFF060  }
0x90: {  	[tilespmem:s19], [sflag:$0x3] =	stream.indirect.gather [hbm4b:s7+s14], $0x20, s4, s14, $0xb8;
	[tilespmem:$0x13C40] =	vst v63  }
.LBB2_5:
0x91: {  	_ =	sfence.sel $0x180000  }
0x92: {  	[bflag:$0x0] =	sbarrier.arrive $0xFFFF  }
0x93: {  	_ =	strace $0x9000004A  }
0x94: {  	s0 =	stileid.u32;
	[bflag:$0x2] =	sbarrier.arrive $0xFFFF  }
0x95: {  	p0 =	sne.s32 s0, $0x0;
	s0 =	rddreg [dreg:$0x2]  }
0x96: {  	s0 =	sadd.s32 @!p0 $0x100000, s0  }
0x97: {  	[sflag:s0] =	ssyncadd.tile.s32 @!p0 $0x1;
	_ =	shalt  }
.Lfunc_end2:
_tile_overlayer_lowered:
.L_overlay_start_2:
0x98: {  	(tag) =	ssettag $0x2  }
0x99: {  	s0 =	rddreg [dreg:$0x0];
	s2 =	stileid.u32  }
0x9a: {  	s1 =	rddreg [dreg:$0x1];
	p0 =	sne.s32 s2, $0x0  }
0x9b: {  	s3 =	rddreg [dreg:$0x2];
	[bflag:$0x3] =	sbarrier.arrive $0xFFFF;
	s2 =	simm.s32 @!p0 $0x1C0B  }
0x9c: {  	[timem:s3], [sflag:s2] =	dma.local @!p0 [hbm:s0], s1  }
0x9d: {  	s0 =	simm.s32 @!p0 $0xB  }
0x9e: {  	_ =	swait.ge @!p0 [sflag:s0], s1  }
0x9f: {  	s1 =	ssub.s32 @!p0 $0x0, s1;
	[sflag:s0] =	ssyncset.done @!p0 $0x0  }
0xa0: {  	[sflag:s0] =	ssyncadd.s32 @!p0 s1  }
0xa1: {  	[bflag:$0x3] =	sbarrier.arrive $0xFFFF  }
0xa2: {  	_ =	shalt  }

// kernel: kernel.16.cloned.1.call-start
scs
__scs_entry_jumppad:
0x0: {  	(pc) =	sbr.rel $0x88, $3  }
0x1: {  	(tag) =	ssettag $0x0;
	lr =	simm.s32 $0x1  }
0x2: {  	[smem:$0x3F91] =	sst lr;
	_ =	strace $0xD0000000  }
0x3: {  	_ = 	snop  }
0x4: {  	_ = 	snop  }
0x5: {  	_ = 	snop  }
0x6: {  	_ = 	snop  }
0x7: {  	_ = 	snop  }
__scs_overlays_trampoline_lowered:
0x8: {  	[smem:$0x3FA0] =	sst s0  }
0x9: {  	[smem:$0x3FA1] =	sst s1  }
0xa: {  	[smem:$0x3FA2] =	sst s2  }
0xb: {  	[smem:$0x3FA3] =	sst s3  }
0xc: {  	[smem:$0x3FA4] =	sst s4  }
0xd: {  	[smem:$0x3FA5] =	sst s5  }
0xe: {  	[smem:$0x3FA6] =	sst s6  }
0xf: {  	[smem:$0x3FA7] =	sst s7  }
0x10: {  	[smem:$0x3FA8] =	sst s8  }
0x11: {  	[smem:$0x3FA9] =	sst s9;
	s0 =	simm.s32 @!p0 $0x0  }
0x12: {  	s1 =	sld [smem:$0x3F8F];
	s0 =	simm.s32 @p0 $0x1  }
0x13: {  	[smem:$0x3FAA] =	sst s0;
	s0 =	simm.s32 @!p1 $0x0  }
0x14: {  	s2 =	sld [smem:$0x3F8E];
	s0 =	simm.s32 @p1 $0x1  }
0x15: {  	[smem:$0x3FAB] =	sst s0;
	s0 =	simm.s32 @!p2 $0x0  }
0x16: {  	s3 =	sld [smem:$0x3FDB];
	s0 =	simm.s32 @p2 $0x1  }
0x17: {  	s4 =	simm.s32 $0x1BF5;
	[smem:$0x3FAD] =	sst s0  }
0x18: {  	s0 =	sld [smem:$0x3F90];
	_ =	swait.ge [sflag:s4], $0x0  }
0x19: {  	s7 =	sld [smem:$0x3F91]  }
0x1a: {  	s8 =	sadd.s32 $0xFFFFE003, lr  }
0x1b: {  	s9 =	sadd.s32 $0xFFFFFEF7, lr;
	s5 =	simm.s32 $0xFFFFFFFF;
	p2 =	slt.u32 s8, $0xFFFFF086  }
0x1c: {  	p1 =	slt.u32 s9, $0xF7A;
	s5 =	simm.s32 @!p2 $0x0  }
0x1d: {  	s5 =	simm.s32 @p1 $0x1;
	p0 =	seq.s32 s7, s2  }
0x1e: {  	s7 =	smul.u32 @!p0 $0xF7A, s2;
	p2 =	seq.s32 @!p0 s5, $0x0  }
0x1f: {  	s9 =	smul.u32 $0xF7A, s1;
	s8 =	simm.s32 @!p0 $0x1BF5;
	p2 =	por !p2, p0  }
0x20: {  	[sflag:s8] =	ssyncset.s32 @!p0 $0xFFFFF086;
	s6 =	sadd.s32 @!p0 s3, s7;
	s7 =	simm.s32 @!p0 $0x108  }
0x21: {  	s3 =	sadd.s32 s3, s9;
	s6 =	sadd.s32 @!p0 $0x88, s6;
	s7 =	simm.s32 @p2 $0x1082  }
0x22: {  	[simem:s7], [sflag:s8] =	dma.local @!p0 [hbm:s6], $0xF7A  }
0x23: {  	s9 =	sor.u32 $0xD0000000, s2;
	s6 =	simm.s32 $0x108;
	_ =	swait.ge @!p0 [sflag:s8], $0x0  }
0x24: {  	s3 =	sadd.s32 $0x88, s3;
	s6 =	simm.s32 @!p1 $0x1082;
	[sflag:s4] =	ssyncset.s32 $0xFFFFF086  }
0x25: {  	[simem:s6], [sflag:s4] =	dma.local [hbm:s3], $0xF7A  }
0x26: {  	[smem:$0x3F91] =	sst s1;
	(tag) =	ssettag s2;
	_ =	strace s9  }
0x27: {  	s1 =	sld [smem:$0x3FA1]  }
0x28: {  	s2 =	sld [smem:$0x3FA2]  }
0x29: {  	s4 =	sld [smem:$0x3FA4]  }
0x2a: {  	p0 =	seq.s32 s5, $0x0;
	s5 =	sld [smem:$0x3FA5]  }
0x2b: {  	s6 =	sld [smem:$0x3FA6]  }
0x2c: {  	s7 =	sld [smem:$0x3FA7]  }
0x2d: {  	s3 =	simm.s32 $0x108;
	s8 =	sld [smem:$0x3FA8]  }
0x2e: {  	s3 =	simm.s32 @!p0 $0x1082;
	s9 =	sld [smem:$0x3FA9]  }
0x2f: {  	lr =	sadd.s32 s0, s3;
	s0 =	sld [smem:$0x3FA0]  }
0x30: {  	s3 =	sld [smem:$0x3FA3]  }
0x31: {  	[smem:$0x3FAC] =	sst s10  }
0x32: {  	s10 =	sld [smem:$0x3FAA];
	_ =	sdelay $0x3  }
0x33: {  	p0 =	seq.s32 s10, $0x1;
	s10 =	sld [smem:$0x3FAC];
	_ =	sdelay $0x3  }
0x34: {  	[smem:$0x3FAC] =	sst s10  }
0x35: {  	s10 =	sld [smem:$0x3FAB];
	_ =	sdelay $0x3  }
0x36: {  	p1 =	seq.s32 s10, $0x1;
	s10 =	sld [smem:$0x3FAC];
	_ =	sdelay $0x3  }
0x37: {  	[smem:$0x3FAC] =	sst s10  }
0x38: {  	s10 =	sld [smem:$0x3FAD]  }
0x39: {  	_ = 	snop;
	(pc) =	sbr.ind lr, $3  }
0x3a: {  	_ = 	snop  }
0x3b: {  	_ = 	snop  }
0x3c: {  	p2 =	seq.s32 s10, $0x1;
	s10 =	sld [smem:$0x3FAC]  }
0x3d: {  	_ =	shalt  }
0x3e: {  	_ =	shalt  }
0x3f: {  	_ =	shalt  }
0x40: {  	_ =	shalt  }
0x41: {  	_ =	shalt  }
0x42: {  	_ =	shalt  }
0x43: {  	_ =	shalt  }
0x44: {  	_ =	shalt  }
0x45: {  	_ =	shalt  }
0x46: {  	_ =	shalt  }
0x47: {  	_ =	shalt  }
0x48: {  	_ =	shalt  }
0x49: {  	_ =	shalt  }
0x4a: {  	_ =	shalt  }
0x4b: {  	_ =	shalt  }
0x4c: {  	_ =	shalt  }
0x4d: {  	_ =	shalt  }
0x4e: {  	_ =	shalt  }
0x4f: {  	_ =	shalt  }
0x50: {  	_ =	shalt  }
0x51: {  	_ =	shalt  }
0x52: {  	_ =	shalt  }
0x53: {  	_ =	shalt  }
0x54: {  	_ =	shalt  }
0x55: {  	_ =	shalt  }
0x56: {  	_ =	shalt  }
0x57: {  	_ =	shalt  }
0x58: {  	_ =	shalt  }
0x59: {  	_ =	shalt  }
0x5a: {  	_ =	shalt  }
0x5b: {  	_ =	shalt  }
0x5c: {  	_ =	shalt  }
0x5d: {  	_ =	shalt  }
0x5e: {  	_ =	shalt  }
0x5f: {  	_ =	shalt  }
0x60: {  	_ =	shalt  }
0x61: {  	_ =	shalt  }
0x62: {  	_ =	shalt  }
0x63: {  	_ =	shalt  }
0x64: {  	_ =	shalt  }
0x65: {  	_ =	shalt  }
0x66: {  	_ =	shalt  }
0x67: {  	_ =	shalt  }
0x68: {  	_ =	shalt  }
0x69: {  	_ =	shalt  }
0x6a: {  	_ =	shalt  }
0x6b: {  	_ =	shalt  }
0x6c: {  	_ =	shalt  }
0x6d: {  	_ =	shalt  }
0x6e: {  	_ =	shalt  }
0x6f: {  	_ =	shalt  }
0x70: {  	_ =	shalt  }
0x71: {  	_ =	shalt  }
0x72: {  	_ =	shalt  }
0x73: {  	_ =	shalt  }
0x74: {  	_ =	shalt  }
0x75: {  	_ =	shalt  }
0x76: {  	_ =	shalt  }
0x77: {  	_ =	shalt  }
0x78: {  	_ =	shalt  }
0x79: {  	_ =	shalt  }
0x7a: {  	_ =	shalt  }
0x7b: {  	_ =	shalt  }
0x7c: {  	_ =	shalt  }
0x7d: {  	_ =	shalt  }
0x7e: {  	_ =	shalt  }
0x7f: {  	_ =	shalt  }
0x80: {  	_ =	shalt  }
0x81: {  	_ =	shalt  }
0x82: {  	_ =	shalt  }
0x83: {  	_ =	shalt  }
0x84: {  	_ =	shalt  }
0x85: {  	_ =	shalt  }
0x86: {  	_ =	shalt  }
0x87: {  	_ =	shalt  }
.Lfunc_end0:
.L_simem_size_0:
called_computation.2_lowered:
.L_overlay_start_0:
0x88: {  	s2 =	sld [smem:$0x3FD9]  }
0x89: {  	s3 =	sld [smem:$0x3FFE];
	_ =	sdelay $0x1  }
0x8a: {  	s1 =	srdreg.scid  }
0x8b: {  	s0 =	sand.u32 $0x1, s1  }
0x8c: {  	s16 =	sshll.u32 s0, $0xA;
	s2 =	sadd.s32 s3, s2  }
0x8d: {  	s2 =	sadd.s32 s2, s16  }
0x8e: {  	[smem:$0x3FB8] =	sst s2  }
0x8f: {  	_ = 	snop  }
0x90: {  	(tm) =	ssettm $0x1  }
0x91: {  	s17 =	sld [smem:$0x3FFB];
	_ =	sdelay $0x3  }
0x92: {  	_ =	strace s17  }
0x93: {  	s2 =	sld [smem:$0x3FFC];
	_ =	sdelay $0x3  }
0x94: {  	_ =	strace s2  }
0x95: {  	s2 =	sld [smem:$0x3FFD];
	_ =	sdelay $0x3  }
0x96: {  	_ =	strace s2  }
0x97: {  	_ =	strace $0x8FFFFFFF  }
0x98: {  	s18 =	sld [smem:$0x3FDB];
	_ =	sdelay $0x1  }
0x99: {  	s19 =	simm.s32 $_scs_section_size  }
0x9a: {  	s4 =	simm.s32 $_size__tile_overlayer_lowered;
	s5 =	simm.s32 $_tile_overlayer_lowered  }
0x9b: {  	s22 =	simm.s32 $0x1BFF;
	s21 =	sshll.u32 s5, $0x1;
	s2 =	sadd.s32 s19, s18  }
0x9c: {  	s6 =	simm.s32 $0x0;
	s20 =	sshll.u32 s4, $0x1;
	s4 =	sadd.s32 s21, s2  }
0x9d: {  	[timem:s6], [sflag:s22] =	dma.local [hbm:s4], s20  }
0x9e: {  	_ =	swait.ge [sflag:s22], s20  }
0x9f: {  	s3 =	ssub.s32 $0x0, s20;
	[sflag:s22] =	ssyncset.done $0x0  }
0xa0: {  	[sflag:s22] =	ssyncadd.s32 s3;
	_ =	sdelay $0x1  }
0xa1: {  	s23 =	simm.s32 $0x1B8B  }
0xa2: {  	_ =	swait.ge [sflag:s23], $0x1  }
0xa3: {  	[sflag:s23] =	ssyncset.done $0x0  }
0xa4: {  	s25 =	simm.s32 $0x1B8E;
	s24 =	sld [smem:$0x3FFE];
	[sflag:s23] =	ssyncadd.s32 $0xFFFFFFFF  }
0xa5: {  	s26 =	simm.s32 $execute0_lowered;
	[smem:$0x3FD2] =	sst s25  }
0xa6: {  	s4 =	sshll.u32 s26, $0x1;
	_ =	strace $0x8000004C;
	[dreg:$0x1] =	wrdreg $0xFFFFFFFF  }
0xa7: {  	s28 =	simm.s32 $_size_execute0_lowered;
	s2 =	sadd.s32 s2, s4;
	[dreg:$0x0] =	wrdreg $0x0  }
0xa8: {  	s4 =	sshll.u32 s28, $0x1;
	[dreg:$0x2] =	wrdreg s2  }
0xa9: {  	[dreg:$0x3] =	wrdreg s4  }
0xaa: {  	[dreg:$0x4] =	wrdreg $0xC0  }
0xab: {  	_ =	task [dreg:s6], $0x5FFFF  }
0xac: {  	[dreg:$0x1] =	wrdreg $0xFFFFFFFF  }
0xad: {  	[dreg:$0x0] =	wrdreg $0x60  }
0xae: {  	[dreg:$0x2] =	wrdreg s24  }
0xaf: {  	[dreg:$0x3] =	wrdreg $0xEE200  }
0xb0: {  	[dreg:$0x4] =	wrdreg $0x9  }
0xb1: {  	_ =	task.clear_ibuf [dreg:s6], $0x5FFFF;
	_ =	strace $0x9000004C  }
0xb2: {  	s29 =	simm.s32 $0x9;
	_ =	strace $0x8000004E  }
0xb3: {  	_ =	swait.ge [sflag:s29], $0x1  }
0xb4: {  	[sflag:s29] =	ssyncadd.s32 $0xFFFFFFFF  }
0xb5: {  	_ =	strace $0x9000004E  }
0xb6: {  	_ =	sfence  }
0xb7: {  	s30 =	sld [smem:$0x0];
	_ =	sdelay $0x2  }
0xb8: {  	s31 =	sshll.u32 s1, $0xD;
	s1 =	sshrl.u32 s1, $0x2  }
0xb9: {  	s3 =	sand.u32 $0x4000, s31;
	s1 =	sadd.s32 s1, s30  }
0xba: {  	s0 =	sor.u32 s3, s0;
	s1 =	sshll.u32 s1, $0x11  }
0xbb: {  	s0 =	sor.u32 s1, s0  }
0xbc: {  	s0 =	sadd.s32 $0x8F2B, s0  }
0xbd: {  	[sflag:s0] =	ssyncadd.remote.s32 $0x1  }
0xbe: {  	_ =	sfence.sel $0xFFFF  }
0xbf: {  	[dreg:$0x0] =	wrdreg $0xFFFFFFFF;
	(pc) =	sbr.abs _section_cstart, $3  }
0xc0: {  	[dreg:$0x1] =	wrdreg $0xFFFFFFFF  }
0xc1: {  	_ =	task.clear_ibuf [dreg:s6], $0x2FFFF;
	_ =	strace $0x9FFFFFFF  }
0xc2: {  	(tm) =	ssettm $0x7FFFFFFF  }
0xc3: {  	_ =	shalt  }
tec
execute0_lowered:
.L_overlay_start_1:
0x0: {  	(tag) =	ssettag $0x1  }
0x1: {  	s0 =	rddreg [dreg:$0x0]  }
0x2: {  	s1 =	srdreg.scid;
	s2 =	rddreg [dreg:$0x1]  }
0x3: {  	s11 =	stileid.u32;
	s3 =	simm.s32 $0x0;
	s10 =	simm.s32 $0xB  }
0x4: {  	s14 =	simm.s32 $0x7D;
	s15 =	simm.s32 $0xA000;
	s17 =	simm.s32 $0xAFA0  }
0x5: {  	s19 =	simm.s32 $0xBF40;
	s21 =	simm.s32 $0xCEE0;
	s28 =	simm.s32 $0x3  }
0x6: {  	s30 =	simm.s32 $0x6;
	s16 =	simm.s32 $0x7;
	s20 =	simm.s32 $0x5  }
0x7: {  	s31 =	simm.s32 $0x9;
	s18 =	simm.s32 $0x0;
	s5 =	smul.u32 $0x5000, s11  }
0x8: {  	s1 =	sand.u32 $0x1, s1;
	[smem:$0x7FF] =	sst s3;
	s7 =	smul.u32 $0x9C40, s11  }
0x9: {  	s24 =	sadd.s32 $0x3FE00, s0;
	s29 =	sshll.u32 s11, $0x6;
	s4 =	smul.u32 $0x9C400, s1  }
0xa: {  	_ =	strace $0x8000004D;
	s1 =	ssub.s32 $0x2, s1;
	[dreg:$0x3] =	wrdreg s24  }
0xb: {  	s12 =	sor.u32 $0x1C0B, s29;
	s24 =	simm.s32 $0x1;
	s5 =	sshrl.u32 s5, $0x3  }
0xc: {  	s9 =	sshrl.u32 s1, $0x1;
	s6 =	sshrl.u32 s4, $0x4;
	s22 =	sadd.s32 s5, s0  }
0xd: {  	s23 =	sadd.s32 s7, s4;
	s1 =	ssub.s32 s1, s9;
	s7 =	sshrl.u32 s7, $0x1  }
0xe: {  	s8 =	sadd.s32 s6, s0;
	s5 =	sshrl.u32 s23, $0x4;
	s25 =	sadd.s32 $0x2BE00, s22  }
.Ltmp0:
0xf: {  	s26 =	sadd.s32 $0x35E00, s22;
	s13 =	sadd.s32 s7, s2;
	(pc) =	sbr.rel .LBB2_1-.Ltmp0, $4  }
0x10: {  	s9 =	smax.u32 s1, $0x1;
	s23 =	simm.s32 $0xDE80;
	[dreg:$0x4] =	wrdreg s25  }
0x11: {  	s1 =	simm.s32 $0xA;
	s0 =	sadd.s32 s5, s0;
	[dreg:$0x5] =	wrdreg s26  }
0x12: {  	s7 =	sadd.s32 $0x3600, s8;
	s13 =	sshrl.u32 s13, $0x3;
	s25 =	simm.s32 $0x2  }
0x13: {  	s26 =	simm.s32 $0x8;
	s8 =	sadd.s32 $0x17000, s0;
	s0 =	simm.s32 $0x4  }
.LBB2_4:
0x14: {  	_ =	swait.ge [sflag:s30], $0xFA0  }
0x15: {  	[sflag:s30] =	ssyncset.done $0x0  }
0x16: {  	[sflag:s30] =	ssyncadd.s32 $0xFFFFF060  }
0x17: {  	_ =	swait.ge [sflag:s16], $0xFA0  }
0x18: {  	[sflag:s16] =	ssyncset.done $0x0  }
0x19: {  	[sflag:s16] =	ssyncadd.s32 $0xFFFFF060  }
0x1a: {  	_ =	swait.ge [sflag:s26], $0xFA0  }
0x1b: {  	[sflag:s26] =	ssyncset.done $0x0  }
0x1c: {  	[sflag:s26] =	ssyncadd.s32 $0xFFFFF060  }
0x1d: {  	_ =	swait.ge [sflag:s31], $0xFA0  }
0x1e: {  	[sflag:s31] =	ssyncset.done $0x0  }
0x1f: {  	[sflag:s31] =	ssyncadd.s32 $0xFFFFF060  }
0x20: {  	_ =	swait.ge [sflag:s1], $0xFA0  }
0x21: {  	s18 =	sadd.s32 $0x1, s18;
	[sflag:s1] =	ssyncset.done $0x0  }
0x22: {  	p0 =	sne.s32 s18, s9;
	[sflag:s1] =	ssyncadd.s32 $0xFFFFF060  }
.Ltmp1:
0x23: {  	[bflag:$0x0] =	sbarrier.arrive $0xFFFF;
	(pc) =	sbr.rel @!p0 .LBB2_5-.Ltmp1, $4  }
0x24: {  	[hbm:s8], [sflag:s12] =	dma.local [spmem:s13], $0x9C4  }
0x25: {  	_ =	swait.ge [sflag:s10], $0x9C4  }
0x26: {  	[sflag:s10] =	ssyncset.done $0x0  }
0x27: {  	[sflag:s10] =	ssyncadd.s32 $0xFFFFF63C  }
.LBB2_1:
0x28: {  	s4 =	rddreg [dreg:$0x4]  }
0x29: {  	[tilespmem:s3], [sflag:$0xB] =	stream.linear.gather [hbm4b:s4+s3], $0x5000, $0x38;
	[tilespmem:$0x13C40] =	vst v63  }
0x2a: {  	_ =	swait.ge [sflag:s10], $0x5000  }
0x2b: {  	[sflag:s10] =	ssyncset.done $0x0  }
0x2c: {  	s5 =	simm.s32 $0x5000;
	s6 =	rddreg [dreg:$0x5];
	[sflag:s10] =	ssyncadd.s32 $0xFFFFB000  }
0x2d: {  	[tilespmem:s5], [sflag:$0xB] =	stream.linear.gather [hbm4b:s6+s3], $0x5000, $0x38;
	[tilespmem:$0x13C40] =	vst v63  }
0x2e: {  	_ =	swait.ge [sflag:s10], $0x5000  }
0x2f: {  	[sflag:s10] =	ssyncset.done $0x0  }
0x30: {  	s11 =	rddreg [dreg:$0x3];
	[sflag:s10] =	ssyncadd.s32 $0xFFFFB000  }
0x31: {  	[spmem:s13], [sflag:s12] =	dma.local [hbm:s11], $0x9C4  }
0x32: {  	_ =	swait.ge [sflag:s10], $0x9C4  }
0x33: {  	[sflag:s10] =	ssyncset.done $0x0  }
0x34: {  	[sflag:s10] =	ssyncadd.s32 $0xFFFFF63C  }
0x35: {  	[tilespmem:s15], [sflag:$0x1] =	stream.indirect.gather [hbm4b:s7+s14], $0x20, s3, s14, $0xb8;
	[tilespmem:$0x13C40] =	vst v63  }
0x36: {  	s22 =	simm.s32 $0x80  }
0x37: {  	[tilespmem:s17], [sflag:$0x2] =	stream.indirect.gather [hbm4b:s7+s14], $0x20, s22, s14, $0xb8;
	[tilespmem:$0x13C40] =	vst v63  }
0x38: {  	s29 =	simm.s32 $0x100  }
0x39: {  	[tilespmem:s19], [sflag:$0x3] =	stream.indirect.gather [hbm4b:s7+s14], $0x20, s29, s14, $0xb8;
	[tilespmem:$0x13C40] =	vst v63  }
0x3a: {  	s6 =	simm.s32 $0x180  }
0x3b: {  	[tilespmem:s21], [sflag:$0x4] =	stream.indirect.gather [hbm4b:s7+s14], $0x20, s6, s14, $0xb8;
	[tilespmem:$0x13C40] =	vst v63  }
0x3c: {  	s11 =	simm.s32 $0x200  }
0x3d: {  	[tilespmem:s23], [sflag:$0x5] =	stream.indirect.gather [hbm4b:s7+s14], $0x20, s11, s14, $0xb8;
	[tilespmem:$0x13C40] =	vst v63  }
0x3e: {  	[bflag:$0x0] =	sbarrier.arrive $0xFFFF  }
0x3f: {  	_ =	swait.ge [sflag:s24], $0xFA0  }
0x40: {  	[sflag:s24] =	ssyncset.done $0x0  }
0x41: {  	[sflag:s24] =	ssyncadd.s32 $0xFFFFF060  }
0x42: {  	[spmem:s2] =	stream.indirect.scatter.add.bf16 [tilespmem:s15], [sflag:$0x6], $0x20, s5, s14, $0xb8;
	[tilespmem:$0x13C40] =	vst v63  }
0x43: {  	_ =	swait.ge [sflag:s25], $0xFA0  }
0x44: {  	[sflag:s25] =	ssyncset.done $0x0  }
0x45: {  	s22 =	simm.s32 $0x5080;
	[sflag:s25] =	ssyncadd.s32 $0xFFFFF060  }
0x46: {  	[spmem:s2] =	stream.indirect.scatter.add.bf16 [tilespmem:s17], [sflag:$0x7], $0x20, s22, s14, $0xb8;
	[tilespmem:$0x13C40] =	vst v63  }
0x47: {  	_ =	swait.ge [sflag:s28], $0xFA0  }
0x48: {  	[sflag:s28] =	ssyncset.done $0x0  }
0x49: {  	s29 =	simm.s32 $0x5100;
	[sflag:s28] =	ssyncadd.s32 $0xFFFFF060  }
0x4a: {  	[spmem:s2] =	stream.indirect.scatter.add.bf16 [tilespmem:s19], [sflag:$0x8], $0x20, s29, s14, $0xb8;
	[tilespmem:$0x13C40] =	vst v63  }
0x4b: {  	_ =	swait.ge [sflag:s30], $0xFA0  }
0x4c: {  	[sflag:s30] =	ssyncset.done $0x0  }
0x4d: {  	s5 =	simm.s32 $0x280;
	[sflag:s30] =	ssyncadd.s32 $0xFFFFF060  }
0x4e: {  	[tilespmem:s15], [sflag:$0x1] =	stream.indirect.gather [hbm4b:s7+s14], $0x20, s5, s14, $0xb8;
	[tilespmem:$0x13C40] =	vst v63  }
0x4f: {  	_ =	swait.ge [sflag:s0], $0xFA0  }
0x50: {  	[sflag:s0] =	ssyncset.done $0x0  }
0x51: {  	s6 =	simm.s32 $0x5180;
	[sflag:s0] =	ssyncadd.s32 $0xFFFFF060  }
0x52: {  	[spmem:s2] =	stream.indirect.scatter.add.bf16 [tilespmem:s21], [sflag:$0x9], $0x20, s6, s14, $0xb8;
	[tilespmem:$0x13C40] =	vst v63  }
0x53: {  	_ =	swait.ge [sflag:s16], $0xFA0  }
0x54: {  	[sflag:s16] =	ssyncset.done $0x0  }
0x55: {  	s11 =	simm.s32 $0x300;
	[sflag:s16] =	ssyncadd.s32 $0xFFFFF060  }
0x56: {  	[tilespmem:s17], [sflag:$0x2] =	stream.indirect.gather [hbm4b:s7+s14], $0x20, s11, s14, $0xb8;
	[tilespmem:$0x13C40] =	vst v63  }
0x57: {  	_ =	swait.ge [sflag:s20], $0xFA0  }
0x58: {  	[sflag:s20] =	ssyncset.done $0x0  }
0x59: {  	s22 =	simm.s32 $0x5200;
	[sflag:s20] =	ssyncadd.s32 $0xFFFFF060  }
0x5a: {  	[spmem:s2] =	stream.indirect.scatter.add.bf16 [tilespmem:s23], [sflag:$0xA], $0x20, s22, s14, $0xb8;
	[tilespmem:$0x13C40] =	vst v63  }
0x5b: {  	_ =	swait.ge [sflag:s26], $0xFA0  }
0x5c: {  	[sflag:s26] =	ssyncset.done $0x0  }
0x5d: {  	s29 =	simm.s32 $0x380;
	s22 =	simm.s32 $0x0;
	[sflag:s26] =	ssyncadd.s32 $0xFFFFF060  }
0x5e: {  	[tilespmem:s19], [sflag:$0x3] =	stream.indirect.gather [hbm4b:s7+s14], $0x20, s29, s14, $0xb8;
	[tilespmem:$0x13C40] =	vst v63  }
.LBB2_2:
0x5f: {  	_ =	swait.ge [sflag:s24], $0xFA0  }
0x60: {  	s29 =	sshra.s32 s22, $0x2;
	[sflag:s24] =	ssyncset.done $0x0  }
0x61: {  	s4 =	sadd.s32 $0x5280, s29;
	[sflag:s24] =	ssyncadd.s32 $0xFFFFF060  }
0x62: {  	[spmem:s2] =	stream.indirect.scatter.add.bf16 [tilespmem:s15], [sflag:$0x6], $0x20, s4, s14, $0xb8;
	[tilespmem:$0x13C40] =	vst v63  }
0x63: {  	_ =	swait.ge [sflag:s31], $0xFA0  }
0x64: {  	[sflag:s31] =	ssyncset.done $0x0  }
0x65: {  	s6 =	sadd.s32 $0x400, s29;
	[sflag:s31] =	ssyncadd.s32 $0xFFFFF060  }
0x66: {  	[tilespmem:s21], [sflag:$0x4] =	stream.indirect.gather [hbm4b:s7+s14], $0x20, s6, s14, $0xb8;
	[tilespmem:$0x13C40] =	vst v63  }
0x67: {  	_ =	swait.ge [sflag:s25], $0xFA0  }
0x68: {  	[sflag:s25] =	ssyncset.done $0x0  }
0x69: {  	s11 =	sadd.s32 $0x5300, s29;
	[sflag:s25] =	ssyncadd.s32 $0xFFFFF060  }
0x6a: {  	[spmem:s2] =	stream.indirect.scatter.add.bf16 [tilespmem:s17], [sflag:$0x7], $0x20, s11, s14, $0xb8;
	[tilespmem:$0x13C40] =	vst v63  }
0x6b: {  	_ =	swait.ge [sflag:s1], $0xFA0  }
0x6c: {  	[sflag:s1] =	ssyncset.done $0x0  }
0x6d: {  	s5 =	sadd.s32 $0x480, s29;
	[sflag:s1] =	ssyncadd.s32 $0xFFFFF060  }
0x6e: {  	[tilespmem:s23], [sflag:$0x5] =	stream.indirect.gather [hbm4b:s7+s14], $0x20, s5, s14, $0xb8;
	[tilespmem:$0x13C40] =	vst v63  }
0x6f: {  	_ =	swait.ge [sflag:s28], $0xFA0  }
0x70: {  	p0 =	seq.s32 s22, $0x12C00;
	[sflag:s28] =	ssyncset.done $0x0  }
0x71: {  	s4 =	simm.s32 @p0 $0x4;
	s6 =	sadd.s32 $0x5380, s29;
	[sflag:s28] =	ssyncadd.s32 $0xFFFFF060  }
0x72: {  	[spmem:s2] =	stream.indirect.scatter.add.bf16 [tilespmem:s19], [sflag:$0x8], $0x20, s6, s14, $0xb8;
	[tilespmem:$0x13C40] =	vst v63  }
0x73: {  	_ =	swait.ge @p0 [sflag:s4], $0xFA0  }
0x74: {  	s5 =	simm.s32 @p0 $0x9F00;
	[sflag:s4] =	ssyncset.done @p0 $0x0  }
0x75: {  	s6 =	simm.s32 @p0 $0xCEE0;
	[sflag:s4] =	ssyncadd.s32 @p0 $0xFFFFF060;
	s4 =	simm.s32 @p0 $0x7D  }
0x76: {  	[spmem:s2] =	stream.indirect.scatter.add.bf16 @p0 [tilespmem:s6], [sflag:$0x9], $0x20, s5, s4, $0xb8;
	[tilespmem:$0x13C40] =	vst v63  }
0x77: {  	s4 =	simm.s32 @!p0 $0x6  }
0x78: {  	_ =	swait.ge @!p0 [sflag:s4], $0xFA0  }
0x79: {  	[sflag:s4] =	ssyncset.done @!p0 $0x0  }
0x7a: {  	[sflag:s4] =	ssyncadd.s32 @!p0 $0xFFFFF060;
	s4 =	sshra.s32 @!p0 s22, $0x2  }
0x7b: {  	s11 =	simm.s32 @!p0 $0xA000;
	s6 =	simm.s32 @!p0 $0x7D;
	s5 =	sadd.s32 @!p0 $0x500, s4  }
0x7c: {  	[tilespmem:s11], [sflag:$0x1] =	stream.indirect.gather @!p0 [hbm4b:s7+s6], $0x20, s5, s6, $0xb8;
	[tilespmem:$0x13C40] =	vst v63  }
0x7d: {  	s5 =	simm.s32 @!p0 $0x4  }
0x7e: {  	_ =	swait.ge @!p0 [sflag:s5], $0xFA0  }
0x7f: {  	[sflag:s5] =	ssyncset.done @!p0 $0x0  }
0x80: {  	s11 =	simm.s32 @!p0 $0xCEE0;
	[sflag:s5] =	ssyncadd.s32 @!p0 $0xFFFFF060;
	s5 =	sadd.s32 @!p0 $0x5400, s4  }
0x81: {  	[spmem:s2] =	stream.indirect.scatter.add.bf16 @!p0 [tilespmem:s11], [sflag:$0x9], $0x20, s5, s6, $0xb8;
	[tilespmem:$0x13C40] =	vst v63  }
0x82: {  	s5 =	simm.s32 @!p0 $0x7  }
0x83: {  	_ =	swait.ge @!p0 [sflag:s5], $0xFA0  }
0x84: {  	[sflag:s5] =	ssyncset.done @!p0 $0x0  }
0x85: {  	s4 =	sadd.s32 @!p0 $0x580, s4;
	[sflag:s5] =	ssyncadd.s32 @!p0 $0xFFFFF060;
	s5 =	simm.s32 @!p0 $0xAFA0  }
0x86: {  	[tilespmem:s5], [sflag:$0x2] =	stream.indirect.gather @!p0 [hbm4b:s7+s6], $0x20, s4, s6, $0xb8;
	[tilespmem:$0x13C40] =	vst v63  }
.Ltmp2:
0x87: {  	_ = 	snop;
	(pc) =	sbr.rel @p0 .LBB2_4-.Ltmp2, $4  }
0x88: {  	_ =	swait.ge [sflag:s20], $0xFA0  }
0x89: {  	[sflag:s20] =	ssyncset.done $0x0  }
0x8a: {  	s11 =	sadd.s32 $0x5480, s29;
	[sflag:s20] =	ssyncadd.s32 $0xFFFFF060  }
0x8b: {  	[spmem:s2] =	stream.indirect.scatter.add.bf16 [tilespmem:s23], [sflag:$0xA], $0x20, s11, s14, $0xb8;
	[tilespmem:$0x13C40] =	vst v63  }
.Ltmp3:
0x8c: {  	(pc) =	sbr.rel .LBB2_2-.Ltmp3, $4  }
0x8d: {  	_ =	swait.ge [sflag:s26], $0xFA0  }
0x8e: {  	[sflag:s26] =	ssyncset.done $0x0  }
0x8f: {  	s4 =	sadd.s32 $0x600, s29;
	s22 =	sadd.s32 $0xA00, s22;
	[sflag:s26] =	ssyncadd.s32 $0xFFFFF060  }
0x90: {  	[tilespmem:s19], [sflag:$0x3] =	stream.indirect.gather [hbm4b:s7+s14], $0x20, s4, s14, $0xb8;
	[tilespmem:$0x13C40] =	vst v63  }
.LBB2_5:
0x91: {  	_ =	sfence.sel $0x180000  }
0x92: {  	[bflag:$0x0] =	sbarrier.arrive $0xFFFF  }
0x93: {  	_ =	strace $0x9000004D  }
0x94: {  	s0 =	stileid.u32;
	[bflag:$0x2] =	sbarrier.arrive $0xFFFF  }
0x95: {  	p0 =	sne.s32 s0, $0x0;
	s0 =	rddreg [dreg:$0x2]  }
0x96: {  	s0 =	sadd.s32 @!p0 $0x100000, s0  }
0x97: {  	[sflag:s0] =	ssyncadd.tile.s32 @!p0 $0x1;
	_ =	shalt  }
.Lfunc_end2:
_tile_overlayer_lowered:
.L_overlay_start_2:
0x98: {  	(tag) =	ssettag $0x2  }
0x99: {  	s0 =	rddreg [dreg:$0x0];
	s2 =	stileid.u32  }
0x9a: {  	s1 =	rddreg [dreg:$0x1];
	p0 =	sne.s32 s2, $0x0  }
0x9b: {  	s3 =	rddreg [dreg:$0x2];
	[bflag:$0x3] =	sbarrier.arrive $0xFFFF;
	s2 =	simm.s32 @!p0 $0x1C0B  }
0x9c: {  	[timem:s3], [sflag:s2] =	dma.local @!p0 [hbm:s0], s1  }
0x9d: {  	s0 =	simm.s32 @!p0 $0xB  }
0x9e: {  	_ =	swait.ge @!p0 [sflag:s0], s1  }
0x9f: {  	s1 =	ssub.s32 @!p0 $0x0, s1;
	[sflag:s0] =	ssyncset.done @!p0 $0x0  }
0xa0: {  	[sflag:s0] =	ssyncadd.s32 @!p0 s1  }
0xa1: {  	[bflag:$0x3] =	sbarrier.arrive $0xFFFF  }
0xa2: {  	_ =	shalt  }

// kernel: kernel.19.cloned.1.call-start
scs
__scs_entry_jumppad:
0x0: {  	(pc) =	sbr.rel $0x88, $3  }
0x1: {  	(tag) =	ssettag $0x0;
	lr =	simm.s32 $0x1  }
0x2: {  	[smem:$0x3F91] =	sst lr;
	_ =	strace $0xD0000000  }
0x3: {  	_ = 	snop  }
0x4: {  	_ = 	snop  }
0x5: {  	_ = 	snop  }
0x6: {  	_ = 	snop  }
0x7: {  	_ = 	snop  }
__scs_overlays_trampoline_lowered:
0x8: {  	[smem:$0x3FA0] =	sst s0  }
0x9: {  	[smem:$0x3FA1] =	sst s1  }
0xa: {  	[smem:$0x3FA2] =	sst s2  }
0xb: {  	[smem:$0x3FA3] =	sst s3  }
0xc: {  	[smem:$0x3FA4] =	sst s4  }
0xd: {  	[smem:$0x3FA5] =	sst s5  }
0xe: {  	[smem:$0x3FA6] =	sst s6  }
0xf: {  	[smem:$0x3FA7] =	sst s7  }
0x10: {  	[smem:$0x3FA8] =	sst s8  }
0x11: {  	[smem:$0x3FA9] =	sst s9;
	s0 =	simm.s32 @!p0 $0x0  }
0x12: {  	s1 =	sld [smem:$0x3F8F];
	s0 =	simm.s32 @p0 $0x1  }
0x13: {  	[smem:$0x3FAA] =	sst s0;
	s0 =	simm.s32 @!p1 $0x0  }
0x14: {  	s2 =	sld [smem:$0x3F8E];
	s0 =	simm.s32 @p1 $0x1  }
0x15: {  	[smem:$0x3FAB] =	sst s0;
	s0 =	simm.s32 @!p2 $0x0  }
0x16: {  	s3 =	sld [smem:$0x3FDB];
	s0 =	simm.s32 @p2 $0x1  }
0x17: {  	s4 =	simm.s32 $0x1BF5;
	[smem:$0x3FAD] =	sst s0  }
0x18: {  	s0 =	sld [smem:$0x3F90];
	_ =	swait.ge [sflag:s4], $0x0  }
0x19: {  	s7 =	sld [smem:$0x3F91]  }
0x1a: {  	s8 =	sadd.s32 $0xFFFFE003, lr  }
0x1b: {  	s9 =	sadd.s32 $0xFFFFFEF7, lr;
	s5 =	simm.s32 $0xFFFFFFFF;
	p2 =	slt.u32 s8, $0xFFFFF086  }
0x1c: {  	p1 =	slt.u32 s9, $0xF7A;
	s5 =	simm.s32 @!p2 $0x0  }
0x1d: {  	s5 =	simm.s32 @p1 $0x1;
	p0 =	seq.s32 s7, s2  }
0x1e: {  	s7 =	smul.u32 @!p0 $0xF7A, s2;
	p2 =	seq.s32 @!p0 s5, $0x0  }
0x1f: {  	s9 =	smul.u32 $0xF7A, s1;
	s8 =	simm.s32 @!p0 $0x1BF5;
	p2 =	por !p2, p0  }
0x20: {  	[sflag:s8] =	ssyncset.s32 @!p0 $0xFFFFF086;
	s6 =	sadd.s32 @!p0 s3, s7;
	s7 =	simm.s32 @!p0 $0x108  }
0x21: {  	s3 =	sadd.s32 s3, s9;
	s6 =	sadd.s32 @!p0 $0x88, s6;
	s7 =	simm.s32 @p2 $0x1082  }
0x22: {  	[simem:s7], [sflag:s8] =	dma.local @!p0 [hbm:s6], $0xF7A  }
0x23: {  	s9 =	sor.u32 $0xD0000000, s2;
	s6 =	simm.s32 $0x108;
	_ =	swait.ge @!p0 [sflag:s8], $0x0  }
0x24: {  	s3 =	sadd.s32 $0x88, s3;
	s6 =	simm.s32 @!p1 $0x1082;
	[sflag:s4] =	ssyncset.s32 $0xFFFFF086  }
0x25: {  	[simem:s6], [sflag:s4] =	dma.local [hbm:s3], $0xF7A  }
0x26: {  	[smem:$0x3F91] =	sst s1;
	(tag) =	ssettag s2;
	_ =	strace s9  }
0x27: {  	s1 =	sld [smem:$0x3FA1]  }
0x28: {  	s2 =	sld [smem:$0x3FA2]  }
0x29: {  	s4 =	sld [smem:$0x3FA4]  }
0x2a: {  	p0 =	seq.s32 s5, $0x0;
	s5 =	sld [smem:$0x3FA5]  }
0x2b: {  	s6 =	sld [smem:$0x3FA6]  }
0x2c: {  	s7 =	sld [smem:$0x3FA7]  }
0x2d: {  	s3 =	simm.s32 $0x108;
	s8 =	sld [smem:$0x3FA8]  }
0x2e: {  	s3 =	simm.s32 @!p0 $0x1082;
	s9 =	sld [smem:$0x3FA9]  }
0x2f: {  	lr =	sadd.s32 s0, s3;
	s0 =	sld [smem:$0x3FA0]  }
0x30: {  	s3 =	sld [smem:$0x3FA3]  }
0x31: {  	[smem:$0x3FAC] =	sst s10  }
0x32: {  	s10 =	sld [smem:$0x3FAA];
	_ =	sdelay $0x3  }
0x33: {  	p0 =	seq.s32 s10, $0x1;
	s10 =	sld [smem:$0x3FAC];
	_ =	sdelay $0x3  }
0x34: {  	[smem:$0x3FAC] =	sst s10  }
0x35: {  	s10 =	sld [smem:$0x3FAB];
	_ =	sdelay $0x3  }
0x36: {  	p1 =	seq.s32 s10, $0x1;
	s10 =	sld [smem:$0x3FAC];
	_ =	sdelay $0x3  }
0x37: {  	[smem:$0x3FAC] =	sst s10  }
0x38: {  	s10 =	sld [smem:$0x3FAD]  }
0x39: {  	_ = 	snop;
	(pc) =	sbr.ind lr, $3  }
0x3a: {  	_ = 	snop  }
0x3b: {  	_ = 	snop  }
0x3c: {  	p2 =	seq.s32 s10, $0x1;
	s10 =	sld [smem:$0x3FAC]  }
0x3d: {  	_ =	shalt  }
0x3e: {  	_ =	shalt  }
0x3f: {  	_ =	shalt  }
0x40: {  	_ =	shalt  }
0x41: {  	_ =	shalt  }
0x42: {  	_ =	shalt  }
0x43: {  	_ =	shalt  }
0x44: {  	_ =	shalt  }
0x45: {  	_ =	shalt  }
0x46: {  	_ =	shalt  }
0x47: {  	_ =	shalt  }
0x48: {  	_ =	shalt  }
0x49: {  	_ =	shalt  }
0x4a: {  	_ =	shalt  }
0x4b: {  	_ =	shalt  }
0x4c: {  	_ =	shalt  }
0x4d: {  	_ =	shalt  }
0x4e: {  	_ =	shalt  }
0x4f: {  	_ =	shalt  }
0x50: {  	_ =	shalt  }
0x51: {  	_ =	shalt  }
0x52: {  	_ =	shalt  }
0x53: {  	_ =	shalt  }
0x54: {  	_ =	shalt  }
0x55: {  	_ =	shalt  }
0x56: {  	_ =	shalt  }
0x57: {  	_ =	shalt  }
0x58: {  	_ =	shalt  }
0x59: {  	_ =	shalt  }
0x5a: {  	_ =	shalt  }
0x5b: {  	_ =	shalt  }
0x5c: {  	_ =	shalt  }
0x5d: {  	_ =	shalt  }
0x5e: {  	_ =	shalt  }
0x5f: {  	_ =	shalt  }
0x60: {  	_ =	shalt  }
0x61: {  	_ =	shalt  }
0x62: {  	_ =	shalt  }
0x63: {  	_ =	shalt  }
0x64: {  	_ =	shalt  }
0x65: {  	_ =	shalt  }
0x66: {  	_ =	shalt  }
0x67: {  	_ =	shalt  }
0x68: {  	_ =	shalt  }
0x69: {  	_ =	shalt  }
0x6a: {  	_ =	shalt  }
0x6b: {  	_ =	shalt  }
0x6c: {  	_ =	shalt  }
0x6d: {  	_ =	shalt  }
0x6e: {  	_ =	shalt  }
0x6f: {  	_ =	shalt  }
0x70: {  	_ =	shalt  }
0x71: {  	_ =	shalt  }
0x72: {  	_ =	shalt  }
0x73: {  	_ =	shalt  }
0x74: {  	_ =	shalt  }
0x75: {  	_ =	shalt  }
0x76: {  	_ =	shalt  }
0x77: {  	_ =	shalt  }
0x78: {  	_ =	shalt  }
0x79: {  	_ =	shalt  }
0x7a: {  	_ =	shalt  }
0x7b: {  	_ =	shalt  }
0x7c: {  	_ =	shalt  }
0x7d: {  	_ =	shalt  }
0x7e: {  	_ =	shalt  }
0x7f: {  	_ =	shalt  }
0x80: {  	_ =	shalt  }
0x81: {  	_ =	shalt  }
0x82: {  	_ =	shalt  }
0x83: {  	_ =	shalt  }
0x84: {  	_ =	shalt  }
0x85: {  	_ =	shalt  }
0x86: {  	_ =	shalt  }
0x87: {  	_ =	shalt  }
.Lfunc_end0:
.L_simem_size_0:
called_computation.3_lowered:
.L_overlay_start_0:
0x88: {  	s2 =	sld [smem:$0x3FD9]  }
0x89: {  	s3 =	sld [smem:$0x3FFE];
	_ =	sdelay $0x1  }
0x8a: {  	s1 =	srdreg.scid  }
0x8b: {  	s0 =	sand.u32 $0x1, s1  }
0x8c: {  	s16 =	sshll.u32 s0, $0xA;
	s2 =	sadd.s32 s3, s2  }
0x8d: {  	s2 =	sadd.s32 s2, s16  }
0x8e: {  	[smem:$0x3FB8] =	sst s2  }
0x8f: {  	_ = 	snop  }
0x90: {  	(tm) =	ssettm $0x1  }
0x91: {  	s17 =	sld [smem:$0x3FFB];
	_ =	sdelay $0x3  }
0x92: {  	_ =	strace s17  }
0x93: {  	s2 =	sld [smem:$0x3FFC];
	_ =	sdelay $0x3  }
0x94: {  	_ =	strace s2  }
0x95: {  	s2 =	sld [smem:$0x3FFD];
	_ =	sdelay $0x3  }
0x96: {  	_ =	strace s2  }
0x97: {  	_ =	strace $0x8FFFFFFF  }
0x98: {  	s18 =	sld [smem:$0x3FDB];
	_ =	sdelay $0x1  }
0x99: {  	s19 =	simm.s32 $_scs_section_size  }
0x9a: {  	s4 =	simm.s32 $_size__tile_overlayer_lowered;
	s5 =	simm.s32 $_tile_overlayer_lowered  }
0x9b: {  	s22 =	simm.s32 $0x1BFF;
	s21 =	sshll.u32 s5, $0x1;
	s2 =	sadd.s32 s19, s18  }
0x9c: {  	s6 =	simm.s32 $0x0;
	s20 =	sshll.u32 s4, $0x1;
	s4 =	sadd.s32 s21, s2  }
0x9d: {  	[timem:s6], [sflag:s22] =	dma.local [hbm:s4], s20  }
0x9e: {  	_ =	swait.ge [sflag:s22], s20  }
0x9f: {  	s3 =	ssub.s32 $0x0, s20;
	[sflag:s22] =	ssyncset.done $0x0  }
0xa0: {  	[sflag:s22] =	ssyncadd.s32 s3;
	_ =	sdelay $0x1  }
0xa1: {  	s23 =	simm.s32 $0x1B8B  }
0xa2: {  	_ =	swait.ge [sflag:s23], $0x1  }
0xa3: {  	[sflag:s23] =	ssyncset.done $0x0  }
0xa4: {  	s25 =	simm.s32 $0x1B8E;
	s24 =	sld [smem:$0x3FFE];
	[sflag:s23] =	ssyncadd.s32 $0xFFFFFFFF  }
0xa5: {  	s26 =	simm.s32 $execute0_lowered;
	[smem:$0x3FD2] =	sst s25  }
0xa6: {  	s4 =	sshll.u32 s26, $0x1;
	_ =	strace $0x8000004F;
	[dreg:$0x1] =	wrdreg $0xFFFFFFFF  }
0xa7: {  	s28 =	simm.s32 $_size_execute0_lowered;
	s2 =	sadd.s32 s2, s4;
	[dreg:$0x0] =	wrdreg $0x0  }
0xa8: {  	s4 =	sshll.u32 s28, $0x1;
	[dreg:$0x2] =	wrdreg s2  }
0xa9: {  	[dreg:$0x3] =	wrdreg s4  }
0xaa: {  	[dreg:$0x4] =	wrdreg $0xC0  }
0xab: {  	_ =	task [dreg:s6], $0x5FFFF  }
0xac: {  	[dreg:$0x1] =	wrdreg $0xFFFFFFFF  }
0xad: {  	[dreg:$0x0] =	wrdreg $0x60  }
0xae: {  	[dreg:$0x2] =	wrdreg s24  }
0xaf: {  	[dreg:$0x3] =	wrdreg $0xEE200  }
0xb0: {  	[dreg:$0x4] =	wrdreg $0x9  }
0xb1: {  	_ =	task.clear_ibuf [dreg:s6], $0x5FFFF;
	_ =	strace $0x9000004F  }
0xb2: {  	s29 =	simm.s32 $0x9;
	_ =	strace $0x80000051  }
0xb3: {  	_ =	swait.ge [sflag:s29], $0x1  }
0xb4: {  	[sflag:s29] =	ssyncadd.s32 $0xFFFFFFFF  }
0xb5: {  	_ =	strace $0x90000051  }
0xb6: {  	_ =	sfence  }
0xb7: {  	s30 =	sld [smem:$0x0];
	_ =	sdelay $0x2  }
0xb8: {  	s31 =	sshll.u32 s1, $0xD;
	s1 =	sshrl.u32 s1, $0x2  }
0xb9: {  	s3 =	sand.u32 $0x4000, s31;
	s1 =	sadd.s32 s1, s30  }
0xba: {  	s0 =	sor.u32 s3, s0;
	s1 =	sshll.u32 s1, $0x11  }
0xbb: {  	s0 =	sor.u32 s1, s0  }
0xbc: {  	s0 =	sadd.s32 $0x8F2B, s0  }
0xbd: {  	[sflag:s0] =	ssyncadd.remote.s32 $0x1  }
0xbe: {  	_ =	sfence.sel $0xFFFF  }
0xbf: {  	[dreg:$0x0] =	wrdreg $0xFFFFFFFF;
	(pc) =	sbr.abs _section_cstart, $3  }
0xc0: {  	[dreg:$0x1] =	wrdreg $0xFFFFFFFF  }
0xc1: {  	_ =	task.clear_ibuf [dreg:s6], $0x2FFFF;
	_ =	strace $0x9FFFFFFF  }
0xc2: {  	(tm) =	ssettm $0x7FFFFFFF  }
0xc3: {  	_ =	shalt  }
tec
execute0_lowered:
.L_overlay_start_1:
0x0: {  	(tag) =	ssettag $0x1  }
0x1: {  	s0 =	rddreg [dreg:$0x0]  }
0x2: {  	s1 =	srdreg.scid;
	s2 =	rddreg [dreg:$0x1]  }
0x3: {  	s11 =	stileid.u32;
	s3 =	simm.s32 $0x0;
	s10 =	simm.s32 $0xB  }
0x4: {  	s14 =	simm.s32 $0x7D;
	s15 =	simm.s32 $0xA000;
	s17 =	simm.s32 $0xAFA0  }
0x5: {  	s19 =	simm.s32 $0xBF40;
	s21 =	simm.s32 $0xCEE0;
	s28 =	simm.s32 $0x3  }
0x6: {  	s30 =	simm.s32 $0x6;
	s16 =	simm.s32 $0x7;
	s20 =	simm.s32 $0x5  }
0x7: {  	s31 =	simm.s32 $0x9;
	s18 =	simm.s32 $0x0;
	s5 =	smul.u32 $0x5000, s11  }
0x8: {  	s1 =	sand.u32 $0x1, s1;
	[smem:$0x7FF] =	sst s3;
	s7 =	smul.u32 $0x9C40, s11  }
0x9: {  	s24 =	sadd.s32 $0x3FE00, s0;
	s29 =	sshll.u32 s11, $0x6;
	s4 =	smul.u32 $0x9C400, s1  }
0xa: {  	_ =	strace $0x80000050;
	s1 =	ssub.s32 $0x2, s1;
	[dreg:$0x3] =	wrdreg s24  }
0xb: {  	s12 =	sor.u32 $0x1C0B, s29;
	s24 =	simm.s32 $0x1;
	s5 =	sshrl.u32 s5, $0x3  }
0xc: {  	s9 =	sshrl.u32 s1, $0x1;
	s6 =	sshrl.u32 s4, $0x4;
	s22 =	sadd.s32 s5, s0  }
0xd: {  	s23 =	sadd.s32 s7, s4;
	s1 =	ssub.s32 s1, s9;
	s7 =	sshrl.u32 s7, $0x1  }
0xe: {  	s8 =	sadd.s32 s6, s0;
	s5 =	sshrl.u32 s23, $0x4;
	s25 =	sadd.s32 $0x2BE00, s22  }
.Ltmp0:
0xf: {  	s26 =	sadd.s32 $0x35E00, s22;
	s13 =	sadd.s32 s7, s2;
	(pc) =	sbr.rel .LBB2_1-.Ltmp0, $4  }
0x10: {  	s9 =	smax.u32 s1, $0x1;
	s23 =	simm.s32 $0xDE80;
	[dreg:$0x4] =	wrdreg s25  }
0x11: {  	s1 =	simm.s32 $0xA;
	s0 =	sadd.s32 s5, s0;
	[dreg:$0x5] =	wrdreg s26  }
0x12: {  	s7 =	sadd.s32 $0x3600, s8;
	s13 =	sshrl.u32 s13, $0x3;
	s25 =	simm.s32 $0x2  }
0x13: {  	s26 =	simm.s32 $0x8;
	s8 =	sadd.s32 $0x17000, s0;
	s0 =	simm.s32 $0x4  }
.LBB2_4:
0x14: {  	_ =	swait.ge [sflag:s30], $0xFA0  }
0x15: {  	[sflag:s30] =	ssyncset.done $0x0  }
0x16: {  	[sflag:s30] =	ssyncadd.s32 $0xFFFFF060  }
0x17: {  	_ =	swait.ge [sflag:s16], $0xFA0  }
0x18: {  	[sflag:s16] =	ssyncset.done $0x0  }
0x19: {  	[sflag:s16] =	ssyncadd.s32 $0xFFFFF060  }
0x1a: {  	_ =	swait.ge [sflag:s26], $0xFA0  }
0x1b: {  	[sflag:s26] =	ssyncset.done $0x0  }
0x1c: {  	[sflag:s26] =	ssyncadd.s32 $0xFFFFF060  }
0x1d: {  	_ =	swait.ge [sflag:s31], $0xFA0  }
0x1e: {  	[sflag:s31] =	ssyncset.done $0x0  }
0x1f: {  	[sflag:s31] =	ssyncadd.s32 $0xFFFFF060  }
0x20: {  	_ =	swait.ge [sflag:s1], $0xFA0  }
0x21: {  	s18 =	sadd.s32 $0x1, s18;
	[sflag:s1] =	ssyncset.done $0x0  }
0x22: {  	p0 =	sne.s32 s18, s9;
	[sflag:s1] =	ssyncadd.s32 $0xFFFFF060  }
.Ltmp1:
0x23: {  	[bflag:$0x0] =	sbarrier.arrive $0xFFFF;
	(pc) =	sbr.rel @!p0 .LBB2_5-.Ltmp1, $4  }
0x24: {  	[hbm:s8], [sflag:s12] =	dma.local [spmem:s13], $0x9C4  }
0x25: {  	_ =	swait.ge [sflag:s10], $0x9C4  }
0x26: {  	[sflag:s10] =	ssyncset.done $0x0  }
0x27: {  	[sflag:s10] =	ssyncadd.s32 $0xFFFFF63C  }
.LBB2_1:
0x28: {  	s4 =	rddreg [dreg:$0x4]  }
0x29: {  	[tilespmem:s3], [sflag:$0xB] =	stream.linear.gather [hbm4b:s4+s3], $0x5000, $0x38;
	[tilespmem:$0x13C40] =	vst v63  }
0x2a: {  	_ =	swait.ge [sflag:s10], $0x5000  }
0x2b: {  	[sflag:s10] =	ssyncset.done $0x0  }
0x2c: {  	s5 =	simm.s32 $0x5000;
	s6 =	rddreg [dreg:$0x5];
	[sflag:s10] =	ssyncadd.s32 $0xFFFFB000  }
0x2d: {  	[tilespmem:s5], [sflag:$0xB] =	stream.linear.gather [hbm4b:s6+s3], $0x5000, $0x38;
	[tilespmem:$0x13C40] =	vst v63  }
0x2e: {  	_ =	swait.ge [sflag:s10], $0x5000  }
0x2f: {  	[sflag:s10] =	ssyncset.done $0x0  }
0x30: {  	s11 =	rddreg [dreg:$0x3];
	[sflag:s10] =	ssyncadd.s32 $0xFFFFB000  }
0x31: {  	[spmem:s13], [sflag:s12] =	dma.local [hbm:s11], $0x9C4  }
0x32: {  	_ =	swait.ge [sflag:s10], $0x9C4  }
0x33: {  	[sflag:s10] =	ssyncset.done $0x0  }
0x34: {  	[sflag:s10] =	ssyncadd.s32 $0xFFFFF63C  }
0x35: {  	[tilespmem:s15], [sflag:$0x1] =	stream.indirect.gather [hbm4b:s7+s14], $0x20, s3, s14, $0xb8;
	[tilespmem:$0x13C40] =	vst v63  }
0x36: {  	s22 =	simm.s32 $0x80  }
0x37: {  	[tilespmem:s17], [sflag:$0x2] =	stream.indirect.gather [hbm4b:s7+s14], $0x20, s22, s14, $0xb8;
	[tilespmem:$0x13C40] =	vst v63  }
0x38: {  	s29 =	simm.s32 $0x100  }
0x39: {  	[tilespmem:s19], [sflag:$0x3] =	stream.indirect.gather [hbm4b:s7+s14], $0x20, s29, s14, $0xb8;
	[tilespmem:$0x13C40] =	vst v63  }
0x3a: {  	s6 =	simm.s32 $0x180  }
0x3b: {  	[tilespmem:s21], [sflag:$0x4] =	stream.indirect.gather [hbm4b:s7+s14], $0x20, s6, s14, $0xb8;
	[tilespmem:$0x13C40] =	vst v63  }
0x3c: {  	s11 =	simm.s32 $0x200  }
0x3d: {  	[tilespmem:s23], [sflag:$0x5] =	stream.indirect.gather [hbm4b:s7+s14], $0x20, s11, s14, $0xb8;
	[tilespmem:$0x13C40] =	vst v63  }
0x3e: {  	[bflag:$0x0] =	sbarrier.arrive $0xFFFF  }
0x3f: {  	_ =	swait.ge [sflag:s24], $0xFA0  }
0x40: {  	[sflag:s24] =	ssyncset.done $0x0  }
0x41: {  	[sflag:s24] =	ssyncadd.s32 $0xFFFFF060  }
0x42: {  	[spmem:s2] =	stream.indirect.scatter.add.bf16 [tilespmem:s15], [sflag:$0x6], $0x20, s5, s14, $0xb8;
	[tilespmem:$0x13C40] =	vst v63  }
0x43: {  	_ =	swait.ge [sflag:s25], $0xFA0  }
0x44: {  	[sflag:s25] =	ssyncset.done $0x0  }
0x45: {  	s22 =	simm.s32 $0x5080;
	[sflag:s25] =	ssyncadd.s32 $0xFFFFF060  }
0x46: {  	[spmem:s2] =	stream.indirect.scatter.add.bf16 [tilespmem:s17], [sflag:$0x7], $0x20, s22, s14, $0xb8;
	[tilespmem:$0x13C40] =	vst v63  }
0x47: {  	_ =	swait.ge [sflag:s28], $0xFA0  }
0x48: {  	[sflag:s28] =	ssyncset.done $0x0  }
0x49: {  	s29 =	simm.s32 $0x5100;
	[sflag:s28] =	ssyncadd.s32 $0xFFFFF060  }
0x4a: {  	[spmem:s2] =	stream.indirect.scatter.add.bf16 [tilespmem:s19], [sflag:$0x8], $0x20, s29, s14, $0xb8;
	[tilespmem:$0x13C40] =	vst v63  }
0x4b: {  	_ =	swait.ge [sflag:s30], $0xFA0  }
0x4c: {  	[sflag:s30] =	ssyncset.done $0x0  }
0x4d: {  	s5 =	simm.s32 $0x280;
	[sflag:s30] =	ssyncadd.s32 $0xFFFFF060  }
0x4e: {  	[tilespmem:s15], [sflag:$0x1] =	stream.indirect.gather [hbm4b:s7+s14], $0x20, s5, s14, $0xb8;
	[tilespmem:$0x13C40] =	vst v63  }
0x4f: {  	_ =	swait.ge [sflag:s0], $0xFA0  }
0x50: {  	[sflag:s0] =	ssyncset.done $0x0  }
0x51: {  	s6 =	simm.s32 $0x5180;
	[sflag:s0] =	ssyncadd.s32 $0xFFFFF060  }
0x52: {  	[spmem:s2] =	stream.indirect.scatter.add.bf16 [tilespmem:s21], [sflag:$0x9], $0x20, s6, s14, $0xb8;
	[tilespmem:$0x13C40] =	vst v63  }
0x53: {  	_ =	swait.ge [sflag:s16], $0xFA0  }
0x54: {  	[sflag:s16] =	ssyncset.done $0x0  }
0x55: {  	s11 =	simm.s32 $0x300;
	[sflag:s16] =	ssyncadd.s32 $0xFFFFF060  }
0x56: {  	[tilespmem:s17], [sflag:$0x2] =	stream.indirect.gather [hbm4b:s7+s14], $0x20, s11, s14, $0xb8;
	[tilespmem:$0x13C40] =	vst v63  }
0x57: {  	_ =	swait.ge [sflag:s20], $0xFA0  }
0x58: {  	[sflag:s20] =	ssyncset.done $0x0  }
0x59: {  	s22 =	simm.s32 $0x5200;
	[sflag:s20] =	ssyncadd.s32 $0xFFFFF060  }
0x5a: {  	[spmem:s2] =	stream.indirect.scatter.add.bf16 [tilespmem:s23], [sflag:$0xA], $0x20, s22, s14, $0xb8;
	[tilespmem:$0x13C40] =	vst v63  }
0x5b: {  	_ =	swait.ge [sflag:s26], $0xFA0  }
0x5c: {  	[sflag:s26] =	ssyncset.done $0x0  }
0x5d: {  	s29 =	simm.s32 $0x380;
	s22 =	simm.s32 $0x0;
	[sflag:s26] =	ssyncadd.s32 $0xFFFFF060  }
0x5e: {  	[tilespmem:s19], [sflag:$0x3] =	stream.indirect.gather [hbm4b:s7+s14], $0x20, s29, s14, $0xb8;
	[tilespmem:$0x13C40] =	vst v63  }
.LBB2_2:
0x5f: {  	_ =	swait.ge [sflag:s24], $0xFA0  }
0x60: {  	s29 =	sshra.s32 s22, $0x2;
	[sflag:s24] =	ssyncset.done $0x0  }
0x61: {  	s4 =	sadd.s32 $0x5280, s29;
	[sflag:s24] =	ssyncadd.s32 $0xFFFFF060  }
0x62: {  	[spmem:s2] =	stream.indirect.scatter.add.bf16 [tilespmem:s15], [sflag:$0x6], $0x20, s4, s14, $0xb8;
	[tilespmem:$0x13C40] =	vst v63  }
0x63: {  	_ =	swait.ge [sflag:s31], $0xFA0  }
0x64: {  	[sflag:s31] =	ssyncset.done $0x0  }
0x65: {  	s6 =	sadd.s32 $0x400, s29;
	[sflag:s31] =	ssyncadd.s32 $0xFFFFF060  }
0x66: {  	[tilespmem:s21], [sflag:$0x4] =	stream.indirect.gather [hbm4b:s7+s14], $0x20, s6, s14, $0xb8;
	[tilespmem:$0x13C40] =	vst v63  }
0x67: {  	_ =	swait.ge [sflag:s25], $0xFA0  }
0x68: {  	[sflag:s25] =	ssyncset.done $0x0  }
0x69: {  	s11 =	sadd.s32 $0x5300, s29;
	[sflag:s25] =	ssyncadd.s32 $0xFFFFF060  }
0x6a: {  	[spmem:s2] =	stream.indirect.scatter.add.bf16 [tilespmem:s17], [sflag:$0x7], $0x20, s11, s14, $0xb8;
	[tilespmem:$0x13C40] =	vst v63  }
0x6b: {  	_ =	swait.ge [sflag:s1], $0xFA0  }
0x6c: {  	[sflag:s1] =	ssyncset.done $0x0  }
0x6d: {  	s5 =	sadd.s32 $0x480, s29;
	[sflag:s1] =	ssyncadd.s32 $0xFFFFF060  }
0x6e: {  	[tilespmem:s23], [sflag:$0x5] =	stream.indirect.gather [hbm4b:s7+s14], $0x20, s5, s14, $0xb8;
	[tilespmem:$0x13C40] =	vst v63  }
0x6f: {  	_ =	swait.ge [sflag:s28], $0xFA0  }
0x70: {  	p0 =	seq.s32 s22, $0x12C00;
	[sflag:s28] =	ssyncset.done $0x0  }
0x71: {  	s4 =	simm.s32 @p0 $0x4;
	s6 =	sadd.s32 $0x5380, s29;
	[sflag:s28] =	ssyncadd.s32 $0xFFFFF060  }
0x72: {  	[spmem:s2] =	stream.indirect.scatter.add.bf16 [tilespmem:s19], [sflag:$0x8], $0x20, s6, s14, $0xb8;
	[tilespmem:$0x13C40] =	vst v63  }
0x73: {  	_ =	swait.ge @p0 [sflag:s4], $0xFA0  }
0x74: {  	s5 =	simm.s32 @p0 $0x9F00;
	[sflag:s4] =	ssyncset.done @p0 $0x0  }
0x75: {  	s6 =	simm.s32 @p0 $0xCEE0;
	[sflag:s4] =	ssyncadd.s32 @p0 $0xFFFFF060;
	s4 =	simm.s32 @p0 $0x7D  }
0x76: {  	[spmem:s2] =	stream.indirect.scatter.add.bf16 @p0 [tilespmem:s6], [sflag:$0x9], $0x20, s5, s4, $0xb8;
	[tilespmem:$0x13C40] =	vst v63  }
0x77: {  	s4 =	simm.s32 @!p0 $0x6  }
0x78: {  	_ =	swait.ge @!p0 [sflag:s4], $0xFA0  }
0x79: {  	[sflag:s4] =	ssyncset.done @!p0 $0x0  }
0x7a: {  	[sflag:s4] =	ssyncadd.s32 @!p0 $0xFFFFF060;
	s4 =	sshra.s32 @!p0 s22, $0x2  }
0x7b: {  	s11 =	simm.s32 @!p0 $0xA000;
	s6 =	simm.s32 @!p0 $0x7D;
	s5 =	sadd.s32 @!p0 $0x500, s4  }
0x7c: {  	[tilespmem:s11], [sflag:$0x1] =	stream.indirect.gather @!p0 [hbm4b:s7+s6], $0x20, s5, s6, $0xb8;
	[tilespmem:$0x13C40] =	vst v63  }
0x7d: {  	s5 =	simm.s32 @!p0 $0x4  }
0x7e: {  	_ =	swait.ge @!p0 [sflag:s5], $0xFA0  }
0x7f: {  	[sflag:s5] =	ssyncset.done @!p0 $0x0  }
0x80: {  	s11 =	simm.s32 @!p0 $0xCEE0;
	[sflag:s5] =	ssyncadd.s32 @!p0 $0xFFFFF060;
	s5 =	sadd.s32 @!p0 $0x5400, s4  }
0x81: {  	[spmem:s2] =	stream.indirect.scatter.add.bf16 @!p0 [tilespmem:s11], [sflag:$0x9], $0x20, s5, s6, $0xb8;
	[tilespmem:$0x13C40] =	vst v63  }
0x82: {  	s5 =	simm.s32 @!p0 $0x7  }
0x83: {  	_ =	swait.ge @!p0 [sflag:s5], $0xFA0  }
0x84: {  	[sflag:s5] =	ssyncset.done @!p0 $0x0  }
0x85: {  	s4 =	sadd.s32 @!p0 $0x580, s4;
	[sflag:s5] =	ssyncadd.s32 @!p0 $0xFFFFF060;
	s5 =	simm.s32 @!p0 $0xAFA0  }
0x86: {  	[tilespmem:s5], [sflag:$0x2] =	stream.indirect.gather @!p0 [hbm4b:s7+s6], $0x20, s4, s6, $0xb8;
	[tilespmem:$0x13C40] =	vst v63  }
.Ltmp2:
0x87: {  	_ = 	snop;
	(pc) =	sbr.rel @p0 .LBB2_4-.Ltmp2, $4  }
0x88: {  	_ =	swait.ge [sflag:s20], $0xFA0  }
0x89: {  	[sflag:s20] =	ssyncset.done $0x0  }
0x8a: {  	s11 =	sadd.s32 $0x5480, s29;
	[sflag:s20] =	ssyncadd.s32 $0xFFFFF060  }
0x8b: {  	[spmem:s2] =	stream.indirect.scatter.add.bf16 [tilespmem:s23], [sflag:$0xA], $0x20, s11, s14, $0xb8;
	[tilespmem:$0x13C40] =	vst v63  }
.Ltmp3:
0x8c: {  	(pc) =	sbr.rel .LBB2_2-.Ltmp3, $4  }
0x8d: {  	_ =	swait.ge [sflag:s26], $0xFA0  }
0x8e: {  	[sflag:s26] =	ssyncset.done $0x0  }
0x8f: {  	s4 =	sadd.s32 $0x600, s29;
	s22 =	sadd.s32 $0xA00, s22;
	[sflag:s26] =	ssyncadd.s32 $0xFFFFF060  }
0x90: {  	[tilespmem:s19], [sflag:$0x3] =	stream.indirect.gather [hbm4b:s7+s14], $0x20, s4, s14, $0xb8;
	[tilespmem:$0x13C40] =	vst v63  }
.LBB2_5:
0x91: {  	_ =	sfence.sel $0x180000  }
0x92: {  	[bflag:$0x0] =	sbarrier.arrive $0xFFFF  }
0x93: {  	_ =	strace $0x90000050  }
0x94: {  	s0 =	stileid.u32;
	[bflag:$0x2] =	sbarrier.arrive $0xFFFF  }
0x95: {  	p0 =	sne.s32 s0, $0x0;
	s0 =	rddreg [dreg:$0x2]  }
0x96: {  	s0 =	sadd.s32 @!p0 $0x100000, s0  }
0x97: {  	[sflag:s0] =	ssyncadd.tile.s32 @!p0 $0x1;
	_ =	shalt  }
.Lfunc_end2:
_tile_overlayer_lowered:
.L_overlay_start_2:
0x98: {  	(tag) =	ssettag $0x2  }
0x99: {  	s0 =	rddreg [dreg:$0x0];
	s2 =	stileid.u32  }
0x9a: {  	s1 =	rddreg [dreg:$0x1];
	p0 =	sne.s32 s2, $0x0  }
0x9b: {  	s3 =	rddreg [dreg:$0x2];
	[bflag:$0x3] =	sbarrier.arrive $0xFFFF;
	s2 =	simm.s32 @!p0 $0x1C0B  }
0x9c: {  	[timem:s3], [sflag:s2] =	dma.local @!p0 [hbm:s0], s1  }
0x9d: {  	s0 =	simm.s32 @!p0 $0xB  }
0x9e: {  	_ =	swait.ge @!p0 [sflag:s0], s1  }
0x9f: {  	s1 =	ssub.s32 @!p0 $0x0, s1;
	[sflag:s0] =	ssyncset.done @!p0 $0x0  }
0xa0: {  	[sflag:s0] =	ssyncadd.s32 @!p0 s1  }
0xa1: {  	[bflag:$0x3] =	sbarrier.arrive $0xFFFF  }
0xa2: {  	_ =	shalt  }

</sc_bundles>
